<compile_context>
chip_gen: v7x
topology: tpu7x:2x2x1
jax: 0.10.2.dev20260603
libtpu: 0.0.44.dev20260713+nightly
codegen_flags: <defaults>
</compile_context>

<pallas_src>
import functools

import jax
import jax.numpy as jnp
from jax import lax
from jax.experimental import pallas as pl
from jax.experimental.pallas import tpu as pltpu
from jax.experimental.pallas import tpu_sc as plsc

_NC, _NS, _LANES = 2, 16, 16
_NW = _NC * _NS


@functools.partial(jax.jit, static_argnames=("B", "C", "E"))
def _sc_gather_mean(ctx_flat, emb, *, B, C, E):
    V, EP = emb.shape
    rpw = B // _NW
    nvec = E // _LANES
    mesh = plsc.VectorSubcoreMesh(
        core_axis_name="c", subcore_axis_name="s",
        num_cores=_NC, num_subcores=_NS)

    @functools.partial(
        pl.kernel,
        out_type=jax.ShapeDtypeStruct((B, EP), jnp.float32),
        mesh=mesh,
        compiler_params=pltpu.CompilerParams(use_tc_tiling_on_sc=False),
        scratch_types=[
            pltpu.VMEM((2, rpw), jnp.int32),
            pltpu.VMEM((2, rpw, EP), jnp.float32),
            pltpu.VMEM((rpw, EP), jnp.float32),
            pltpu.SemaphoreType.DMA,
            pltpu.SemaphoreType.DMA,
        ],
    )
    def k(ctx_hbm, emb_hbm, out_hbm, idx_v, rows_v, acc_v, sem0, sem1):
        sems = (sem0, sem1)
        wid = lax.axis_index("s") * _NC + lax.axis_index("c")
        base = wid * rpw
        pltpu.sync_copy(ctx_hbm.at[pl.ds(base, rpw)], idx_v.at[0])
        pending = {0: pltpu.async_copy(emb_hbm.at[idx_v.at[0]], acc_v, sems[0])}
        if C > 1:
            pltpu.sync_copy(ctx_hbm.at[pl.ds(B + base, rpw)], idx_v.at[1])
            pending[1] = pltpu.async_copy(
                emb_hbm.at[idx_v.at[1]], rows_v.at[1], sems[1])
        pending.pop(0).wait()

        for j in range(1, C):
            b = j % 2
            if j + 1 < C:
                nb = (j + 1) % 2
                pltpu.sync_copy(
                    ctx_hbm.at[pl.ds((j + 1) * B + base, rpw)], idx_v.at[nb])
                pending[nb] = pltpu.async_copy(
                    emb_hbm.at[idx_v.at[nb]], rows_v.at[nb], sems[nb])
            pending.pop(b).wait()

            def accum(i, _, b=b):
                r = i * 2
                for rr in (r, r + 1):
                    for c in range(nvec):
                        sl = pl.ds(c * _LANES, _LANES)
                        acc_v[rr, sl] = acc_v[rr, sl] + rows_v[b, rr, sl]
                return 0
            lax.fori_loop(0, rpw // 2, accum, 0)

        pltpu.sync_copy(acc_v, out_hbm.at[pl.ds(base, rpw), :])

    return k(ctx_flat, emb)


def _tc_transpose_pad(emb_t, scale):
    E, V = emb_t.shape
    BVT = 8192
    fscale = float(scale)

    def body(x_ref, o_ref):
        o_ref[:, :E] = jnp.swapaxes(x_ref[...], 0, 1) * fscale

    return pl.pallas_call(
        body,
        grid=(pl.cdiv(V, BVT),),
        in_specs=[pl.BlockSpec((E, BVT), lambda i: (0, i))],
        out_specs=pl.BlockSpec((BVT, 128), lambda i: (i, 0)),
        out_shape=jax.ShapeDtypeStruct((V, 128), jnp.float32),
    )(emb_t)


def _tc_project_t(agg, w_t, out_b):
    B, EP = agg.shape
    E, V = w_t.shape
    BV = 1024

    def body(w_ref, agg_ref, b_ref, o_ref):
        acc = lax.dot_general(
            w_ref[...], agg_ref[...][:, :E],
            (((0,), (1,)), ((), ())),
            preferred_element_type=jnp.float32,
        )
        o_ref[...] = acc + lax.broadcast_in_dim(b_ref[...], (BV, B), (0,))

    return pl.pallas_call(
        body,
        grid=(pl.cdiv(V, BV),),
        in_specs=[
            pl.BlockSpec((E, BV), lambda i: (0, i)),
            pl.BlockSpec((B, EP), lambda i: (0, 0)),
            pl.BlockSpec((BV,), lambda i: (i,)),
        ],
        out_specs=pl.BlockSpec((BV, B), lambda i: (i, 0)),
        out_shape=jax.ShapeDtypeStruct((V, B), jnp.float32),
    )(w_t, agg, out_b)


def kernel(context, embedding, out_w, out_b):
    B, C = context.shape
    V, E = embedding.shape
    ctx_flat = context.astype(jnp.int32).T.reshape(C * B)
    emb128 = _tc_transpose_pad(embedding.T, 1.0 / C)
    agg = _sc_gather_mean(ctx_flat, emb128, B=B, C=C, E=E)
    return _tc_project_t(agg, out_w.T, out_b).T

# --- scband reference (transcript-rebuilt; emitter-appended) ---
"""Pipeline reference for scband-word2-vec-model-79894981640614 (READ-ONLY COPY).

The authoritative reference and input builder live on the scoring server;
editing this copy changes nothing except your own understanding.
"""

import jax, jax.numpy as jnp
import numpy as np

VOCAB = 100000
EMBED = 64
BATCH = 4096
CTX = 20

def setup_inputs(seed: int = 0) -> dict:
    key = jax.random.key(seed)
    k1, k2, k3, k4 = jax.random.split(key, 4)
    context = jax.random.randint(k1, (BATCH, CTX), 0, VOCAB, dtype=jnp.int64 if jax.config.jax_enable_x64 else jnp.int32)
    embedding = jax.random.normal(k2, (VOCAB, EMBED), dtype=jnp.float32) * 0.02
    out_w = jax.random.normal(k3, (VOCAB, EMBED), dtype=jnp.float32) * 0.02
    out_b = jnp.zeros((VOCAB,), dtype=jnp.float32)
    return {"context": context, "embedding": embedding, "out_w": out_w, "out_b": out_b}

def reference(context, embedding, out_w, out_b):
    # gather embedding rows: [B, CTX, EMBED]
    gathered = jnp.take(embedding, context, axis=0)
    aggregated = gathered.mean(axis=1)  # [B, EMBED]
    # nn.Linear: x @ W^T + b
    output = aggregated @ out_w.T + out_b  # [B, VOCAB]
    return output

if __name__ == "__main__":
    import jax
    _d = setup_inputs()
    print(jax.jit(kernel)(*tuple(_d.values())))

</pallas_src>

<mosaic_0001>
#map = affine_map<(d0, d1) -> (0)>
#map1 = affine_map<(d0, d1) -> (0, 0)>
module attributes {stable_mosaic.version = 14 : i64} {
  func.func @k(%arg0: i32, %arg1: i32, %arg2: memref<81920xi32, #tpu.memory_space<hbm>>, %arg3: memref<100000x128xf32, #tpu.memory_space<hbm>>, %arg4: memref<4096x128xf32, #tpu.memory_space<hbm>>, %arg5: memref<2x128xi32, #tpu.memory_space<vmem>>, %arg6: memref<2x128x128xf32, #tpu.memory_space<vmem>>, %arg7: memref<128x128xf32, #tpu.memory_space<vmem>>, %arg8: memref<!tpu.dma_semaphore, #tpu.memory_space<semaphore_mem>>, %arg9: memref<!tpu.dma_semaphore, #tpu.memory_space<semaphore_mem>>) attributes {dimension_semantics = [#tpu.dimension_semantics<core_parallel>, #tpu.dimension_semantics<subcore_parallel>], iteration_bounds = array<i64: 2, 16>, scalar_prefetch = 0 : i64, scratch_operands = 5 : i64, tpu.core_type = #tpu.core_type<sc_vector_subcore>, window_params = [{transform_indices = #map}, {transform_indices = #map1}, {transform_indices = #map1}]} {
    %mul3A = arith.constant 2 : i32
    %mul3A_0 = arith.muli %arg1, %mul3A : i32
    %add3A = arith.addi %mul3A_0, %arg0 : i32
    %mul3A_1 = arith.constant 128 : i32
    %mul3A_2 = arith.muli %add3A, %mul3A_1 : i32
    %run_scoped3A = arith.constant 0 : i32
    "tpu.region"() ({
      %run_scoped3A_660 = tpu.sem_alloc : memref<!tpu.dma_semaphore, #tpu.memory_space<semaphore_mem>>
      %dma_start3A_661 = arith.constant 0 : i32
      %dma_start3A_662 = tpu.memref_slice %arg5[%run_scoped3A, %dma_start3A_661] : memref<2x128xi32, #tpu.memory_space<vmem>> -> memref<1x128xi32, #tpu.memory_space<vmem>>
      %dma_start3A_663 = tpu.memref_squeeze %dma_start3A_662 : memref<1x128xi32, #tpu.memory_space<vmem>> -> memref<128xi32, #tpu.memory_space<vmem>>
      %dma_start3A_664 = tpu.memref_slice %arg2[%mul3A_2] : memref<81920xi32, #tpu.memory_space<hbm>> -> memref<128xi32, #tpu.memory_space<hbm>>
      %dma_start3A_665 = arith.constant 0 : i32
      %dma_start3A_666 = tpu.memref_slice %arg5[%run_scoped3A, %dma_start3A_665] : memref<2x128xi32, #tpu.memory_space<vmem>> -> memref<1x128xi32, #tpu.memory_space<vmem>>
      %dma_start3A_667 = tpu.memref_squeeze %dma_start3A_666 : memref<1x128xi32, #tpu.memory_space<vmem>> -> memref<128xi32, #tpu.memory_space<vmem>>
      %dma_start3A_668 = tpu.memref_slice %arg2[%mul3A_2] : memref<81920xi32, #tpu.memory_space<hbm>> -> memref<128xi32, #tpu.memory_space<hbm>>
      tpu.enqueue_dma source(%dma_start3A_668 : memref<128xi32, #tpu.memory_space<hbm>>) target(%dma_start3A_667 : memref<128xi32, #tpu.memory_space<vmem>>) target_semaphore(%run_scoped3A_660 : memref<!tpu.dma_semaphore, #tpu.memory_space<semaphore_mem>>)
      %dma_wait3A_669 = arith.constant 0 : i32
      %dma_wait3A_670 = tpu.memref_slice %arg5[%run_scoped3A, %dma_wait3A_669] : memref<2x128xi32, #tpu.memory_space<vmem>> -> memref<1x128xi32, #tpu.memory_space<vmem>>
      %dma_wait3A_671 = tpu.memref_squeeze %dma_wait3A_670 : memref<1x128xi32, #tpu.memory_space<vmem>> -> memref<128xi32, #tpu.memory_space<vmem>>
      %dma_wait3A_672 = tpu.memref_slice %arg2[%mul3A_2] : memref<81920xi32, #tpu.memory_space<hbm>> -> memref<128xi32, #tpu.memory_space<hbm>>
      %dma_wait3A_673 = arith.constant 0 : i32
      %dma_wait3A_674 = tpu.memref_slice %arg5[%run_scoped3A, %dma_wait3A_673] : memref<2x128xi32, #tpu.memory_space<vmem>> -> memref<1x128xi32, #tpu.memory_space<vmem>>
      %dma_wait3A_675 = tpu.memref_squeeze %dma_wait3A_674 : memref<1x128xi32, #tpu.memory_space<vmem>> -> memref<128xi32, #tpu.memory_space<vmem>>
      %dma_wait3A_676 = tpu.memref_slice %arg2[%mul3A_2] : memref<81920xi32, #tpu.memory_space<hbm>> -> memref<128xi32, #tpu.memory_space<hbm>>
      tpu.wait_dma2 semaphore(%run_scoped3A_660 : memref<!tpu.dma_semaphore, #tpu.memory_space<semaphore_mem>>) src(%dma_wait3A_676 : memref<128xi32, #tpu.memory_space<hbm>>) dst(%dma_wait3A_675 : memref<128xi32, #tpu.memory_space<vmem>>)
      tpu.yield
    }) : () -> ()
    %dma_start3A = arith.constant 0 : i32
    %dma_start3A_3 = arith.constant 0 : i32
    %dma_start3A_4 = tpu.memref_slice %arg5[%dma_start3A, %dma_start3A_3] : memref<2x128xi32, #tpu.memory_space<vmem>> -> memref<1x128xi32, #tpu.memory_space<vmem>>
    %dma_start3A_5 = tpu.memref_squeeze %dma_start3A_4 : memref<1x128xi32, #tpu.memory_space<vmem>> -> memref<128xi32, #tpu.memory_space<vmem>>
    %dma_start3A_6 = arith.constant 0 : i32
    %dma_start3A_7 = arith.constant 0 : i32
    %dma_start3A_8 = tpu.memref_slice %arg3[%dma_start3A_6, %dma_start3A_7] : memref<100000x128xf32, #tpu.memory_space<hbm>> -> memref<100000x128xf32, #tpu.memory_space<hbm>>
    tpu.enqueue_indirect_dma source(%dma_start3A_8 : memref<100000x128xf32, #tpu.memory_space<hbm>>) target(%arg7 : memref<128x128xf32, #tpu.memory_space<vmem>>) offsets(%dma_start3A_5 : memref<128xi32, #tpu.memory_space<vmem>>) semaphore(%arg8 : memref<!tpu.dma_semaphore, #tpu.memory_space<semaphore_mem>>)
    %add3A_9 = arith.constant 4096 : i32
    %add3A_10 = arith.addi %add3A_9, %mul3A_2 : i32
    %run_scoped3A_11 = arith.constant 1 : i32
    "tpu.region"() ({
      %run_scoped3A_660 = tpu.sem_alloc : memref<!tpu.dma_semaphore, #tpu.memory_space<semaphore_mem>>
      %dma_start3A_661 = arith.constant 0 : i32
      %dma_start3A_662 = tpu.memref_slice %arg5[%run_scoped3A_11, %dma_start3A_661] : memref<2x128xi32, #tpu.memory_space<vmem>> -> memref<1x128xi32, #tpu.memory_space<vmem>>
      %dma_start3A_663 = tpu.memref_squeeze %dma_start3A_662 : memref<1x128xi32, #tpu.memory_space<vmem>> -> memref<128xi32, #tpu.memory_space<vmem>>
      %dma_start3A_664 = tpu.memref_slice %arg2[%add3A_10] : memref<81920xi32, #tpu.memory_space<hbm>> -> memref<128xi32, #tpu.memory_space<hbm>>
      %dma_start3A_665 = arith.constant 0 : i32
      %dma_start3A_666 = tpu.memref_slice %arg5[%run_scoped3A_11, %dma_start3A_665] : memref<2x128xi32, #tpu.memory_space<vmem>> -> memref<1x128xi32, #tpu.memory_space<vmem>>
      %dma_start3A_667 = tpu.memref_squeeze %dma_start3A_666 : memref<1x128xi32, #tpu.memory_space<vmem>> -> memref<128xi32, #tpu.memory_space<vmem>>
      %dma_start3A_668 = tpu.memref_slice %arg2[%add3A_10] : memref<81920xi32, #tpu.memory_space<hbm>> -> memref<128xi32, #tpu.memory_space<hbm>>
      tpu.enqueue_dma source(%dma_start3A_668 : memref<128xi32, #tpu.memory_space<hbm>>) target(%dma_start3A_667 : memref<128xi32, #tpu.memory_space<vmem>>) target_semaphore(%run_scoped3A_660 : memref<!tpu.dma_semaphore, #tpu.memory_space<semaphore_mem>>)
      %dma_wait3A_669 = arith.constant 0 : i32
      %dma_wait3A_670 = tpu.memref_slice %arg5[%run_scoped3A_11, %dma_wait3A_669] : memref<2x128xi32, #tpu.memory_space<vmem>> -> memref<1x128xi32, #tpu.memory_space<vmem>>
      %dma_wait3A_671 = tpu.memref_squeeze %dma_wait3A_670 : memref<1x128xi32, #tpu.memory_space<vmem>> -> memref<128xi32, #tpu.memory_space<vmem>>
      %dma_wait3A_672 = tpu.memref_slice %arg2[%add3A_10] : memref<81920xi32, #tpu.memory_space<hbm>> -> memref<128xi32, #tpu.memory_space<hbm>>
      %dma_wait3A_673 = arith.constant 0 : i32
      %dma_wait3A_674 = tpu.memref_slice %arg5[%run_scoped3A_11, %dma_wait3A_673] : memref<2x128xi32, #tpu.memory_space<vmem>> -> memref<1x128xi32, #tpu.memory_space<vmem>>
      %dma_wait3A_675 = tpu.memref_squeeze %dma_wait3A_674 : memref<1x128xi32, #tpu.memory_space<vmem>> -> memref<128xi32, #tpu.memory_space<vmem>>
      %dma_wait3A_676 = tpu.memref_slice %arg2[%add3A_10] : memref<81920xi32, #tpu.memory_space<hbm>> -> memref<128xi32, #tpu.memory_space<hbm>>
      tpu.wait_dma2 semaphore(%run_scoped3A_660 : memref<!tpu.dma_semaphore, #tpu.memory_space<semaphore_mem>>) src(%dma_wait3A_676 : memref<128xi32, #tpu.memory_space<hbm>>) dst(%dma_wait3A_675 : memref<128xi32, #tpu.memory_space<vmem>>)
      tpu.yield
    }) : () -> ()
    %dma_start3A_12 = arith.constant 1 : i32
    %dma_start3A_13 = arith.constant 1 : i32
    %dma_start3A_14 = arith.constant 0 : i32
    %dma_start3A_15 = arith.constant 0 : i32
    %dma_start3A_16 = tpu.memref_slice %arg6[%dma_start3A_13, %dma_start3A_14, %dma_start3A_15] : memref<2x128x128xf32, #tpu.memory_space<vmem>> -> memref<1x128x128xf32, #tpu.memory_space<vmem>>
    %dma_start3A_17 = tpu.memref_squeeze %dma_start3A_16 : memref<1x128x128xf32, #tpu.memory_space<vmem>> -> memref<128x128xf32, #tpu.memory_space<vmem>>
    %dma_start3A_18 = arith.constant 0 : i32
    %dma_start3A_19 = tpu.memref_slice %arg5[%dma_start3A_12, %dma_start3A_18] : memref<2x128xi32, #tpu.memory_space<vmem>> -> memref<1x128xi32, #tpu.memory_space<vmem>>
    %dma_start3A_20 = tpu.memref_squeeze %dma_start3A_19 : memref<1x128xi32, #tpu.memory_space<vmem>> -> memref<128xi32, #tpu.memory_space<vmem>>
    %dma_start3A_21 = arith.constant 0 : i32
    %dma_start3A_22 = arith.constant 0 : i32
    %dma_start3A_23 = tpu.memref_slice %arg3[%dma_start3A_21, %dma_start3A_22] : memref<100000x128xf32, #tpu.memory_space<hbm>> -> memref<100000x128xf32, #tpu.memory_space<hbm>>
    tpu.enqueue_indirect_dma source(%dma_start3A_23 : memref<100000x128xf32, #tpu.memory_space<hbm>>) target(%dma_start3A_17 : memref<128x128xf32, #tpu.memory_space<vmem>>) offsets(%dma_start3A_20 : memref<128xi32, #tpu.memory_space<vmem>>) semaphore(%arg9 : memref<!tpu.dma_semaphore, #tpu.memory_space<semaphore_mem>>)
    %dma_wait3A = arith.constant 0 : i32
    %dma_wait3A_24 = arith.constant 0 : i32
    %dma_wait3A_25 = tpu.memref_slice %arg5[%dma_wait3A, %dma_wait3A_24] : memref<2x128xi32, #tpu.memory_space<vmem>> -> memref<1x128xi32, #tpu.memory_space<vmem>>
    %dma_wait3A_26 = tpu.memref_squeeze %dma_wait3A_25 : memref<1x128xi32, #tpu.memory_space<vmem>> -> memref<128xi32, #tpu.memory_space<vmem>>
    %dma_wait3A_27 = arith.constant 0 : i32
    %dma_wait3A_28 = arith.constant 0 : i32
    %dma_wait3A_29 = tpu.memref_slice %arg3[%dma_wait3A_27, %dma_wait3A_28] : memref<100000x128xf32, #tpu.memory_space<hbm>> -> memref<100000x128xf32, #tpu.memory_space<hbm>>
    tpu.wait_indirect_dma semaphore(%arg8 : memref<!tpu.dma_semaphore, #tpu.memory_space<semaphore_mem>>) src(%dma_wait3A_29 : memref<100000x128xf32, #tpu.memory_space<hbm>>) dst(%arg7 : memref<128x128xf32, #tpu.memory_space<vmem>>)
    %add3A_30 = arith.constant 8192 : i32
    %add3A_31 = arith.addi %add3A_30, %mul3A_2 : i32
    %run_scoped3A_32 = arith.constant 0 : i32
    "tpu.region"() ({
      %run_scoped3A_660 = tpu.sem_alloc : memref<!tpu.dma_semaphore, #tpu.memory_space<semaphore_mem>>
      %dma_start3A_661 = arith.constant 0 : i32
      %dma_start3A_662 = tpu.memref_slice %arg5[%run_scoped3A_32, %dma_start3A_661] : memref<2x128xi32, #tpu.memory_space<vmem>> -> memref<1x128xi32, #tpu.memory_space<vmem>>
      %dma_start3A_663 = tpu.memref_squeeze %dma_start3A_662 : memref<1x128xi32, #tpu.memory_space<vmem>> -> memref<128xi32, #tpu.memory_space<vmem>>
      %dma_start3A_664 = tpu.memref_slice %arg2[%add3A_31] : memref<81920xi32, #tpu.memory_space<hbm>> -> memref<128xi32, #tpu.memory_space<hbm>>
      %dma_start3A_665 = arith.constant 0 : i32
      %dma_start3A_666 = tpu.memref_slice %arg5[%run_scoped3A_32, %dma_start3A_665] : memref<2x128xi32, #tpu.memory_space<vmem>> -> memref<1x128xi32, #tpu.memory_space<vmem>>
      %dma_start3A_667 = tpu.memref_squeeze %dma_start3A_666 : memref<1x128xi32, #tpu.memory_space<vmem>> -> memref<128xi32, #tpu.memory_space<vmem>>
      %dma_start3A_668 = tpu.memref_slice %arg2[%add3A_31] : memref<81920xi32, #tpu.memory_space<hbm>> -> memref<128xi32, #tpu.memory_space<hbm>>
      tpu.enqueue_dma source(%dma_start3A_668 : memref<128xi32, #tpu.memory_space<hbm>>) target(%dma_start3A_667 : memref<128xi32, #tpu.memory_space<vmem>>) target_semaphore(%run_scoped3A_660 : memref<!tpu.dma_semaphore, #tpu.memory_space<semaphore_mem>>)
      %dma_wait3A_669 = arith.constant 0 : i32
      %dma_wait3A_670 = tpu.memref_slice %arg5[%run_scoped3A_32, %dma_wait3A_669] : memref<2x128xi32, #tpu.memory_space<vmem>> -> memref<1x128xi32, #tpu.memory_space<vmem>>
      %dma_wait3A_671 = tpu.memref_squeeze %dma_wait3A_670 : memref<1x128xi32, #tpu.memory_space<vmem>> -> memref<128xi32, #tpu.memory_space<vmem>>
      %dma_wait3A_672 = tpu.memref_slice %arg2[%add3A_31] : memref<81920xi32, #tpu.memory_space<hbm>> -> memref<128xi32, #tpu.memory_space<hbm>>
      %dma_wait3A_673 = arith.constant 0 : i32
      %dma_wait3A_674 = tpu.memref_slice %arg5[%run_scoped3A_32, %dma_wait3A_673] : memref<2x128xi32, #tpu.memory_space<vmem>> -> memref<1x128xi32, #tpu.memory_space<vmem>>
      %dma_wait3A_675 = tpu.memref_squeeze %dma_wait3A_674 : memref<1x128xi32, #tpu.memory_space<vmem>> -> memref<128xi32, #tpu.memory_space<vmem>>
      %dma_wait3A_676 = tpu.memref_slice %arg2[%add3A_31] : memref<81920xi32, #tpu.memory_space<hbm>> -> memref<128xi32, #tpu.memory_space<hbm>>
      tpu.wait_dma2 semaphore(%run_scoped3A_660 : memref<!tpu.dma_semaphore, #tpu.memory_space<semaphore_mem>>) src(%dma_wait3A_676 : memref<128xi32, #tpu.memory_space<hbm>>) dst(%dma_wait3A_675 : memref<128xi32, #tpu.memory_space<vmem>>)
      tpu.yield
    }) : () -> ()
    %dma_start3A_33 = arith.constant 0 : i32
    %dma_start3A_34 = arith.constant 0 : i32
    %dma_start3A_35 = arith.constant 0 : i32
    %dma_start3A_36 = arith.constant 0 : i32
    %dma_start3A_37 = tpu.memref_slice %arg6[%dma_start3A_34, %dma_start3A_35, %dma_start3A_36] : memref<2x128x128xf32, #tpu.memory_space<vmem>> -> memref<1x128x128xf32, #tpu.memory_space<vmem>>
    %dma_start3A_38 = tpu.memref_squeeze %dma_start3A_37 : memref<1x128x128xf32, #tpu.memory_space<vmem>> -> memref<128x128xf32, #tpu.memory_space<vmem>>
    %dma_start3A_39 = arith.constant 0 : i32
    %dma_start3A_40 = tpu.memref_slice %arg5[%dma_start3A_33, %dma_start3A_39] : memref<2x128xi32, #tpu.memory_space<vmem>> -> memref<1x128xi32, #tpu.memory_space<vmem>>
    %dma_start3A_41 = tpu.memref_squeeze %dma_start3A_40 : memref<1x128xi32, #tpu.memory_space<vmem>> -> memref<128xi32, #tpu.memory_space<vmem>>
    %dma_start3A_42 = arith.constant 0 : i32
    %dma_start3A_43 = arith.constant 0 : i32
    %dma_start3A_44 = tpu.memref_slice %arg3[%dma_start3A_42, %dma_start3A_43] : memref<100000x128xf32, #tpu.memory_space<hbm>> -> memref<100000x128xf32, #tpu.memory_space<hbm>>
    tpu.enqueue_indirect_dma source(%dma_start3A_44 : memref<100000x128xf32, #tpu.memory_space<hbm>>) target(%dma_start3A_38 : memref<128x128xf32, #tpu.memory_space<vmem>>) offsets(%dma_start3A_41 : memref<128xi32, #tpu.memory_space<vmem>>) semaphore(%arg8 : memref<!tpu.dma_semaphore, #tpu.memory_space<semaphore_mem>>)
    %dma_wait3A_45 = arith.constant 1 : i32
    %dma_wait3A_46 = arith.constant 1 : i32
    %dma_wait3A_47 = arith.constant 0 : i32
    %dma_wait3A_48 = arith.constant 0 : i32
    %dma_wait3A_49 = tpu.memref_slice %arg6[%dma_wait3A_46, %dma_wait3A_47, %dma_wait3A_48] : memref<2x128x128xf32, #tpu.memory_space<vmem>> -> memref<1x128x128xf32, #tpu.memory_space<vmem>>
    %dma_wait3A_50 = tpu.memref_squeeze %dma_wait3A_49 : memref<1x128x128xf32, #tpu.memory_space<vmem>> -> memref<128x128xf32, #tpu.memory_space<vmem>>
    %dma_wait3A_51 = arith.constant 0 : i32
    %dma_wait3A_52 = tpu.memref_slice %arg5[%dma_wait3A_45, %dma_wait3A_51] : memref<2x128xi32, #tpu.memory_space<vmem>> -> memref<1x128xi32, #tpu.memory_space<vmem>>
    %dma_wait3A_53 = tpu.memref_squeeze %dma_wait3A_52 : memref<1x128xi32, #tpu.memory_space<vmem>> -> memref<128xi32, #tpu.memory_space<vmem>>
    %dma_wait3A_54 = arith.constant 0 : i32
    %dma_wait3A_55 = arith.constant 0 : i32
    %dma_wait3A_56 = tpu.memref_slice %arg3[%dma_wait3A_54, %dma_wait3A_55] : memref<100000x128xf32, #tpu.memory_space<hbm>> -> memref<100000x128xf32, #tpu.memory_space<hbm>>
    tpu.wait_indirect_dma semaphore(%arg9 : memref<!tpu.dma_semaphore, #tpu.memory_space<semaphore_mem>>) src(%dma_wait3A_56 : memref<100000x128xf32, #tpu.memory_space<hbm>>) dst(%dma_wait3A_50 : memref<128x128xf32, #tpu.memory_space<vmem>>)
    %scan3A = arith.constant 0 : i32
    %scan3A_57 = arith.constant 0 : i32
    %scan3A_58 = arith.constant 64 : i32
    %scan3A_59 = arith.addi %scan3A_57, %scan3A_58 : i32
    %scan3A_60 = arith.constant 1 : i32
    %scan3A_61 = scf.for %scan3A_660 = %scan3A_57 to %scan3A_59 step %scan3A_60 iter_args(%scan3A_661 = %scan3A) -> (i32)  : i32 {
      %mul3A_662 = arith.constant 2 : i32
      %mul3A_663 = arith.muli %scan3A_660, %mul3A_662 : i32
      %add3A_664 = arith.constant 1 : i32
      %add3A_665 = arith.addi %mul3A_663, %add3A_664 : i32
      %get3A = arith.index_cast %mul3A_663 : i32 to index
      %get3A_666 = arith.constant 0 : index
      %get3A_667 = tpu.vector_load %arg7[%get3A, %get3A_666] {strides = array<i32>} : memref<128x128xf32, #tpu.memory_space<vmem>>, vector<1x16xf32>,
      %get3A_668 = vector.shape_cast %get3A_667 : vector<1x16xf32> to vector<16xf32>
      %get3A_669 = arith.constant 1 : i32
      %get3A_670 = arith.index_cast %get3A_669 : i32 to index
      %get3A_671 = arith.index_cast %mul3A_663 : i32 to index
      %get3A_672 = arith.constant 0 : index
      %get3A_673 = tpu.vector_load %arg6[%get3A_670, %get3A_671, %get3A_672] {strides = array<i32>} : memref<2x128x128xf32, #tpu.memory_space<vmem>>, vector<1x1x16xf32>,
      %get3A_674 = vector.shape_cast %get3A_673 : vector<1x1x16xf32> to vector<16xf32>
      %add3A_675 = arith.addf %get3A_668, %get3A_674 : vector<16xf32>
      %swap3A = arith.index_cast %mul3A_663 : i32 to index
      %swap3A_676 = arith.constant 0 : index
      %swap3A_677 = tpu.vector_load %arg7[%swap3A, %swap3A_676] {strides = array<i32>} : memref<128x128xf32, #tpu.memory_space<vmem>>, vector<1x16xf32>,
      %swap3A_678 = vector.shape_cast %swap3A_677 : vector<1x16xf32> to vector<16xf32>
      %swap3A_679 = vector.shape_cast %add3A_675 : vector<16xf32> to vector<1x16xf32>
      tpu.vector_store %arg7[%swap3A, %swap3A_676], %swap3A_679 {strides = array<i32>} : memref<128x128xf32, #tpu.memory_space<vmem>>, vector<1x16xf32>,
      %get3A_680 = arith.index_cast %mul3A_663 : i32 to index
      %get3A_681 = arith.constant 16 : index
      %get3A_682 = tpu.vector_load %arg7[%get3A_680, %get3A_681] {strides = array<i32>} : memref<128x128xf32, #tpu.memory_space<vmem>>, vector<1x16xf32>,
      %get3A_683 = vector.shape_cast %get3A_682 : vector<1x16xf32> to vector<16xf32>
      %get3A_684 = arith.constant 1 : i32
      %get3A_685 = arith.index_cast %get3A_684 : i32 to index
      %get3A_686 = arith.index_cast %mul3A_663 : i32 to index
      %get3A_687 = arith.constant 16 : index
      %get3A_688 = tpu.vector_load %arg6[%get3A_685, %get3A_686, %get3A_687] {strides = array<i32>} : memref<2x128x128xf32, #tpu.memory_space<vmem>>, vector<1x1x16xf32>,
      %get3A_689 = vector.shape_cast %get3A_688 : vector<1x1x16xf32> to vector<16xf32>
      %add3A_690 = arith.addf %get3A_683, %get3A_689 : vector<16xf32>
      %swap3A_691 = arith.index_cast %mul3A_663 : i32 to index
      %swap3A_692 = arith.constant 16 : index
      %swap3A_693 = tpu.vector_load %arg7[%swap3A_691, %swap3A_692] {strides = array<i32>} : memref<128x128xf32, #tpu.memory_space<vmem>>, vector<1x16xf32>,
      %swap3A_694 = vector.shape_cast %swap3A_693 : vector<1x16xf32> to vector<16xf32>
      %swap3A_695 = vector.shape_cast %add3A_690 : vector<16xf32> to vector<1x16xf32>
      tpu.vector_store %arg7[%swap3A_691, %swap3A_692], %swap3A_695 {strides = array<i32>} : memref<128x128xf32, #tpu.memory_space<vmem>>, vector<1x16xf32>,
      %get3A_696 = arith.index_cast %mul3A_663 : i32 to index
      %get3A_697 = arith.constant 32 : index
      %get3A_698 = tpu.vector_load %arg7[%get3A_696, %get3A_697] {strides = array<i32>} : memref<128x128xf32, #tpu.memory_space<vmem>>, vector<1x16xf32>,
      %get3A_699 = vector.shape_cast %get3A_698 : vector<1x16xf32> to vector<16xf32>
      %get3A_700 = arith.constant 1 : i32
      %get3A_701 = arith.index_cast %get3A_700 : i32 to index
      %get3A_702 = arith.index_cast %mul3A_663 : i32 to index
      %get3A_703 = arith.constant 32 : index
      %get3A_704 = tpu.vector_load %arg6[%get3A_701, %get3A_702, %get3A_703] {strides = array<i32>} : memref<2x128x128xf32, #tpu.memory_space<vmem>>, vector<1x1x16xf32>,
      %get3A_705 = vector.shape_cast %get3A_704 : vector<1x1x16xf32> to vector<16xf32>
      %add3A_706 = arith.addf %get3A_699, %get3A_705 : vector<16xf32>
      %swap3A_707 = arith.index_cast %mul3A_663 : i32 to index
      %swap3A_708 = arith.constant 32 : index
      %swap3A_709 = tpu.vector_load %arg7[%swap3A_707, %swap3A_708] {strides = array<i32>} : memref<128x128xf32, #tpu.memory_space<vmem>>, vector<1x16xf32>,
      %swap3A_710 = vector.shape_cast %swap3A_709 : vector<1x16xf32> to vector<16xf32>
      %swap3A_711 = vector.shape_cast %add3A_706 : vector<16xf32> to vector<1x16xf32>
      tpu.vector_store %arg7[%swap3A_707, %swap3A_708], %swap3A_711 {strides = array<i32>} : memref<128x128xf32, #tpu.memory_space<vmem>>, vector<1x16xf32>,
      %get3A_712 = arith.index_cast %mul3A_663 : i32 to index
      %get3A_713 = arith.constant 48 : index
      %get3A_714 = tpu.vector_load %arg7[%get3A_712, %get3A_713] {strides = array<i32>} : memref<128x128xf32, #tpu.memory_space<vmem>>, vector<1x16xf32>,
      %get3A_715 = vector.shape_cast %get3A_714 : vector<1x16xf32> to vector<16xf32>
      %get3A_716 = arith.constant 1 : i32
      %get3A_717 = arith.index_cast %get3A_716 : i32 to index
      %get3A_718 = arith.index_cast %mul3A_663 : i32 to index
      %get3A_719 = arith.constant 48 : index
      %get3A_720 = tpu.vector_load %arg6[%get3A_717, %get3A_718, %get3A_719] {strides = array<i32>} : memref<2x128x128xf32, #tpu.memory_space<vmem>>, vector<1x1x16xf32>,
      %get3A_721 = vector.shape_cast %get3A_720 : vector<1x1x16xf32> to vector<16xf32>
      %add3A_722 = arith.addf %get3A_715, %get3A_721 : vector<16xf32>
      %swap3A_723 = arith.index_cast %mul3A_663 : i32 to index
      %swap3A_724 = arith.constant 48 : index
      %swap3A_725 = tpu.vector_load %arg7[%swap3A_723, %swap3A_724] {strides = array<i32>} : memref<128x128xf32, #tpu.memory_space<vmem>>, vector<1x16xf32>,
      %swap3A_726 = vector.shape_cast %swap3A_725 : vector<1x16xf32> to vector<16xf32>
      %swap3A_727 = vector.shape_cast %add3A_722 : vector<16xf32> to vector<1x16xf32>
      tpu.vector_store %arg7[%swap3A_723, %swap3A_724], %swap3A_727 {strides = array<i32>} : memref<128x128xf32, #tpu.memory_space<vmem>>, vector<1x16xf32>,
      %get3A_728 = arith.index_cast %add3A_665 : i32 to index
      %get3A_729 = arith.constant 0 : index
      %get3A_730 = tpu.vector_load %arg7[%get3A_728, %get3A_729] {strides = array<i32>} : memref<128x128xf32, #tpu.memory_space<vmem>>, vector<1x16xf32>,
      %get3A_731 = vector.shape_cast %get3A_730 : vector<1x16xf32> to vector<16xf32>
      %get3A_732 = arith.constant 1 : i32
      %get3A_733 = arith.index_cast %get3A_732 : i32 to index
      %get3A_734 = arith.index_cast %add3A_665 : i32 to index
      %get3A_735 = arith.constant 0 : index
      %get3A_736 = tpu.vector_load %arg6[%get3A_733, %get3A_734, %get3A_735] {strides = array<i32>} : memref<2x128x128xf32, #tpu.memory_space<vmem>>, vector<1x1x16xf32>,
      %get3A_737 = vector.shape_cast %get3A_736 : vector<1x1x16xf32> to vector<16xf32>
      %add3A_738 = arith.addf %get3A_731, %get3A_737 : vector<16xf32>
      %swap3A_739 = arith.index_cast %add3A_665 : i32 to index
      %swap3A_740 = arith.constant 0 : index
      %swap3A_741 = tpu.vector_load %arg7[%swap3A_739, %swap3A_740] {strides = array<i32>} : memref<128x128xf32, #tpu.memory_space<vmem>>, vector<1x16xf32>,
      %swap3A_742 = vector.shape_cast %swap3A_741 : vector<1x16xf32> to vector<16xf32>
      %swap3A_743 = vector.shape_cast %add3A_738 : vector<16xf32> to vector<1x16xf32>
      tpu.vector_store %arg7[%swap3A_739, %swap3A_740], %swap3A_743 {strides = array<i32>} : memref<128x128xf32, #tpu.memory_space<vmem>>, vector<1x16xf32>,
      %get3A_744 = arith.index_cast %add3A_665 : i32 to index
      %get3A_745 = arith.constant 16 : index
      %get3A_746 = tpu.vector_load %arg7[%get3A_744, %get3A_745] {strides = array<i32>} : memref<128x128xf32, #tpu.memory_space<vmem>>, vector<1x16xf32>,
      %get3A_747 = vector.shape_cast %get3A_746 : vector<1x16xf32> to vector<16xf32>
      %get3A_748 = arith.constant 1 : i32
      %get3A_749 = arith.index_cast %get3A_748 : i32 to index
      %get3A_750 = arith.index_cast %add3A_665 : i32 to index
      %get3A_751 = arith.constant 16 : index
      %get3A_752 = tpu.vector_load %arg6[%get3A_749, %get3A_750, %get3A_751] {strides = array<i32>} : memref<2x128x128xf32, #tpu.memory_space<vmem>>, vector<1x1x16xf32>,
      %get3A_753 = vector.shape_cast %get3A_752 : vector<1x1x16xf32> to vector<16xf32>
      %add3A_754 = arith.addf %get3A_747, %get3A_753 : vector<16xf32>
      %swap3A_755 = arith.index_cast %add3A_665 : i32 to index
      %swap3A_756 = arith.constant 16 : index
      %swap3A_757 = tpu.vector_load %arg7[%swap3A_755, %swap3A_756] {strides = array<i32>} : memref<128x128xf32, #tpu.memory_space<vmem>>, vector<1x16xf32>,
      %swap3A_758 = vector.shape_cast %swap3A_757 : vector<1x16xf32> to vector<16xf32>
      %swap3A_759 = vector.shape_cast %add3A_754 : vector<16xf32> to vector<1x16xf32>
      tpu.vector_store %arg7[%swap3A_755, %swap3A_756], %swap3A_759 {strides = array<i32>} : memref<128x128xf32, #tpu.memory_space<vmem>>, vector<1x16xf32>,
      %get3A_760 = arith.index_cast %add3A_665 : i32 to index
      %get3A_761 = arith.constant 32 : index
      %get3A_762 = tpu.vector_load %arg7[%get3A_760, %get3A_761] {strides = array<i32>} : memref<128x128xf32, #tpu.memory_space<vmem>>, vector<1x16xf32>,
      %get3A_763 = vector.shape_cast %get3A_762 : vector<1x16xf32> to vector<16xf32>
      %get3A_764 = arith.constant 1 : i32
      %get3A_765 = arith.index_cast %get3A_764 : i32 to index
      %get3A_766 = arith.index_cast %add3A_665 : i32 to index
      %get3A_767 = arith.constant 32 : index
      %get3A_768 = tpu.vector_load %arg6[%get3A_765, %get3A_766, %get3A_767] {strides = array<i32>} : memref<2x128x128xf32, #tpu.memory_space<vmem>>, vector<1x1x16xf32>,
      %get3A_769 = vector.shape_cast %get3A_768 : vector<1x1x16xf32> to vector<16xf32>
      %add3A_770 = arith.addf %get3A_763, %get3A_769 : vector<16xf32>
      %swap3A_771 = arith.index_cast %add3A_665 : i32 to index
      %swap3A_772 = arith.constant 32 : index
      %swap3A_773 = tpu.vector_load %arg7[%swap3A_771, %swap3A_772] {strides = array<i32>} : memref<128x128xf32, #tpu.memory_space<vmem>>, vector<1x16xf32>,
      %swap3A_774 = vector.shape_cast %swap3A_773 : vector<1x16xf32> to vector<16xf32>
      %swap3A_775 = vector.shape_cast %add3A_770 : vector<16xf32> to vector<1x16xf32>
      tpu.vector_store %arg7[%swap3A_771, %swap3A_772], %swap3A_775 {strides = array<i32>} : memref<128x128xf32, #tpu.memory_space<vmem>>, vector<1x16xf32>,
      %get3A_776 = arith.index_cast %add3A_665 : i32 to index
      %get3A_777 = arith.constant 48 : index
      %get3A_778 = tpu.vector_load %arg7[%get3A_776, %get3A_777] {strides = array<i32>} : memref<128x128xf32, #tpu.memory_space<vmem>>, vector<1x16xf32>,
      %get3A_779 = vector.shape_cast %get3A_778 : vector<1x16xf32> to vector<16xf32>
      %get3A_780 = arith.constant 1 : i32
      %get3A_781 = arith.index_cast %get3A_780 : i32 to index
      %get3A_782 = arith.index_cast %add3A_665 : i32 to index
      %get3A_783 = arith.constant 48 : index
      %get3A_784 = tpu.vector_load %arg6[%get3A_781, %get3A_782, %get3A_783] {strides = array<i32>} : memref<2x128x128xf32, #tpu.memory_space<vmem>>, vector<1x1x16xf32>,
      %get3A_785 = vector.shape_cast %get3A_784 : vector<1x1x16xf32> to vector<16xf32>
      %add3A_786 = arith.addf %get3A_779, %get3A_785 : vector<16xf32>
      %swap3A_787 = arith.index_cast %add3A_665 : i32 to index
      %swap3A_788 = arith.constant 48 : index
      %swap3A_789 = tpu.vector_load %arg7[%swap3A_787, %swap3A_788] {strides = array<i32>} : memref<128x128xf32, #tpu.memory_space<vmem>>, vector<1x16xf32>,
      %swap3A_790 = vector.shape_cast %swap3A_789 : vector<1x16xf32> to vector<16xf32>
      %swap3A_791 = vector.shape_cast %add3A_786 : vector<16xf32> to vector<1x16xf32>
      tpu.vector_store %arg7[%swap3A_787, %swap3A_788], %swap3A_791 {strides = array<i32>} : memref<128x128xf32, #tpu.memory_space<vmem>>, vector<1x16xf32>,
      %scan3A_792 = arith.constant 0 : i32
      scf.yield %scan3A_792 : i32
    }
    %scan3A_62 = arith.constant 64 : i32
    %add3A_63 = arith.constant 12288 : i32
    %add3A_64 = arith.addi %add3A_63, %mul3A_2 : i32
    %run_scoped3A_65 = arith.constant 1 : i32
    "tpu.region"() ({
      %run_scoped3A_660 = tpu.sem_alloc : memref<!tpu.dma_semaphore, #tpu.memory_space<semaphore_mem>>
      %dma_start3A_661 = arith.constant 0 : i32
      %dma_start3A_662 = tpu.memref_slice %arg5[%run_scoped3A_65, %dma_start3A_661] : memref<2x128xi32, #tpu.memory_space<vmem>> -> memref<1x128xi32, #tpu.memory_space<vmem>>
      %dma_start3A_663 = tpu.memref_squeeze %dma_start3A_662 : memref<1x128xi32, #tpu.memory_space<vmem>> -> memref<128xi32, #tpu.memory_space<vmem>>
      %dma_start3A_664 = tpu.memref_slice %arg2[%add3A_64] : memref<81920xi32, #tpu.memory_space<hbm>> -> memref<128xi32, #tpu.memory_space<hbm>>
      %dma_start3A_665 = arith.constant 0 : i32
      %dma_start3A_666 = tpu.memref_slice %arg5[%run_scoped3A_65, %dma_start3A_665] : memref<2x128xi32, #tpu.memory_space<vmem>> -> memref<1x128xi32, #tpu.memory_space<vmem>>
      %dma_start3A_667 = tpu.memref_squeeze %dma_start3A_666 : memref<1x128xi32, #tpu.memory_space<vmem>> -> memref<128xi32, #tpu.memory_space<vmem>>
      %dma_start3A_668 = tpu.memref_slice %arg2[%add3A_64] : memref<81920xi32, #tpu.memory_space<hbm>> -> memref<128xi32, #tpu.memory_space<hbm>>
      tpu.enqueue_dma source(%dma_start3A_668 : memref<128xi32, #tpu.memory_space<hbm>>) target(%dma_start3A_667 : memref<128xi32, #tpu.memory_space<vmem>>) target_semaphore(%run_scoped3A_660 : memref<!tpu.dma_semaphore, #tpu.memory_space<semaphore_mem>>)
      %dma_wait3A_669 = arith.constant 0 : i32
      %dma_wait3A_670 = tpu.memref_slice %arg5[%run_scoped3A_65, %dma_wait3A_669] : memref<2x128xi32, #tpu.memory_space<vmem>> -> memref<1x128xi32, #tpu.memory_space<vmem>>
      %dma_wait3A_671 = tpu.memref_squeeze %dma_wait3A_670 : memref<1x128xi32, #tpu.memory_space<vmem>> -> memref<128xi32, #tpu.memory_space<vmem>>
      %dma_wait3A_672 = tpu.memref_slice %arg2[%add3A_64] : memref<81920xi32, #tpu.memory_space<hbm>> -> memref<128xi32, #tpu.memory_space<hbm>>
      %dma_wait3A_673 = arith.constant 0 : i32
      %dma_wait3A_674 = tpu.memref_slice %arg5[%run_scoped3A_65, %dma_wait3A_673] : memref<2x128xi32, #tpu.memory_space<vmem>> -> memref<1x128xi32, #tpu.memory_space<vmem>>
      %dma_wait3A_675 = tpu.memref_squeeze %dma_wait3A_674 : memref<1x128xi32, #tpu.memory_space<vmem>> -> memref<128xi32, #tpu.memory_space<vmem>>
      %dma_wait3A_676 = tpu.memref_slice %arg2[%add3A_64] : memref<81920xi32, #tpu.memory_space<hbm>> -> memref<128xi32, #tpu.memory_space<hbm>>
      tpu.wait_dma2 semaphore(%run_scoped3A_660 : memref<!tpu.dma_semaphore, #tpu.memory_space<semaphore_mem>>) src(%dma_wait3A_676 : memref<128xi32, #tpu.memory_space<hbm>>) dst(%dma_wait3A_675 : memref<128xi32, #tpu.memory_space<vmem>>)
      tpu.yield
    }) : () -> ()
    %dma_start3A_66 = arith.constant 1 : i32
    %dma_start3A_67 = arith.constant 1 : i32
    %dma_start3A_68 = arith.constant 0 : i32
    %dma_start3A_69 = arith.constant 0 : i32
    %dma_start3A_70 = tpu.memref_slice %arg6[%dma_start3A_67, %dma_start3A_68, %dma_start3A_69] : memref<2x128x128xf32, #tpu.memory_space<vmem>> -> memref<1x128x128xf32, #tpu.memory_space<vmem>>
    %dma_start3A_71 = tpu.memref_squeeze %dma_start3A_70 : memref<1x128x128xf32, #tpu.memory_space<vmem>> -> memref<128x128xf32, #tpu.memory_space<vmem>>
    %dma_start3A_72 = arith.constant 0 : i32
    %dma_start3A_73 = tpu.memref_slice %arg5[%dma_start3A_66, %dma_start3A_72] : memref<2x128xi32, #tpu.memory_space<vmem>> -> memref<1x128xi32, #tpu.memory_space<vmem>>
    %dma_start3A_74 = tpu.memref_squeeze %dma_start3A_73 : memref<1x128xi32, #tpu.memory_space<vmem>> -> memref<128xi32, #tpu.memory_space<vmem>>
    %dma_start3A_75 = arith.constant 0 : i32
    %dma_start3A_76 = arith.constant 0 : i32
    %dma_start3A_77 = tpu.memref_slice %arg3[%dma_start3A_75, %dma_start3A_76] : memref<100000x128xf32, #tpu.memory_space<hbm>> -> memref<100000x128xf32, #tpu.memory_space<hbm>>
    tpu.enqueue_indirect_dma source(%dma_start3A_77 : memref<100000x128xf32, #tpu.memory_space<hbm>>) target(%dma_start3A_71 : memref<128x128xf32, #tpu.memory_space<vmem>>) offsets(%dma_start3A_74 : memref<128xi32, #tpu.memory_space<vmem>>) semaphore(%arg9 : memref<!tpu.dma_semaphore, #tpu.memory_space<semaphore_mem>>)
    %dma_wait3A_78 = arith.constant 0 : i32
    %dma_wait3A_79 = arith.constant 0 : i32
    %dma_wait3A_80 = arith.constant 0 : i32
    %dma_wait3A_81 = arith.constant 0 : i32
    %dma_wait3A_82 = tpu.memref_slice %arg6[%dma_wait3A_79, %dma_wait3A_80, %dma_wait3A_81] : memref<2x128x128xf32, #tpu.memory_space<vmem>> -> memref<1x128x128xf32, #tpu.memory_space<vmem>>
    %dma_wait3A_83 = tpu.memref_squeeze %dma_wait3A_82 : memref<1x128x128xf32, #tpu.memory_space<vmem>> -> memref<128x128xf32, #tpu.memory_space<vmem>>
    %dma_wait3A_84 = arith.constant 0 : i32
    %dma_wait3A_85 = tpu.memref_slice %arg5[%dma_wait3A_78, %dma_wait3A_84] : memref<2x128xi32, #tpu.memory_space<vmem>> -> memref<1x128xi32, #tpu.memory_space<vmem>>
    %dma_wait3A_86 = tpu.memref_squeeze %dma_wait3A_85 : memref<1x128xi32, #tpu.memory_space<vmem>> -> memref<128xi32, #tpu.memory_space<vmem>>
    %dma_wait3A_87 = arith.constant 0 : i32
    %dma_wait3A_88 = arith.constant 0 : i32
    %dma_wait3A_89 = tpu.memref_slice %arg3[%dma_wait3A_87, %dma_wait3A_88] : memref<100000x128xf32, #tpu.memory_space<hbm>> -> memref<100000x128xf32, #tpu.memory_space<hbm>>
    tpu.wait_indirect_dma semaphore(%arg8 : memref<!tpu.dma_semaphore, #tpu.memory_space<semaphore_mem>>) src(%dma_wait3A_89 : memref<100000x128xf32, #tpu.memory_space<hbm>>) dst(%dma_wait3A_83 : memref<128x128xf32, #tpu.memory_space<vmem>>)
    %scan3A_90 = arith.constant 0 : i32
    %scan3A_91 = arith.constant 0 : i32
    %scan3A_92 = arith.constant 64 : i32
    %scan3A_93 = arith.addi %scan3A_91, %scan3A_92 : i32
    %scan3A_94 = arith.constant 1 : i32
    %scan3A_95 = scf.for %scan3A_660 = %scan3A_91 to %scan3A_93 step %scan3A_94 iter_args(%scan3A_661 = %scan3A_90) -> (i32)  : i32 {
      %mul3A_662 = arith.constant 2 : i32
      %mul3A_663 = arith.muli %scan3A_660, %mul3A_662 : i32
      %add3A_664 = arith.constant 1 : i32
      %add3A_665 = arith.addi %mul3A_663, %add3A_664 : i32
      %get3A = arith.index_cast %mul3A_663 : i32 to index
      %get3A_666 = arith.constant 0 : index
      %get3A_667 = tpu.vector_load %arg7[%get3A, %get3A_666] {strides = array<i32>} : memref<128x128xf32, #tpu.memory_space<vmem>>, vector<1x16xf32>,
      %get3A_668 = vector.shape_cast %get3A_667 : vector<1x16xf32> to vector<16xf32>
      %get3A_669 = arith.constant 0 : i32
      %get3A_670 = arith.index_cast %get3A_669 : i32 to index
      %get3A_671 = arith.index_cast %mul3A_663 : i32 to index
      %get3A_672 = arith.constant 0 : index
      %get3A_673 = tpu.vector_load %arg6[%get3A_670, %get3A_671, %get3A_672] {strides = array<i32>} : memref<2x128x128xf32, #tpu.memory_space<vmem>>, vector<1x1x16xf32>,
      %get3A_674 = vector.shape_cast %get3A_673 : vector<1x1x16xf32> to vector<16xf32>
      %add3A_675 = arith.addf %get3A_668, %get3A_674 : vector<16xf32>
      %swap3A = arith.index_cast %mul3A_663 : i32 to index
      %swap3A_676 = arith.constant 0 : index
      %swap3A_677 = tpu.vector_load %arg7[%swap3A, %swap3A_676] {strides = array<i32>} : memref<128x128xf32, #tpu.memory_space<vmem>>, vector<1x16xf32>,
      %swap3A_678 = vector.shape_cast %swap3A_677 : vector<1x16xf32> to vector<16xf32>
      %swap3A_679 = vector.shape_cast %add3A_675 : vector<16xf32> to vector<1x16xf32>
      tpu.vector_store %arg7[%swap3A, %swap3A_676], %swap3A_679 {strides = array<i32>} : memref<128x128xf32, #tpu.memory_space<vmem>>, vector<1x16xf32>,
      %get3A_680 = arith.index_cast %mul3A_663 : i32 to index
      %get3A_681 = arith.constant 16 : index
      %get3A_682 = tpu.vector_load %arg7[%get3A_680, %get3A_681] {strides = array<i32>} : memref<128x128xf32, #tpu.memory_space<vmem>>, vector<1x16xf32>,
      %get3A_683 = vector.shape_cast %get3A_682 : vector<1x16xf32> to vector<16xf32>
      %get3A_684 = arith.constant 0 : i32
      %get3A_685 = arith.index_cast %get3A_684 : i32 to index
      %get3A_686 = arith.index_cast %mul3A_663 : i32 to index
      %get3A_687 = arith.constant 16 : index
      %get3A_688 = tpu.vector_load %arg6[%get3A_685, %get3A_686, %get3A_687] {strides = array<i32>} : memref<2x128x128xf32, #tpu.memory_space<vmem>>, vector<1x1x16xf32>,
      %get3A_689 = vector.shape_cast %get3A_688 : vector<1x1x16xf32> to vector<16xf32>
      %add3A_690 = arith.addf %get3A_683, %get3A_689 : vector<16xf32>
      %swap3A_691 = arith.index_cast %mul3A_663 : i32 to index
      %swap3A_692 = arith.constant 16 : index
      %swap3A_693 = tpu.vector_load %arg7[%swap3A_691, %swap3A_692] {strides = array<i32>} : memref<128x128xf32, #tpu.memory_space<vmem>>, vector<1x16xf32>,
      %swap3A_694 = vector.shape_cast %swap3A_693 : vector<1x16xf32> to vector<16xf32>
      %swap3A_695 = vector.shape_cast %add3A_690 : vector<16xf32> to vector<1x16xf32>
      tpu.vector_store %arg7[%swap3A_691, %swap3A_692], %swap3A_695 {strides = array<i32>} : memref<128x128xf32, #tpu.memory_space<vmem>>, vector<1x16xf32>,
      %get3A_696 = arith.index_cast %mul3A_663 : i32 to index
      %get3A_697 = arith.constant 32 : index
      %get3A_698 = tpu.vector_load %arg7[%get3A_696, %get3A_697] {strides = array<i32>} : memref<128x128xf32, #tpu.memory_space<vmem>>, vector<1x16xf32>,
      %get3A_699 = vector.shape_cast %get3A_698 : vector<1x16xf32> to vector<16xf32>
      %get3A_700 = arith.constant 0 : i32
      %get3A_701 = arith.index_cast %get3A_700 : i32 to index
      %get3A_702 = arith.index_cast %mul3A_663 : i32 to index
      %get3A_703 = arith.constant 32 : index
      %get3A_704 = tpu.vector_load %arg6[%get3A_701, %get3A_702, %get3A_703] {strides = array<i32>} : memref<2x128x128xf32, #tpu.memory_space<vmem>>, vector<1x1x16xf32>,
      %get3A_705 = vector.shape_cast %get3A_704 : vector<1x1x16xf32> to vector<16xf32>
      %add3A_706 = arith.addf %get3A_699, %get3A_705 : vector<16xf32>
      %swap3A_707 = arith.index_cast %mul3A_663 : i32 to index
      %swap3A_708 = arith.constant 32 : index
      %swap3A_709 = tpu.vector_load %arg7[%swap3A_707, %swap3A_708] {strides = array<i32>} : memref<128x128xf32, #tpu.memory_space<vmem>>, vector<1x16xf32>,
      %swap3A_710 = vector.shape_cast %swap3A_709 : vector<1x16xf32> to vector<16xf32>
      %swap3A_711 = vector.shape_cast %add3A_706 : vector<16xf32> to vector<1x16xf32>
      tpu.vector_store %arg7[%swap3A_707, %swap3A_708], %swap3A_711 {strides = array<i32>} : memref<128x128xf32, #tpu.memory_space<vmem>>, vector<1x16xf32>,
      %get3A_712 = arith.index_cast %mul3A_663 : i32 to index
      %get3A_713 = arith.constant 48 : index
      %get3A_714 = tpu.vector_load %arg7[%get3A_712, %get3A_713] {strides = array<i32>} : memref<128x128xf32, #tpu.memory_space<vmem>>, vector<1x16xf32>,
      %get3A_715 = vector.shape_cast %get3A_714 : vector<1x16xf32> to vector<16xf32>
      %get3A_716 = arith.constant 0 : i32
      %get3A_717 = arith.index_cast %get3A_716 : i32 to index
      %get3A_718 = arith.index_cast %mul3A_663 : i32 to index
      %get3A_719 = arith.constant 48 : index
      %get3A_720 = tpu.vector_load %arg6[%get3A_717, %get3A_718, %get3A_719] {strides = array<i32>} : memref<2x128x128xf32, #tpu.memory_space<vmem>>, vector<1x1x16xf32>,
      %get3A_721 = vector.shape_cast %get3A_720 : vector<1x1x16xf32> to vector<16xf32>
      %add3A_722 = arith.addf %get3A_715, %get3A_721 : vector<16xf32>
      %swap3A_723 = arith.index_cast %mul3A_663 : i32 to index
      %swap3A_724 = arith.constant 48 : index
      %swap3A_725 = tpu.vector_load %arg7[%swap3A_723, %swap3A_724] {strides = array<i32>} : memref<128x128xf32, #tpu.memory_space<vmem>>, vector<1x16xf32>,
      %swap3A_726 = vector.shape_cast %swap3A_725 : vector<1x16xf32> to vector<16xf32>
      %swap3A_727 = vector.shape_cast %add3A_722 : vector<16xf32> to vector<1x16xf32>
      tpu.vector_store %arg7[%swap3A_723, %swap3A_724], %swap3A_727 {strides = array<i32>} : memref<128x128xf32, #tpu.memory_space<vmem>>, vector<1x16xf32>,
      %get3A_728 = arith.index_cast %add3A_665 : i32 to index
      %get3A_729 = arith.constant 0 : index
      %get3A_730 = tpu.vector_load %arg7[%get3A_728, %get3A_729] {strides = array<i32>} : memref<128x128xf32, #tpu.memory_space<vmem>>, vector<1x16xf32>,
      %get3A_731 = vector.shape_cast %get3A_730 : vector<1x16xf32> to vector<16xf32>
      %get3A_732 = arith.constant 0 : i32
      %get3A_733 = arith.index_cast %get3A_732 : i32 to index
      %get3A_734 = arith.index_cast %add3A_665 : i32 to index
      %get3A_735 = arith.constant 0 : index
      %get3A_736 = tpu.vector_load %arg6[%get3A_733, %get3A_734, %get3A_735] {strides = array<i32>} : memref<2x128x128xf32, #tpu.memory_space<vmem>>, vector<1x1x16xf32>,
      %get3A_737 = vector.shape_cast %get3A_736 : vector<1x1x16xf32> to vector<16xf32>
      %add3A_738 = arith.addf %get3A_731, %get3A_737 : vector<16xf32>
      %swap3A_739 = arith.index_cast %add3A_665 : i32 to index
      %swap3A_740 = arith.constant 0 : index
      %swap3A_741 = tpu.vector_load %arg7[%swap3A_739, %swap3A_740] {strides = array<i32>} : memref<128x128xf32, #tpu.memory_space<vmem>>, vector<1x16xf32>,
      %swap3A_742 = vector.shape_cast %swap3A_741 : vector<1x16xf32> to vector<16xf32>
      %swap3A_743 = vector.shape_cast %add3A_738 : vector<16xf32> to vector<1x16xf32>
      tpu.vector_store %arg7[%swap3A_739, %swap3A_740], %swap3A_743 {strides = array<i32>} : memref<128x128xf32, #tpu.memory_space<vmem>>, vector<1x16xf32>,
      %get3A_744 = arith.index_cast %add3A_665 : i32 to index
      %get3A_745 = arith.constant 16 : index
      %get3A_746 = tpu.vector_load %arg7[%get3A_744, %get3A_745] {strides = array<i32>} : memref<128x128xf32, #tpu.memory_space<vmem>>, vector<1x16xf32>,
      %get3A_747 = vector.shape_cast %get3A_746 : vector<1x16xf32> to vector<16xf32>
      %get3A_748 = arith.constant 0 : i32
      %get3A_749 = arith.index_cast %get3A_748 : i32 to index
      %get3A_750 = arith.index_cast %add3A_665 : i32 to index
      %get3A_751 = arith.constant 16 : index
      %get3A_752 = tpu.vector_load %arg6[%get3A_749, %get3A_750, %get3A_751] {strides = array<i32>} : memref<2x128x128xf32, #tpu.memory_space<vmem>>, vector<1x1x16xf32>,
      %get3A_753 = vector.shape_cast %get3A_752 : vector<1x1x16xf32> to vector<16xf32>
      %add3A_754 = arith.addf %get3A_747, %get3A_753 : vector<16xf32>
      %swap3A_755 = arith.index_cast %add3A_665 : i32 to index
      %swap3A_756 = arith.constant 16 : index
      %swap3A_757 = tpu.vector_load %arg7[%swap3A_755, %swap3A_756] {strides = array<i32>} : memref<128x128xf32, #tpu.memory_space<vmem>>, vector<1x16xf32>,
      %swap3A_758 = vector.shape_cast %swap3A_757 : vector<1x16xf32> to vector<16xf32>
      %swap3A_759 = vector.shape_cast %add3A_754 : vector<16xf32> to vector<1x16xf32>
      tpu.vector_store %arg7[%swap3A_755, %swap3A_756], %swap3A_759 {strides = array<i32>} : memref<128x128xf32, #tpu.memory_space<vmem>>, vector<1x16xf32>,
      %get3A_760 = arith.index_cast %add3A_665 : i32 to index
      %get3A_761 = arith.constant 32 : index
      %get3A_762 = tpu.vector_load %arg7[%get3A_760, %get3A_761] {strides = array<i32>} : memref<128x128xf32, #tpu.memory_space<vmem>>, vector<1x16xf32>,
      %get3A_763 = vector.shape_cast %get3A_762 : vector<1x16xf32> to vector<16xf32>
      %get3A_764 = arith.constant 0 : i32
      %get3A_765 = arith.index_cast %get3A_764 : i32 to index
      %get3A_766 = arith.index_cast %add3A_665 : i32 to index
      %get3A_767 = arith.constant 32 : index
      %get3A_768 = tpu.vector_load %arg6[%get3A_765, %get3A_766, %get3A_767] {strides = array<i32>} : memref<2x128x128xf32, #tpu.memory_space<vmem>>, vector<1x1x16xf32>,
      %get3A_769 = vector.shape_cast %get3A_768 : vector<1x1x16xf32> to vector<16xf32>
      %add3A_770 = arith.addf %get3A_763, %get3A_769 : vector<16xf32>
      %swap3A_771 = arith.index_cast %add3A_665 : i32 to index
      %swap3A_772 = arith.constant 32 : index
      %swap3A_773 = tpu.vector_load %arg7[%swap3A_771, %swap3A_772] {strides = array<i32>} : memref<128x128xf32, #tpu.memory_space<vmem>>, vector<1x16xf32>,
      %swap3A_774 = vector.shape_cast %swap3A_773 : vector<1x16xf32> to vector<16xf32>
      %swap3A_775 = vector.shape_cast %add3A_770 : vector<16xf32> to vector<1x16xf32>
      tpu.vector_store %arg7[%swap3A_771, %swap3A_772], %swap3A_775 {strides = array<i32>} : memref<128x128xf32, #tpu.memory_space<vmem>>, vector<1x16xf32>,
      %get3A_776 = arith.index_cast %add3A_665 : i32 to index
      %get3A_777 = arith.constant 48 : index
      %get3A_778 = tpu.vector_load %arg7[%get3A_776, %get3A_777] {strides = array<i32>} : memref<128x128xf32, #tpu.memory_space<vmem>>, vector<1x16xf32>,
      %get3A_779 = vector.shape_cast %get3A_778 : vector<1x16xf32> to vector<16xf32>
      %get3A_780 = arith.constant 0 : i32
      %get3A_781 = arith.index_cast %get3A_780 : i32 to index
      %get3A_782 = arith.index_cast %add3A_665 : i32 to index
      %get3A_783 = arith.constant 48 : index
      %get3A_784 = tpu.vector_load %arg6[%get3A_781, %get3A_782, %get3A_783] {strides = array<i32>} : memref<2x128x128xf32, #tpu.memory_space<vmem>>, vector<1x1x16xf32>,
      %get3A_785 = vector.shape_cast %get3A_784 : vector<1x1x16xf32> to vector<16xf32>
      %add3A_786 = arith.addf %get3A_779, %get3A_785 : vector<16xf32>
      %swap3A_787 = arith.index_cast %add3A_665 : i32 to index
      %swap3A_788 = arith.constant 48 : index
      %swap3A_789 = tpu.vector_load %arg7[%swap3A_787, %swap3A_788] {strides = array<i32>} : memref<128x128xf32, #tpu.memory_space<vmem>>, vector<1x16xf32>,
      %swap3A_790 = vector.shape_cast %swap3A_789 : vector<1x16xf32> to vector<16xf32>
      %swap3A_791 = vector.shape_cast %add3A_786 : vector<16xf32> to vector<1x16xf32>
      tpu.vector_store %arg7[%swap3A_787, %swap3A_788], %swap3A_791 {strides = array<i32>} : memref<128x128xf32, #tpu.memory_space<vmem>>, vector<1x16xf32>,
      %scan3A_792 = arith.constant 0 : i32
      scf.yield %scan3A_792 : i32
    }
    %scan3A_96 = arith.constant 64 : i32
    %add3A_97 = arith.constant 16384 : i32
    %add3A_98 = arith.addi %add3A_97, %mul3A_2 : i32
    %run_scoped3A_99 = arith.constant 0 : i32
    "tpu.region"() ({
      %run_scoped3A_660 = tpu.sem_alloc : memref<!tpu.dma_semaphore, #tpu.memory_space<semaphore_mem>>
      %dma_start3A_661 = arith.constant 0 : i32
      %dma_start3A_662 = tpu.memref_slice %arg5[%run_scoped3A_99, %dma_start3A_661] : memref<2x128xi32, #tpu.memory_space<vmem>> -> memref<1x128xi32, #tpu.memory_space<vmem>>
      %dma_start3A_663 = tpu.memref_squeeze %dma_start3A_662 : memref<1x128xi32, #tpu.memory_space<vmem>> -> memref<128xi32, #tpu.memory_space<vmem>>
      %dma_start3A_664 = tpu.memref_slice %arg2[%add3A_98] : memref<81920xi32, #tpu.memory_space<hbm>> -> memref<128xi32, #tpu.memory_space<hbm>>
      %dma_start3A_665 = arith.constant 0 : i32
      %dma_start3A_666 = tpu.memref_slice %arg5[%run_scoped3A_99, %dma_start3A_665] : memref<2x128xi32, #tpu.memory_space<vmem>> -> memref<1x128xi32, #tpu.memory_space<vmem>>
      %dma_start3A_667 = tpu.memref_squeeze %dma_start3A_666 : memref<1x128xi32, #tpu.memory_space<vmem>> -> memref<128xi32, #tpu.memory_space<vmem>>
      %dma_start3A_668 = tpu.memref_slice %arg2[%add3A_98] : memref<81920xi32, #tpu.memory_space<hbm>> -> memref<128xi32, #tpu.memory_space<hbm>>
      tpu.enqueue_dma source(%dma_start3A_668 : memref<128xi32, #tpu.memory_space<hbm>>) target(%dma_start3A_667 : memref<128xi32, #tpu.memory_space<vmem>>) target_semaphore(%run_scoped3A_660 : memref<!tpu.dma_semaphore, #tpu.memory_space<semaphore_mem>>)
      %dma_wait3A_669 = arith.constant 0 : i32
      %dma_wait3A_670 = tpu.memref_slice %arg5[%run_scoped3A_99, %dma_wait3A_669] : memref<2x128xi32, #tpu.memory_space<vmem>> -> memref<1x128xi32, #tpu.memory_space<vmem>>
      %dma_wait3A_671 = tpu.memref_squeeze %dma_wait3A_670 : memref<1x128xi32, #tpu.memory_space<vmem>> -> memref<128xi32, #tpu.memory_space<vmem>>
      %dma_wait3A_672 = tpu.memref_slice %arg2[%add3A_98] : memref<81920xi32, #tpu.memory_space<hbm>> -> memref<128xi32, #tpu.memory_space<hbm>>
      %dma_wait3A_673 = arith.constant 0 : i32
      %dma_wait3A_674 = tpu.memref_slice %arg5[%run_scoped3A_99, %dma_wait3A_673] : memref<2x128xi32, #tpu.memory_space<vmem>> -> memref<1x128xi32, #tpu.memory_space<vmem>>
      %dma_wait3A_675 = tpu.memref_squeeze %dma_wait3A_674 : memref<1x128xi32, #tpu.memory_space<vmem>> -> memref<128xi32, #tpu.memory_space<vmem>>
      %dma_wait3A_676 = tpu.memref_slice %arg2[%add3A_98] : memref<81920xi32, #tpu.memory_space<hbm>> -> memref<128xi32, #tpu.memory_space<hbm>>
      tpu.wait_dma2 semaphore(%run_scoped3A_660 : memref<!tpu.dma_semaphore, #tpu.memory_space<semaphore_mem>>) src(%dma_wait3A_676 : memref<128xi32, #tpu.memory_space<hbm>>) dst(%dma_wait3A_675 : memref<128xi32, #tpu.memory_space<vmem>>)
      tpu.yield
    }) : () -> ()
    %dma_start3A_100 = arith.constant 0 : i32
    %dma_start3A_101 = arith.constant 0 : i32
    %dma_start3A_102 = arith.constant 0 : i32
    %dma_start3A_103 = arith.constant 0 : i32
    %dma_start3A_104 = tpu.memref_slice %arg6[%dma_start3A_101, %dma_start3A_102, %dma_start3A_103] : memref<2x128x128xf32, #tpu.memory_space<vmem>> -> memref<1x128x128xf32, #tpu.memory_space<vmem>>
    %dma_start3A_105 = tpu.memref_squeeze %dma_start3A_104 : memref<1x128x128xf32, #tpu.memory_space<vmem>> -> memref<128x128xf32, #tpu.memory_space<vmem>>
    %dma_start3A_106 = arith.constant 0 : i32
    %dma_start3A_107 = tpu.memref_slice %arg5[%dma_start3A_100, %dma_start3A_106] : memref<2x128xi32, #tpu.memory_space<vmem>> -> memref<1x128xi32, #tpu.memory_space<vmem>>
    %dma_start3A_108 = tpu.memref_squeeze %dma_start3A_107 : memref<1x128xi32, #tpu.memory_space<vmem>> -> memref<128xi32, #tpu.memory_space<vmem>>
    %dma_start3A_109 = arith.constant 0 : i32
    %dma_start3A_110 = arith.constant 0 : i32
    %dma_start3A_111 = tpu.memref_slice %arg3[%dma_start3A_109, %dma_start3A_110] : memref<100000x128xf32, #tpu.memory_space<hbm>> -> memref<100000x128xf32, #tpu.memory_space<hbm>>
    tpu.enqueue_indirect_dma source(%dma_start3A_111 : memref<100000x128xf32, #tpu.memory_space<hbm>>) target(%dma_start3A_105 : memref<128x128xf32, #tpu.memory_space<vmem>>) offsets(%dma_start3A_108 : memref<128xi32, #tpu.memory_space<vmem>>) semaphore(%arg8 : memref<!tpu.dma_semaphore, #tpu.memory_space<semaphore_mem>>)
    %dma_wait3A_112 = arith.constant 1 : i32
    %dma_wait3A_113 = arith.constant 1 : i32
    %dma_wait3A_114 = arith.constant 0 : i32
    %dma_wait3A_115 = arith.constant 0 : i32
    %dma_wait3A_116 = tpu.memref_slice %arg6[%dma_wait3A_113, %dma_wait3A_114, %dma_wait3A_115] : memref<2x128x128xf32, #tpu.memory_space<vmem>> -> memref<1x128x128xf32, #tpu.memory_space<vmem>>
    %dma_wait3A_117 = tpu.memref_squeeze %dma_wait3A_116 : memref<1x128x128xf32, #tpu.memory_space<vmem>> -> memref<128x128xf32, #tpu.memory_space<vmem>>
    %dma_wait3A_118 = arith.constant 0 : i32
    %dma_wait3A_119 = tpu.memref_slice %arg5[%dma_wait3A_112, %dma_wait3A_118] : memref<2x128xi32, #tpu.memory_space<vmem>> -> memref<1x128xi32, #tpu.memory_space<vmem>>
    %dma_wait3A_120 = tpu.memref_squeeze %dma_wait3A_119 : memref<1x128xi32, #tpu.memory_space<vmem>> -> memref<128xi32, #tpu.memory_space<vmem>>
    %dma_wait3A_121 = arith.constant 0 : i32
    %dma_wait3A_122 = arith.constant 0 : i32
    %dma_wait3A_123 = tpu.memref_slice %arg3[%dma_wait3A_121, %dma_wait3A_122] : memref<100000x128xf32, #tpu.memory_space<hbm>> -> memref<100000x128xf32, #tpu.memory_space<hbm>>
    tpu.wait_indirect_dma semaphore(%arg9 : memref<!tpu.dma_semaphore, #tpu.memory_space<semaphore_mem>>) src(%dma_wait3A_123 : memref<100000x128xf32, #tpu.memory_space<hbm>>) dst(%dma_wait3A_117 : memref<128x128xf32, #tpu.memory_space<vmem>>)
    %scan3A_124 = arith.constant 0 : i32
    %scan3A_125 = arith.constant 0 : i32
    %scan3A_126 = arith.constant 64 : i32
    %scan3A_127 = arith.addi %scan3A_125, %scan3A_126 : i32
    %scan3A_128 = arith.constant 1 : i32
    %scan3A_129 = scf.for %scan3A_660 = %scan3A_125 to %scan3A_127 step %scan3A_128 iter_args(%scan3A_661 = %scan3A_124) -> (i32)  : i32 {
      %mul3A_662 = arith.constant 2 : i32
      %mul3A_663 = arith.muli %scan3A_660, %mul3A_662 : i32
      %add3A_664 = arith.constant 1 : i32
      %add3A_665 = arith.addi %mul3A_663, %add3A_664 : i32
      %get3A = arith.index_cast %mul3A_663 : i32 to index
      %get3A_666 = arith.constant 0 : index
      %get3A_667 = tpu.vector_load %arg7[%get3A, %get3A_666] {strides = array<i32>} : memref<128x128xf32, #tpu.memory_space<vmem>>, vector<1x16xf32>,
      %get3A_668 = vector.shape_cast %get3A_667 : vector<1x16xf32> to vector<16xf32>
      %get3A_669 = arith.constant 1 : i32
      %get3A_670 = arith.index_cast %get3A_669 : i32 to index
      %get3A_671 = arith.index_cast %mul3A_663 : i32 to index
      %get3A_672 = arith.constant 0 : index
      %get3A_673 = tpu.vector_load %arg6[%get3A_670, %get3A_671, %get3A_672] {strides = array<i32>} : memref<2x128x128xf32, #tpu.memory_space<vmem>>, vector<1x1x16xf32>,
      %get3A_674 = vector.shape_cast %get3A_673 : vector<1x1x16xf32> to vector<16xf32>
      %add3A_675 = arith.addf %get3A_668, %get3A_674 : vector<16xf32>
      %swap3A = arith.index_cast %mul3A_663 : i32 to index
      %swap3A_676 = arith.constant 0 : index
      %swap3A_677 = tpu.vector_load %arg7[%swap3A, %swap3A_676] {strides = array<i32>} : memref<128x128xf32, #tpu.memory_space<vmem>>, vector<1x16xf32>,
      %swap3A_678 = vector.shape_cast %swap3A_677 : vector<1x16xf32> to vector<16xf32>
      %swap3A_679 = vector.shape_cast %add3A_675 : vector<16xf32> to vector<1x16xf32>
      tpu.vector_store %arg7[%swap3A, %swap3A_676], %swap3A_679 {strides = array<i32>} : memref<128x128xf32, #tpu.memory_space<vmem>>, vector<1x16xf32>,
      %get3A_680 = arith.index_cast %mul3A_663 : i32 to index
      %get3A_681 = arith.constant 16 : index
      %get3A_682 = tpu.vector_load %arg7[%get3A_680, %get3A_681] {strides = array<i32>} : memref<128x128xf32, #tpu.memory_space<vmem>>, vector<1x16xf32>,
      %get3A_683 = vector.shape_cast %get3A_682 : vector<1x16xf32> to vector<16xf32>
      %get3A_684 = arith.constant 1 : i32
      %get3A_685 = arith.index_cast %get3A_684 : i32 to index
      %get3A_686 = arith.index_cast %mul3A_663 : i32 to index
      %get3A_687 = arith.constant 16 : index
      %get3A_688 = tpu.vector_load %arg6[%get3A_685, %get3A_686, %get3A_687] {strides = array<i32>} : memref<2x128x128xf32, #tpu.memory_space<vmem>>, vector<1x1x16xf32>,
      %get3A_689 = vector.shape_cast %get3A_688 : vector<1x1x16xf32> to vector<16xf32>
      %add3A_690 = arith.addf %get3A_683, %get3A_689 : vector<16xf32>
      %swap3A_691 = arith.index_cast %mul3A_663 : i32 to index
      %swap3A_692 = arith.constant 16 : index
      %swap3A_693 = tpu.vector_load %arg7[%swap3A_691, %swap3A_692] {strides = array<i32>} : memref<128x128xf32, #tpu.memory_space<vmem>>, vector<1x16xf32>,
      %swap3A_694 = vector.shape_cast %swap3A_693 : vector<1x16xf32> to vector<16xf32>
      %swap3A_695 = vector.shape_cast %add3A_690 : vector<16xf32> to vector<1x16xf32>
      tpu.vector_store %arg7[%swap3A_691, %swap3A_692], %swap3A_695 {strides = array<i32>} : memref<128x128xf32, #tpu.memory_space<vmem>>, vector<1x16xf32>,
      %get3A_696 = arith.index_cast %mul3A_663 : i32 to index
      %get3A_697 = arith.constant 32 : index
      %get3A_698 = tpu.vector_load %arg7[%get3A_696, %get3A_697] {strides = array<i32>} : memref<128x128xf32, #tpu.memory_space<vmem>>, vector<1x16xf32>,
      %get3A_699 = vector.shape_cast %get3A_698 : vector<1x16xf32> to vector<16xf32>
      %get3A_700 = arith.constant 1 : i32
      %get3A_701 = arith.index_cast %get3A_700 : i32 to index
      %get3A_702 = arith.index_cast %mul3A_663 : i32 to index
      %get3A_703 = arith.constant 32 : index
      %get3A_704 = tpu.vector_load %arg6[%get3A_701, %get3A_702, %get3A_703] {strides = array<i32>} : memref<2x128x128xf32, #tpu.memory_space<vmem>>, vector<1x1x16xf32>,
      %get3A_705 = vector.shape_cast %get3A_704 : vector<1x1x16xf32> to vector<16xf32>
      %add3A_706 = arith.addf %get3A_699, %get3A_705 : vector<16xf32>
      %swap3A_707 = arith.index_cast %mul3A_663 : i32 to index
      %swap3A_708 = arith.constant 32 : index
      %swap3A_709 = tpu.vector_load %arg7[%swap3A_707, %swap3A_708] {strides = array<i32>} : memref<128x128xf32, #tpu.memory_space<vmem>>, vector<1x16xf32>,
      %swap3A_710 = vector.shape_cast %swap3A_709 : vector<1x16xf32> to vector<16xf32>
      %swap3A_711 = vector.shape_cast %add3A_706 : vector<16xf32> to vector<1x16xf32>
      tpu.vector_store %arg7[%swap3A_707, %swap3A_708], %swap3A_711 {strides = array<i32>} : memref<128x128xf32, #tpu.memory_space<vmem>>, vector<1x16xf32>,
      %get3A_712 = arith.index_cast %mul3A_663 : i32 to index
      %get3A_713 = arith.constant 48 : index
      %get3A_714 = tpu.vector_load %arg7[%get3A_712, %get3A_713] {strides = array<i32>} : memref<128x128xf32, #tpu.memory_space<vmem>>, vector<1x16xf32>,
      %get3A_715 = vector.shape_cast %get3A_714 : vector<1x16xf32> to vector<16xf32>
      %get3A_716 = arith.constant 1 : i32
      %get3A_717 = arith.index_cast %get3A_716 : i32 to index
      %get3A_718 = arith.index_cast %mul3A_663 : i32 to index
      %get3A_719 = arith.constant 48 : index
      %get3A_720 = tpu.vector_load %arg6[%get3A_717, %get3A_718, %get3A_719] {strides = array<i32>} : memref<2x128x128xf32, #tpu.memory_space<vmem>>, vector<1x1x16xf32>,
      %get3A_721 = vector.shape_cast %get3A_720 : vector<1x1x16xf32> to vector<16xf32>
      %add3A_722 = arith.addf %get3A_715, %get3A_721 : vector<16xf32>
      %swap3A_723 = arith.index_cast %mul3A_663 : i32 to index
      %swap3A_724 = arith.constant 48 : index
      %swap3A_725 = tpu.vector_load %arg7[%swap3A_723, %swap3A_724] {strides = array<i32>} : memref<128x128xf32, #tpu.memory_space<vmem>>, vector<1x16xf32>,
      %swap3A_726 = vector.shape_cast %swap3A_725 : vector<1x16xf32> to vector<16xf32>
      %swap3A_727 = vector.shape_cast %add3A_722 : vector<16xf32> to vector<1x16xf32>
      tpu.vector_store %arg7[%swap3A_723, %swap3A_724], %swap3A_727 {strides = array<i32>} : memref<128x128xf32, #tpu.memory_space<vmem>>, vector<1x16xf32>,
      %get3A_728 = arith.index_cast %add3A_665 : i32 to index
      %get3A_729 = arith.constant 0 : index
      %get3A_730 = tpu.vector_load %arg7[%get3A_728, %get3A_729] {strides = array<i32>} : memref<128x128xf32, #tpu.memory_space<vmem>>, vector<1x16xf32>,
      %get3A_731 = vector.shape_cast %get3A_730 : vector<1x16xf32> to vector<16xf32>
      %get3A_732 = arith.constant 1 : i32
      %get3A_733 = arith.index_cast %get3A_732 : i32 to index
      %get3A_734 = arith.index_cast %add3A_665 : i32 to index
      %get3A_735 = arith.constant 0 : index
      %get3A_736 = tpu.vector_load %arg6[%get3A_733, %get3A_734, %get3A_735] {strides = array<i32>} : memref<2x128x128xf32, #tpu.memory_space<vmem>>, vector<1x1x16xf32>,
      %get3A_737 = vector.shape_cast %get3A_736 : vector<1x1x16xf32> to vector<16xf32>
      %add3A_738 = arith.addf %get3A_731, %get3A_737 : vector<16xf32>
      %swap3A_739 = arith.index_cast %add3A_665 : i32 to index
      %swap3A_740 = arith.constant 0 : index
      %swap3A_741 = tpu.vector_load %arg7[%swap3A_739, %swap3A_740] {strides = array<i32>} : memref<128x128xf32, #tpu.memory_space<vmem>>, vector<1x16xf32>,
      %swap3A_742 = vector.shape_cast %swap3A_741 : vector<1x16xf32> to vector<16xf32>
      %swap3A_743 = vector.shape_cast %add3A_738 : vector<16xf32> to vector<1x16xf32>
      tpu.vector_store %arg7[%swap3A_739, %swap3A_740], %swap3A_743 {strides = array<i32>} : memref<128x128xf32, #tpu.memory_space<vmem>>, vector<1x16xf32>,
      %get3A_744 = arith.index_cast %add3A_665 : i32 to index
      %get3A_745 = arith.constant 16 : index
      %get3A_746 = tpu.vector_load %arg7[%get3A_744, %get3A_745] {strides = array<i32>} : memref<128x128xf32, #tpu.memory_space<vmem>>, vector<1x16xf32>,
      %get3A_747 = vector.shape_cast %get3A_746 : vector<1x16xf32> to vector<16xf32>
      %get3A_748 = arith.constant 1 : i32
      %get3A_749 = arith.index_cast %get3A_748 : i32 to index
      %get3A_750 = arith.index_cast %add3A_665 : i32 to index
      %get3A_751 = arith.constant 16 : index
      %get3A_752 = tpu.vector_load %arg6[%get3A_749, %get3A_750, %get3A_751] {strides = array<i32>} : memref<2x128x128xf32, #tpu.memory_space<vmem>>, vector<1x1x16xf32>,
      %get3A_753 = vector.shape_cast %get3A_752 : vector<1x1x16xf32> to vector<16xf32>
      %add3A_754 = arith.addf %get3A_747, %get3A_753 : vector<16xf32>
      %swap3A_755 = arith.index_cast %add3A_665 : i32 to index
      %swap3A_756 = arith.constant 16 : index
      %swap3A_757 = tpu.vector_load %arg7[%swap3A_755, %swap3A_756] {strides = array<i32>} : memref<128x128xf32, #tpu.memory_space<vmem>>, vector<1x16xf32>,
      %swap3A_758 = vector.shape_cast %swap3A_757 : vector<1x16xf32> to vector<16xf32>
      %swap3A_759 = vector.shape_cast %add3A_754 : vector<16xf32> to vector<1x16xf32>
      tpu.vector_store %arg7[%swap3A_755, %swap3A_756], %swap3A_759 {strides = array<i32>} : memref<128x128xf32, #tpu.memory_space<vmem>>, vector<1x16xf32>,
      %get3A_760 = arith.index_cast %add3A_665 : i32 to index
      %get3A_761 = arith.constant 32 : index
      %get3A_762 = tpu.vector_load %arg7[%get3A_760, %get3A_761] {strides = array<i32>} : memref<128x128xf32, #tpu.memory_space<vmem>>, vector<1x16xf32>,
      %get3A_763 = vector.shape_cast %get3A_762 : vector<1x16xf32> to vector<16xf32>
      %get3A_764 = arith.constant 1 : i32
      %get3A_765 = arith.index_cast %get3A_764 : i32 to index
      %get3A_766 = arith.index_cast %add3A_665 : i32 to index
      %get3A_767 = arith.constant 32 : index
      %get3A_768 = tpu.vector_load %arg6[%get3A_765, %get3A_766, %get3A_767] {strides = array<i32>} : memref<2x128x128xf32, #tpu.memory_space<vmem>>, vector<1x1x16xf32>,
      %get3A_769 = vector.shape_cast %get3A_768 : vector<1x1x16xf32> to vector<16xf32>
      %add3A_770 = arith.addf %get3A_763, %get3A_769 : vector<16xf32>
      %swap3A_771 = arith.index_cast %add3A_665 : i32 to index
      %swap3A_772 = arith.constant 32 : index
      %swap3A_773 = tpu.vector_load %arg7[%swap3A_771, %swap3A_772] {strides = array<i32>} : memref<128x128xf32, #tpu.memory_space<vmem>>, vector<1x16xf32>,
      %swap3A_774 = vector.shape_cast %swap3A_773 : vector<1x16xf32> to vector<16xf32>
      %swap3A_775 = vector.shape_cast %add3A_770 : vector<16xf32> to vector<1x16xf32>
      tpu.vector_store %arg7[%swap3A_771, %swap3A_772], %swap3A_775 {strides = array<i32>} : memref<128x128xf32, #tpu.memory_space<vmem>>, vector<1x16xf32>,
      %get3A_776 = arith.index_cast %add3A_665 : i32 to index
      %get3A_777 = arith.constant 48 : index
      %get3A_778 = tpu.vector_load %arg7[%get3A_776, %get3A_777] {strides = array<i32>} : memref<128x128xf32, #tpu.memory_space<vmem>>, vector<1x16xf32>,
      %get3A_779 = vector.shape_cast %get3A_778 : vector<1x16xf32> to vector<16xf32>
      %get3A_780 = arith.constant 1 : i32
      %get3A_781 = arith.index_cast %get3A_780 : i32 to index
      %get3A_782 = arith.index_cast %add3A_665 : i32 to index
      %get3A_783 = arith.constant 48 : index
      %get3A_784 = tpu.vector_load %arg6[%get3A_781, %get3A_782, %get3A_783] {strides = array<i32>} : memref<2x128x128xf32, #tpu.memory_space<vmem>>, vector<1x1x16xf32>,
      %get3A_785 = vector.shape_cast %get3A_784 : vector<1x1x16xf32> to vector<16xf32>
      %add3A_786 = arith.addf %get3A_779, %get3A_785 : vector<16xf32>
      %swap3A_787 = arith.index_cast %add3A_665 : i32 to index
      %swap3A_788 = arith.constant 48 : index
      %swap3A_789 = tpu.vector_load %arg7[%swap3A_787, %swap3A_788] {strides = array<i32>} : memref<128x128xf32, #tpu.memory_space<vmem>>, vector<1x16xf32>,
      %swap3A_790 = vector.shape_cast %swap3A_789 : vector<1x16xf32> to vector<16xf32>
      %swap3A_791 = vector.shape_cast %add3A_786 : vector<16xf32> to vector<1x16xf32>
      tpu.vector_store %arg7[%swap3A_787, %swap3A_788], %swap3A_791 {strides = array<i32>} : memref<128x128xf32, #tpu.memory_space<vmem>>, vector<1x16xf32>,
      %scan3A_792 = arith.constant 0 : i32
      scf.yield %scan3A_792 : i32
    }
    %scan3A_130 = arith.constant 64 : i32
    %add3A_131 = arith.constant 20480 : i32
    %add3A_132 = arith.addi %add3A_131, %mul3A_2 : i32
    %run_scoped3A_133 = arith.constant 1 : i32
    "tpu.region"() ({
      %run_scoped3A_660 = tpu.sem_alloc : memref<!tpu.dma_semaphore, #tpu.memory_space<semaphore_mem>>
      %dma_start3A_661 = arith.constant 0 : i32
      %dma_start3A_662 = tpu.memref_slice %arg5[%run_scoped3A_133, %dma_start3A_661] : memref<2x128xi32, #tpu.memory_space<vmem>> -> memref<1x128xi32, #tpu.memory_space<vmem>>
      %dma_start3A_663 = tpu.memref_squeeze %dma_start3A_662 : memref<1x128xi32, #tpu.memory_space<vmem>> -> memref<128xi32, #tpu.memory_space<vmem>>
      %dma_start3A_664 = tpu.memref_slice %arg2[%add3A_132] : memref<81920xi32, #tpu.memory_space<hbm>> -> memref<128xi32, #tpu.memory_space<hbm>>
      %dma_start3A_665 = arith.constant 0 : i32
      %dma_start3A_666 = tpu.memref_slice %arg5[%run_scoped3A_133, %dma_start3A_665] : memref<2x128xi32, #tpu.memory_space<vmem>> -> memref<1x128xi32, #tpu.memory_space<vmem>>
      %dma_start3A_667 = tpu.memref_squeeze %dma_start3A_666 : memref<1x128xi32, #tpu.memory_space<vmem>> -> memref<128xi32, #tpu.memory_space<vmem>>
      %dma_start3A_668 = tpu.memref_slice %arg2[%add3A_132] : memref<81920xi32, #tpu.memory_space<hbm>> -> memref<128xi32, #tpu.memory_space<hbm>>
      tpu.enqueue_dma source(%dma_start3A_668 : memref<128xi32, #tpu.memory_space<hbm>>) target(%dma_start3A_667 : memref<128xi32, #tpu.memory_space<vmem>>) target_semaphore(%run_scoped3A_660 : memref<!tpu.dma_semaphore, #tpu.memory_space<semaphore_mem>>)
      %dma_wait3A_669 = arith.constant 0 : i32
      %dma_wait3A_670 = tpu.memref_slice %arg5[%run_scoped3A_133, %dma_wait3A_669] : memref<2x128xi32, #tpu.memory_space<vmem>> -> memref<1x128xi32, #tpu.memory_space<vmem>>
      %dma_wait3A_671 = tpu.memref_squeeze %dma_wait3A_670 : memref<1x128xi32, #tpu.memory_space<vmem>> -> memref<128xi32, #tpu.memory_space<vmem>>
      %dma_wait3A_672 = tpu.memref_slice %arg2[%add3A_132] : memref<81920xi32, #tpu.memory_space<hbm>> -> memref<128xi32, #tpu.memory_space<hbm>>
      %dma_wait3A_673 = arith.constant 0 : i32
      %dma_wait3A_674 = tpu.memref_slice %arg5[%run_scoped3A_133, %dma_wait3A_673] : memref<2x128xi32, #tpu.memory_space<vmem>> -> memref<1x128xi32, #tpu.memory_space<vmem>>
      %dma_wait3A_675 = tpu.memref_squeeze %dma_wait3A_674 : memref<1x128xi32, #tpu.memory_space<vmem>> -> memref<128xi32, #tpu.memory_space<vmem>>
      %dma_wait3A_676 = tpu.memref_slice %arg2[%add3A_132] : memref<81920xi32, #tpu.memory_space<hbm>> -> memref<128xi32, #tpu.memory_space<hbm>>
      tpu.wait_dma2 semaphore(%run_scoped3A_660 : memref<!tpu.dma_semaphore, #tpu.memory_space<semaphore_mem>>) src(%dma_wait3A_676 : memref<128xi32, #tpu.memory_space<hbm>>) dst(%dma_wait3A_675 : memref<128xi32, #tpu.memory_space<vmem>>)
      tpu.yield
    }) : () -> ()
    %dma_start3A_134 = arith.constant 1 : i32
    %dma_start3A_135 = arith.constant 1 : i32
    %dma_start3A_136 = arith.constant 0 : i32
    %dma_start3A_137 = arith.constant 0 : i32
    %dma_start3A_138 = tpu.memref_slice %arg6[%dma_start3A_135, %dma_start3A_136, %dma_start3A_137] : memref<2x128x128xf32, #tpu.memory_space<vmem>> -> memref<1x128x128xf32, #tpu.memory_space<vmem>>
    %dma_start3A_139 = tpu.memref_squeeze %dma_start3A_138 : memref<1x128x128xf32, #tpu.memory_space<vmem>> -> memref<128x128xf32, #tpu.memory_space<vmem>>
    %dma_start3A_140 = arith.constant 0 : i32
    %dma_start3A_141 = tpu.memref_slice %arg5[%dma_start3A_134, %dma_start3A_140] : memref<2x128xi32, #tpu.memory_space<vmem>> -> memref<1x128xi32, #tpu.memory_space<vmem>>
    %dma_start3A_142 = tpu.memref_squeeze %dma_start3A_141 : memref<1x128xi32, #tpu.memory_space<vmem>> -> memref<128xi32, #tpu.memory_space<vmem>>
    %dma_start3A_143 = arith.constant 0 : i32
    %dma_start3A_144 = arith.constant 0 : i32
    %dma_start3A_145 = tpu.memref_slice %arg3[%dma_start3A_143, %dma_start3A_144] : memref<100000x128xf32, #tpu.memory_space<hbm>> -> memref<100000x128xf32, #tpu.memory_space<hbm>>
    tpu.enqueue_indirect_dma source(%dma_start3A_145 : memref<100000x128xf32, #tpu.memory_space<hbm>>) target(%dma_start3A_139 : memref<128x128xf32, #tpu.memory_space<vmem>>) offsets(%dma_start3A_142 : memref<128xi32, #tpu.memory_space<vmem>>) semaphore(%arg9 : memref<!tpu.dma_semaphore, #tpu.memory_space<semaphore_mem>>)
    %dma_wait3A_146 = arith.constant 0 : i32
    %dma_wait3A_147 = arith.constant 0 : i32
    %dma_wait3A_148 = arith.constant 0 : i32
    %dma_wait3A_149 = arith.constant 0 : i32
    %dma_wait3A_150 = tpu.memref_slice %arg6[%dma_wait3A_147, %dma_wait3A_148, %dma_wait3A_149] : memref<2x128x128xf32, #tpu.memory_space<vmem>> -> memref<1x128x128xf32, #tpu.memory_space<vmem>>
    %dma_wait3A_151 = tpu.memref_squeeze %dma_wait3A_150 : memref<1x128x128xf32, #tpu.memory_space<vmem>> -> memref<128x128xf32, #tpu.memory_space<vmem>>
    %dma_wait3A_152 = arith.constant 0 : i32
    %dma_wait3A_153 = tpu.memref_slice %arg5[%dma_wait3A_146, %dma_wait3A_152] : memref<2x128xi32, #tpu.memory_space<vmem>> -> memref<1x128xi32, #tpu.memory_space<vmem>>
    %dma_wait3A_154 = tpu.memref_squeeze %dma_wait3A_153 : memref<1x128xi32, #tpu.memory_space<vmem>> -> memref<128xi32, #tpu.memory_space<vmem>>
    %dma_wait3A_155 = arith.constant 0 : i32
    %dma_wait3A_156 = arith.constant 0 : i32
    %dma_wait3A_157 = tpu.memref_slice %arg3[%dma_wait3A_155, %dma_wait3A_156] : memref<100000x128xf32, #tpu.memory_space<hbm>> -> memref<100000x128xf32, #tpu.memory_space<hbm>>
    tpu.wait_indirect_dma semaphore(%arg8 : memref<!tpu.dma_semaphore, #tpu.memory_space<semaphore_mem>>) src(%dma_wait3A_157 : memref<100000x128xf32, #tpu.memory_space<hbm>>) dst(%dma_wait3A_151 : memref<128x128xf32, #tpu.memory_space<vmem>>)
    %scan3A_158 = arith.constant 0 : i32
    %scan3A_159 = arith.constant 0 : i32
    %scan3A_160 = arith.constant 64 : i32
    %scan3A_161 = arith.addi %scan3A_159, %scan3A_160 : i32
    %scan3A_162 = arith.constant 1 : i32
    %scan3A_163 = scf.for %scan3A_660 = %scan3A_159 to %scan3A_161 step %scan3A_162 iter_args(%scan3A_661 = %scan3A_158) -> (i32)  : i32 {
      %mul3A_662 = arith.constant 2 : i32
      %mul3A_663 = arith.muli %scan3A_660, %mul3A_662 : i32
      %add3A_664 = arith.constant 1 : i32
      %add3A_665 = arith.addi %mul3A_663, %add3A_664 : i32
      %get3A = arith.index_cast %mul3A_663 : i32 to index
      %get3A_666 = arith.constant 0 : index
      %get3A_667 = tpu.vector_load %arg7[%get3A, %get3A_666] {strides = array<i32>} : memref<128x128xf32, #tpu.memory_space<vmem>>, vector<1x16xf32>,
      %get3A_668 = vector.shape_cast %get3A_667 : vector<1x16xf32> to vector<16xf32>
      %get3A_669 = arith.constant 0 : i32
      %get3A_670 = arith.index_cast %get3A_669 : i32 to index
      %get3A_671 = arith.index_cast %mul3A_663 : i32 to index
      %get3A_672 = arith.constant 0 : index
      %get3A_673 = tpu.vector_load %arg6[%get3A_670, %get3A_671, %get3A_672] {strides = array<i32>} : memref<2x128x128xf32, #tpu.memory_space<vmem>>, vector<1x1x16xf32>,
      %get3A_674 = vector.shape_cast %get3A_673 : vector<1x1x16xf32> to vector<16xf32>
      %add3A_675 = arith.addf %get3A_668, %get3A_674 : vector<16xf32>
      %swap3A = arith.index_cast %mul3A_663 : i32 to index
      %swap3A_676 = arith.constant 0 : index
      %swap3A_677 = tpu.vector_load %arg7[%swap3A, %swap3A_676] {strides = array<i32>} : memref<128x128xf32, #tpu.memory_space<vmem>>, vector<1x16xf32>,
      %swap3A_678 = vector.shape_cast %swap3A_677 : vector<1x16xf32> to vector<16xf32>
      %swap3A_679 = vector.shape_cast %add3A_675 : vector<16xf32> to vector<1x16xf32>
      tpu.vector_store %arg7[%swap3A, %swap3A_676], %swap3A_679 {strides = array<i32>} : memref<128x128xf32, #tpu.memory_space<vmem>>, vector<1x16xf32>,
      %get3A_680 = arith.index_cast %mul3A_663 : i32 to index
      %get3A_681 = arith.constant 16 : index
      %get3A_682 = tpu.vector_load %arg7[%get3A_680, %get3A_681] {strides = array<i32>} : memref<128x128xf32, #tpu.memory_space<vmem>>, vector<1x16xf32>,
      %get3A_683 = vector.shape_cast %get3A_682 : vector<1x16xf32> to vector<16xf32>
      %get3A_684 = arith.constant 0 : i32
      %get3A_685 = arith.index_cast %get3A_684 : i32 to index
      %get3A_686 = arith.index_cast %mul3A_663 : i32 to index
      %get3A_687 = arith.constant 16 : index
      %get3A_688 = tpu.vector_load %arg6[%get3A_685, %get3A_686, %get3A_687] {strides = array<i32>} : memref<2x128x128xf32, #tpu.memory_space<vmem>>, vector<1x1x16xf32>,
      %get3A_689 = vector.shape_cast %get3A_688 : vector<1x1x16xf32> to vector<16xf32>
      %add3A_690 = arith.addf %get3A_683, %get3A_689 : vector<16xf32>
      %swap3A_691 = arith.index_cast %mul3A_663 : i32 to index
      %swap3A_692 = arith.constant 16 : index
      %swap3A_693 = tpu.vector_load %arg7[%swap3A_691, %swap3A_692] {strides = array<i32>} : memref<128x128xf32, #tpu.memory_space<vmem>>, vector<1x16xf32>,
      %swap3A_694 = vector.shape_cast %swap3A_693 : vector<1x16xf32> to vector<16xf32>
      %swap3A_695 = vector.shape_cast %add3A_690 : vector<16xf32> to vector<1x16xf32>
      tpu.vector_store %arg7[%swap3A_691, %swap3A_692], %swap3A_695 {strides = array<i32>} : memref<128x128xf32, #tpu.memory_space<vmem>>, vector<1x16xf32>,
      %get3A_696 = arith.index_cast %mul3A_663 : i32 to index
      %get3A_697 = arith.constant 32 : index
      %get3A_698 = tpu.vector_load %arg7[%get3A_696, %get3A_697] {strides = array<i32>} : memref<128x128xf32, #tpu.memory_space<vmem>>, vector<1x16xf32>,
      %get3A_699 = vector.shape_cast %get3A_698 : vector<1x16xf32> to vector<16xf32>
      %get3A_700 = arith.constant 0 : i32
      %get3A_701 = arith.index_cast %get3A_700 : i32 to index
      %get3A_702 = arith.index_cast %mul3A_663 : i32 to index
      %get3A_703 = arith.constant 32 : index
      %get3A_704 = tpu.vector_load %arg6[%get3A_701, %get3A_702, %get3A_703] {strides = array<i32>} : memref<2x128x128xf32, #tpu.memory_space<vmem>>, vector<1x1x16xf32>,
      %get3A_705 = vector.shape_cast %get3A_704 : vector<1x1x16xf32> to vector<16xf32>
      %add3A_706 = arith.addf %get3A_699, %get3A_705 : vector<16xf32>
      %swap3A_707 = arith.index_cast %mul3A_663 : i32 to index
      %swap3A_708 = arith.constant 32 : index
      %swap3A_709 = tpu.vector_load %arg7[%swap3A_707, %swap3A_708] {strides = array<i32>} : memref<128x128xf32, #tpu.memory_space<vmem>>, vector<1x16xf32>,
      %swap3A_710 = vector.shape_cast %swap3A_709 : vector<1x16xf32> to vector<16xf32>
      %swap3A_711 = vector.shape_cast %add3A_706 : vector<16xf32> to vector<1x16xf32>
      tpu.vector_store %arg7[%swap3A_707, %swap3A_708], %swap3A_711 {strides = array<i32>} : memref<128x128xf32, #tpu.memory_space<vmem>>, vector<1x16xf32>,
      %get3A_712 = arith.index_cast %mul3A_663 : i32 to index
      %get3A_713 = arith.constant 48 : index
      %get3A_714 = tpu.vector_load %arg7[%get3A_712, %get3A_713] {strides = array<i32>} : memref<128x128xf32, #tpu.memory_space<vmem>>, vector<1x16xf32>,
      %get3A_715 = vector.shape_cast %get3A_714 : vector<1x16xf32> to vector<16xf32>
      %get3A_716 = arith.constant 0 : i32
      %get3A_717 = arith.index_cast %get3A_716 : i32 to index
      %get3A_718 = arith.index_cast %mul3A_663 : i32 to index
      %get3A_719 = arith.constant 48 : index
      %get3A_720 = tpu.vector_load %arg6[%get3A_717, %get3A_718, %get3A_719] {strides = array<i32>} : memref<2x128x128xf32, #tpu.memory_space<vmem>>, vector<1x1x16xf32>,
      %get3A_721 = vector.shape_cast %get3A_720 : vector<1x1x16xf32> to vector<16xf32>
      %add3A_722 = arith.addf %get3A_715, %get3A_721 : vector<16xf32>
      %swap3A_723 = arith.index_cast %mul3A_663 : i32 to index
      %swap3A_724 = arith.constant 48 : index
      %swap3A_725 = tpu.vector_load %arg7[%swap3A_723, %swap3A_724] {strides = array<i32>} : memref<128x128xf32, #tpu.memory_space<vmem>>, vector<1x16xf32>,
      %swap3A_726 = vector.shape_cast %swap3A_725 : vector<1x16xf32> to vector<16xf32>
      %swap3A_727 = vector.shape_cast %add3A_722 : vector<16xf32> to vector<1x16xf32>
      tpu.vector_store %arg7[%swap3A_723, %swap3A_724], %swap3A_727 {strides = array<i32>} : memref<128x128xf32, #tpu.memory_space<vmem>>, vector<1x16xf32>,
      %get3A_728 = arith.index_cast %add3A_665 : i32 to index
      %get3A_729 = arith.constant 0 : index
      %get3A_730 = tpu.vector_load %arg7[%get3A_728, %get3A_729] {strides = array<i32>} : memref<128x128xf32, #tpu.memory_space<vmem>>, vector<1x16xf32>,
      %get3A_731 = vector.shape_cast %get3A_730 : vector<1x16xf32> to vector<16xf32>
      %get3A_732 = arith.constant 0 : i32
      %get3A_733 = arith.index_cast %get3A_732 : i32 to index
      %get3A_734 = arith.index_cast %add3A_665 : i32 to index
      %get3A_735 = arith.constant 0 : index
      %get3A_736 = tpu.vector_load %arg6[%get3A_733, %get3A_734, %get3A_735] {strides = array<i32>} : memref<2x128x128xf32, #tpu.memory_space<vmem>>, vector<1x1x16xf32>,
      %get3A_737 = vector.shape_cast %get3A_736 : vector<1x1x16xf32> to vector<16xf32>
      %add3A_738 = arith.addf %get3A_731, %get3A_737 : vector<16xf32>
      %swap3A_739 = arith.index_cast %add3A_665 : i32 to index
      %swap3A_740 = arith.constant 0 : index
      %swap3A_741 = tpu.vector_load %arg7[%swap3A_739, %swap3A_740] {strides = array<i32>} : memref<128x128xf32, #tpu.memory_space<vmem>>, vector<1x16xf32>,
      %swap3A_742 = vector.shape_cast %swap3A_741 : vector<1x16xf32> to vector<16xf32>
      %swap3A_743 = vector.shape_cast %add3A_738 : vector<16xf32> to vector<1x16xf32>
      tpu.vector_store %arg7[%swap3A_739, %swap3A_740], %swap3A_743 {strides = array<i32>} : memref<128x128xf32, #tpu.memory_space<vmem>>, vector<1x16xf32>,
      %get3A_744 = arith.index_cast %add3A_665 : i32 to index
      %get3A_745 = arith.constant 16 : index
      %get3A_746 = tpu.vector_load %arg7[%get3A_744, %get3A_745] {strides = array<i32>} : memref<128x128xf32, #tpu.memory_space<vmem>>, vector<1x16xf32>,
      %get3A_747 = vector.shape_cast %get3A_746 : vector<1x16xf32> to vector<16xf32>
      %get3A_748 = arith.constant 0 : i32
      %get3A_749 = arith.index_cast %get3A_748 : i32 to index
      %get3A_750 = arith.index_cast %add3A_665 : i32 to index
      %get3A_751 = arith.constant 16 : index
      %get3A_752 = tpu.vector_load %arg6[%get3A_749, %get3A_750, %get3A_751] {strides = array<i32>} : memref<2x128x128xf32, #tpu.memory_space<vmem>>, vector<1x1x16xf32>,
      %get3A_753 = vector.shape_cast %get3A_752 : vector<1x1x16xf32> to vector<16xf32>
      %add3A_754 = arith.addf %get3A_747, %get3A_753 : vector<16xf32>
      %swap3A_755 = arith.index_cast %add3A_665 : i32 to index
      %swap3A_756 = arith.constant 16 : index
      %swap3A_757 = tpu.vector_load %arg7[%swap3A_755, %swap3A_756] {strides = array<i32>} : memref<128x128xf32, #tpu.memory_space<vmem>>, vector<1x16xf32>,
      %swap3A_758 = vector.shape_cast %swap3A_757 : vector<1x16xf32> to vector<16xf32>
      %swap3A_759 = vector.shape_cast %add3A_754 : vector<16xf32> to vector<1x16xf32>
      tpu.vector_store %arg7[%swap3A_755, %swap3A_756], %swap3A_759 {strides = array<i32>} : memref<128x128xf32, #tpu.memory_space<vmem>>, vector<1x16xf32>,
      %get3A_760 = arith.index_cast %add3A_665 : i32 to index
      %get3A_761 = arith.constant 32 : index
      %get3A_762 = tpu.vector_load %arg7[%get3A_760, %get3A_761] {strides = array<i32>} : memref<128x128xf32, #tpu.memory_space<vmem>>, vector<1x16xf32>,
      %get3A_763 = vector.shape_cast %get3A_762 : vector<1x16xf32> to vector<16xf32>
      %get3A_764 = arith.constant 0 : i32
      %get3A_765 = arith.index_cast %get3A_764 : i32 to index
      %get3A_766 = arith.index_cast %add3A_665 : i32 to index
      %get3A_767 = arith.constant 32 : index
      %get3A_768 = tpu.vector_load %arg6[%get3A_765, %get3A_766, %get3A_767] {strides = array<i32>} : memref<2x128x128xf32, #tpu.memory_space<vmem>>, vector<1x1x16xf32>,
      %get3A_769 = vector.shape_cast %get3A_768 : vector<1x1x16xf32> to vector<16xf32>
      %add3A_770 = arith.addf %get3A_763, %get3A_769 : vector<16xf32>
      %swap3A_771 = arith.index_cast %add3A_665 : i32 to index
      %swap3A_772 = arith.constant 32 : index
      %swap3A_773 = tpu.vector_load %arg7[%swap3A_771, %swap3A_772] {strides = array<i32>} : memref<128x128xf32, #tpu.memory_space<vmem>>, vector<1x16xf32>,
      %swap3A_774 = vector.shape_cast %swap3A_773 : vector<1x16xf32> to vector<16xf32>
      %swap3A_775 = vector.shape_cast %add3A_770 : vector<16xf32> to vector<1x16xf32>
      tpu.vector_store %arg7[%swap3A_771, %swap3A_772], %swap3A_775 {strides = array<i32>} : memref<128x128xf32, #tpu.memory_space<vmem>>, vector<1x16xf32>,
      %get3A_776 = arith.index_cast %add3A_665 : i32 to index
      %get3A_777 = arith.constant 48 : index
      %get3A_778 = tpu.vector_load %arg7[%get3A_776, %get3A_777] {strides = array<i32>} : memref<128x128xf32, #tpu.memory_space<vmem>>, vector<1x16xf32>,
      %get3A_779 = vector.shape_cast %get3A_778 : vector<1x16xf32> to vector<16xf32>
      %get3A_780 = arith.constant 0 : i32
      %get3A_781 = arith.index_cast %get3A_780 : i32 to index
      %get3A_782 = arith.index_cast %add3A_665 : i32 to index
      %get3A_783 = arith.constant 48 : index
      %get3A_784 = tpu.vector_load %arg6[%get3A_781, %get3A_782, %get3A_783] {strides = array<i32>} : memref<2x128x128xf32, #tpu.memory_space<vmem>>, vector<1x1x16xf32>,
      %get3A_785 = vector.shape_cast %get3A_784 : vector<1x1x16xf32> to vector<16xf32>
      %add3A_786 = arith.addf %get3A_779, %get3A_785 : vector<16xf32>
      %swap3A_787 = arith.index_cast %add3A_665 : i32 to index
      %swap3A_788 = arith.constant 48 : index
      %swap3A_789 = tpu.vector_load %arg7[%swap3A_787, %swap3A_788] {strides = array<i32>} : memref<128x128xf32, #tpu.memory_space<vmem>>, vector<1x16xf32>,
      %swap3A_790 = vector.shape_cast %swap3A_789 : vector<1x16xf32> to vector<16xf32>
      %swap3A_791 = vector.shape_cast %add3A_786 : vector<16xf32> to vector<1x16xf32>
      tpu.vector_store %arg7[%swap3A_787, %swap3A_788], %swap3A_791 {strides = array<i32>} : memref<128x128xf32, #tpu.memory_space<vmem>>, vector<1x16xf32>,
      %scan3A_792 = arith.constant 0 : i32
      scf.yield %scan3A_792 : i32
    }
    %scan3A_164 = arith.constant 64 : i32
    %add3A_165 = arith.constant 24576 : i32
    %add3A_166 = arith.addi %add3A_165, %mul3A_2 : i32
    %run_scoped3A_167 = arith.constant 0 : i32
    "tpu.region"() ({
      %run_scoped3A_660 = tpu.sem_alloc : memref<!tpu.dma_semaphore, #tpu.memory_space<semaphore_mem>>
      %dma_start3A_661 = arith.constant 0 : i32
      %dma_start3A_662 = tpu.memref_slice %arg5[%run_scoped3A_167, %dma_start3A_661] : memref<2x128xi32, #tpu.memory_space<vmem>> -> memref<1x128xi32, #tpu.memory_space<vmem>>
      %dma_start3A_663 = tpu.memref_squeeze %dma_start3A_662 : memref<1x128xi32, #tpu.memory_space<vmem>> -> memref<128xi32, #tpu.memory_space<vmem>>
      %dma_start3A_664 = tpu.memref_slice %arg2[%add3A_166] : memref<81920xi32, #tpu.memory_space<hbm>> -> memref<128xi32, #tpu.memory_space<hbm>>
      %dma_start3A_665 = arith.constant 0 : i32
      %dma_start3A_666 = tpu.memref_slice %arg5[%run_scoped3A_167, %dma_start3A_665] : memref<2x128xi32, #tpu.memory_space<vmem>> -> memref<1x128xi32, #tpu.memory_space<vmem>>
      %dma_start3A_667 = tpu.memref_squeeze %dma_start3A_666 : memref<1x128xi32, #tpu.memory_space<vmem>> -> memref<128xi32, #tpu.memory_space<vmem>>
      %dma_start3A_668 = tpu.memref_slice %arg2[%add3A_166] : memref<81920xi32, #tpu.memory_space<hbm>> -> memref<128xi32, #tpu.memory_space<hbm>>
      tpu.enqueue_dma source(%dma_start3A_668 : memref<128xi32, #tpu.memory_space<hbm>>) target(%dma_start3A_667 : memref<128xi32, #tpu.memory_space<vmem>>) target_semaphore(%run_scoped3A_660 : memref<!tpu.dma_semaphore, #tpu.memory_space<semaphore_mem>>)
      %dma_wait3A_669 = arith.constant 0 : i32
      %dma_wait3A_670 = tpu.memref_slice %arg5[%run_scoped3A_167, %dma_wait3A_669] : memref<2x128xi32, #tpu.memory_space<vmem>> -> memref<1x128xi32, #tpu.memory_space<vmem>>
      %dma_wait3A_671 = tpu.memref_squeeze %dma_wait3A_670 : memref<1x128xi32, #tpu.memory_space<vmem>> -> memref<128xi32, #tpu.memory_space<vmem>>
      %dma_wait3A_672 = tpu.memref_slice %arg2[%add3A_166] : memref<81920xi32, #tpu.memory_space<hbm>> -> memref<128xi32, #tpu.memory_space<hbm>>
      %dma_wait3A_673 = arith.constant 0 : i32
      %dma_wait3A_674 = tpu.memref_slice %arg5[%run_scoped3A_167, %dma_wait3A_673] : memref<2x128xi32, #tpu.memory_space<vmem>> -> memref<1x128xi32, #tpu.memory_space<vmem>>
      %dma_wait3A_675 = tpu.memref_squeeze %dma_wait3A_674 : memref<1x128xi32, #tpu.memory_space<vmem>> -> memref<128xi32, #tpu.memory_space<vmem>>
      %dma_wait3A_676 = tpu.memref_slice %arg2[%add3A_166] : memref<81920xi32, #tpu.memory_space<hbm>> -> memref<128xi32, #tpu.memory_space<hbm>>
      tpu.wait_dma2 semaphore(%run_scoped3A_660 : memref<!tpu.dma_semaphore, #tpu.memory_space<semaphore_mem>>) src(%dma_wait3A_676 : memref<128xi32, #tpu.memory_space<hbm>>) dst(%dma_wait3A_675 : memref<128xi32, #tpu.memory_space<vmem>>)
      tpu.yield
    }) : () -> ()
    %dma_start3A_168 = arith.constant 0 : i32
    %dma_start3A_169 = arith.constant 0 : i32
    %dma_start3A_170 = arith.constant 0 : i32
    %dma_start3A_171 = arith.constant 0 : i32
    %dma_start3A_172 = tpu.memref_slice %arg6[%dma_start3A_169, %dma_start3A_170, %dma_start3A_171] : memref<2x128x128xf32, #tpu.memory_space<vmem>> -> memref<1x128x128xf32, #tpu.memory_space<vmem>>
    %dma_start3A_173 = tpu.memref_squeeze %dma_start3A_172 : memref<1x128x128xf32, #tpu.memory_space<vmem>> -> memref<128x128xf32, #tpu.memory_space<vmem>>
    %dma_start3A_174 = arith.constant 0 : i32
    %dma_start3A_175 = tpu.memref_slice %arg5[%dma_start3A_168, %dma_start3A_174] : memref<2x128xi32, #tpu.memory_space<vmem>> -> memref<1x128xi32, #tpu.memory_space<vmem>>
    %dma_start3A_176 = tpu.memref_squeeze %dma_start3A_175 : memref<1x128xi32, #tpu.memory_space<vmem>> -> memref<128xi32, #tpu.memory_space<vmem>>
    %dma_start3A_177 = arith.constant 0 : i32
    %dma_start3A_178 = arith.constant 0 : i32
    %dma_start3A_179 = tpu.memref_slice %arg3[%dma_start3A_177, %dma_start3A_178] : memref<100000x128xf32, #tpu.memory_space<hbm>> -> memref<100000x128xf32, #tpu.memory_space<hbm>>
    tpu.enqueue_indirect_dma source(%dma_start3A_179 : memref<100000x128xf32, #tpu.memory_space<hbm>>) target(%dma_start3A_173 : memref<128x128xf32, #tpu.memory_space<vmem>>) offsets(%dma_start3A_176 : memref<128xi32, #tpu.memory_space<vmem>>) semaphore(%arg8 : memref<!tpu.dma_semaphore, #tpu.memory_space<semaphore_mem>>)
    %dma_wait3A_180 = arith.constant 1 : i32
    %dma_wait3A_181 = arith.constant 1 : i32
    %dma_wait3A_182 = arith.constant 0 : i32
    %dma_wait3A_183 = arith.constant 0 : i32
    %dma_wait3A_184 = tpu.memref_slice %arg6[%dma_wait3A_181, %dma_wait3A_182, %dma_wait3A_183] : memref<2x128x128xf32, #tpu.memory_space<vmem>> -> memref<1x128x128xf32, #tpu.memory_space<vmem>>
    %dma_wait3A_185 = tpu.memref_squeeze %dma_wait3A_184 : memref<1x128x128xf32, #tpu.memory_space<vmem>> -> memref<128x128xf32, #tpu.memory_space<vmem>>
    %dma_wait3A_186 = arith.constant 0 : i32
    %dma_wait3A_187 = tpu.memref_slice %arg5[%dma_wait3A_180, %dma_wait3A_186] : memref<2x128xi32, #tpu.memory_space<vmem>> -> memref<1x128xi32, #tpu.memory_space<vmem>>
    %dma_wait3A_188 = tpu.memref_squeeze %dma_wait3A_187 : memref<1x128xi32, #tpu.memory_space<vmem>> -> memref<128xi32, #tpu.memory_space<vmem>>
    %dma_wait3A_189 = arith.constant 0 : i32
    %dma_wait3A_190 = arith.constant 0 : i32
    %dma_wait3A_191 = tpu.memref_slice %arg3[%dma_wait3A_189, %dma_wait3A_190] : memref<100000x128xf32, #tpu.memory_space<hbm>> -> memref<100000x128xf32, #tpu.memory_space<hbm>>
    tpu.wait_indirect_dma semaphore(%arg9 : memref<!tpu.dma_semaphore, #tpu.memory_space<semaphore_mem>>) src(%dma_wait3A_191 : memref<100000x128xf32, #tpu.memory_space<hbm>>) dst(%dma_wait3A_185 : memref<128x128xf32, #tpu.memory_space<vmem>>)
    %scan3A_192 = arith.constant 0 : i32
    %scan3A_193 = arith.constant 0 : i32
    %scan3A_194 = arith.constant 64 : i32
    %scan3A_195 = arith.addi %scan3A_193, %scan3A_194 : i32
    %scan3A_196 = arith.constant 1 : i32
    %scan3A_197 = scf.for %scan3A_660 = %scan3A_193 to %scan3A_195 step %scan3A_196 iter_args(%scan3A_661 = %scan3A_192) -> (i32)  : i32 {
      %mul3A_662 = arith.constant 2 : i32
      %mul3A_663 = arith.muli %scan3A_660, %mul3A_662 : i32
      %add3A_664 = arith.constant 1 : i32
      %add3A_665 = arith.addi %mul3A_663, %add3A_664 : i32
      %get3A = arith.index_cast %mul3A_663 : i32 to index
      %get3A_666 = arith.constant 0 : index
      %get3A_667 = tpu.vector_load %arg7[%get3A, %get3A_666] {strides = array<i32>} : memref<128x128xf32, #tpu.memory_space<vmem>>, vector<1x16xf32>,
      %get3A_668 = vector.shape_cast %get3A_667 : vector<1x16xf32> to vector<16xf32>
      %get3A_669 = arith.constant 1 : i32
      %get3A_670 = arith.index_cast %get3A_669 : i32 to index
      %get3A_671 = arith.index_cast %mul3A_663 : i32 to index
      %get3A_672 = arith.constant 0 : index
      %get3A_673 = tpu.vector_load %arg6[%get3A_670, %get3A_671, %get3A_672] {strides = array<i32>} : memref<2x128x128xf32, #tpu.memory_space<vmem>>, vector<1x1x16xf32>,
      %get3A_674 = vector.shape_cast %get3A_673 : vector<1x1x16xf32> to vector<16xf32>
      %add3A_675 = arith.addf %get3A_668, %get3A_674 : vector<16xf32>
      %swap3A = arith.index_cast %mul3A_663 : i32 to index
      %swap3A_676 = arith.constant 0 : index
      %swap3A_677 = tpu.vector_load %arg7[%swap3A, %swap3A_676] {strides = array<i32>} : memref<128x128xf32, #tpu.memory_space<vmem>>, vector<1x16xf32>,
      %swap3A_678 = vector.shape_cast %swap3A_677 : vector<1x16xf32> to vector<16xf32>
      %swap3A_679 = vector.shape_cast %add3A_675 : vector<16xf32> to vector<1x16xf32>
      tpu.vector_store %arg7[%swap3A, %swap3A_676], %swap3A_679 {strides = array<i32>} : memref<128x128xf32, #tpu.memory_space<vmem>>, vector<1x16xf32>,
      %get3A_680 = arith.index_cast %mul3A_663 : i32 to index
      %get3A_681 = arith.constant 16 : index
      %get3A_682 = tpu.vector_load %arg7[%get3A_680, %get3A_681] {strides = array<i32>} : memref<128x128xf32, #tpu.memory_space<vmem>>, vector<1x16xf32>,
      %get3A_683 = vector.shape_cast %get3A_682 : vector<1x16xf32> to vector<16xf32>
      %get3A_684 = arith.constant 1 : i32
      %get3A_685 = arith.index_cast %get3A_684 : i32 to index
      %get3A_686 = arith.index_cast %mul3A_663 : i32 to index
      %get3A_687 = arith.constant 16 : index
      %get3A_688 = tpu.vector_load %arg6[%get3A_685, %get3A_686, %get3A_687] {strides = array<i32>} : memref<2x128x128xf32, #tpu.memory_space<vmem>>, vector<1x1x16xf32>,
      %get3A_689 = vector.shape_cast %get3A_688 : vector<1x1x16xf32> to vector<16xf32>
      %add3A_690 = arith.addf %get3A_683, %get3A_689 : vector<16xf32>
      %swap3A_691 = arith.index_cast %mul3A_663 : i32 to index
      %swap3A_692 = arith.constant 16 : index
      %swap3A_693 = tpu.vector_load %arg7[%swap3A_691, %swap3A_692] {strides = array<i32>} : memref<128x128xf32, #tpu.memory_space<vmem>>, vector<1x16xf32>,
      %swap3A_694 = vector.shape_cast %swap3A_693 : vector<1x16xf32> to vector<16xf32>
      %swap3A_695 = vector.shape_cast %add3A_690 : vector<16xf32> to vector<1x16xf32>
      tpu.vector_store %arg7[%swap3A_691, %swap3A_692], %swap3A_695 {strides = array<i32>} : memref<128x128xf32, #tpu.memory_space<vmem>>, vector<1x16xf32>,
      %get3A_696 = arith.index_cast %mul3A_663 : i32 to index
      %get3A_697 = arith.constant 32 : index
      %get3A_698 = tpu.vector_load %arg7[%get3A_696, %get3A_697] {strides = array<i32>} : memref<128x128xf32, #tpu.memory_space<vmem>>, vector<1x16xf32>,
      %get3A_699 = vector.shape_cast %get3A_698 : vector<1x16xf32> to vector<16xf32>
      %get3A_700 = arith.constant 1 : i32
      %get3A_701 = arith.index_cast %get3A_700 : i32 to index
      %get3A_702 = arith.index_cast %mul3A_663 : i32 to index
      %get3A_703 = arith.constant 32 : index
      %get3A_704 = tpu.vector_load %arg6[%get3A_701, %get3A_702, %get3A_703] {strides = array<i32>} : memref<2x128x128xf32, #tpu.memory_space<vmem>>, vector<1x1x16xf32>,
      %get3A_705 = vector.shape_cast %get3A_704 : vector<1x1x16xf32> to vector<16xf32>
      %add3A_706 = arith.addf %get3A_699, %get3A_705 : vector<16xf32>
      %swap3A_707 = arith.index_cast %mul3A_663 : i32 to index
      %swap3A_708 = arith.constant 32 : index
      %swap3A_709 = tpu.vector_load %arg7[%swap3A_707, %swap3A_708] {strides = array<i32>} : memref<128x128xf32, #tpu.memory_space<vmem>>, vector<1x16xf32>,
      %swap3A_710 = vector.shape_cast %swap3A_709 : vector<1x16xf32> to vector<16xf32>
      %swap3A_711 = vector.shape_cast %add3A_706 : vector<16xf32> to vector<1x16xf32>
      tpu.vector_store %arg7[%swap3A_707, %swap3A_708], %swap3A_711 {strides = array<i32>} : memref<128x128xf32, #tpu.memory_space<vmem>>, vector<1x16xf32>,
      %get3A_712 = arith.index_cast %mul3A_663 : i32 to index
      %get3A_713 = arith.constant 48 : index
      %get3A_714 = tpu.vector_load %arg7[%get3A_712, %get3A_713] {strides = array<i32>} : memref<128x128xf32, #tpu.memory_space<vmem>>, vector<1x16xf32>,
      %get3A_715 = vector.shape_cast %get3A_714 : vector<1x16xf32> to vector<16xf32>
      %get3A_716 = arith.constant 1 : i32
      %get3A_717 = arith.index_cast %get3A_716 : i32 to index
      %get3A_718 = arith.index_cast %mul3A_663 : i32 to index
      %get3A_719 = arith.constant 48 : index
      %get3A_720 = tpu.vector_load %arg6[%get3A_717, %get3A_718, %get3A_719] {strides = array<i32>} : memref<2x128x128xf32, #tpu.memory_space<vmem>>, vector<1x1x16xf32>,
      %get3A_721 = vector.shape_cast %get3A_720 : vector<1x1x16xf32> to vector<16xf32>
      %add3A_722 = arith.addf %get3A_715, %get3A_721 : vector<16xf32>
      %swap3A_723 = arith.index_cast %mul3A_663 : i32 to index
      %swap3A_724 = arith.constant 48 : index
      %swap3A_725 = tpu.vector_load %arg7[%swap3A_723, %swap3A_724] {strides = array<i32>} : memref<128x128xf32, #tpu.memory_space<vmem>>, vector<1x16xf32>,
      %swap3A_726 = vector.shape_cast %swap3A_725 : vector<1x16xf32> to vector<16xf32>
      %swap3A_727 = vector.shape_cast %add3A_722 : vector<16xf32> to vector<1x16xf32>
      tpu.vector_store %arg7[%swap3A_723, %swap3A_724], %swap3A_727 {strides = array<i32>} : memref<128x128xf32, #tpu.memory_space<vmem>>, vector<1x16xf32>,
      %get3A_728 = arith.index_cast %add3A_665 : i32 to index
      %get3A_729 = arith.constant 0 : index
      %get3A_730 = tpu.vector_load %arg7[%get3A_728, %get3A_729] {strides = array<i32>} : memref<128x128xf32, #tpu.memory_space<vmem>>, vector<1x16xf32>,
      %get3A_731 = vector.shape_cast %get3A_730 : vector<1x16xf32> to vector<16xf32>
      %get3A_732 = arith.constant 1 : i32
      %get3A_733 = arith.index_cast %get3A_732 : i32 to index
      %get3A_734 = arith.index_cast %add3A_665 : i32 to index
      %get3A_735 = arith.constant 0 : index
      %get3A_736 = tpu.vector_load %arg6[%get3A_733, %get3A_734, %get3A_735] {strides = array<i32>} : memref<2x128x128xf32, #tpu.memory_space<vmem>>, vector<1x1x16xf32>,
      %get3A_737 = vector.shape_cast %get3A_736 : vector<1x1x16xf32> to vector<16xf32>
      %add3A_738 = arith.addf %get3A_731, %get3A_737 : vector<16xf32>
      %swap3A_739 = arith.index_cast %add3A_665 : i32 to index
      %swap3A_740 = arith.constant 0 : index
      %swap3A_741 = tpu.vector_load %arg7[%swap3A_739, %swap3A_740] {strides = array<i32>} : memref<128x128xf32, #tpu.memory_space<vmem>>, vector<1x16xf32>,
      %swap3A_742 = vector.shape_cast %swap3A_741 : vector<1x16xf32> to vector<16xf32>
      %swap3A_743 = vector.shape_cast %add3A_738 : vector<16xf32> to vector<1x16xf32>
      tpu.vector_store %arg7[%swap3A_739, %swap3A_740], %swap3A_743 {strides = array<i32>} : memref<128x128xf32, #tpu.memory_space<vmem>>, vector<1x16xf32>,
      %get3A_744 = arith.index_cast %add3A_665 : i32 to index
      %get3A_745 = arith.constant 16 : index
      %get3A_746 = tpu.vector_load %arg7[%get3A_744, %get3A_745] {strides = array<i32>} : memref<128x128xf32, #tpu.memory_space<vmem>>, vector<1x16xf32>,
      %get3A_747 = vector.shape_cast %get3A_746 : vector<1x16xf32> to vector<16xf32>
      %get3A_748 = arith.constant 1 : i32
      %get3A_749 = arith.index_cast %get3A_748 : i32 to index
      %get3A_750 = arith.index_cast %add3A_665 : i32 to index
      %get3A_751 = arith.constant 16 : index
      %get3A_752 = tpu.vector_load %arg6[%get3A_749, %get3A_750, %get3A_751] {strides = array<i32>} : memref<2x128x128xf32, #tpu.memory_space<vmem>>, vector<1x1x16xf32>,
      %get3A_753 = vector.shape_cast %get3A_752 : vector<1x1x16xf32> to vector<16xf32>
      %add3A_754 = arith.addf %get3A_747, %get3A_753 : vector<16xf32>
      %swap3A_755 = arith.index_cast %add3A_665 : i32 to index
      %swap3A_756 = arith.constant 16 : index
      %swap3A_757 = tpu.vector_load %arg7[%swap3A_755, %swap3A_756] {strides = array<i32>} : memref<128x128xf32, #tpu.memory_space<vmem>>, vector<1x16xf32>,
      %swap3A_758 = vector.shape_cast %swap3A_757 : vector<1x16xf32> to vector<16xf32>
      %swap3A_759 = vector.shape_cast %add3A_754 : vector<16xf32> to vector<1x16xf32>
      tpu.vector_store %arg7[%swap3A_755, %swap3A_756], %swap3A_759 {strides = array<i32>} : memref<128x128xf32, #tpu.memory_space<vmem>>, vector<1x16xf32>,
      %get3A_760 = arith.index_cast %add3A_665 : i32 to index
      %get3A_761 = arith.constant 32 : index
      %get3A_762 = tpu.vector_load %arg7[%get3A_760, %get3A_761] {strides = array<i32>} : memref<128x128xf32, #tpu.memory_space<vmem>>, vector<1x16xf32>,
      %get3A_763 = vector.shape_cast %get3A_762 : vector<1x16xf32> to vector<16xf32>
      %get3A_764 = arith.constant 1 : i32
      %get3A_765 = arith.index_cast %get3A_764 : i32 to index
      %get3A_766 = arith.index_cast %add3A_665 : i32 to index
      %get3A_767 = arith.constant 32 : index
      %get3A_768 = tpu.vector_load %arg6[%get3A_765, %get3A_766, %get3A_767] {strides = array<i32>} : memref<2x128x128xf32, #tpu.memory_space<vmem>>, vector<1x1x16xf32>,
      %get3A_769 = vector.shape_cast %get3A_768 : vector<1x1x16xf32> to vector<16xf32>
      %add3A_770 = arith.addf %get3A_763, %get3A_769 : vector<16xf32>
      %swap3A_771 = arith.index_cast %add3A_665 : i32 to index
      %swap3A_772 = arith.constant 32 : index
      %swap3A_773 = tpu.vector_load %arg7[%swap3A_771, %swap3A_772] {strides = array<i32>} : memref<128x128xf32, #tpu.memory_space<vmem>>, vector<1x16xf32>,
      %swap3A_774 = vector.shape_cast %swap3A_773 : vector<1x16xf32> to vector<16xf32>
      %swap3A_775 = vector.shape_cast %add3A_770 : vector<16xf32> to vector<1x16xf32>
      tpu.vector_store %arg7[%swap3A_771, %swap3A_772], %swap3A_775 {strides = array<i32>} : memref<128x128xf32, #tpu.memory_space<vmem>>, vector<1x16xf32>,
      %get3A_776 = arith.index_cast %add3A_665 : i32 to index
      %get3A_777 = arith.constant 48 : index
      %get3A_778 = tpu.vector_load %arg7[%get3A_776, %get3A_777] {strides = array<i32>} : memref<128x128xf32, #tpu.memory_space<vmem>>, vector<1x16xf32>,
      %get3A_779 = vector.shape_cast %get3A_778 : vector<1x16xf32> to vector<16xf32>
      %get3A_780 = arith.constant 1 : i32
      %get3A_781 = arith.index_cast %get3A_780 : i32 to index
      %get3A_782 = arith.index_cast %add3A_665 : i32 to index
      %get3A_783 = arith.constant 48 : index
      %get3A_784 = tpu.vector_load %arg6[%get3A_781, %get3A_782, %get3A_783] {strides = array<i32>} : memref<2x128x128xf32, #tpu.memory_space<vmem>>, vector<1x1x16xf32>,
      %get3A_785 = vector.shape_cast %get3A_784 : vector<1x1x16xf32> to vector<16xf32>
      %add3A_786 = arith.addf %get3A_779, %get3A_785 : vector<16xf32>
      %swap3A_787 = arith.index_cast %add3A_665 : i32 to index
      %swap3A_788 = arith.constant 48 : index
      %swap3A_789 = tpu.vector_load %arg7[%swap3A_787, %swap3A_788] {strides = array<i32>} : memref<128x128xf32, #tpu.memory_space<vmem>>, vector<1x16xf32>,
      %swap3A_790 = vector.shape_cast %swap3A_789 : vector<1x16xf32> to vector<16xf32>
      %swap3A_791 = vector.shape_cast %add3A_786 : vector<16xf32> to vector<1x16xf32>
      tpu.vector_store %arg7[%swap3A_787, %swap3A_788], %swap3A_791 {strides = array<i32>} : memref<128x128xf32, #tpu.memory_space<vmem>>, vector<1x16xf32>,
      %scan3A_792 = arith.constant 0 : i32
      scf.yield %scan3A_792 : i32
    }
    %scan3A_198 = arith.constant 64 : i32
    %add3A_199 = arith.constant 28672 : i32
    %add3A_200 = arith.addi %add3A_199, %mul3A_2 : i32
    %run_scoped3A_201 = arith.constant 1 : i32
    "tpu.region"() ({
      %run_scoped3A_660 = tpu.sem_alloc : memref<!tpu.dma_semaphore, #tpu.memory_space<semaphore_mem>>
      %dma_start3A_661 = arith.constant 0 : i32
      %dma_start3A_662 = tpu.memref_slice %arg5[%run_scoped3A_201, %dma_start3A_661] : memref<2x128xi32, #tpu.memory_space<vmem>> -> memref<1x128xi32, #tpu.memory_space<vmem>>
      %dma_start3A_663 = tpu.memref_squeeze %dma_start3A_662 : memref<1x128xi32, #tpu.memory_space<vmem>> -> memref<128xi32, #tpu.memory_space<vmem>>
      %dma_start3A_664 = tpu.memref_slice %arg2[%add3A_200] : memref<81920xi32, #tpu.memory_space<hbm>> -> memref<128xi32, #tpu.memory_space<hbm>>
      %dma_start3A_665 = arith.constant 0 : i32
      %dma_start3A_666 = tpu.memref_slice %arg5[%run_scoped3A_201, %dma_start3A_665] : memref<2x128xi32, #tpu.memory_space<vmem>> -> memref<1x128xi32, #tpu.memory_space<vmem>>
      %dma_start3A_667 = tpu.memref_squeeze %dma_start3A_666 : memref<1x128xi32, #tpu.memory_space<vmem>> -> memref<128xi32, #tpu.memory_space<vmem>>
      %dma_start3A_668 = tpu.memref_slice %arg2[%add3A_200] : memref<81920xi32, #tpu.memory_space<hbm>> -> memref<128xi32, #tpu.memory_space<hbm>>
      tpu.enqueue_dma source(%dma_start3A_668 : memref<128xi32, #tpu.memory_space<hbm>>) target(%dma_start3A_667 : memref<128xi32, #tpu.memory_space<vmem>>) target_semaphore(%run_scoped3A_660 : memref<!tpu.dma_semaphore, #tpu.memory_space<semaphore_mem>>)
      %dma_wait3A_669 = arith.constant 0 : i32
      %dma_wait3A_670 = tpu.memref_slice %arg5[%run_scoped3A_201, %dma_wait3A_669] : memref<2x128xi32, #tpu.memory_space<vmem>> -> memref<1x128xi32, #tpu.memory_space<vmem>>
      %dma_wait3A_671 = tpu.memref_squeeze %dma_wait3A_670 : memref<1x128xi32, #tpu.memory_space<vmem>> -> memref<128xi32, #tpu.memory_space<vmem>>
      %dma_wait3A_672 = tpu.memref_slice %arg2[%add3A_200] : memref<81920xi32, #tpu.memory_space<hbm>> -> memref<128xi32, #tpu.memory_space<hbm>>
      %dma_wait3A_673 = arith.constant 0 : i32
      %dma_wait3A_674 = tpu.memref_slice %arg5[%run_scoped3A_201, %dma_wait3A_673] : memref<2x128xi32, #tpu.memory_space<vmem>> -> memref<1x128xi32, #tpu.memory_space<vmem>>
      %dma_wait3A_675 = tpu.memref_squeeze %dma_wait3A_674 : memref<1x128xi32, #tpu.memory_space<vmem>> -> memref<128xi32, #tpu.memory_space<vmem>>
      %dma_wait3A_676 = tpu.memref_slice %arg2[%add3A_200] : memref<81920xi32, #tpu.memory_space<hbm>> -> memref<128xi32, #tpu.memory_space<hbm>>
      tpu.wait_dma2 semaphore(%run_scoped3A_660 : memref<!tpu.dma_semaphore, #tpu.memory_space<semaphore_mem>>) src(%dma_wait3A_676 : memref<128xi32, #tpu.memory_space<hbm>>) dst(%dma_wait3A_675 : memref<128xi32, #tpu.memory_space<vmem>>)
      tpu.yield
    }) : () -> ()
    %dma_start3A_202 = arith.constant 1 : i32
    %dma_start3A_203 = arith.constant 1 : i32
    %dma_start3A_204 = arith.constant 0 : i32
    %dma_start3A_205 = arith.constant 0 : i32
    %dma_start3A_206 = tpu.memref_slice %arg6[%dma_start3A_203, %dma_start3A_204, %dma_start3A_205] : memref<2x128x128xf32, #tpu.memory_space<vmem>> -> memref<1x128x128xf32, #tpu.memory_space<vmem>>
    %dma_start3A_207 = tpu.memref_squeeze %dma_start3A_206 : memref<1x128x128xf32, #tpu.memory_space<vmem>> -> memref<128x128xf32, #tpu.memory_space<vmem>>
    %dma_start3A_208 = arith.constant 0 : i32
    %dma_start3A_209 = tpu.memref_slice %arg5[%dma_start3A_202, %dma_start3A_208] : memref<2x128xi32, #tpu.memory_space<vmem>> -> memref<1x128xi32, #tpu.memory_space<vmem>>
    %dma_start3A_210 = tpu.memref_squeeze %dma_start3A_209 : memref<1x128xi32, #tpu.memory_space<vmem>> -> memref<128xi32, #tpu.memory_space<vmem>>
    %dma_start3A_211 = arith.constant 0 : i32
    %dma_start3A_212 = arith.constant 0 : i32
    %dma_start3A_213 = tpu.memref_slice %arg3[%dma_start3A_211, %dma_start3A_212] : memref<100000x128xf32, #tpu.memory_space<hbm>> -> memref<100000x128xf32, #tpu.memory_space<hbm>>
    tpu.enqueue_indirect_dma source(%dma_start3A_213 : memref<100000x128xf32, #tpu.memory_space<hbm>>) target(%dma_start3A_207 : memref<128x128xf32, #tpu.memory_space<vmem>>) offsets(%dma_start3A_210 : memref<128xi32, #tpu.memory_space<vmem>>) semaphore(%arg9 : memref<!tpu.dma_semaphore, #tpu.memory_space<semaphore_mem>>)
    %dma_wait3A_214 = arith.constant 0 : i32
    %dma_wait3A_215 = arith.constant 0 : i32
    %dma_wait3A_216 = arith.constant 0 : i32
    %dma_wait3A_217 = arith.constant 0 : i32
    %dma_wait3A_218 = tpu.memref_slice %arg6[%dma_wait3A_215, %dma_wait3A_216, %dma_wait3A_217] : memref<2x128x128xf32, #tpu.memory_space<vmem>> -> memref<1x128x128xf32, #tpu.memory_space<vmem>>
    %dma_wait3A_219 = tpu.memref_squeeze %dma_wait3A_218 : memref<1x128x128xf32, #tpu.memory_space<vmem>> -> memref<128x128xf32, #tpu.memory_space<vmem>>
    %dma_wait3A_220 = arith.constant 0 : i32
    %dma_wait3A_221 = tpu.memref_slice %arg5[%dma_wait3A_214, %dma_wait3A_220] : memref<2x128xi32, #tpu.memory_space<vmem>> -> memref<1x128xi32, #tpu.memory_space<vmem>>
    %dma_wait3A_222 = tpu.memref_squeeze %dma_wait3A_221 : memref<1x128xi32, #tpu.memory_space<vmem>> -> memref<128xi32, #tpu.memory_space<vmem>>
    %dma_wait3A_223 = arith.constant 0 : i32
    %dma_wait3A_224 = arith.constant 0 : i32
    %dma_wait3A_225 = tpu.memref_slice %arg3[%dma_wait3A_223, %dma_wait3A_224] : memref<100000x128xf32, #tpu.memory_space<hbm>> -> memref<100000x128xf32, #tpu.memory_space<hbm>>
    tpu.wait_indirect_dma semaphore(%arg8 : memref<!tpu.dma_semaphore, #tpu.memory_space<semaphore_mem>>) src(%dma_wait3A_225 : memref<100000x128xf32, #tpu.memory_space<hbm>>) dst(%dma_wait3A_219 : memref<128x128xf32, #tpu.memory_space<vmem>>)
    %scan3A_226 = arith.constant 0 : i32
    %scan3A_227 = arith.constant 0 : i32
    %scan3A_228 = arith.constant 64 : i32
    %scan3A_229 = arith.addi %scan3A_227, %scan3A_228 : i32
    %scan3A_230 = arith.constant 1 : i32
    %scan3A_231 = scf.for %scan3A_660 = %scan3A_227 to %scan3A_229 step %scan3A_230 iter_args(%scan3A_661 = %scan3A_226) -> (i32)  : i32 {
      %mul3A_662 = arith.constant 2 : i32
      %mul3A_663 = arith.muli %scan3A_660, %mul3A_662 : i32
      %add3A_664 = arith.constant 1 : i32
      %add3A_665 = arith.addi %mul3A_663, %add3A_664 : i32
      %get3A = arith.index_cast %mul3A_663 : i32 to index
      %get3A_666 = arith.constant 0 : index
      %get3A_667 = tpu.vector_load %arg7[%get3A, %get3A_666] {strides = array<i32>} : memref<128x128xf32, #tpu.memory_space<vmem>>, vector<1x16xf32>,
      %get3A_668 = vector.shape_cast %get3A_667 : vector<1x16xf32> to vector<16xf32>
      %get3A_669 = arith.constant 0 : i32
      %get3A_670 = arith.index_cast %get3A_669 : i32 to index
      %get3A_671 = arith.index_cast %mul3A_663 : i32 to index
      %get3A_672 = arith.constant 0 : index
      %get3A_673 = tpu.vector_load %arg6[%get3A_670, %get3A_671, %get3A_672] {strides = array<i32>} : memref<2x128x128xf32, #tpu.memory_space<vmem>>, vector<1x1x16xf32>,
      %get3A_674 = vector.shape_cast %get3A_673 : vector<1x1x16xf32> to vector<16xf32>
      %add3A_675 = arith.addf %get3A_668, %get3A_674 : vector<16xf32>
      %swap3A = arith.index_cast %mul3A_663 : i32 to index
      %swap3A_676 = arith.constant 0 : index
      %swap3A_677 = tpu.vector_load %arg7[%swap3A, %swap3A_676] {strides = array<i32>} : memref<128x128xf32, #tpu.memory_space<vmem>>, vector<1x16xf32>,
      %swap3A_678 = vector.shape_cast %swap3A_677 : vector<1x16xf32> to vector<16xf32>
      %swap3A_679 = vector.shape_cast %add3A_675 : vector<16xf32> to vector<1x16xf32>
      tpu.vector_store %arg7[%swap3A, %swap3A_676], %swap3A_679 {strides = array<i32>} : memref<128x128xf32, #tpu.memory_space<vmem>>, vector<1x16xf32>,
      %get3A_680 = arith.index_cast %mul3A_663 : i32 to index
      %get3A_681 = arith.constant 16 : index
      %get3A_682 = tpu.vector_load %arg7[%get3A_680, %get3A_681] {strides = array<i32>} : memref<128x128xf32, #tpu.memory_space<vmem>>, vector<1x16xf32>,
      %get3A_683 = vector.shape_cast %get3A_682 : vector<1x16xf32> to vector<16xf32>
      %get3A_684 = arith.constant 0 : i32
      %get3A_685 = arith.index_cast %get3A_684 : i32 to index
      %get3A_686 = arith.index_cast %mul3A_663 : i32 to index
      %get3A_687 = arith.constant 16 : index
      %get3A_688 = tpu.vector_load %arg6[%get3A_685, %get3A_686, %get3A_687] {strides = array<i32>} : memref<2x128x128xf32, #tpu.memory_space<vmem>>, vector<1x1x16xf32>,
      %get3A_689 = vector.shape_cast %get3A_688 : vector<1x1x16xf32> to vector<16xf32>
      %add3A_690 = arith.addf %get3A_683, %get3A_689 : vector<16xf32>
      %swap3A_691 = arith.index_cast %mul3A_663 : i32 to index
      %swap3A_692 = arith.constant 16 : index
      %swap3A_693 = tpu.vector_load %arg7[%swap3A_691, %swap3A_692] {strides = array<i32>} : memref<128x128xf32, #tpu.memory_space<vmem>>, vector<1x16xf32>,
      %swap3A_694 = vector.shape_cast %swap3A_693 : vector<1x16xf32> to vector<16xf32>
      %swap3A_695 = vector.shape_cast %add3A_690 : vector<16xf32> to vector<1x16xf32>
      tpu.vector_store %arg7[%swap3A_691, %swap3A_692], %swap3A_695 {strides = array<i32>} : memref<128x128xf32, #tpu.memory_space<vmem>>, vector<1x16xf32>,
      %get3A_696 = arith.index_cast %mul3A_663 : i32 to index
      %get3A_697 = arith.constant 32 : index
      %get3A_698 = tpu.vector_load %arg7[%get3A_696, %get3A_697] {strides = array<i32>} : memref<128x128xf32, #tpu.memory_space<vmem>>, vector<1x16xf32>,
      %get3A_699 = vector.shape_cast %get3A_698 : vector<1x16xf32> to vector<16xf32>
      %get3A_700 = arith.constant 0 : i32
      %get3A_701 = arith.index_cast %get3A_700 : i32 to index
      %get3A_702 = arith.index_cast %mul3A_663 : i32 to index
      %get3A_703 = arith.constant 32 : index
      %get3A_704 = tpu.vector_load %arg6[%get3A_701, %get3A_702, %get3A_703] {strides = array<i32>} : memref<2x128x128xf32, #tpu.memory_space<vmem>>, vector<1x1x16xf32>,
      %get3A_705 = vector.shape_cast %get3A_704 : vector<1x1x16xf32> to vector<16xf32>
      %add3A_706 = arith.addf %get3A_699, %get3A_705 : vector<16xf32>
      %swap3A_707 = arith.index_cast %mul3A_663 : i32 to index
      %swap3A_708 = arith.constant 32 : index
      %swap3A_709 = tpu.vector_load %arg7[%swap3A_707, %swap3A_708] {strides = array<i32>} : memref<128x128xf32, #tpu.memory_space<vmem>>, vector<1x16xf32>,
      %swap3A_710 = vector.shape_cast %swap3A_709 : vector<1x16xf32> to vector<16xf32>
      %swap3A_711 = vector.shape_cast %add3A_706 : vector<16xf32> to vector<1x16xf32>
      tpu.vector_store %arg7[%swap3A_707, %swap3A_708], %swap3A_711 {strides = array<i32>} : memref<128x128xf32, #tpu.memory_space<vmem>>, vector<1x16xf32>,
      %get3A_712 = arith.index_cast %mul3A_663 : i32 to index
      %get3A_713 = arith.constant 48 : index
      %get3A_714 = tpu.vector_load %arg7[%get3A_712, %get3A_713] {strides = array<i32>} : memref<128x128xf32, #tpu.memory_space<vmem>>, vector<1x16xf32>,
      %get3A_715 = vector.shape_cast %get3A_714 : vector<1x16xf32> to vector<16xf32>
      %get3A_716 = arith.constant 0 : i32
      %get3A_717 = arith.index_cast %get3A_716 : i32 to index
      %get3A_718 = arith.index_cast %mul3A_663 : i32 to index
      %get3A_719 = arith.constant 48 : index
      %get3A_720 = tpu.vector_load %arg6[%get3A_717, %get3A_718, %get3A_719] {strides = array<i32>} : memref<2x128x128xf32, #tpu.memory_space<vmem>>, vector<1x1x16xf32>,
      %get3A_721 = vector.shape_cast %get3A_720 : vector<1x1x16xf32> to vector<16xf32>
      %add3A_722 = arith.addf %get3A_715, %get3A_721 : vector<16xf32>
      %swap3A_723 = arith.index_cast %mul3A_663 : i32 to index
      %swap3A_724 = arith.constant 48 : index
      %swap3A_725 = tpu.vector_load %arg7[%swap3A_723, %swap3A_724] {strides = array<i32>} : memref<128x128xf32, #tpu.memory_space<vmem>>, vector<1x16xf32>,
      %swap3A_726 = vector.shape_cast %swap3A_725 : vector<1x16xf32> to vector<16xf32>
      %swap3A_727 = vector.shape_cast %add3A_722 : vector<16xf32> to vector<1x16xf32>
      tpu.vector_store %arg7[%swap3A_723, %swap3A_724], %swap3A_727 {strides = array<i32>} : memref<128x128xf32, #tpu.memory_space<vmem>>, vector<1x16xf32>,
      %get3A_728 = arith.index_cast %add3A_665 : i32 to index
      %get3A_729 = arith.constant 0 : index
      %get3A_730 = tpu.vector_load %arg7[%get3A_728, %get3A_729] {strides = array<i32>} : memref<128x128xf32, #tpu.memory_space<vmem>>, vector<1x16xf32>,
      %get3A_731 = vector.shape_cast %get3A_730 : vector<1x16xf32> to vector<16xf32>
      %get3A_732 = arith.constant 0 : i32
      %get3A_733 = arith.index_cast %get3A_732 : i32 to index
      %get3A_734 = arith.index_cast %add3A_665 : i32 to index
      %get3A_735 = arith.constant 0 : index
      %get3A_736 = tpu.vector_load %arg6[%get3A_733, %get3A_734, %get3A_735] {strides = array<i32>} : memref<2x128x128xf32, #tpu.memory_space<vmem>>, vector<1x1x16xf32>,
      %get3A_737 = vector.shape_cast %get3A_736 : vector<1x1x16xf32> to vector<16xf32>
      %add3A_738 = arith.addf %get3A_731, %get3A_737 : vector<16xf32>
      %swap3A_739 = arith.index_cast %add3A_665 : i32 to index
      %swap3A_740 = arith.constant 0 : index
      %swap3A_741 = tpu.vector_load %arg7[%swap3A_739, %swap3A_740] {strides = array<i32>} : memref<128x128xf32, #tpu.memory_space<vmem>>, vector<1x16xf32>,
      %swap3A_742 = vector.shape_cast %swap3A_741 : vector<1x16xf32> to vector<16xf32>
      %swap3A_743 = vector.shape_cast %add3A_738 : vector<16xf32> to vector<1x16xf32>
      tpu.vector_store %arg7[%swap3A_739, %swap3A_740], %swap3A_743 {strides = array<i32>} : memref<128x128xf32, #tpu.memory_space<vmem>>, vector<1x16xf32>,
      %get3A_744 = arith.index_cast %add3A_665 : i32 to index
      %get3A_745 = arith.constant 16 : index
      %get3A_746 = tpu.vector_load %arg7[%get3A_744, %get3A_745] {strides = array<i32>} : memref<128x128xf32, #tpu.memory_space<vmem>>, vector<1x16xf32>,
      %get3A_747 = vector.shape_cast %get3A_746 : vector<1x16xf32> to vector<16xf32>
      %get3A_748 = arith.constant 0 : i32
      %get3A_749 = arith.index_cast %get3A_748 : i32 to index
      %get3A_750 = arith.index_cast %add3A_665 : i32 to index
      %get3A_751 = arith.constant 16 : index
      %get3A_752 = tpu.vector_load %arg6[%get3A_749, %get3A_750, %get3A_751] {strides = array<i32>} : memref<2x128x128xf32, #tpu.memory_space<vmem>>, vector<1x1x16xf32>,
      %get3A_753 = vector.shape_cast %get3A_752 : vector<1x1x16xf32> to vector<16xf32>
      %add3A_754 = arith.addf %get3A_747, %get3A_753 : vector<16xf32>
      %swap3A_755 = arith.index_cast %add3A_665 : i32 to index
      %swap3A_756 = arith.constant 16 : index
      %swap3A_757 = tpu.vector_load %arg7[%swap3A_755, %swap3A_756] {strides = array<i32>} : memref<128x128xf32, #tpu.memory_space<vmem>>, vector<1x16xf32>,
      %swap3A_758 = vector.shape_cast %swap3A_757 : vector<1x16xf32> to vector<16xf32>
      %swap3A_759 = vector.shape_cast %add3A_754 : vector<16xf32> to vector<1x16xf32>
      tpu.vector_store %arg7[%swap3A_755, %swap3A_756], %swap3A_759 {strides = array<i32>} : memref<128x128xf32, #tpu.memory_space<vmem>>, vector<1x16xf32>,
      %get3A_760 = arith.index_cast %add3A_665 : i32 to index
      %get3A_761 = arith.constant 32 : index
      %get3A_762 = tpu.vector_load %arg7[%get3A_760, %get3A_761] {strides = array<i32>} : memref<128x128xf32, #tpu.memory_space<vmem>>, vector<1x16xf32>,
      %get3A_763 = vector.shape_cast %get3A_762 : vector<1x16xf32> to vector<16xf32>
      %get3A_764 = arith.constant 0 : i32
      %get3A_765 = arith.index_cast %get3A_764 : i32 to index
      %get3A_766 = arith.index_cast %add3A_665 : i32 to index
      %get3A_767 = arith.constant 32 : index
      %get3A_768 = tpu.vector_load %arg6[%get3A_765, %get3A_766, %get3A_767] {strides = array<i32>} : memref<2x128x128xf32, #tpu.memory_space<vmem>>, vector<1x1x16xf32>,
      %get3A_769 = vector.shape_cast %get3A_768 : vector<1x1x16xf32> to vector<16xf32>
      %add3A_770 = arith.addf %get3A_763, %get3A_769 : vector<16xf32>
      %swap3A_771 = arith.index_cast %add3A_665 : i32 to index
      %swap3A_772 = arith.constant 32 : index
      %swap3A_773 = tpu.vector_load %arg7[%swap3A_771, %swap3A_772] {strides = array<i32>} : memref<128x128xf32, #tpu.memory_space<vmem>>, vector<1x16xf32>,
      %swap3A_774 = vector.shape_cast %swap3A_773 : vector<1x16xf32> to vector<16xf32>
      %swap3A_775 = vector.shape_cast %add3A_770 : vector<16xf32> to vector<1x16xf32>
      tpu.vector_store %arg7[%swap3A_771, %swap3A_772], %swap3A_775 {strides = array<i32>} : memref<128x128xf32, #tpu.memory_space<vmem>>, vector<1x16xf32>,
      %get3A_776 = arith.index_cast %add3A_665 : i32 to index
      %get3A_777 = arith.constant 48 : index
      %get3A_778 = tpu.vector_load %arg7[%get3A_776, %get3A_777] {strides = array<i32>} : memref<128x128xf32, #tpu.memory_space<vmem>>, vector<1x16xf32>,
      %get3A_779 = vector.shape_cast %get3A_778 : vector<1x16xf32> to vector<16xf32>
      %get3A_780 = arith.constant 0 : i32
      %get3A_781 = arith.index_cast %get3A_780 : i32 to index
      %get3A_782 = arith.index_cast %add3A_665 : i32 to index
      %get3A_783 = arith.constant 48 : index
      %get3A_784 = tpu.vector_load %arg6[%get3A_781, %get3A_782, %get3A_783] {strides = array<i32>} : memref<2x128x128xf32, #tpu.memory_space<vmem>>, vector<1x1x16xf32>,
      %get3A_785 = vector.shape_cast %get3A_784 : vector<1x1x16xf32> to vector<16xf32>
      %add3A_786 = arith.addf %get3A_779, %get3A_785 : vector<16xf32>
      %swap3A_787 = arith.index_cast %add3A_665 : i32 to index
      %swap3A_788 = arith.constant 48 : index
      %swap3A_789 = tpu.vector_load %arg7[%swap3A_787, %swap3A_788] {strides = array<i32>} : memref<128x128xf32, #tpu.memory_space<vmem>>, vector<1x16xf32>,
      %swap3A_790 = vector.shape_cast %swap3A_789 : vector<1x16xf32> to vector<16xf32>
      %swap3A_791 = vector.shape_cast %add3A_786 : vector<16xf32> to vector<1x16xf32>
      tpu.vector_store %arg7[%swap3A_787, %swap3A_788], %swap3A_791 {strides = array<i32>} : memref<128x128xf32, #tpu.memory_space<vmem>>, vector<1x16xf32>,
      %scan3A_792 = arith.constant 0 : i32
      scf.yield %scan3A_792 : i32
    }
    %scan3A_232 = arith.constant 64 : i32
    %add3A_233 = arith.constant 32768 : i32
    %add3A_234 = arith.addi %add3A_233, %mul3A_2 : i32
    %run_scoped3A_235 = arith.constant 0 : i32
    "tpu.region"() ({
      %run_scoped3A_660 = tpu.sem_alloc : memref<!tpu.dma_semaphore, #tpu.memory_space<semaphore_mem>>
      %dma_start3A_661 = arith.constant 0 : i32
      %dma_start3A_662 = tpu.memref_slice %arg5[%run_scoped3A_235, %dma_start3A_661] : memref<2x128xi32, #tpu.memory_space<vmem>> -> memref<1x128xi32, #tpu.memory_space<vmem>>
      %dma_start3A_663 = tpu.memref_squeeze %dma_start3A_662 : memref<1x128xi32, #tpu.memory_space<vmem>> -> memref<128xi32, #tpu.memory_space<vmem>>
      %dma_start3A_664 = tpu.memref_slice %arg2[%add3A_234] : memref<81920xi32, #tpu.memory_space<hbm>> -> memref<128xi32, #tpu.memory_space<hbm>>
      %dma_start3A_665 = arith.constant 0 : i32
      %dma_start3A_666 = tpu.memref_slice %arg5[%run_scoped3A_235, %dma_start3A_665] : memref<2x128xi32, #tpu.memory_space<vmem>> -> memref<1x128xi32, #tpu.memory_space<vmem>>
      %dma_start3A_667 = tpu.memref_squeeze %dma_start3A_666 : memref<1x128xi32, #tpu.memory_space<vmem>> -> memref<128xi32, #tpu.memory_space<vmem>>
      %dma_start3A_668 = tpu.memref_slice %arg2[%add3A_234] : memref<81920xi32, #tpu.memory_space<hbm>> -> memref<128xi32, #tpu.memory_space<hbm>>
      tpu.enqueue_dma source(%dma_start3A_668 : memref<128xi32, #tpu.memory_space<hbm>>) target(%dma_start3A_667 : memref<128xi32, #tpu.memory_space<vmem>>) target_semaphore(%run_scoped3A_660 : memref<!tpu.dma_semaphore, #tpu.memory_space<semaphore_mem>>)
      %dma_wait3A_669 = arith.constant 0 : i32
      %dma_wait3A_670 = tpu.memref_slice %arg5[%run_scoped3A_235, %dma_wait3A_669] : memref<2x128xi32, #tpu.memory_space<vmem>> -> memref<1x128xi32, #tpu.memory_space<vmem>>
      %dma_wait3A_671 = tpu.memref_squeeze %dma_wait3A_670 : memref<1x128xi32, #tpu.memory_space<vmem>> -> memref<128xi32, #tpu.memory_space<vmem>>
      %dma_wait3A_672 = tpu.memref_slice %arg2[%add3A_234] : memref<81920xi32, #tpu.memory_space<hbm>> -> memref<128xi32, #tpu.memory_space<hbm>>
      %dma_wait3A_673 = arith.constant 0 : i32
      %dma_wait3A_674 = tpu.memref_slice %arg5[%run_scoped3A_235, %dma_wait3A_673] : memref<2x128xi32, #tpu.memory_space<vmem>> -> memref<1x128xi32, #tpu.memory_space<vmem>>
      %dma_wait3A_675 = tpu.memref_squeeze %dma_wait3A_674 : memref<1x128xi32, #tpu.memory_space<vmem>> -> memref<128xi32, #tpu.memory_space<vmem>>
      %dma_wait3A_676 = tpu.memref_slice %arg2[%add3A_234] : memref<81920xi32, #tpu.memory_space<hbm>> -> memref<128xi32, #tpu.memory_space<hbm>>
      tpu.wait_dma2 semaphore(%run_scoped3A_660 : memref<!tpu.dma_semaphore, #tpu.memory_space<semaphore_mem>>) src(%dma_wait3A_676 : memref<128xi32, #tpu.memory_space<hbm>>) dst(%dma_wait3A_675 : memref<128xi32, #tpu.memory_space<vmem>>)
      tpu.yield
    }) : () -> ()
    %dma_start3A_236 = arith.constant 0 : i32
    %dma_start3A_237 = arith.constant 0 : i32
    %dma_start3A_238 = arith.constant 0 : i32
    %dma_start3A_239 = arith.constant 0 : i32
    %dma_start3A_240 = tpu.memref_slice %arg6[%dma_start3A_237, %dma_start3A_238, %dma_start3A_239] : memref<2x128x128xf32, #tpu.memory_space<vmem>> -> memref<1x128x128xf32, #tpu.memory_space<vmem>>
    %dma_start3A_241 = tpu.memref_squeeze %dma_start3A_240 : memref<1x128x128xf32, #tpu.memory_space<vmem>> -> memref<128x128xf32, #tpu.memory_space<vmem>>
    %dma_start3A_242 = arith.constant 0 : i32
    %dma_start3A_243 = tpu.memref_slice %arg5[%dma_start3A_236, %dma_start3A_242] : memref<2x128xi32, #tpu.memory_space<vmem>> -> memref<1x128xi32, #tpu.memory_space<vmem>>
    %dma_start3A_244 = tpu.memref_squeeze %dma_start3A_243 : memref<1x128xi32, #tpu.memory_space<vmem>> -> memref<128xi32, #tpu.memory_space<vmem>>
    %dma_start3A_245 = arith.constant 0 : i32
    %dma_start3A_246 = arith.constant 0 : i32
    %dma_start3A_247 = tpu.memref_slice %arg3[%dma_start3A_245, %dma_start3A_246] : memref<100000x128xf32, #tpu.memory_space<hbm>> -> memref<100000x128xf32, #tpu.memory_space<hbm>>
    tpu.enqueue_indirect_dma source(%dma_start3A_247 : memref<100000x128xf32, #tpu.memory_space<hbm>>) target(%dma_start3A_241 : memref<128x128xf32, #tpu.memory_space<vmem>>) offsets(%dma_start3A_244 : memref<128xi32, #tpu.memory_space<vmem>>) semaphore(%arg8 : memref<!tpu.dma_semaphore, #tpu.memory_space<semaphore_mem>>)
    %dma_wait3A_248 = arith.constant 1 : i32
    %dma_wait3A_249 = arith.constant 1 : i32
    %dma_wait3A_250 = arith.constant 0 : i32
    %dma_wait3A_251 = arith.constant 0 : i32
    %dma_wait3A_252 = tpu.memref_slice %arg6[%dma_wait3A_249, %dma_wait3A_250, %dma_wait3A_251] : memref<2x128x128xf32, #tpu.memory_space<vmem>> -> memref<1x128x128xf32, #tpu.memory_space<vmem>>
    %dma_wait3A_253 = tpu.memref_squeeze %dma_wait3A_252 : memref<1x128x128xf32, #tpu.memory_space<vmem>> -> memref<128x128xf32, #tpu.memory_space<vmem>>
    %dma_wait3A_254 = arith.constant 0 : i32
    %dma_wait3A_255 = tpu.memref_slice %arg5[%dma_wait3A_248, %dma_wait3A_254] : memref<2x128xi32, #tpu.memory_space<vmem>> -> memref<1x128xi32, #tpu.memory_space<vmem>>
    %dma_wait3A_256 = tpu.memref_squeeze %dma_wait3A_255 : memref<1x128xi32, #tpu.memory_space<vmem>> -> memref<128xi32, #tpu.memory_space<vmem>>
    %dma_wait3A_257 = arith.constant 0 : i32
    %dma_wait3A_258 = arith.constant 0 : i32
    %dma_wait3A_259 = tpu.memref_slice %arg3[%dma_wait3A_257, %dma_wait3A_258] : memref<100000x128xf32, #tpu.memory_space<hbm>> -> memref<100000x128xf32, #tpu.memory_space<hbm>>
    tpu.wait_indirect_dma semaphore(%arg9 : memref<!tpu.dma_semaphore, #tpu.memory_space<semaphore_mem>>) src(%dma_wait3A_259 : memref<100000x128xf32, #tpu.memory_space<hbm>>) dst(%dma_wait3A_253 : memref<128x128xf32, #tpu.memory_space<vmem>>)
    %scan3A_260 = arith.constant 0 : i32
    %scan3A_261 = arith.constant 0 : i32
    %scan3A_262 = arith.constant 64 : i32
    %scan3A_263 = arith.addi %scan3A_261, %scan3A_262 : i32
    %scan3A_264 = arith.constant 1 : i32
    %scan3A_265 = scf.for %scan3A_660 = %scan3A_261 to %scan3A_263 step %scan3A_264 iter_args(%scan3A_661 = %scan3A_260) -> (i32)  : i32 {
      %mul3A_662 = arith.constant 2 : i32
      %mul3A_663 = arith.muli %scan3A_660, %mul3A_662 : i32
      %add3A_664 = arith.constant 1 : i32
      %add3A_665 = arith.addi %mul3A_663, %add3A_664 : i32
      %get3A = arith.index_cast %mul3A_663 : i32 to index
      %get3A_666 = arith.constant 0 : index
      %get3A_667 = tpu.vector_load %arg7[%get3A, %get3A_666] {strides = array<i32>} : memref<128x128xf32, #tpu.memory_space<vmem>>, vector<1x16xf32>,
      %get3A_668 = vector.shape_cast %get3A_667 : vector<1x16xf32> to vector<16xf32>
      %get3A_669 = arith.constant 1 : i32
      %get3A_670 = arith.index_cast %get3A_669 : i32 to index
      %get3A_671 = arith.index_cast %mul3A_663 : i32 to index
      %get3A_672 = arith.constant 0 : index
      %get3A_673 = tpu.vector_load %arg6[%get3A_670, %get3A_671, %get3A_672] {strides = array<i32>} : memref<2x128x128xf32, #tpu.memory_space<vmem>>, vector<1x1x16xf32>,
      %get3A_674 = vector.shape_cast %get3A_673 : vector<1x1x16xf32> to vector<16xf32>
      %add3A_675 = arith.addf %get3A_668, %get3A_674 : vector<16xf32>
      %swap3A = arith.index_cast %mul3A_663 : i32 to index
      %swap3A_676 = arith.constant 0 : index
      %swap3A_677 = tpu.vector_load %arg7[%swap3A, %swap3A_676] {strides = array<i32>} : memref<128x128xf32, #tpu.memory_space<vmem>>, vector<1x16xf32>,
      %swap3A_678 = vector.shape_cast %swap3A_677 : vector<1x16xf32> to vector<16xf32>
      %swap3A_679 = vector.shape_cast %add3A_675 : vector<16xf32> to vector<1x16xf32>
      tpu.vector_store %arg7[%swap3A, %swap3A_676], %swap3A_679 {strides = array<i32>} : memref<128x128xf32, #tpu.memory_space<vmem>>, vector<1x16xf32>,
      %get3A_680 = arith.index_cast %mul3A_663 : i32 to index
      %get3A_681 = arith.constant 16 : index
      %get3A_682 = tpu.vector_load %arg7[%get3A_680, %get3A_681] {strides = array<i32>} : memref<128x128xf32, #tpu.memory_space<vmem>>, vector<1x16xf32>,
      %get3A_683 = vector.shape_cast %get3A_682 : vector<1x16xf32> to vector<16xf32>
      %get3A_684 = arith.constant 1 : i32
      %get3A_685 = arith.index_cast %get3A_684 : i32 to index
      %get3A_686 = arith.index_cast %mul3A_663 : i32 to index
      %get3A_687 = arith.constant 16 : index
      %get3A_688 = tpu.vector_load %arg6[%get3A_685, %get3A_686, %get3A_687] {strides = array<i32>} : memref<2x128x128xf32, #tpu.memory_space<vmem>>, vector<1x1x16xf32>,
      %get3A_689 = vector.shape_cast %get3A_688 : vector<1x1x16xf32> to vector<16xf32>
      %add3A_690 = arith.addf %get3A_683, %get3A_689 : vector<16xf32>
      %swap3A_691 = arith.index_cast %mul3A_663 : i32 to index
      %swap3A_692 = arith.constant 16 : index
      %swap3A_693 = tpu.vector_load %arg7[%swap3A_691, %swap3A_692] {strides = array<i32>} : memref<128x128xf32, #tpu.memory_space<vmem>>, vector<1x16xf32>,
      %swap3A_694 = vector.shape_cast %swap3A_693 : vector<1x16xf32> to vector<16xf32>
      %swap3A_695 = vector.shape_cast %add3A_690 : vector<16xf32> to vector<1x16xf32>
      tpu.vector_store %arg7[%swap3A_691, %swap3A_692], %swap3A_695 {strides = array<i32>} : memref<128x128xf32, #tpu.memory_space<vmem>>, vector<1x16xf32>,
      %get3A_696 = arith.index_cast %mul3A_663 : i32 to index
      %get3A_697 = arith.constant 32 : index
      %get3A_698 = tpu.vector_load %arg7[%get3A_696, %get3A_697] {strides = array<i32>} : memref<128x128xf32, #tpu.memory_space<vmem>>, vector<1x16xf32>,
      %get3A_699 = vector.shape_cast %get3A_698 : vector<1x16xf32> to vector<16xf32>
      %get3A_700 = arith.constant 1 : i32
      %get3A_701 = arith.index_cast %get3A_700 : i32 to index
      %get3A_702 = arith.index_cast %mul3A_663 : i32 to index
      %get3A_703 = arith.constant 32 : index
      %get3A_704 = tpu.vector_load %arg6[%get3A_701, %get3A_702, %get3A_703] {strides = array<i32>} : memref<2x128x128xf32, #tpu.memory_space<vmem>>, vector<1x1x16xf32>,
      %get3A_705 = vector.shape_cast %get3A_704 : vector<1x1x16xf32> to vector<16xf32>
      %add3A_706 = arith.addf %get3A_699, %get3A_705 : vector<16xf32>
      %swap3A_707 = arith.index_cast %mul3A_663 : i32 to index
      %swap3A_708 = arith.constant 32 : index
      %swap3A_709 = tpu.vector_load %arg7[%swap3A_707, %swap3A_708] {strides = array<i32>} : memref<128x128xf32, #tpu.memory_space<vmem>>, vector<1x16xf32>,
      %swap3A_710 = vector.shape_cast %swap3A_709 : vector<1x16xf32> to vector<16xf32>
      %swap3A_711 = vector.shape_cast %add3A_706 : vector<16xf32> to vector<1x16xf32>
      tpu.vector_store %arg7[%swap3A_707, %swap3A_708], %swap3A_711 {strides = array<i32>} : memref<128x128xf32, #tpu.memory_space<vmem>>, vector<1x16xf32>,
      %get3A_712 = arith.index_cast %mul3A_663 : i32 to index
      %get3A_713 = arith.constant 48 : index
      %get3A_714 = tpu.vector_load %arg7[%get3A_712, %get3A_713] {strides = array<i32>} : memref<128x128xf32, #tpu.memory_space<vmem>>, vector<1x16xf32>,
      %get3A_715 = vector.shape_cast %get3A_714 : vector<1x16xf32> to vector<16xf32>
      %get3A_716 = arith.constant 1 : i32
      %get3A_717 = arith.index_cast %get3A_716 : i32 to index
      %get3A_718 = arith.index_cast %mul3A_663 : i32 to index
      %get3A_719 = arith.constant 48 : index
      %get3A_720 = tpu.vector_load %arg6[%get3A_717, %get3A_718, %get3A_719] {strides = array<i32>} : memref<2x128x128xf32, #tpu.memory_space<vmem>>, vector<1x1x16xf32>,
      %get3A_721 = vector.shape_cast %get3A_720 : vector<1x1x16xf32> to vector<16xf32>
      %add3A_722 = arith.addf %get3A_715, %get3A_721 : vector<16xf32>
      %swap3A_723 = arith.index_cast %mul3A_663 : i32 to index
      %swap3A_724 = arith.constant 48 : index
      %swap3A_725 = tpu.vector_load %arg7[%swap3A_723, %swap3A_724] {strides = array<i32>} : memref<128x128xf32, #tpu.memory_space<vmem>>, vector<1x16xf32>,
      %swap3A_726 = vector.shape_cast %swap3A_725 : vector<1x16xf32> to vector<16xf32>
      %swap3A_727 = vector.shape_cast %add3A_722 : vector<16xf32> to vector<1x16xf32>
      tpu.vector_store %arg7[%swap3A_723, %swap3A_724], %swap3A_727 {strides = array<i32>} : memref<128x128xf32, #tpu.memory_space<vmem>>, vector<1x16xf32>,
      %get3A_728 = arith.index_cast %add3A_665 : i32 to index
      %get3A_729 = arith.constant 0 : index
      %get3A_730 = tpu.vector_load %arg7[%get3A_728, %get3A_729] {strides = array<i32>} : memref<128x128xf32, #tpu.memory_space<vmem>>, vector<1x16xf32>,
      %get3A_731 = vector.shape_cast %get3A_730 : vector<1x16xf32> to vector<16xf32>
      %get3A_732 = arith.constant 1 : i32
      %get3A_733 = arith.index_cast %get3A_732 : i32 to index
      %get3A_734 = arith.index_cast %add3A_665 : i32 to index
      %get3A_735 = arith.constant 0 : index
      %get3A_736 = tpu.vector_load %arg6[%get3A_733, %get3A_734, %get3A_735] {strides = array<i32>} : memref<2x128x128xf32, #tpu.memory_space<vmem>>, vector<1x1x16xf32>,
      %get3A_737 = vector.shape_cast %get3A_736 : vector<1x1x16xf32> to vector<16xf32>
      %add3A_738 = arith.addf %get3A_731, %get3A_737 : vector<16xf32>
      %swap3A_739 = arith.index_cast %add3A_665 : i32 to index
      %swap3A_740 = arith.constant 0 : index
      %swap3A_741 = tpu.vector_load %arg7[%swap3A_739, %swap3A_740] {strides = array<i32>} : memref<128x128xf32, #tpu.memory_space<vmem>>, vector<1x16xf32>,
      %swap3A_742 = vector.shape_cast %swap3A_741 : vector<1x16xf32> to vector<16xf32>
      %swap3A_743 = vector.shape_cast %add3A_738 : vector<16xf32> to vector<1x16xf32>
      tpu.vector_store %arg7[%swap3A_739, %swap3A_740], %swap3A_743 {strides = array<i32>} : memref<128x128xf32, #tpu.memory_space<vmem>>, vector<1x16xf32>,
      %get3A_744 = arith.index_cast %add3A_665 : i32 to index
      %get3A_745 = arith.constant 16 : index
      %get3A_746 = tpu.vector_load %arg7[%get3A_744, %get3A_745] {strides = array<i32>} : memref<128x128xf32, #tpu.memory_space<vmem>>, vector<1x16xf32>,
      %get3A_747 = vector.shape_cast %get3A_746 : vector<1x16xf32> to vector<16xf32>
      %get3A_748 = arith.constant 1 : i32
      %get3A_749 = arith.index_cast %get3A_748 : i32 to index
      %get3A_750 = arith.index_cast %add3A_665 : i32 to index
      %get3A_751 = arith.constant 16 : index
      %get3A_752 = tpu.vector_load %arg6[%get3A_749, %get3A_750, %get3A_751] {strides = array<i32>} : memref<2x128x128xf32, #tpu.memory_space<vmem>>, vector<1x1x16xf32>,
      %get3A_753 = vector.shape_cast %get3A_752 : vector<1x1x16xf32> to vector<16xf32>
      %add3A_754 = arith.addf %get3A_747, %get3A_753 : vector<16xf32>
      %swap3A_755 = arith.index_cast %add3A_665 : i32 to index
      %swap3A_756 = arith.constant 16 : index
      %swap3A_757 = tpu.vector_load %arg7[%swap3A_755, %swap3A_756] {strides = array<i32>} : memref<128x128xf32, #tpu.memory_space<vmem>>, vector<1x16xf32>,
      %swap3A_758 = vector.shape_cast %swap3A_757 : vector<1x16xf32> to vector<16xf32>
      %swap3A_759 = vector.shape_cast %add3A_754 : vector<16xf32> to vector<1x16xf32>
      tpu.vector_store %arg7[%swap3A_755, %swap3A_756], %swap3A_759 {strides = array<i32>} : memref<128x128xf32, #tpu.memory_space<vmem>>, vector<1x16xf32>,
      %get3A_760 = arith.index_cast %add3A_665 : i32 to index
      %get3A_761 = arith.constant 32 : index
      %get3A_762 = tpu.vector_load %arg7[%get3A_760, %get3A_761] {strides = array<i32>} : memref<128x128xf32, #tpu.memory_space<vmem>>, vector<1x16xf32>,
      %get3A_763 = vector.shape_cast %get3A_762 : vector<1x16xf32> to vector<16xf32>
      %get3A_764 = arith.constant 1 : i32
      %get3A_765 = arith.index_cast %get3A_764 : i32 to index
      %get3A_766 = arith.index_cast %add3A_665 : i32 to index
      %get3A_767 = arith.constant 32 : index
      %get3A_768 = tpu.vector_load %arg6[%get3A_765, %get3A_766, %get3A_767] {strides = array<i32>} : memref<2x128x128xf32, #tpu.memory_space<vmem>>, vector<1x1x16xf32>,
      %get3A_769 = vector.shape_cast %get3A_768 : vector<1x1x16xf32> to vector<16xf32>
      %add3A_770 = arith.addf %get3A_763, %get3A_769 : vector<16xf32>
      %swap3A_771 = arith.index_cast %add3A_665 : i32 to index
      %swap3A_772 = arith.constant 32 : index
      %swap3A_773 = tpu.vector_load %arg7[%swap3A_771, %swap3A_772] {strides = array<i32>} : memref<128x128xf32, #tpu.memory_space<vmem>>, vector<1x16xf32>,
      %swap3A_774 = vector.shape_cast %swap3A_773 : vector<1x16xf32> to vector<16xf32>
      %swap3A_775 = vector.shape_cast %add3A_770 : vector<16xf32> to vector<1x16xf32>
      tpu.vector_store %arg7[%swap3A_771, %swap3A_772], %swap3A_775 {strides = array<i32>} : memref<128x128xf32, #tpu.memory_space<vmem>>, vector<1x16xf32>,
      %get3A_776 = arith.index_cast %add3A_665 : i32 to index
      %get3A_777 = arith.constant 48 : index
      %get3A_778 = tpu.vector_load %arg7[%get3A_776, %get3A_777] {strides = array<i32>} : memref<128x128xf32, #tpu.memory_space<vmem>>, vector<1x16xf32>,
      %get3A_779 = vector.shape_cast %get3A_778 : vector<1x16xf32> to vector<16xf32>
      %get3A_780 = arith.constant 1 : i32
      %get3A_781 = arith.index_cast %get3A_780 : i32 to index
      %get3A_782 = arith.index_cast %add3A_665 : i32 to index
      %get3A_783 = arith.constant 48 : index
      %get3A_784 = tpu.vector_load %arg6[%get3A_781, %get3A_782, %get3A_783] {strides = array<i32>} : memref<2x128x128xf32, #tpu.memory_space<vmem>>, vector<1x1x16xf32>,
      %get3A_785 = vector.shape_cast %get3A_784 : vector<1x1x16xf32> to vector<16xf32>
      %add3A_786 = arith.addf %get3A_779, %get3A_785 : vector<16xf32>
      %swap3A_787 = arith.index_cast %add3A_665 : i32 to index
      %swap3A_788 = arith.constant 48 : index
      %swap3A_789 = tpu.vector_load %arg7[%swap3A_787, %swap3A_788] {strides = array<i32>} : memref<128x128xf32, #tpu.memory_space<vmem>>, vector<1x16xf32>,
      %swap3A_790 = vector.shape_cast %swap3A_789 : vector<1x16xf32> to vector<16xf32>
      %swap3A_791 = vector.shape_cast %add3A_786 : vector<16xf32> to vector<1x16xf32>
      tpu.vector_store %arg7[%swap3A_787, %swap3A_788], %swap3A_791 {strides = array<i32>} : memref<128x128xf32, #tpu.memory_space<vmem>>, vector<1x16xf32>,
      %scan3A_792 = arith.constant 0 : i32
      scf.yield %scan3A_792 : i32
    }
    %scan3A_266 = arith.constant 64 : i32
    %add3A_267 = arith.constant 36864 : i32
    %add3A_268 = arith.addi %add3A_267, %mul3A_2 : i32
    %run_scoped3A_269 = arith.constant 1 : i32
    "tpu.region"() ({
      %run_scoped3A_660 = tpu.sem_alloc : memref<!tpu.dma_semaphore, #tpu.memory_space<semaphore_mem>>
      %dma_start3A_661 = arith.constant 0 : i32
      %dma_start3A_662 = tpu.memref_slice %arg5[%run_scoped3A_269, %dma_start3A_661] : memref<2x128xi32, #tpu.memory_space<vmem>> -> memref<1x128xi32, #tpu.memory_space<vmem>>
      %dma_start3A_663 = tpu.memref_squeeze %dma_start3A_662 : memref<1x128xi32, #tpu.memory_space<vmem>> -> memref<128xi32, #tpu.memory_space<vmem>>
      %dma_start3A_664 = tpu.memref_slice %arg2[%add3A_268] : memref<81920xi32, #tpu.memory_space<hbm>> -> memref<128xi32, #tpu.memory_space<hbm>>
      %dma_start3A_665 = arith.constant 0 : i32
      %dma_start3A_666 = tpu.memref_slice %arg5[%run_scoped3A_269, %dma_start3A_665] : memref<2x128xi32, #tpu.memory_space<vmem>> -> memref<1x128xi32, #tpu.memory_space<vmem>>
      %dma_start3A_667 = tpu.memref_squeeze %dma_start3A_666 : memref<1x128xi32, #tpu.memory_space<vmem>> -> memref<128xi32, #tpu.memory_space<vmem>>
      %dma_start3A_668 = tpu.memref_slice %arg2[%add3A_268] : memref<81920xi32, #tpu.memory_space<hbm>> -> memref<128xi32, #tpu.memory_space<hbm>>
      tpu.enqueue_dma source(%dma_start3A_668 : memref<128xi32, #tpu.memory_space<hbm>>) target(%dma_start3A_667 : memref<128xi32, #tpu.memory_space<vmem>>) target_semaphore(%run_scoped3A_660 : memref<!tpu.dma_semaphore, #tpu.memory_space<semaphore_mem>>)
      %dma_wait3A_669 = arith.constant 0 : i32
      %dma_wait3A_670 = tpu.memref_slice %arg5[%run_scoped3A_269, %dma_wait3A_669] : memref<2x128xi32, #tpu.memory_space<vmem>> -> memref<1x128xi32, #tpu.memory_space<vmem>>
      %dma_wait3A_671 = tpu.memref_squeeze %dma_wait3A_670 : memref<1x128xi32, #tpu.memory_space<vmem>> -> memref<128xi32, #tpu.memory_space<vmem>>
      %dma_wait3A_672 = tpu.memref_slice %arg2[%add3A_268] : memref<81920xi32, #tpu.memory_space<hbm>> -> memref<128xi32, #tpu.memory_space<hbm>>
      %dma_wait3A_673 = arith.constant 0 : i32
      %dma_wait3A_674 = tpu.memref_slice %arg5[%run_scoped3A_269, %dma_wait3A_673] : memref<2x128xi32, #tpu.memory_space<vmem>> -> memref<1x128xi32, #tpu.memory_space<vmem>>
      %dma_wait3A_675 = tpu.memref_squeeze %dma_wait3A_674 : memref<1x128xi32, #tpu.memory_space<vmem>> -> memref<128xi32, #tpu.memory_space<vmem>>
      %dma_wait3A_676 = tpu.memref_slice %arg2[%add3A_268] : memref<81920xi32, #tpu.memory_space<hbm>> -> memref<128xi32, #tpu.memory_space<hbm>>
      tpu.wait_dma2 semaphore(%run_scoped3A_660 : memref<!tpu.dma_semaphore, #tpu.memory_space<semaphore_mem>>) src(%dma_wait3A_676 : memref<128xi32, #tpu.memory_space<hbm>>) dst(%dma_wait3A_675 : memref<128xi32, #tpu.memory_space<vmem>>)
      tpu.yield
    }) : () -> ()
    %dma_start3A_270 = arith.constant 1 : i32
    %dma_start3A_271 = arith.constant 1 : i32
    %dma_start3A_272 = arith.constant 0 : i32
    %dma_start3A_273 = arith.constant 0 : i32
    %dma_start3A_274 = tpu.memref_slice %arg6[%dma_start3A_271, %dma_start3A_272, %dma_start3A_273] : memref<2x128x128xf32, #tpu.memory_space<vmem>> -> memref<1x128x128xf32, #tpu.memory_space<vmem>>
    %dma_start3A_275 = tpu.memref_squeeze %dma_start3A_274 : memref<1x128x128xf32, #tpu.memory_space<vmem>> -> memref<128x128xf32, #tpu.memory_space<vmem>>
    %dma_start3A_276 = arith.constant 0 : i32
    %dma_start3A_277 = tpu.memref_slice %arg5[%dma_start3A_270, %dma_start3A_276] : memref<2x128xi32, #tpu.memory_space<vmem>> -> memref<1x128xi32, #tpu.memory_space<vmem>>
    %dma_start3A_278 = tpu.memref_squeeze %dma_start3A_277 : memref<1x128xi32, #tpu.memory_space<vmem>> -> memref<128xi32, #tpu.memory_space<vmem>>
    %dma_start3A_279 = arith.constant 0 : i32
    %dma_start3A_280 = arith.constant 0 : i32
    %dma_start3A_281 = tpu.memref_slice %arg3[%dma_start3A_279, %dma_start3A_280] : memref<100000x128xf32, #tpu.memory_space<hbm>> -> memref<100000x128xf32, #tpu.memory_space<hbm>>
    tpu.enqueue_indirect_dma source(%dma_start3A_281 : memref<100000x128xf32, #tpu.memory_space<hbm>>) target(%dma_start3A_275 : memref<128x128xf32, #tpu.memory_space<vmem>>) offsets(%dma_start3A_278 : memref<128xi32, #tpu.memory_space<vmem>>) semaphore(%arg9 : memref<!tpu.dma_semaphore, #tpu.memory_space<semaphore_mem>>)
    %dma_wait3A_282 = arith.constant 0 : i32
    %dma_wait3A_283 = arith.constant 0 : i32
    %dma_wait3A_284 = arith.constant 0 : i32
    %dma_wait3A_285 = arith.constant 0 : i32
    %dma_wait3A_286 = tpu.memref_slice %arg6[%dma_wait3A_283, %dma_wait3A_284, %dma_wait3A_285] : memref<2x128x128xf32, #tpu.memory_space<vmem>> -> memref<1x128x128xf32, #tpu.memory_space<vmem>>
    %dma_wait3A_287 = tpu.memref_squeeze %dma_wait3A_286 : memref<1x128x128xf32, #tpu.memory_space<vmem>> -> memref<128x128xf32, #tpu.memory_space<vmem>>
    %dma_wait3A_288 = arith.constant 0 : i32
    %dma_wait3A_289 = tpu.memref_slice %arg5[%dma_wait3A_282, %dma_wait3A_288] : memref<2x128xi32, #tpu.memory_space<vmem>> -> memref<1x128xi32, #tpu.memory_space<vmem>>
    %dma_wait3A_290 = tpu.memref_squeeze %dma_wait3A_289 : memref<1x128xi32, #tpu.memory_space<vmem>> -> memref<128xi32, #tpu.memory_space<vmem>>
    %dma_wait3A_291 = arith.constant 0 : i32
    %dma_wait3A_292 = arith.constant 0 : i32
    %dma_wait3A_293 = tpu.memref_slice %arg3[%dma_wait3A_291, %dma_wait3A_292] : memref<100000x128xf32, #tpu.memory_space<hbm>> -> memref<100000x128xf32, #tpu.memory_space<hbm>>
    tpu.wait_indirect_dma semaphore(%arg8 : memref<!tpu.dma_semaphore, #tpu.memory_space<semaphore_mem>>) src(%dma_wait3A_293 : memref<100000x128xf32, #tpu.memory_space<hbm>>) dst(%dma_wait3A_287 : memref<128x128xf32, #tpu.memory_space<vmem>>)
    %scan3A_294 = arith.constant 0 : i32
    %scan3A_295 = arith.constant 0 : i32
    %scan3A_296 = arith.constant 64 : i32
    %scan3A_297 = arith.addi %scan3A_295, %scan3A_296 : i32
    %scan3A_298 = arith.constant 1 : i32
    %scan3A_299 = scf.for %scan3A_660 = %scan3A_295 to %scan3A_297 step %scan3A_298 iter_args(%scan3A_661 = %scan3A_294) -> (i32)  : i32 {
      %mul3A_662 = arith.constant 2 : i32
      %mul3A_663 = arith.muli %scan3A_660, %mul3A_662 : i32
      %add3A_664 = arith.constant 1 : i32
      %add3A_665 = arith.addi %mul3A_663, %add3A_664 : i32
      %get3A = arith.index_cast %mul3A_663 : i32 to index
      %get3A_666 = arith.constant 0 : index
      %get3A_667 = tpu.vector_load %arg7[%get3A, %get3A_666] {strides = array<i32>} : memref<128x128xf32, #tpu.memory_space<vmem>>, vector<1x16xf32>,
      %get3A_668 = vector.shape_cast %get3A_667 : vector<1x16xf32> to vector<16xf32>
      %get3A_669 = arith.constant 0 : i32
      %get3A_670 = arith.index_cast %get3A_669 : i32 to index
      %get3A_671 = arith.index_cast %mul3A_663 : i32 to index
      %get3A_672 = arith.constant 0 : index
      %get3A_673 = tpu.vector_load %arg6[%get3A_670, %get3A_671, %get3A_672] {strides = array<i32>} : memref<2x128x128xf32, #tpu.memory_space<vmem>>, vector<1x1x16xf32>,
      %get3A_674 = vector.shape_cast %get3A_673 : vector<1x1x16xf32> to vector<16xf32>
      %add3A_675 = arith.addf %get3A_668, %get3A_674 : vector<16xf32>
      %swap3A = arith.index_cast %mul3A_663 : i32 to index
      %swap3A_676 = arith.constant 0 : index
      %swap3A_677 = tpu.vector_load %arg7[%swap3A, %swap3A_676] {strides = array<i32>} : memref<128x128xf32, #tpu.memory_space<vmem>>, vector<1x16xf32>,
      %swap3A_678 = vector.shape_cast %swap3A_677 : vector<1x16xf32> to vector<16xf32>
      %swap3A_679 = vector.shape_cast %add3A_675 : vector<16xf32> to vector<1x16xf32>
      tpu.vector_store %arg7[%swap3A, %swap3A_676], %swap3A_679 {strides = array<i32>} : memref<128x128xf32, #tpu.memory_space<vmem>>, vector<1x16xf32>,
      %get3A_680 = arith.index_cast %mul3A_663 : i32 to index
      %get3A_681 = arith.constant 16 : index
      %get3A_682 = tpu.vector_load %arg7[%get3A_680, %get3A_681] {strides = array<i32>} : memref<128x128xf32, #tpu.memory_space<vmem>>, vector<1x16xf32>,
      %get3A_683 = vector.shape_cast %get3A_682 : vector<1x16xf32> to vector<16xf32>
      %get3A_684 = arith.constant 0 : i32
      %get3A_685 = arith.index_cast %get3A_684 : i32 to index
      %get3A_686 = arith.index_cast %mul3A_663 : i32 to index
      %get3A_687 = arith.constant 16 : index
      %get3A_688 = tpu.vector_load %arg6[%get3A_685, %get3A_686, %get3A_687] {strides = array<i32>} : memref<2x128x128xf32, #tpu.memory_space<vmem>>, vector<1x1x16xf32>,
      %get3A_689 = vector.shape_cast %get3A_688 : vector<1x1x16xf32> to vector<16xf32>
      %add3A_690 = arith.addf %get3A_683, %get3A_689 : vector<16xf32>
      %swap3A_691 = arith.index_cast %mul3A_663 : i32 to index
      %swap3A_692 = arith.constant 16 : index
      %swap3A_693 = tpu.vector_load %arg7[%swap3A_691, %swap3A_692] {strides = array<i32>} : memref<128x128xf32, #tpu.memory_space<vmem>>, vector<1x16xf32>,
      %swap3A_694 = vector.shape_cast %swap3A_693 : vector<1x16xf32> to vector<16xf32>
      %swap3A_695 = vector.shape_cast %add3A_690 : vector<16xf32> to vector<1x16xf32>
      tpu.vector_store %arg7[%swap3A_691, %swap3A_692], %swap3A_695 {strides = array<i32>} : memref<128x128xf32, #tpu.memory_space<vmem>>, vector<1x16xf32>,
      %get3A_696 = arith.index_cast %mul3A_663 : i32 to index
      %get3A_697 = arith.constant 32 : index
      %get3A_698 = tpu.vector_load %arg7[%get3A_696, %get3A_697] {strides = array<i32>} : memref<128x128xf32, #tpu.memory_space<vmem>>, vector<1x16xf32>,
      %get3A_699 = vector.shape_cast %get3A_698 : vector<1x16xf32> to vector<16xf32>
      %get3A_700 = arith.constant 0 : i32
      %get3A_701 = arith.index_cast %get3A_700 : i32 to index
      %get3A_702 = arith.index_cast %mul3A_663 : i32 to index
      %get3A_703 = arith.constant 32 : index
      %get3A_704 = tpu.vector_load %arg6[%get3A_701, %get3A_702, %get3A_703] {strides = array<i32>} : memref<2x128x128xf32, #tpu.memory_space<vmem>>, vector<1x1x16xf32>,
      %get3A_705 = vector.shape_cast %get3A_704 : vector<1x1x16xf32> to vector<16xf32>
      %add3A_706 = arith.addf %get3A_699, %get3A_705 : vector<16xf32>
      %swap3A_707 = arith.index_cast %mul3A_663 : i32 to index
      %swap3A_708 = arith.constant 32 : index
      %swap3A_709 = tpu.vector_load %arg7[%swap3A_707, %swap3A_708] {strides = array<i32>} : memref<128x128xf32, #tpu.memory_space<vmem>>, vector<1x16xf32>,
      %swap3A_710 = vector.shape_cast %swap3A_709 : vector<1x16xf32> to vector<16xf32>
      %swap3A_711 = vector.shape_cast %add3A_706 : vector<16xf32> to vector<1x16xf32>
      tpu.vector_store %arg7[%swap3A_707, %swap3A_708], %swap3A_711 {strides = array<i32>} : memref<128x128xf32, #tpu.memory_space<vmem>>, vector<1x16xf32>,
      %get3A_712 = arith.index_cast %mul3A_663 : i32 to index
      %get3A_713 = arith.constant 48 : index
      %get3A_714 = tpu.vector_load %arg7[%get3A_712, %get3A_713] {strides = array<i32>} : memref<128x128xf32, #tpu.memory_space<vmem>>, vector<1x16xf32>,
      %get3A_715 = vector.shape_cast %get3A_714 : vector<1x16xf32> to vector<16xf32>
      %get3A_716 = arith.constant 0 : i32
      %get3A_717 = arith.index_cast %get3A_716 : i32 to index
      %get3A_718 = arith.index_cast %mul3A_663 : i32 to index
      %get3A_719 = arith.constant 48 : index
      %get3A_720 = tpu.vector_load %arg6[%get3A_717, %get3A_718, %get3A_719] {strides = array<i32>} : memref<2x128x128xf32, #tpu.memory_space<vmem>>, vector<1x1x16xf32>,
      %get3A_721 = vector.shape_cast %get3A_720 : vector<1x1x16xf32> to vector<16xf32>
      %add3A_722 = arith.addf %get3A_715, %get3A_721 : vector<16xf32>
      %swap3A_723 = arith.index_cast %mul3A_663 : i32 to index
      %swap3A_724 = arith.constant 48 : index
      %swap3A_725 = tpu.vector_load %arg7[%swap3A_723, %swap3A_724] {strides = array<i32>} : memref<128x128xf32, #tpu.memory_space<vmem>>, vector<1x16xf32>,
      %swap3A_726 = vector.shape_cast %swap3A_725 : vector<1x16xf32> to vector<16xf32>
      %swap3A_727 = vector.shape_cast %add3A_722 : vector<16xf32> to vector<1x16xf32>
      tpu.vector_store %arg7[%swap3A_723, %swap3A_724], %swap3A_727 {strides = array<i32>} : memref<128x128xf32, #tpu.memory_space<vmem>>, vector<1x16xf32>,
      %get3A_728 = arith.index_cast %add3A_665 : i32 to index
      %get3A_729 = arith.constant 0 : index
      %get3A_730 = tpu.vector_load %arg7[%get3A_728, %get3A_729] {strides = array<i32>} : memref<128x128xf32, #tpu.memory_space<vmem>>, vector<1x16xf32>,
      %get3A_731 = vector.shape_cast %get3A_730 : vector<1x16xf32> to vector<16xf32>
      %get3A_732 = arith.constant 0 : i32
      %get3A_733 = arith.index_cast %get3A_732 : i32 to index
      %get3A_734 = arith.index_cast %add3A_665 : i32 to index
      %get3A_735 = arith.constant 0 : index
      %get3A_736 = tpu.vector_load %arg6[%get3A_733, %get3A_734, %get3A_735] {strides = array<i32>} : memref<2x128x128xf32, #tpu.memory_space<vmem>>, vector<1x1x16xf32>,
      %get3A_737 = vector.shape_cast %get3A_736 : vector<1x1x16xf32> to vector<16xf32>
      %add3A_738 = arith.addf %get3A_731, %get3A_737 : vector<16xf32>
      %swap3A_739 = arith.index_cast %add3A_665 : i32 to index
      %swap3A_740 = arith.constant 0 : index
      %swap3A_741 = tpu.vector_load %arg7[%swap3A_739, %swap3A_740] {strides = array<i32>} : memref<128x128xf32, #tpu.memory_space<vmem>>, vector<1x16xf32>,
      %swap3A_742 = vector.shape_cast %swap3A_741 : vector<1x16xf32> to vector<16xf32>
      %swap3A_743 = vector.shape_cast %add3A_738 : vector<16xf32> to vector<1x16xf32>
      tpu.vector_store %arg7[%swap3A_739, %swap3A_740], %swap3A_743 {strides = array<i32>} : memref<128x128xf32, #tpu.memory_space<vmem>>, vector<1x16xf32>,
      %get3A_744 = arith.index_cast %add3A_665 : i32 to index
      %get3A_745 = arith.constant 16 : index
      %get3A_746 = tpu.vector_load %arg7[%get3A_744, %get3A_745] {strides = array<i32>} : memref<128x128xf32, #tpu.memory_space<vmem>>, vector<1x16xf32>,
      %get3A_747 = vector.shape_cast %get3A_746 : vector<1x16xf32> to vector<16xf32>
      %get3A_748 = arith.constant 0 : i32
      %get3A_749 = arith.index_cast %get3A_748 : i32 to index
      %get3A_750 = arith.index_cast %add3A_665 : i32 to index
      %get3A_751 = arith.constant 16 : index
      %get3A_752 = tpu.vector_load %arg6[%get3A_749, %get3A_750, %get3A_751] {strides = array<i32>} : memref<2x128x128xf32, #tpu.memory_space<vmem>>, vector<1x1x16xf32>,
      %get3A_753 = vector.shape_cast %get3A_752 : vector<1x1x16xf32> to vector<16xf32>
      %add3A_754 = arith.addf %get3A_747, %get3A_753 : vector<16xf32>
      %swap3A_755 = arith.index_cast %add3A_665 : i32 to index
      %swap3A_756 = arith.constant 16 : index
      %swap3A_757 = tpu.vector_load %arg7[%swap3A_755, %swap3A_756] {strides = array<i32>} : memref<128x128xf32, #tpu.memory_space<vmem>>, vector<1x16xf32>,
      %swap3A_758 = vector.shape_cast %swap3A_757 : vector<1x16xf32> to vector<16xf32>
      %swap3A_759 = vector.shape_cast %add3A_754 : vector<16xf32> to vector<1x16xf32>
      tpu.vector_store %arg7[%swap3A_755, %swap3A_756], %swap3A_759 {strides = array<i32>} : memref<128x128xf32, #tpu.memory_space<vmem>>, vector<1x16xf32>,
      %get3A_760 = arith.index_cast %add3A_665 : i32 to index
      %get3A_761 = arith.constant 32 : index
      %get3A_762 = tpu.vector_load %arg7[%get3A_760, %get3A_761] {strides = array<i32>} : memref<128x128xf32, #tpu.memory_space<vmem>>, vector<1x16xf32>,
      %get3A_763 = vector.shape_cast %get3A_762 : vector<1x16xf32> to vector<16xf32>
      %get3A_764 = arith.constant 0 : i32
      %get3A_765 = arith.index_cast %get3A_764 : i32 to index
      %get3A_766 = arith.index_cast %add3A_665 : i32 to index
      %get3A_767 = arith.constant 32 : index
      %get3A_768 = tpu.vector_load %arg6[%get3A_765, %get3A_766, %get3A_767] {strides = array<i32>} : memref<2x128x128xf32, #tpu.memory_space<vmem>>, vector<1x1x16xf32>,
      %get3A_769 = vector.shape_cast %get3A_768 : vector<1x1x16xf32> to vector<16xf32>
      %add3A_770 = arith.addf %get3A_763, %get3A_769 : vector<16xf32>
      %swap3A_771 = arith.index_cast %add3A_665 : i32 to index
      %swap3A_772 = arith.constant 32 : index
      %swap3A_773 = tpu.vector_load %arg7[%swap3A_771, %swap3A_772] {strides = array<i32>} : memref<128x128xf32, #tpu.memory_space<vmem>>, vector<1x16xf32>,
      %swap3A_774 = vector.shape_cast %swap3A_773 : vector<1x16xf32> to vector<16xf32>
      %swap3A_775 = vector.shape_cast %add3A_770 : vector<16xf32> to vector<1x16xf32>
      tpu.vector_store %arg7[%swap3A_771, %swap3A_772], %swap3A_775 {strides = array<i32>} : memref<128x128xf32, #tpu.memory_space<vmem>>, vector<1x16xf32>,
      %get3A_776 = arith.index_cast %add3A_665 : i32 to index
      %get3A_777 = arith.constant 48 : index
      %get3A_778 = tpu.vector_load %arg7[%get3A_776, %get3A_777] {strides = array<i32>} : memref<128x128xf32, #tpu.memory_space<vmem>>, vector<1x16xf32>,
      %get3A_779 = vector.shape_cast %get3A_778 : vector<1x16xf32> to vector<16xf32>
      %get3A_780 = arith.constant 0 : i32
      %get3A_781 = arith.index_cast %get3A_780 : i32 to index
      %get3A_782 = arith.index_cast %add3A_665 : i32 to index
      %get3A_783 = arith.constant 48 : index
      %get3A_784 = tpu.vector_load %arg6[%get3A_781, %get3A_782, %get3A_783] {strides = array<i32>} : memref<2x128x128xf32, #tpu.memory_space<vmem>>, vector<1x1x16xf32>,
      %get3A_785 = vector.shape_cast %get3A_784 : vector<1x1x16xf32> to vector<16xf32>
      %add3A_786 = arith.addf %get3A_779, %get3A_785 : vector<16xf32>
      %swap3A_787 = arith.index_cast %add3A_665 : i32 to index
      %swap3A_788 = arith.constant 48 : index
      %swap3A_789 = tpu.vector_load %arg7[%swap3A_787, %swap3A_788] {strides = array<i32>} : memref<128x128xf32, #tpu.memory_space<vmem>>, vector<1x16xf32>,
      %swap3A_790 = vector.shape_cast %swap3A_789 : vector<1x16xf32> to vector<16xf32>
      %swap3A_791 = vector.shape_cast %add3A_786 : vector<16xf32> to vector<1x16xf32>
      tpu.vector_store %arg7[%swap3A_787, %swap3A_788], %swap3A_791 {strides = array<i32>} : memref<128x128xf32, #tpu.memory_space<vmem>>, vector<1x16xf32>,
      %scan3A_792 = arith.constant 0 : i32
      scf.yield %scan3A_792 : i32
    }
    %scan3A_300 = arith.constant 64 : i32
    %add3A_301 = arith.constant 40960 : i32
    %add3A_302 = arith.addi %add3A_301, %mul3A_2 : i32
    %run_scoped3A_303 = arith.constant 0 : i32
    "tpu.region"() ({
      %run_scoped3A_660 = tpu.sem_alloc : memref<!tpu.dma_semaphore, #tpu.memory_space<semaphore_mem>>
      %dma_start3A_661 = arith.constant 0 : i32
      %dma_start3A_662 = tpu.memref_slice %arg5[%run_scoped3A_303, %dma_start3A_661] : memref<2x128xi32, #tpu.memory_space<vmem>> -> memref<1x128xi32, #tpu.memory_space<vmem>>
      %dma_start3A_663 = tpu.memref_squeeze %dma_start3A_662 : memref<1x128xi32, #tpu.memory_space<vmem>> -> memref<128xi32, #tpu.memory_space<vmem>>
      %dma_start3A_664 = tpu.memref_slice %arg2[%add3A_302] : memref<81920xi32, #tpu.memory_space<hbm>> -> memref<128xi32, #tpu.memory_space<hbm>>
      %dma_start3A_665 = arith.constant 0 : i32
      %dma_start3A_666 = tpu.memref_slice %arg5[%run_scoped3A_303, %dma_start3A_665] : memref<2x128xi32, #tpu.memory_space<vmem>> -> memref<1x128xi32, #tpu.memory_space<vmem>>
      %dma_start3A_667 = tpu.memref_squeeze %dma_start3A_666 : memref<1x128xi32, #tpu.memory_space<vmem>> -> memref<128xi32, #tpu.memory_space<vmem>>
      %dma_start3A_668 = tpu.memref_slice %arg2[%add3A_302] : memref<81920xi32, #tpu.memory_space<hbm>> -> memref<128xi32, #tpu.memory_space<hbm>>
      tpu.enqueue_dma source(%dma_start3A_668 : memref<128xi32, #tpu.memory_space<hbm>>) target(%dma_start3A_667 : memref<128xi32, #tpu.memory_space<vmem>>) target_semaphore(%run_scoped3A_660 : memref<!tpu.dma_semaphore, #tpu.memory_space<semaphore_mem>>)
      %dma_wait3A_669 = arith.constant 0 : i32
      %dma_wait3A_670 = tpu.memref_slice %arg5[%run_scoped3A_303, %dma_wait3A_669] : memref<2x128xi32, #tpu.memory_space<vmem>> -> memref<1x128xi32, #tpu.memory_space<vmem>>
      %dma_wait3A_671 = tpu.memref_squeeze %dma_wait3A_670 : memref<1x128xi32, #tpu.memory_space<vmem>> -> memref<128xi32, #tpu.memory_space<vmem>>
      %dma_wait3A_672 = tpu.memref_slice %arg2[%add3A_302] : memref<81920xi32, #tpu.memory_space<hbm>> -> memref<128xi32, #tpu.memory_space<hbm>>
      %dma_wait3A_673 = arith.constant 0 : i32
      %dma_wait3A_674 = tpu.memref_slice %arg5[%run_scoped3A_303, %dma_wait3A_673] : memref<2x128xi32, #tpu.memory_space<vmem>> -> memref<1x128xi32, #tpu.memory_space<vmem>>
      %dma_wait3A_675 = tpu.memref_squeeze %dma_wait3A_674 : memref<1x128xi32, #tpu.memory_space<vmem>> -> memref<128xi32, #tpu.memory_space<vmem>>
      %dma_wait3A_676 = tpu.memref_slice %arg2[%add3A_302] : memref<81920xi32, #tpu.memory_space<hbm>> -> memref<128xi32, #tpu.memory_space<hbm>>
      tpu.wait_dma2 semaphore(%run_scoped3A_660 : memref<!tpu.dma_semaphore, #tpu.memory_space<semaphore_mem>>) src(%dma_wait3A_676 : memref<128xi32, #tpu.memory_space<hbm>>) dst(%dma_wait3A_675 : memref<128xi32, #tpu.memory_space<vmem>>)
      tpu.yield
    }) : () -> ()
    %dma_start3A_304 = arith.constant 0 : i32
    %dma_start3A_305 = arith.constant 0 : i32
    %dma_start3A_306 = arith.constant 0 : i32
    %dma_start3A_307 = arith.constant 0 : i32
    %dma_start3A_308 = tpu.memref_slice %arg6[%dma_start3A_305, %dma_start3A_306, %dma_start3A_307] : memref<2x128x128xf32, #tpu.memory_space<vmem>> -> memref<1x128x128xf32, #tpu.memory_space<vmem>>
    %dma_start3A_309 = tpu.memref_squeeze %dma_start3A_308 : memref<1x128x128xf32, #tpu.memory_space<vmem>> -> memref<128x128xf32, #tpu.memory_space<vmem>>
    %dma_start3A_310 = arith.constant 0 : i32
    %dma_start3A_311 = tpu.memref_slice %arg5[%dma_start3A_304, %dma_start3A_310] : memref<2x128xi32, #tpu.memory_space<vmem>> -> memref<1x128xi32, #tpu.memory_space<vmem>>
    %dma_start3A_312 = tpu.memref_squeeze %dma_start3A_311 : memref<1x128xi32, #tpu.memory_space<vmem>> -> memref<128xi32, #tpu.memory_space<vmem>>
    %dma_start3A_313 = arith.constant 0 : i32
    %dma_start3A_314 = arith.constant 0 : i32
    %dma_start3A_315 = tpu.memref_slice %arg3[%dma_start3A_313, %dma_start3A_314] : memref<100000x128xf32, #tpu.memory_space<hbm>> -> memref<100000x128xf32, #tpu.memory_space<hbm>>
    tpu.enqueue_indirect_dma source(%dma_start3A_315 : memref<100000x128xf32, #tpu.memory_space<hbm>>) target(%dma_start3A_309 : memref<128x128xf32, #tpu.memory_space<vmem>>) offsets(%dma_start3A_312 : memref<128xi32, #tpu.memory_space<vmem>>) semaphore(%arg8 : memref<!tpu.dma_semaphore, #tpu.memory_space<semaphore_mem>>)
    %dma_wait3A_316 = arith.constant 1 : i32
    %dma_wait3A_317 = arith.constant 1 : i32
    %dma_wait3A_318 = arith.constant 0 : i32
    %dma_wait3A_319 = arith.constant 0 : i32
    %dma_wait3A_320 = tpu.memref_slice %arg6[%dma_wait3A_317, %dma_wait3A_318, %dma_wait3A_319] : memref<2x128x128xf32, #tpu.memory_space<vmem>> -> memref<1x128x128xf32, #tpu.memory_space<vmem>>
    %dma_wait3A_321 = tpu.memref_squeeze %dma_wait3A_320 : memref<1x128x128xf32, #tpu.memory_space<vmem>> -> memref<128x128xf32, #tpu.memory_space<vmem>>
    %dma_wait3A_322 = arith.constant 0 : i32
    %dma_wait3A_323 = tpu.memref_slice %arg5[%dma_wait3A_316, %dma_wait3A_322] : memref<2x128xi32, #tpu.memory_space<vmem>> -> memref<1x128xi32, #tpu.memory_space<vmem>>
    %dma_wait3A_324 = tpu.memref_squeeze %dma_wait3A_323 : memref<1x128xi32, #tpu.memory_space<vmem>> -> memref<128xi32, #tpu.memory_space<vmem>>
    %dma_wait3A_325 = arith.constant 0 : i32
    %dma_wait3A_326 = arith.constant 0 : i32
    %dma_wait3A_327 = tpu.memref_slice %arg3[%dma_wait3A_325, %dma_wait3A_326] : memref<100000x128xf32, #tpu.memory_space<hbm>> -> memref<100000x128xf32, #tpu.memory_space<hbm>>
    tpu.wait_indirect_dma semaphore(%arg9 : memref<!tpu.dma_semaphore, #tpu.memory_space<semaphore_mem>>) src(%dma_wait3A_327 : memref<100000x128xf32, #tpu.memory_space<hbm>>) dst(%dma_wait3A_321 : memref<128x128xf32, #tpu.memory_space<vmem>>)
    %scan3A_328 = arith.constant 0 : i32
    %scan3A_329 = arith.constant 0 : i32
    %scan3A_330 = arith.constant 64 : i32
    %scan3A_331 = arith.addi %scan3A_329, %scan3A_330 : i32
    %scan3A_332 = arith.constant 1 : i32
    %scan3A_333 = scf.for %scan3A_660 = %scan3A_329 to %scan3A_331 step %scan3A_332 iter_args(%scan3A_661 = %scan3A_328) -> (i32)  : i32 {
      %mul3A_662 = arith.constant 2 : i32
      %mul3A_663 = arith.muli %scan3A_660, %mul3A_662 : i32
      %add3A_664 = arith.constant 1 : i32
      %add3A_665 = arith.addi %mul3A_663, %add3A_664 : i32
      %get3A = arith.index_cast %mul3A_663 : i32 to index
      %get3A_666 = arith.constant 0 : index
      %get3A_667 = tpu.vector_load %arg7[%get3A, %get3A_666] {strides = array<i32>} : memref<128x128xf32, #tpu.memory_space<vmem>>, vector<1x16xf32>,
      %get3A_668 = vector.shape_cast %get3A_667 : vector<1x16xf32> to vector<16xf32>
      %get3A_669 = arith.constant 1 : i32
      %get3A_670 = arith.index_cast %get3A_669 : i32 to index
      %get3A_671 = arith.index_cast %mul3A_663 : i32 to index
      %get3A_672 = arith.constant 0 : index
      %get3A_673 = tpu.vector_load %arg6[%get3A_670, %get3A_671, %get3A_672] {strides = array<i32>} : memref<2x128x128xf32, #tpu.memory_space<vmem>>, vector<1x1x16xf32>,
      %get3A_674 = vector.shape_cast %get3A_673 : vector<1x1x16xf32> to vector<16xf32>
      %add3A_675 = arith.addf %get3A_668, %get3A_674 : vector<16xf32>
      %swap3A = arith.index_cast %mul3A_663 : i32 to index
      %swap3A_676 = arith.constant 0 : index
      %swap3A_677 = tpu.vector_load %arg7[%swap3A, %swap3A_676] {strides = array<i32>} : memref<128x128xf32, #tpu.memory_space<vmem>>, vector<1x16xf32>,
      %swap3A_678 = vector.shape_cast %swap3A_677 : vector<1x16xf32> to vector<16xf32>
      %swap3A_679 = vector.shape_cast %add3A_675 : vector<16xf32> to vector<1x16xf32>
      tpu.vector_store %arg7[%swap3A, %swap3A_676], %swap3A_679 {strides = array<i32>} : memref<128x128xf32, #tpu.memory_space<vmem>>, vector<1x16xf32>,
      %get3A_680 = arith.index_cast %mul3A_663 : i32 to index
      %get3A_681 = arith.constant 16 : index
      %get3A_682 = tpu.vector_load %arg7[%get3A_680, %get3A_681] {strides = array<i32>} : memref<128x128xf32, #tpu.memory_space<vmem>>, vector<1x16xf32>,
      %get3A_683 = vector.shape_cast %get3A_682 : vector<1x16xf32> to vector<16xf32>
      %get3A_684 = arith.constant 1 : i32
      %get3A_685 = arith.index_cast %get3A_684 : i32 to index
      %get3A_686 = arith.index_cast %mul3A_663 : i32 to index
      %get3A_687 = arith.constant 16 : index
      %get3A_688 = tpu.vector_load %arg6[%get3A_685, %get3A_686, %get3A_687] {strides = array<i32>} : memref<2x128x128xf32, #tpu.memory_space<vmem>>, vector<1x1x16xf32>,
      %get3A_689 = vector.shape_cast %get3A_688 : vector<1x1x16xf32> to vector<16xf32>
      %add3A_690 = arith.addf %get3A_683, %get3A_689 : vector<16xf32>
      %swap3A_691 = arith.index_cast %mul3A_663 : i32 to index
      %swap3A_692 = arith.constant 16 : index
      %swap3A_693 = tpu.vector_load %arg7[%swap3A_691, %swap3A_692] {strides = array<i32>} : memref<128x128xf32, #tpu.memory_space<vmem>>, vector<1x16xf32>,
      %swap3A_694 = vector.shape_cast %swap3A_693 : vector<1x16xf32> to vector<16xf32>
      %swap3A_695 = vector.shape_cast %add3A_690 : vector<16xf32> to vector<1x16xf32>
      tpu.vector_store %arg7[%swap3A_691, %swap3A_692], %swap3A_695 {strides = array<i32>} : memref<128x128xf32, #tpu.memory_space<vmem>>, vector<1x16xf32>,
      %get3A_696 = arith.index_cast %mul3A_663 : i32 to index
      %get3A_697 = arith.constant 32 : index
      %get3A_698 = tpu.vector_load %arg7[%get3A_696, %get3A_697] {strides = array<i32>} : memref<128x128xf32, #tpu.memory_space<vmem>>, vector<1x16xf32>,
      %get3A_699 = vector.shape_cast %get3A_698 : vector<1x16xf32> to vector<16xf32>
      %get3A_700 = arith.constant 1 : i32
      %get3A_701 = arith.index_cast %get3A_700 : i32 to index
      %get3A_702 = arith.index_cast %mul3A_663 : i32 to index
      %get3A_703 = arith.constant 32 : index
      %get3A_704 = tpu.vector_load %arg6[%get3A_701, %get3A_702, %get3A_703] {strides = array<i32>} : memref<2x128x128xf32, #tpu.memory_space<vmem>>, vector<1x1x16xf32>,
      %get3A_705 = vector.shape_cast %get3A_704 : vector<1x1x16xf32> to vector<16xf32>
      %add3A_706 = arith.addf %get3A_699, %get3A_705 : vector<16xf32>
      %swap3A_707 = arith.index_cast %mul3A_663 : i32 to index
      %swap3A_708 = arith.constant 32 : index
      %swap3A_709 = tpu.vector_load %arg7[%swap3A_707, %swap3A_708] {strides = array<i32>} : memref<128x128xf32, #tpu.memory_space<vmem>>, vector<1x16xf32>,
      %swap3A_710 = vector.shape_cast %swap3A_709 : vector<1x16xf32> to vector<16xf32>
      %swap3A_711 = vector.shape_cast %add3A_706 : vector<16xf32> to vector<1x16xf32>
      tpu.vector_store %arg7[%swap3A_707, %swap3A_708], %swap3A_711 {strides = array<i32>} : memref<128x128xf32, #tpu.memory_space<vmem>>, vector<1x16xf32>,
      %get3A_712 = arith.index_cast %mul3A_663 : i32 to index
      %get3A_713 = arith.constant 48 : index
      %get3A_714 = tpu.vector_load %arg7[%get3A_712, %get3A_713] {strides = array<i32>} : memref<128x128xf32, #tpu.memory_space<vmem>>, vector<1x16xf32>,
      %get3A_715 = vector.shape_cast %get3A_714 : vector<1x16xf32> to vector<16xf32>
      %get3A_716 = arith.constant 1 : i32
      %get3A_717 = arith.index_cast %get3A_716 : i32 to index
      %get3A_718 = arith.index_cast %mul3A_663 : i32 to index
      %get3A_719 = arith.constant 48 : index
      %get3A_720 = tpu.vector_load %arg6[%get3A_717, %get3A_718, %get3A_719] {strides = array<i32>} : memref<2x128x128xf32, #tpu.memory_space<vmem>>, vector<1x1x16xf32>,
      %get3A_721 = vector.shape_cast %get3A_720 : vector<1x1x16xf32> to vector<16xf32>
      %add3A_722 = arith.addf %get3A_715, %get3A_721 : vector<16xf32>
      %swap3A_723 = arith.index_cast %mul3A_663 : i32 to index
      %swap3A_724 = arith.constant 48 : index
      %swap3A_725 = tpu.vector_load %arg7[%swap3A_723, %swap3A_724] {strides = array<i32>} : memref<128x128xf32, #tpu.memory_space<vmem>>, vector<1x16xf32>,
      %swap3A_726 = vector.shape_cast %swap3A_725 : vector<1x16xf32> to vector<16xf32>
      %swap3A_727 = vector.shape_cast %add3A_722 : vector<16xf32> to vector<1x16xf32>
      tpu.vector_store %arg7[%swap3A_723, %swap3A_724], %swap3A_727 {strides = array<i32>} : memref<128x128xf32, #tpu.memory_space<vmem>>, vector<1x16xf32>,
      %get3A_728 = arith.index_cast %add3A_665 : i32 to index
      %get3A_729 = arith.constant 0 : index
      %get3A_730 = tpu.vector_load %arg7[%get3A_728, %get3A_729] {strides = array<i32>} : memref<128x128xf32, #tpu.memory_space<vmem>>, vector<1x16xf32>,
      %get3A_731 = vector.shape_cast %get3A_730 : vector<1x16xf32> to vector<16xf32>
      %get3A_732 = arith.constant 1 : i32
      %get3A_733 = arith.index_cast %get3A_732 : i32 to index
      %get3A_734 = arith.index_cast %add3A_665 : i32 to index
      %get3A_735 = arith.constant 0 : index
      %get3A_736 = tpu.vector_load %arg6[%get3A_733, %get3A_734, %get3A_735] {strides = array<i32>} : memref<2x128x128xf32, #tpu.memory_space<vmem>>, vector<1x1x16xf32>,
      %get3A_737 = vector.shape_cast %get3A_736 : vector<1x1x16xf32> to vector<16xf32>
      %add3A_738 = arith.addf %get3A_731, %get3A_737 : vector<16xf32>
      %swap3A_739 = arith.index_cast %add3A_665 : i32 to index
      %swap3A_740 = arith.constant 0 : index
      %swap3A_741 = tpu.vector_load %arg7[%swap3A_739, %swap3A_740] {strides = array<i32>} : memref<128x128xf32, #tpu.memory_space<vmem>>, vector<1x16xf32>,
      %swap3A_742 = vector.shape_cast %swap3A_741 : vector<1x16xf32> to vector<16xf32>
      %swap3A_743 = vector.shape_cast %add3A_738 : vector<16xf32> to vector<1x16xf32>
      tpu.vector_store %arg7[%swap3A_739, %swap3A_740], %swap3A_743 {strides = array<i32>} : memref<128x128xf32, #tpu.memory_space<vmem>>, vector<1x16xf32>,
      %get3A_744 = arith.index_cast %add3A_665 : i32 to index
      %get3A_745 = arith.constant 16 : index
      %get3A_746 = tpu.vector_load %arg7[%get3A_744, %get3A_745] {strides = array<i32>} : memref<128x128xf32, #tpu.memory_space<vmem>>, vector<1x16xf32>,
      %get3A_747 = vector.shape_cast %get3A_746 : vector<1x16xf32> to vector<16xf32>
      %get3A_748 = arith.constant 1 : i32
      %get3A_749 = arith.index_cast %get3A_748 : i32 to index
      %get3A_750 = arith.index_cast %add3A_665 : i32 to index
      %get3A_751 = arith.constant 16 : index
      %get3A_752 = tpu.vector_load %arg6[%get3A_749, %get3A_750, %get3A_751] {strides = array<i32>} : memref<2x128x128xf32, #tpu.memory_space<vmem>>, vector<1x1x16xf32>,
      %get3A_753 = vector.shape_cast %get3A_752 : vector<1x1x16xf32> to vector<16xf32>
      %add3A_754 = arith.addf %get3A_747, %get3A_753 : vector<16xf32>
      %swap3A_755 = arith.index_cast %add3A_665 : i32 to index
      %swap3A_756 = arith.constant 16 : index
      %swap3A_757 = tpu.vector_load %arg7[%swap3A_755, %swap3A_756] {strides = array<i32>} : memref<128x128xf32, #tpu.memory_space<vmem>>, vector<1x16xf32>,
      %swap3A_758 = vector.shape_cast %swap3A_757 : vector<1x16xf32> to vector<16xf32>
      %swap3A_759 = vector.shape_cast %add3A_754 : vector<16xf32> to vector<1x16xf32>
      tpu.vector_store %arg7[%swap3A_755, %swap3A_756], %swap3A_759 {strides = array<i32>} : memref<128x128xf32, #tpu.memory_space<vmem>>, vector<1x16xf32>,
      %get3A_760 = arith.index_cast %add3A_665 : i32 to index
      %get3A_761 = arith.constant 32 : index
      %get3A_762 = tpu.vector_load %arg7[%get3A_760, %get3A_761] {strides = array<i32>} : memref<128x128xf32, #tpu.memory_space<vmem>>, vector<1x16xf32>,
      %get3A_763 = vector.shape_cast %get3A_762 : vector<1x16xf32> to vector<16xf32>
      %get3A_764 = arith.constant 1 : i32
      %get3A_765 = arith.index_cast %get3A_764 : i32 to index
      %get3A_766 = arith.index_cast %add3A_665 : i32 to index
      %get3A_767 = arith.constant 32 : index
      %get3A_768 = tpu.vector_load %arg6[%get3A_765, %get3A_766, %get3A_767] {strides = array<i32>} : memref<2x128x128xf32, #tpu.memory_space<vmem>>, vector<1x1x16xf32>,
      %get3A_769 = vector.shape_cast %get3A_768 : vector<1x1x16xf32> to vector<16xf32>
      %add3A_770 = arith.addf %get3A_763, %get3A_769 : vector<16xf32>
      %swap3A_771 = arith.index_cast %add3A_665 : i32 to index
      %swap3A_772 = arith.constant 32 : index
      %swap3A_773 = tpu.vector_load %arg7[%swap3A_771, %swap3A_772] {strides = array<i32>} : memref<128x128xf32, #tpu.memory_space<vmem>>, vector<1x16xf32>,
      %swap3A_774 = vector.shape_cast %swap3A_773 : vector<1x16xf32> to vector<16xf32>
      %swap3A_775 = vector.shape_cast %add3A_770 : vector<16xf32> to vector<1x16xf32>
      tpu.vector_store %arg7[%swap3A_771, %swap3A_772], %swap3A_775 {strides = array<i32>} : memref<128x128xf32, #tpu.memory_space<vmem>>, vector<1x16xf32>,
      %get3A_776 = arith.index_cast %add3A_665 : i32 to index
      %get3A_777 = arith.constant 48 : index
      %get3A_778 = tpu.vector_load %arg7[%get3A_776, %get3A_777] {strides = array<i32>} : memref<128x128xf32, #tpu.memory_space<vmem>>, vector<1x16xf32>,
      %get3A_779 = vector.shape_cast %get3A_778 : vector<1x16xf32> to vector<16xf32>
      %get3A_780 = arith.constant 1 : i32
      %get3A_781 = arith.index_cast %get3A_780 : i32 to index
      %get3A_782 = arith.index_cast %add3A_665 : i32 to index
      %get3A_783 = arith.constant 48 : index
      %get3A_784 = tpu.vector_load %arg6[%get3A_781, %get3A_782, %get3A_783] {strides = array<i32>} : memref<2x128x128xf32, #tpu.memory_space<vmem>>, vector<1x1x16xf32>,
      %get3A_785 = vector.shape_cast %get3A_784 : vector<1x1x16xf32> to vector<16xf32>
      %add3A_786 = arith.addf %get3A_779, %get3A_785 : vector<16xf32>
      %swap3A_787 = arith.index_cast %add3A_665 : i32 to index
      %swap3A_788 = arith.constant 48 : index
      %swap3A_789 = tpu.vector_load %arg7[%swap3A_787, %swap3A_788] {strides = array<i32>} : memref<128x128xf32, #tpu.memory_space<vmem>>, vector<1x16xf32>,
      %swap3A_790 = vector.shape_cast %swap3A_789 : vector<1x16xf32> to vector<16xf32>
      %swap3A_791 = vector.shape_cast %add3A_786 : vector<16xf32> to vector<1x16xf32>
      tpu.vector_store %arg7[%swap3A_787, %swap3A_788], %swap3A_791 {strides = array<i32>} : memref<128x128xf32, #tpu.memory_space<vmem>>, vector<1x16xf32>,
      %scan3A_792 = arith.constant 0 : i32
      scf.yield %scan3A_792 : i32
    }
    %scan3A_334 = arith.constant 64 : i32
    %add3A_335 = arith.constant 45056 : i32
    %add3A_336 = arith.addi %add3A_335, %mul3A_2 : i32
    %run_scoped3A_337 = arith.constant 1 : i32
    "tpu.region"() ({
      %run_scoped3A_660 = tpu.sem_alloc : memref<!tpu.dma_semaphore, #tpu.memory_space<semaphore_mem>>
      %dma_start3A_661 = arith.constant 0 : i32
      %dma_start3A_662 = tpu.memref_slice %arg5[%run_scoped3A_337, %dma_start3A_661] : memref<2x128xi32, #tpu.memory_space<vmem>> -> memref<1x128xi32, #tpu.memory_space<vmem>>
      %dma_start3A_663 = tpu.memref_squeeze %dma_start3A_662 : memref<1x128xi32, #tpu.memory_space<vmem>> -> memref<128xi32, #tpu.memory_space<vmem>>
      %dma_start3A_664 = tpu.memref_slice %arg2[%add3A_336] : memref<81920xi32, #tpu.memory_space<hbm>> -> memref<128xi32, #tpu.memory_space<hbm>>
      %dma_start3A_665 = arith.constant 0 : i32
      %dma_start3A_666 = tpu.memref_slice %arg5[%run_scoped3A_337, %dma_start3A_665] : memref<2x128xi32, #tpu.memory_space<vmem>> -> memref<1x128xi32, #tpu.memory_space<vmem>>
      %dma_start3A_667 = tpu.memref_squeeze %dma_start3A_666 : memref<1x128xi32, #tpu.memory_space<vmem>> -> memref<128xi32, #tpu.memory_space<vmem>>
      %dma_start3A_668 = tpu.memref_slice %arg2[%add3A_336] : memref<81920xi32, #tpu.memory_space<hbm>> -> memref<128xi32, #tpu.memory_space<hbm>>
      tpu.enqueue_dma source(%dma_start3A_668 : memref<128xi32, #tpu.memory_space<hbm>>) target(%dma_start3A_667 : memref<128xi32, #tpu.memory_space<vmem>>) target_semaphore(%run_scoped3A_660 : memref<!tpu.dma_semaphore, #tpu.memory_space<semaphore_mem>>)
      %dma_wait3A_669 = arith.constant 0 : i32
      %dma_wait3A_670 = tpu.memref_slice %arg5[%run_scoped3A_337, %dma_wait3A_669] : memref<2x128xi32, #tpu.memory_space<vmem>> -> memref<1x128xi32, #tpu.memory_space<vmem>>
      %dma_wait3A_671 = tpu.memref_squeeze %dma_wait3A_670 : memref<1x128xi32, #tpu.memory_space<vmem>> -> memref<128xi32, #tpu.memory_space<vmem>>
      %dma_wait3A_672 = tpu.memref_slice %arg2[%add3A_336] : memref<81920xi32, #tpu.memory_space<hbm>> -> memref<128xi32, #tpu.memory_space<hbm>>
      %dma_wait3A_673 = arith.constant 0 : i32
      %dma_wait3A_674 = tpu.memref_slice %arg5[%run_scoped3A_337, %dma_wait3A_673] : memref<2x128xi32, #tpu.memory_space<vmem>> -> memref<1x128xi32, #tpu.memory_space<vmem>>
      %dma_wait3A_675 = tpu.memref_squeeze %dma_wait3A_674 : memref<1x128xi32, #tpu.memory_space<vmem>> -> memref<128xi32, #tpu.memory_space<vmem>>
      %dma_wait3A_676 = tpu.memref_slice %arg2[%add3A_336] : memref<81920xi32, #tpu.memory_space<hbm>> -> memref<128xi32, #tpu.memory_space<hbm>>
      tpu.wait_dma2 semaphore(%run_scoped3A_660 : memref<!tpu.dma_semaphore, #tpu.memory_space<semaphore_mem>>) src(%dma_wait3A_676 : memref<128xi32, #tpu.memory_space<hbm>>) dst(%dma_wait3A_675 : memref<128xi32, #tpu.memory_space<vmem>>)
      tpu.yield
    }) : () -> ()
    %dma_start3A_338 = arith.constant 1 : i32
    %dma_start3A_339 = arith.constant 1 : i32
    %dma_start3A_340 = arith.constant 0 : i32
    %dma_start3A_341 = arith.constant 0 : i32
    %dma_start3A_342 = tpu.memref_slice %arg6[%dma_start3A_339, %dma_start3A_340, %dma_start3A_341] : memref<2x128x128xf32, #tpu.memory_space<vmem>> -> memref<1x128x128xf32, #tpu.memory_space<vmem>>
    %dma_start3A_343 = tpu.memref_squeeze %dma_start3A_342 : memref<1x128x128xf32, #tpu.memory_space<vmem>> -> memref<128x128xf32, #tpu.memory_space<vmem>>
    %dma_start3A_344 = arith.constant 0 : i32
    %dma_start3A_345 = tpu.memref_slice %arg5[%dma_start3A_338, %dma_start3A_344] : memref<2x128xi32, #tpu.memory_space<vmem>> -> memref<1x128xi32, #tpu.memory_space<vmem>>
    %dma_start3A_346 = tpu.memref_squeeze %dma_start3A_345 : memref<1x128xi32, #tpu.memory_space<vmem>> -> memref<128xi32, #tpu.memory_space<vmem>>
    %dma_start3A_347 = arith.constant 0 : i32
    %dma_start3A_348 = arith.constant 0 : i32
    %dma_start3A_349 = tpu.memref_slice %arg3[%dma_start3A_347, %dma_start3A_348] : memref<100000x128xf32, #tpu.memory_space<hbm>> -> memref<100000x128xf32, #tpu.memory_space<hbm>>
    tpu.enqueue_indirect_dma source(%dma_start3A_349 : memref<100000x128xf32, #tpu.memory_space<hbm>>) target(%dma_start3A_343 : memref<128x128xf32, #tpu.memory_space<vmem>>) offsets(%dma_start3A_346 : memref<128xi32, #tpu.memory_space<vmem>>) semaphore(%arg9 : memref<!tpu.dma_semaphore, #tpu.memory_space<semaphore_mem>>)
    %dma_wait3A_350 = arith.constant 0 : i32
    %dma_wait3A_351 = arith.constant 0 : i32
    %dma_wait3A_352 = arith.constant 0 : i32
    %dma_wait3A_353 = arith.constant 0 : i32
    %dma_wait3A_354 = tpu.memref_slice %arg6[%dma_wait3A_351, %dma_wait3A_352, %dma_wait3A_353] : memref<2x128x128xf32, #tpu.memory_space<vmem>> -> memref<1x128x128xf32, #tpu.memory_space<vmem>>
    %dma_wait3A_355 = tpu.memref_squeeze %dma_wait3A_354 : memref<1x128x128xf32, #tpu.memory_space<vmem>> -> memref<128x128xf32, #tpu.memory_space<vmem>>
    %dma_wait3A_356 = arith.constant 0 : i32
    %dma_wait3A_357 = tpu.memref_slice %arg5[%dma_wait3A_350, %dma_wait3A_356] : memref<2x128xi32, #tpu.memory_space<vmem>> -> memref<1x128xi32, #tpu.memory_space<vmem>>
    %dma_wait3A_358 = tpu.memref_squeeze %dma_wait3A_357 : memref<1x128xi32, #tpu.memory_space<vmem>> -> memref<128xi32, #tpu.memory_space<vmem>>
    %dma_wait3A_359 = arith.constant 0 : i32
    %dma_wait3A_360 = arith.constant 0 : i32
    %dma_wait3A_361 = tpu.memref_slice %arg3[%dma_wait3A_359, %dma_wait3A_360] : memref<100000x128xf32, #tpu.memory_space<hbm>> -> memref<100000x128xf32, #tpu.memory_space<hbm>>
    tpu.wait_indirect_dma semaphore(%arg8 : memref<!tpu.dma_semaphore, #tpu.memory_space<semaphore_mem>>) src(%dma_wait3A_361 : memref<100000x128xf32, #tpu.memory_space<hbm>>) dst(%dma_wait3A_355 : memref<128x128xf32, #tpu.memory_space<vmem>>)
    %scan3A_362 = arith.constant 0 : i32
    %scan3A_363 = arith.constant 0 : i32
    %scan3A_364 = arith.constant 64 : i32
    %scan3A_365 = arith.addi %scan3A_363, %scan3A_364 : i32
    %scan3A_366 = arith.constant 1 : i32
    %scan3A_367 = scf.for %scan3A_660 = %scan3A_363 to %scan3A_365 step %scan3A_366 iter_args(%scan3A_661 = %scan3A_362) -> (i32)  : i32 {
      %mul3A_662 = arith.constant 2 : i32
      %mul3A_663 = arith.muli %scan3A_660, %mul3A_662 : i32
      %add3A_664 = arith.constant 1 : i32
      %add3A_665 = arith.addi %mul3A_663, %add3A_664 : i32
      %get3A = arith.index_cast %mul3A_663 : i32 to index
      %get3A_666 = arith.constant 0 : index
      %get3A_667 = tpu.vector_load %arg7[%get3A, %get3A_666] {strides = array<i32>} : memref<128x128xf32, #tpu.memory_space<vmem>>, vector<1x16xf32>,
      %get3A_668 = vector.shape_cast %get3A_667 : vector<1x16xf32> to vector<16xf32>
      %get3A_669 = arith.constant 0 : i32
      %get3A_670 = arith.index_cast %get3A_669 : i32 to index
      %get3A_671 = arith.index_cast %mul3A_663 : i32 to index
      %get3A_672 = arith.constant 0 : index
      %get3A_673 = tpu.vector_load %arg6[%get3A_670, %get3A_671, %get3A_672] {strides = array<i32>} : memref<2x128x128xf32, #tpu.memory_space<vmem>>, vector<1x1x16xf32>,
      %get3A_674 = vector.shape_cast %get3A_673 : vector<1x1x16xf32> to vector<16xf32>
      %add3A_675 = arith.addf %get3A_668, %get3A_674 : vector<16xf32>
      %swap3A = arith.index_cast %mul3A_663 : i32 to index
      %swap3A_676 = arith.constant 0 : index
      %swap3A_677 = tpu.vector_load %arg7[%swap3A, %swap3A_676] {strides = array<i32>} : memref<128x128xf32, #tpu.memory_space<vmem>>, vector<1x16xf32>,
      %swap3A_678 = vector.shape_cast %swap3A_677 : vector<1x16xf32> to vector<16xf32>
      %swap3A_679 = vector.shape_cast %add3A_675 : vector<16xf32> to vector<1x16xf32>
      tpu.vector_store %arg7[%swap3A, %swap3A_676], %swap3A_679 {strides = array<i32>} : memref<128x128xf32, #tpu.memory_space<vmem>>, vector<1x16xf32>,
      %get3A_680 = arith.index_cast %mul3A_663 : i32 to index
      %get3A_681 = arith.constant 16 : index
      %get3A_682 = tpu.vector_load %arg7[%get3A_680, %get3A_681] {strides = array<i32>} : memref<128x128xf32, #tpu.memory_space<vmem>>, vector<1x16xf32>,
      %get3A_683 = vector.shape_cast %get3A_682 : vector<1x16xf32> to vector<16xf32>
      %get3A_684 = arith.constant 0 : i32
      %get3A_685 = arith.index_cast %get3A_684 : i32 to index
      %get3A_686 = arith.index_cast %mul3A_663 : i32 to index
      %get3A_687 = arith.constant 16 : index
      %get3A_688 = tpu.vector_load %arg6[%get3A_685, %get3A_686, %get3A_687] {strides = array<i32>} : memref<2x128x128xf32, #tpu.memory_space<vmem>>, vector<1x1x16xf32>,
      %get3A_689 = vector.shape_cast %get3A_688 : vector<1x1x16xf32> to vector<16xf32>
      %add3A_690 = arith.addf %get3A_683, %get3A_689 : vector<16xf32>
      %swap3A_691 = arith.index_cast %mul3A_663 : i32 to index
      %swap3A_692 = arith.constant 16 : index
      %swap3A_693 = tpu.vector_load %arg7[%swap3A_691, %swap3A_692] {strides = array<i32>} : memref<128x128xf32, #tpu.memory_space<vmem>>, vector<1x16xf32>,
      %swap3A_694 = vector.shape_cast %swap3A_693 : vector<1x16xf32> to vector<16xf32>
      %swap3A_695 = vector.shape_cast %add3A_690 : vector<16xf32> to vector<1x16xf32>
      tpu.vector_store %arg7[%swap3A_691, %swap3A_692], %swap3A_695 {strides = array<i32>} : memref<128x128xf32, #tpu.memory_space<vmem>>, vector<1x16xf32>,
      %get3A_696 = arith.index_cast %mul3A_663 : i32 to index
      %get3A_697 = arith.constant 32 : index
      %get3A_698 = tpu.vector_load %arg7[%get3A_696, %get3A_697] {strides = array<i32>} : memref<128x128xf32, #tpu.memory_space<vmem>>, vector<1x16xf32>,
      %get3A_699 = vector.shape_cast %get3A_698 : vector<1x16xf32> to vector<16xf32>
      %get3A_700 = arith.constant 0 : i32
      %get3A_701 = arith.index_cast %get3A_700 : i32 to index
      %get3A_702 = arith.index_cast %mul3A_663 : i32 to index
      %get3A_703 = arith.constant 32 : index
      %get3A_704 = tpu.vector_load %arg6[%get3A_701, %get3A_702, %get3A_703] {strides = array<i32>} : memref<2x128x128xf32, #tpu.memory_space<vmem>>, vector<1x1x16xf32>,
      %get3A_705 = vector.shape_cast %get3A_704 : vector<1x1x16xf32> to vector<16xf32>
      %add3A_706 = arith.addf %get3A_699, %get3A_705 : vector<16xf32>
      %swap3A_707 = arith.index_cast %mul3A_663 : i32 to index
      %swap3A_708 = arith.constant 32 : index
      %swap3A_709 = tpu.vector_load %arg7[%swap3A_707, %swap3A_708] {strides = array<i32>} : memref<128x128xf32, #tpu.memory_space<vmem>>, vector<1x16xf32>,
      %swap3A_710 = vector.shape_cast %swap3A_709 : vector<1x16xf32> to vector<16xf32>
      %swap3A_711 = vector.shape_cast %add3A_706 : vector<16xf32> to vector<1x16xf32>
      tpu.vector_store %arg7[%swap3A_707, %swap3A_708], %swap3A_711 {strides = array<i32>} : memref<128x128xf32, #tpu.memory_space<vmem>>, vector<1x16xf32>,
      %get3A_712 = arith.index_cast %mul3A_663 : i32 to index
      %get3A_713 = arith.constant 48 : index
      %get3A_714 = tpu.vector_load %arg7[%get3A_712, %get3A_713] {strides = array<i32>} : memref<128x128xf32, #tpu.memory_space<vmem>>, vector<1x16xf32>,
      %get3A_715 = vector.shape_cast %get3A_714 : vector<1x16xf32> to vector<16xf32>
      %get3A_716 = arith.constant 0 : i32
      %get3A_717 = arith.index_cast %get3A_716 : i32 to index
      %get3A_718 = arith.index_cast %mul3A_663 : i32 to index
      %get3A_719 = arith.constant 48 : index
      %get3A_720 = tpu.vector_load %arg6[%get3A_717, %get3A_718, %get3A_719] {strides = array<i32>} : memref<2x128x128xf32, #tpu.memory_space<vmem>>, vector<1x1x16xf32>,
      %get3A_721 = vector.shape_cast %get3A_720 : vector<1x1x16xf32> to vector<16xf32>
      %add3A_722 = arith.addf %get3A_715, %get3A_721 : vector<16xf32>
      %swap3A_723 = arith.index_cast %mul3A_663 : i32 to index
      %swap3A_724 = arith.constant 48 : index
      %swap3A_725 = tpu.vector_load %arg7[%swap3A_723, %swap3A_724] {strides = array<i32>} : memref<128x128xf32, #tpu.memory_space<vmem>>, vector<1x16xf32>,
      %swap3A_726 = vector.shape_cast %swap3A_725 : vector<1x16xf32> to vector<16xf32>
      %swap3A_727 = vector.shape_cast %add3A_722 : vector<16xf32> to vector<1x16xf32>
      tpu.vector_store %arg7[%swap3A_723, %swap3A_724], %swap3A_727 {strides = array<i32>} : memref<128x128xf32, #tpu.memory_space<vmem>>, vector<1x16xf32>,
      %get3A_728 = arith.index_cast %add3A_665 : i32 to index
      %get3A_729 = arith.constant 0 : index
      %get3A_730 = tpu.vector_load %arg7[%get3A_728, %get3A_729] {strides = array<i32>} : memref<128x128xf32, #tpu.memory_space<vmem>>, vector<1x16xf32>,
      %get3A_731 = vector.shape_cast %get3A_730 : vector<1x16xf32> to vector<16xf32>
      %get3A_732 = arith.constant 0 : i32
      %get3A_733 = arith.index_cast %get3A_732 : i32 to index
      %get3A_734 = arith.index_cast %add3A_665 : i32 to index
      %get3A_735 = arith.constant 0 : index
      %get3A_736 = tpu.vector_load %arg6[%get3A_733, %get3A_734, %get3A_735] {strides = array<i32>} : memref<2x128x128xf32, #tpu.memory_space<vmem>>, vector<1x1x16xf32>,
      %get3A_737 = vector.shape_cast %get3A_736 : vector<1x1x16xf32> to vector<16xf32>
      %add3A_738 = arith.addf %get3A_731, %get3A_737 : vector<16xf32>
      %swap3A_739 = arith.index_cast %add3A_665 : i32 to index
      %swap3A_740 = arith.constant 0 : index
      %swap3A_741 = tpu.vector_load %arg7[%swap3A_739, %swap3A_740] {strides = array<i32>} : memref<128x128xf32, #tpu.memory_space<vmem>>, vector<1x16xf32>,
      %swap3A_742 = vector.shape_cast %swap3A_741 : vector<1x16xf32> to vector<16xf32>
      %swap3A_743 = vector.shape_cast %add3A_738 : vector<16xf32> to vector<1x16xf32>
      tpu.vector_store %arg7[%swap3A_739, %swap3A_740], %swap3A_743 {strides = array<i32>} : memref<128x128xf32, #tpu.memory_space<vmem>>, vector<1x16xf32>,
      %get3A_744 = arith.index_cast %add3A_665 : i32 to index
      %get3A_745 = arith.constant 16 : index
      %get3A_746 = tpu.vector_load %arg7[%get3A_744, %get3A_745] {strides = array<i32>} : memref<128x128xf32, #tpu.memory_space<vmem>>, vector<1x16xf32>,
      %get3A_747 = vector.shape_cast %get3A_746 : vector<1x16xf32> to vector<16xf32>
      %get3A_748 = arith.constant 0 : i32
      %get3A_749 = arith.index_cast %get3A_748 : i32 to index
      %get3A_750 = arith.index_cast %add3A_665 : i32 to index
      %get3A_751 = arith.constant 16 : index
      %get3A_752 = tpu.vector_load %arg6[%get3A_749, %get3A_750, %get3A_751] {strides = array<i32>} : memref<2x128x128xf32, #tpu.memory_space<vmem>>, vector<1x1x16xf32>,
      %get3A_753 = vector.shape_cast %get3A_752 : vector<1x1x16xf32> to vector<16xf32>
      %add3A_754 = arith.addf %get3A_747, %get3A_753 : vector<16xf32>
      %swap3A_755 = arith.index_cast %add3A_665 : i32 to index
      %swap3A_756 = arith.constant 16 : index
      %swap3A_757 = tpu.vector_load %arg7[%swap3A_755, %swap3A_756] {strides = array<i32>} : memref<128x128xf32, #tpu.memory_space<vmem>>, vector<1x16xf32>,
      %swap3A_758 = vector.shape_cast %swap3A_757 : vector<1x16xf32> to vector<16xf32>
      %swap3A_759 = vector.shape_cast %add3A_754 : vector<16xf32> to vector<1x16xf32>
      tpu.vector_store %arg7[%swap3A_755, %swap3A_756], %swap3A_759 {strides = array<i32>} : memref<128x128xf32, #tpu.memory_space<vmem>>, vector<1x16xf32>,
      %get3A_760 = arith.index_cast %add3A_665 : i32 to index
      %get3A_761 = arith.constant 32 : index
      %get3A_762 = tpu.vector_load %arg7[%get3A_760, %get3A_761] {strides = array<i32>} : memref<128x128xf32, #tpu.memory_space<vmem>>, vector<1x16xf32>,
      %get3A_763 = vector.shape_cast %get3A_762 : vector<1x16xf32> to vector<16xf32>
      %get3A_764 = arith.constant 0 : i32
      %get3A_765 = arith.index_cast %get3A_764 : i32 to index
      %get3A_766 = arith.index_cast %add3A_665 : i32 to index
      %get3A_767 = arith.constant 32 : index
      %get3A_768 = tpu.vector_load %arg6[%get3A_765, %get3A_766, %get3A_767] {strides = array<i32>} : memref<2x128x128xf32, #tpu.memory_space<vmem>>, vector<1x1x16xf32>,
      %get3A_769 = vector.shape_cast %get3A_768 : vector<1x1x16xf32> to vector<16xf32>
      %add3A_770 = arith.addf %get3A_763, %get3A_769 : vector<16xf32>
      %swap3A_771 = arith.index_cast %add3A_665 : i32 to index
      %swap3A_772 = arith.constant 32 : index
      %swap3A_773 = tpu.vector_load %arg7[%swap3A_771, %swap3A_772] {strides = array<i32>} : memref<128x128xf32, #tpu.memory_space<vmem>>, vector<1x16xf32>,
      %swap3A_774 = vector.shape_cast %swap3A_773 : vector<1x16xf32> to vector<16xf32>
      %swap3A_775 = vector.shape_cast %add3A_770 : vector<16xf32> to vector<1x16xf32>
      tpu.vector_store %arg7[%swap3A_771, %swap3A_772], %swap3A_775 {strides = array<i32>} : memref<128x128xf32, #tpu.memory_space<vmem>>, vector<1x16xf32>,
      %get3A_776 = arith.index_cast %add3A_665 : i32 to index
      %get3A_777 = arith.constant 48 : index
      %get3A_778 = tpu.vector_load %arg7[%get3A_776, %get3A_777] {strides = array<i32>} : memref<128x128xf32, #tpu.memory_space<vmem>>, vector<1x16xf32>,
      %get3A_779 = vector.shape_cast %get3A_778 : vector<1x16xf32> to vector<16xf32>
      %get3A_780 = arith.constant 0 : i32
      %get3A_781 = arith.index_cast %get3A_780 : i32 to index
      %get3A_782 = arith.index_cast %add3A_665 : i32 to index
      %get3A_783 = arith.constant 48 : index
      %get3A_784 = tpu.vector_load %arg6[%get3A_781, %get3A_782, %get3A_783] {strides = array<i32>} : memref<2x128x128xf32, #tpu.memory_space<vmem>>, vector<1x1x16xf32>,
      %get3A_785 = vector.shape_cast %get3A_784 : vector<1x1x16xf32> to vector<16xf32>
      %add3A_786 = arith.addf %get3A_779, %get3A_785 : vector<16xf32>
      %swap3A_787 = arith.index_cast %add3A_665 : i32 to index
      %swap3A_788 = arith.constant 48 : index
      %swap3A_789 = tpu.vector_load %arg7[%swap3A_787, %swap3A_788] {strides = array<i32>} : memref<128x128xf32, #tpu.memory_space<vmem>>, vector<1x16xf32>,
      %swap3A_790 = vector.shape_cast %swap3A_789 : vector<1x16xf32> to vector<16xf32>
      %swap3A_791 = vector.shape_cast %add3A_786 : vector<16xf32> to vector<1x16xf32>
      tpu.vector_store %arg7[%swap3A_787, %swap3A_788], %swap3A_791 {strides = array<i32>} : memref<128x128xf32, #tpu.memory_space<vmem>>, vector<1x16xf32>,
      %scan3A_792 = arith.constant 0 : i32
      scf.yield %scan3A_792 : i32
    }
    %scan3A_368 = arith.constant 64 : i32
    %add3A_369 = arith.constant 49152 : i32
    %add3A_370 = arith.addi %add3A_369, %mul3A_2 : i32
    %run_scoped3A_371 = arith.constant 0 : i32
    "tpu.region"() ({
      %run_scoped3A_660 = tpu.sem_alloc : memref<!tpu.dma_semaphore, #tpu.memory_space<semaphore_mem>>
      %dma_start3A_661 = arith.constant 0 : i32
      %dma_start3A_662 = tpu.memref_slice %arg5[%run_scoped3A_371, %dma_start3A_661] : memref<2x128xi32, #tpu.memory_space<vmem>> -> memref<1x128xi32, #tpu.memory_space<vmem>>
      %dma_start3A_663 = tpu.memref_squeeze %dma_start3A_662 : memref<1x128xi32, #tpu.memory_space<vmem>> -> memref<128xi32, #tpu.memory_space<vmem>>
      %dma_start3A_664 = tpu.memref_slice %arg2[%add3A_370] : memref<81920xi32, #tpu.memory_space<hbm>> -> memref<128xi32, #tpu.memory_space<hbm>>
      %dma_start3A_665 = arith.constant 0 : i32
      %dma_start3A_666 = tpu.memref_slice %arg5[%run_scoped3A_371, %dma_start3A_665] : memref<2x128xi32, #tpu.memory_space<vmem>> -> memref<1x128xi32, #tpu.memory_space<vmem>>
      %dma_start3A_667 = tpu.memref_squeeze %dma_start3A_666 : memref<1x128xi32, #tpu.memory_space<vmem>> -> memref<128xi32, #tpu.memory_space<vmem>>
      %dma_start3A_668 = tpu.memref_slice %arg2[%add3A_370] : memref<81920xi32, #tpu.memory_space<hbm>> -> memref<128xi32, #tpu.memory_space<hbm>>
      tpu.enqueue_dma source(%dma_start3A_668 : memref<128xi32, #tpu.memory_space<hbm>>) target(%dma_start3A_667 : memref<128xi32, #tpu.memory_space<vmem>>) target_semaphore(%run_scoped3A_660 : memref<!tpu.dma_semaphore, #tpu.memory_space<semaphore_mem>>)
      %dma_wait3A_669 = arith.constant 0 : i32
      %dma_wait3A_670 = tpu.memref_slice %arg5[%run_scoped3A_371, %dma_wait3A_669] : memref<2x128xi32, #tpu.memory_space<vmem>> -> memref<1x128xi32, #tpu.memory_space<vmem>>
      %dma_wait3A_671 = tpu.memref_squeeze %dma_wait3A_670 : memref<1x128xi32, #tpu.memory_space<vmem>> -> memref<128xi32, #tpu.memory_space<vmem>>
      %dma_wait3A_672 = tpu.memref_slice %arg2[%add3A_370] : memref<81920xi32, #tpu.memory_space<hbm>> -> memref<128xi32, #tpu.memory_space<hbm>>
      %dma_wait3A_673 = arith.constant 0 : i32
      %dma_wait3A_674 = tpu.memref_slice %arg5[%run_scoped3A_371, %dma_wait3A_673] : memref<2x128xi32, #tpu.memory_space<vmem>> -> memref<1x128xi32, #tpu.memory_space<vmem>>
      %dma_wait3A_675 = tpu.memref_squeeze %dma_wait3A_674 : memref<1x128xi32, #tpu.memory_space<vmem>> -> memref<128xi32, #tpu.memory_space<vmem>>
      %dma_wait3A_676 = tpu.memref_slice %arg2[%add3A_370] : memref<81920xi32, #tpu.memory_space<hbm>> -> memref<128xi32, #tpu.memory_space<hbm>>
      tpu.wait_dma2 semaphore(%run_scoped3A_660 : memref<!tpu.dma_semaphore, #tpu.memory_space<semaphore_mem>>) src(%dma_wait3A_676 : memref<128xi32, #tpu.memory_space<hbm>>) dst(%dma_wait3A_675 : memref<128xi32, #tpu.memory_space<vmem>>)
      tpu.yield
    }) : () -> ()
    %dma_start3A_372 = arith.constant 0 : i32
    %dma_start3A_373 = arith.constant 0 : i32
    %dma_start3A_374 = arith.constant 0 : i32
    %dma_start3A_375 = arith.constant 0 : i32
    %dma_start3A_376 = tpu.memref_slice %arg6[%dma_start3A_373, %dma_start3A_374, %dma_start3A_375] : memref<2x128x128xf32, #tpu.memory_space<vmem>> -> memref<1x128x128xf32, #tpu.memory_space<vmem>>
    %dma_start3A_377 = tpu.memref_squeeze %dma_start3A_376 : memref<1x128x128xf32, #tpu.memory_space<vmem>> -> memref<128x128xf32, #tpu.memory_space<vmem>>
    %dma_start3A_378 = arith.constant 0 : i32
    %dma_start3A_379 = tpu.memref_slice %arg5[%dma_start3A_372, %dma_start3A_378] : memref<2x128xi32, #tpu.memory_space<vmem>> -> memref<1x128xi32, #tpu.memory_space<vmem>>
    %dma_start3A_380 = tpu.memref_squeeze %dma_start3A_379 : memref<1x128xi32, #tpu.memory_space<vmem>> -> memref<128xi32, #tpu.memory_space<vmem>>
    %dma_start3A_381 = arith.constant 0 : i32
    %dma_start3A_382 = arith.constant 0 : i32
    %dma_start3A_383 = tpu.memref_slice %arg3[%dma_start3A_381, %dma_start3A_382] : memref<100000x128xf32, #tpu.memory_space<hbm>> -> memref<100000x128xf32, #tpu.memory_space<hbm>>
    tpu.enqueue_indirect_dma source(%dma_start3A_383 : memref<100000x128xf32, #tpu.memory_space<hbm>>) target(%dma_start3A_377 : memref<128x128xf32, #tpu.memory_space<vmem>>) offsets(%dma_start3A_380 : memref<128xi32, #tpu.memory_space<vmem>>) semaphore(%arg8 : memref<!tpu.dma_semaphore, #tpu.memory_space<semaphore_mem>>)
    %dma_wait3A_384 = arith.constant 1 : i32
    %dma_wait3A_385 = arith.constant 1 : i32
    %dma_wait3A_386 = arith.constant 0 : i32
    %dma_wait3A_387 = arith.constant 0 : i32
    %dma_wait3A_388 = tpu.memref_slice %arg6[%dma_wait3A_385, %dma_wait3A_386, %dma_wait3A_387] : memref<2x128x128xf32, #tpu.memory_space<vmem>> -> memref<1x128x128xf32, #tpu.memory_space<vmem>>
    %dma_wait3A_389 = tpu.memref_squeeze %dma_wait3A_388 : memref<1x128x128xf32, #tpu.memory_space<vmem>> -> memref<128x128xf32, #tpu.memory_space<vmem>>
    %dma_wait3A_390 = arith.constant 0 : i32
    %dma_wait3A_391 = tpu.memref_slice %arg5[%dma_wait3A_384, %dma_wait3A_390] : memref<2x128xi32, #tpu.memory_space<vmem>> -> memref<1x128xi32, #tpu.memory_space<vmem>>
    %dma_wait3A_392 = tpu.memref_squeeze %dma_wait3A_391 : memref<1x128xi32, #tpu.memory_space<vmem>> -> memref<128xi32, #tpu.memory_space<vmem>>
    %dma_wait3A_393 = arith.constant 0 : i32
    %dma_wait3A_394 = arith.constant 0 : i32
    %dma_wait3A_395 = tpu.memref_slice %arg3[%dma_wait3A_393, %dma_wait3A_394] : memref<100000x128xf32, #tpu.memory_space<hbm>> -> memref<100000x128xf32, #tpu.memory_space<hbm>>
    tpu.wait_indirect_dma semaphore(%arg9 : memref<!tpu.dma_semaphore, #tpu.memory_space<semaphore_mem>>) src(%dma_wait3A_395 : memref<100000x128xf32, #tpu.memory_space<hbm>>) dst(%dma_wait3A_389 : memref<128x128xf32, #tpu.memory_space<vmem>>)
    %scan3A_396 = arith.constant 0 : i32
    %scan3A_397 = arith.constant 0 : i32
    %scan3A_398 = arith.constant 64 : i32
    %scan3A_399 = arith.addi %scan3A_397, %scan3A_398 : i32
    %scan3A_400 = arith.constant 1 : i32
    %scan3A_401 = scf.for %scan3A_660 = %scan3A_397 to %scan3A_399 step %scan3A_400 iter_args(%scan3A_661 = %scan3A_396) -> (i32)  : i32 {
      %mul3A_662 = arith.constant 2 : i32
      %mul3A_663 = arith.muli %scan3A_660, %mul3A_662 : i32
      %add3A_664 = arith.constant 1 : i32
      %add3A_665 = arith.addi %mul3A_663, %add3A_664 : i32
      %get3A = arith.index_cast %mul3A_663 : i32 to index
      %get3A_666 = arith.constant 0 : index
      %get3A_667 = tpu.vector_load %arg7[%get3A, %get3A_666] {strides = array<i32>} : memref<128x128xf32, #tpu.memory_space<vmem>>, vector<1x16xf32>,
      %get3A_668 = vector.shape_cast %get3A_667 : vector<1x16xf32> to vector<16xf32>
      %get3A_669 = arith.constant 1 : i32
      %get3A_670 = arith.index_cast %get3A_669 : i32 to index
      %get3A_671 = arith.index_cast %mul3A_663 : i32 to index
      %get3A_672 = arith.constant 0 : index
      %get3A_673 = tpu.vector_load %arg6[%get3A_670, %get3A_671, %get3A_672] {strides = array<i32>} : memref<2x128x128xf32, #tpu.memory_space<vmem>>, vector<1x1x16xf32>,
      %get3A_674 = vector.shape_cast %get3A_673 : vector<1x1x16xf32> to vector<16xf32>
      %add3A_675 = arith.addf %get3A_668, %get3A_674 : vector<16xf32>
      %swap3A = arith.index_cast %mul3A_663 : i32 to index
      %swap3A_676 = arith.constant 0 : index
      %swap3A_677 = tpu.vector_load %arg7[%swap3A, %swap3A_676] {strides = array<i32>} : memref<128x128xf32, #tpu.memory_space<vmem>>, vector<1x16xf32>,
      %swap3A_678 = vector.shape_cast %swap3A_677 : vector<1x16xf32> to vector<16xf32>
      %swap3A_679 = vector.shape_cast %add3A_675 : vector<16xf32> to vector<1x16xf32>
      tpu.vector_store %arg7[%swap3A, %swap3A_676], %swap3A_679 {strides = array<i32>} : memref<128x128xf32, #tpu.memory_space<vmem>>, vector<1x16xf32>,
      %get3A_680 = arith.index_cast %mul3A_663 : i32 to index
      %get3A_681 = arith.constant 16 : index
      %get3A_682 = tpu.vector_load %arg7[%get3A_680, %get3A_681] {strides = array<i32>} : memref<128x128xf32, #tpu.memory_space<vmem>>, vector<1x16xf32>,
      %get3A_683 = vector.shape_cast %get3A_682 : vector<1x16xf32> to vector<16xf32>
      %get3A_684 = arith.constant 1 : i32
      %get3A_685 = arith.index_cast %get3A_684 : i32 to index
      %get3A_686 = arith.index_cast %mul3A_663 : i32 to index
      %get3A_687 = arith.constant 16 : index
      %get3A_688 = tpu.vector_load %arg6[%get3A_685, %get3A_686, %get3A_687] {strides = array<i32>} : memref<2x128x128xf32, #tpu.memory_space<vmem>>, vector<1x1x16xf32>,
      %get3A_689 = vector.shape_cast %get3A_688 : vector<1x1x16xf32> to vector<16xf32>
      %add3A_690 = arith.addf %get3A_683, %get3A_689 : vector<16xf32>
      %swap3A_691 = arith.index_cast %mul3A_663 : i32 to index
      %swap3A_692 = arith.constant 16 : index
      %swap3A_693 = tpu.vector_load %arg7[%swap3A_691, %swap3A_692] {strides = array<i32>} : memref<128x128xf32, #tpu.memory_space<vmem>>, vector<1x16xf32>,
      %swap3A_694 = vector.shape_cast %swap3A_693 : vector<1x16xf32> to vector<16xf32>
      %swap3A_695 = vector.shape_cast %add3A_690 : vector<16xf32> to vector<1x16xf32>
      tpu.vector_store %arg7[%swap3A_691, %swap3A_692], %swap3A_695 {strides = array<i32>} : memref<128x128xf32, #tpu.memory_space<vmem>>, vector<1x16xf32>,
      %get3A_696 = arith.index_cast %mul3A_663 : i32 to index
      %get3A_697 = arith.constant 32 : index
      %get3A_698 = tpu.vector_load %arg7[%get3A_696, %get3A_697] {strides = array<i32>} : memref<128x128xf32, #tpu.memory_space<vmem>>, vector<1x16xf32>,
      %get3A_699 = vector.shape_cast %get3A_698 : vector<1x16xf32> to vector<16xf32>
      %get3A_700 = arith.constant 1 : i32
      %get3A_701 = arith.index_cast %get3A_700 : i32 to index
      %get3A_702 = arith.index_cast %mul3A_663 : i32 to index
      %get3A_703 = arith.constant 32 : index
      %get3A_704 = tpu.vector_load %arg6[%get3A_701, %get3A_702, %get3A_703] {strides = array<i32>} : memref<2x128x128xf32, #tpu.memory_space<vmem>>, vector<1x1x16xf32>,
      %get3A_705 = vector.shape_cast %get3A_704 : vector<1x1x16xf32> to vector<16xf32>
      %add3A_706 = arith.addf %get3A_699, %get3A_705 : vector<16xf32>
      %swap3A_707 = arith.index_cast %mul3A_663 : i32 to index
      %swap3A_708 = arith.constant 32 : index
      %swap3A_709 = tpu.vector_load %arg7[%swap3A_707, %swap3A_708] {strides = array<i32>} : memref<128x128xf32, #tpu.memory_space<vmem>>, vector<1x16xf32>,
      %swap3A_710 = vector.shape_cast %swap3A_709 : vector<1x16xf32> to vector<16xf32>
      %swap3A_711 = vector.shape_cast %add3A_706 : vector<16xf32> to vector<1x16xf32>
      tpu.vector_store %arg7[%swap3A_707, %swap3A_708], %swap3A_711 {strides = array<i32>} : memref<128x128xf32, #tpu.memory_space<vmem>>, vector<1x16xf32>,
      %get3A_712 = arith.index_cast %mul3A_663 : i32 to index
      %get3A_713 = arith.constant 48 : index
      %get3A_714 = tpu.vector_load %arg7[%get3A_712, %get3A_713] {strides = array<i32>} : memref<128x128xf32, #tpu.memory_space<vmem>>, vector<1x16xf32>,
      %get3A_715 = vector.shape_cast %get3A_714 : vector<1x16xf32> to vector<16xf32>
      %get3A_716 = arith.constant 1 : i32
      %get3A_717 = arith.index_cast %get3A_716 : i32 to index
      %get3A_718 = arith.index_cast %mul3A_663 : i32 to index
      %get3A_719 = arith.constant 48 : index
      %get3A_720 = tpu.vector_load %arg6[%get3A_717, %get3A_718, %get3A_719] {strides = array<i32>} : memref<2x128x128xf32, #tpu.memory_space<vmem>>, vector<1x1x16xf32>,
      %get3A_721 = vector.shape_cast %get3A_720 : vector<1x1x16xf32> to vector<16xf32>
      %add3A_722 = arith.addf %get3A_715, %get3A_721 : vector<16xf32>
      %swap3A_723 = arith.index_cast %mul3A_663 : i32 to index
      %swap3A_724 = arith.constant 48 : index
      %swap3A_725 = tpu.vector_load %arg7[%swap3A_723, %swap3A_724] {strides = array<i32>} : memref<128x128xf32, #tpu.memory_space<vmem>>, vector<1x16xf32>,
      %swap3A_726 = vector.shape_cast %swap3A_725 : vector<1x16xf32> to vector<16xf32>
      %swap3A_727 = vector.shape_cast %add3A_722 : vector<16xf32> to vector<1x16xf32>
      tpu.vector_store %arg7[%swap3A_723, %swap3A_724], %swap3A_727 {strides = array<i32>} : memref<128x128xf32, #tpu.memory_space<vmem>>, vector<1x16xf32>,
      %get3A_728 = arith.index_cast %add3A_665 : i32 to index
      %get3A_729 = arith.constant 0 : index
      %get3A_730 = tpu.vector_load %arg7[%get3A_728, %get3A_729] {strides = array<i32>} : memref<128x128xf32, #tpu.memory_space<vmem>>, vector<1x16xf32>,
      %get3A_731 = vector.shape_cast %get3A_730 : vector<1x16xf32> to vector<16xf32>
      %get3A_732 = arith.constant 1 : i32
      %get3A_733 = arith.index_cast %get3A_732 : i32 to index
      %get3A_734 = arith.index_cast %add3A_665 : i32 to index
      %get3A_735 = arith.constant 0 : index
      %get3A_736 = tpu.vector_load %arg6[%get3A_733, %get3A_734, %get3A_735] {strides = array<i32>} : memref<2x128x128xf32, #tpu.memory_space<vmem>>, vector<1x1x16xf32>,
      %get3A_737 = vector.shape_cast %get3A_736 : vector<1x1x16xf32> to vector<16xf32>
      %add3A_738 = arith.addf %get3A_731, %get3A_737 : vector<16xf32>
      %swap3A_739 = arith.index_cast %add3A_665 : i32 to index
      %swap3A_740 = arith.constant 0 : index
      %swap3A_741 = tpu.vector_load %arg7[%swap3A_739, %swap3A_740] {strides = array<i32>} : memref<128x128xf32, #tpu.memory_space<vmem>>, vector<1x16xf32>,
      %swap3A_742 = vector.shape_cast %swap3A_741 : vector<1x16xf32> to vector<16xf32>
      %swap3A_743 = vector.shape_cast %add3A_738 : vector<16xf32> to vector<1x16xf32>
      tpu.vector_store %arg7[%swap3A_739, %swap3A_740], %swap3A_743 {strides = array<i32>} : memref<128x128xf32, #tpu.memory_space<vmem>>, vector<1x16xf32>,
      %get3A_744 = arith.index_cast %add3A_665 : i32 to index
      %get3A_745 = arith.constant 16 : index
      %get3A_746 = tpu.vector_load %arg7[%get3A_744, %get3A_745] {strides = array<i32>} : memref<128x128xf32, #tpu.memory_space<vmem>>, vector<1x16xf32>,
      %get3A_747 = vector.shape_cast %get3A_746 : vector<1x16xf32> to vector<16xf32>
      %get3A_748 = arith.constant 1 : i32
      %get3A_749 = arith.index_cast %get3A_748 : i32 to index
      %get3A_750 = arith.index_cast %add3A_665 : i32 to index
      %get3A_751 = arith.constant 16 : index
      %get3A_752 = tpu.vector_load %arg6[%get3A_749, %get3A_750, %get3A_751] {strides = array<i32>} : memref<2x128x128xf32, #tpu.memory_space<vmem>>, vector<1x1x16xf32>,
      %get3A_753 = vector.shape_cast %get3A_752 : vector<1x1x16xf32> to vector<16xf32>
      %add3A_754 = arith.addf %get3A_747, %get3A_753 : vector<16xf32>
      %swap3A_755 = arith.index_cast %add3A_665 : i32 to index
      %swap3A_756 = arith.constant 16 : index
      %swap3A_757 = tpu.vector_load %arg7[%swap3A_755, %swap3A_756] {strides = array<i32>} : memref<128x128xf32, #tpu.memory_space<vmem>>, vector<1x16xf32>,
      %swap3A_758 = vector.shape_cast %swap3A_757 : vector<1x16xf32> to vector<16xf32>
      %swap3A_759 = vector.shape_cast %add3A_754 : vector<16xf32> to vector<1x16xf32>
      tpu.vector_store %arg7[%swap3A_755, %swap3A_756], %swap3A_759 {strides = array<i32>} : memref<128x128xf32, #tpu.memory_space<vmem>>, vector<1x16xf32>,
      %get3A_760 = arith.index_cast %add3A_665 : i32 to index
      %get3A_761 = arith.constant 32 : index
      %get3A_762 = tpu.vector_load %arg7[%get3A_760, %get3A_761] {strides = array<i32>} : memref<128x128xf32, #tpu.memory_space<vmem>>, vector<1x16xf32>,
      %get3A_763 = vector.shape_cast %get3A_762 : vector<1x16xf32> to vector<16xf32>
      %get3A_764 = arith.constant 1 : i32
      %get3A_765 = arith.index_cast %get3A_764 : i32 to index
      %get3A_766 = arith.index_cast %add3A_665 : i32 to index
      %get3A_767 = arith.constant 32 : index
      %get3A_768 = tpu.vector_load %arg6[%get3A_765, %get3A_766, %get3A_767] {strides = array<i32>} : memref<2x128x128xf32, #tpu.memory_space<vmem>>, vector<1x1x16xf32>,
      %get3A_769 = vector.shape_cast %get3A_768 : vector<1x1x16xf32> to vector<16xf32>
      %add3A_770 = arith.addf %get3A_763, %get3A_769 : vector<16xf32>
      %swap3A_771 = arith.index_cast %add3A_665 : i32 to index
      %swap3A_772 = arith.constant 32 : index
      %swap3A_773 = tpu.vector_load %arg7[%swap3A_771, %swap3A_772] {strides = array<i32>} : memref<128x128xf32, #tpu.memory_space<vmem>>, vector<1x16xf32>,
      %swap3A_774 = vector.shape_cast %swap3A_773 : vector<1x16xf32> to vector<16xf32>
      %swap3A_775 = vector.shape_cast %add3A_770 : vector<16xf32> to vector<1x16xf32>
      tpu.vector_store %arg7[%swap3A_771, %swap3A_772], %swap3A_775 {strides = array<i32>} : memref<128x128xf32, #tpu.memory_space<vmem>>, vector<1x16xf32>,
      %get3A_776 = arith.index_cast %add3A_665 : i32 to index
      %get3A_777 = arith.constant 48 : index
      %get3A_778 = tpu.vector_load %arg7[%get3A_776, %get3A_777] {strides = array<i32>} : memref<128x128xf32, #tpu.memory_space<vmem>>, vector<1x16xf32>,
      %get3A_779 = vector.shape_cast %get3A_778 : vector<1x16xf32> to vector<16xf32>
      %get3A_780 = arith.constant 1 : i32
      %get3A_781 = arith.index_cast %get3A_780 : i32 to index
      %get3A_782 = arith.index_cast %add3A_665 : i32 to index
      %get3A_783 = arith.constant 48 : index
      %get3A_784 = tpu.vector_load %arg6[%get3A_781, %get3A_782, %get3A_783] {strides = array<i32>} : memref<2x128x128xf32, #tpu.memory_space<vmem>>, vector<1x1x16xf32>,
      %get3A_785 = vector.shape_cast %get3A_784 : vector<1x1x16xf32> to vector<16xf32>
      %add3A_786 = arith.addf %get3A_779, %get3A_785 : vector<16xf32>
      %swap3A_787 = arith.index_cast %add3A_665 : i32 to index
      %swap3A_788 = arith.constant 48 : index
      %swap3A_789 = tpu.vector_load %arg7[%swap3A_787, %swap3A_788] {strides = array<i32>} : memref<128x128xf32, #tpu.memory_space<vmem>>, vector<1x16xf32>,
      %swap3A_790 = vector.shape_cast %swap3A_789 : vector<1x16xf32> to vector<16xf32>
      %swap3A_791 = vector.shape_cast %add3A_786 : vector<16xf32> to vector<1x16xf32>
      tpu.vector_store %arg7[%swap3A_787, %swap3A_788], %swap3A_791 {strides = array<i32>} : memref<128x128xf32, #tpu.memory_space<vmem>>, vector<1x16xf32>,
      %scan3A_792 = arith.constant 0 : i32
      scf.yield %scan3A_792 : i32
    }
    %scan3A_402 = arith.constant 64 : i32
    %add3A_403 = arith.constant 53248 : i32
    %add3A_404 = arith.addi %add3A_403, %mul3A_2 : i32
    %run_scoped3A_405 = arith.constant 1 : i32
    "tpu.region"() ({
      %run_scoped3A_660 = tpu.sem_alloc : memref<!tpu.dma_semaphore, #tpu.memory_space<semaphore_mem>>
      %dma_start3A_661 = arith.constant 0 : i32
      %dma_start3A_662 = tpu.memref_slice %arg5[%run_scoped3A_405, %dma_start3A_661] : memref<2x128xi32, #tpu.memory_space<vmem>> -> memref<1x128xi32, #tpu.memory_space<vmem>>
      %dma_start3A_663 = tpu.memref_squeeze %dma_start3A_662 : memref<1x128xi32, #tpu.memory_space<vmem>> -> memref<128xi32, #tpu.memory_space<vmem>>
      %dma_start3A_664 = tpu.memref_slice %arg2[%add3A_404] : memref<81920xi32, #tpu.memory_space<hbm>> -> memref<128xi32, #tpu.memory_space<hbm>>
      %dma_start3A_665 = arith.constant 0 : i32
      %dma_start3A_666 = tpu.memref_slice %arg5[%run_scoped3A_405, %dma_start3A_665] : memref<2x128xi32, #tpu.memory_space<vmem>> -> memref<1x128xi32, #tpu.memory_space<vmem>>
      %dma_start3A_667 = tpu.memref_squeeze %dma_start3A_666 : memref<1x128xi32, #tpu.memory_space<vmem>> -> memref<128xi32, #tpu.memory_space<vmem>>
      %dma_start3A_668 = tpu.memref_slice %arg2[%add3A_404] : memref<81920xi32, #tpu.memory_space<hbm>> -> memref<128xi32, #tpu.memory_space<hbm>>
      tpu.enqueue_dma source(%dma_start3A_668 : memref<128xi32, #tpu.memory_space<hbm>>) target(%dma_start3A_667 : memref<128xi32, #tpu.memory_space<vmem>>) target_semaphore(%run_scoped3A_660 : memref<!tpu.dma_semaphore, #tpu.memory_space<semaphore_mem>>)
      %dma_wait3A_669 = arith.constant 0 : i32
      %dma_wait3A_670 = tpu.memref_slice %arg5[%run_scoped3A_405, %dma_wait3A_669] : memref<2x128xi32, #tpu.memory_space<vmem>> -> memref<1x128xi32, #tpu.memory_space<vmem>>
      %dma_wait3A_671 = tpu.memref_squeeze %dma_wait3A_670 : memref<1x128xi32, #tpu.memory_space<vmem>> -> memref<128xi32, #tpu.memory_space<vmem>>
      %dma_wait3A_672 = tpu.memref_slice %arg2[%add3A_404] : memref<81920xi32, #tpu.memory_space<hbm>> -> memref<128xi32, #tpu.memory_space<hbm>>
      %dma_wait3A_673 = arith.constant 0 : i32
      %dma_wait3A_674 = tpu.memref_slice %arg5[%run_scoped3A_405, %dma_wait3A_673] : memref<2x128xi32, #tpu.memory_space<vmem>> -> memref<1x128xi32, #tpu.memory_space<vmem>>
      %dma_wait3A_675 = tpu.memref_squeeze %dma_wait3A_674 : memref<1x128xi32, #tpu.memory_space<vmem>> -> memref<128xi32, #tpu.memory_space<vmem>>
      %dma_wait3A_676 = tpu.memref_slice %arg2[%add3A_404] : memref<81920xi32, #tpu.memory_space<hbm>> -> memref<128xi32, #tpu.memory_space<hbm>>
      tpu.wait_dma2 semaphore(%run_scoped3A_660 : memref<!tpu.dma_semaphore, #tpu.memory_space<semaphore_mem>>) src(%dma_wait3A_676 : memref<128xi32, #tpu.memory_space<hbm>>) dst(%dma_wait3A_675 : memref<128xi32, #tpu.memory_space<vmem>>)
      tpu.yield
    }) : () -> ()
    %dma_start3A_406 = arith.constant 1 : i32
    %dma_start3A_407 = arith.constant 1 : i32
    %dma_start3A_408 = arith.constant 0 : i32
    %dma_start3A_409 = arith.constant 0 : i32
    %dma_start3A_410 = tpu.memref_slice %arg6[%dma_start3A_407, %dma_start3A_408, %dma_start3A_409] : memref<2x128x128xf32, #tpu.memory_space<vmem>> -> memref<1x128x128xf32, #tpu.memory_space<vmem>>
    %dma_start3A_411 = tpu.memref_squeeze %dma_start3A_410 : memref<1x128x128xf32, #tpu.memory_space<vmem>> -> memref<128x128xf32, #tpu.memory_space<vmem>>
    %dma_start3A_412 = arith.constant 0 : i32
    %dma_start3A_413 = tpu.memref_slice %arg5[%dma_start3A_406, %dma_start3A_412] : memref<2x128xi32, #tpu.memory_space<vmem>> -> memref<1x128xi32, #tpu.memory_space<vmem>>
    %dma_start3A_414 = tpu.memref_squeeze %dma_start3A_413 : memref<1x128xi32, #tpu.memory_space<vmem>> -> memref<128xi32, #tpu.memory_space<vmem>>
    %dma_start3A_415 = arith.constant 0 : i32
    %dma_start3A_416 = arith.constant 0 : i32
    %dma_start3A_417 = tpu.memref_slice %arg3[%dma_start3A_415, %dma_start3A_416] : memref<100000x128xf32, #tpu.memory_space<hbm>> -> memref<100000x128xf32, #tpu.memory_space<hbm>>
    tpu.enqueue_indirect_dma source(%dma_start3A_417 : memref<100000x128xf32, #tpu.memory_space<hbm>>) target(%dma_start3A_411 : memref<128x128xf32, #tpu.memory_space<vmem>>) offsets(%dma_start3A_414 : memref<128xi32, #tpu.memory_space<vmem>>) semaphore(%arg9 : memref<!tpu.dma_semaphore, #tpu.memory_space<semaphore_mem>>)
    %dma_wait3A_418 = arith.constant 0 : i32
    %dma_wait3A_419 = arith.constant 0 : i32
    %dma_wait3A_420 = arith.constant 0 : i32
    %dma_wait3A_421 = arith.constant 0 : i32
    %dma_wait3A_422 = tpu.memref_slice %arg6[%dma_wait3A_419, %dma_wait3A_420, %dma_wait3A_421] : memref<2x128x128xf32, #tpu.memory_space<vmem>> -> memref<1x128x128xf32, #tpu.memory_space<vmem>>
    %dma_wait3A_423 = tpu.memref_squeeze %dma_wait3A_422 : memref<1x128x128xf32, #tpu.memory_space<vmem>> -> memref<128x128xf32, #tpu.memory_space<vmem>>
    %dma_wait3A_424 = arith.constant 0 : i32
    %dma_wait3A_425 = tpu.memref_slice %arg5[%dma_wait3A_418, %dma_wait3A_424] : memref<2x128xi32, #tpu.memory_space<vmem>> -> memref<1x128xi32, #tpu.memory_space<vmem>>
    %dma_wait3A_426 = tpu.memref_squeeze %dma_wait3A_425 : memref<1x128xi32, #tpu.memory_space<vmem>> -> memref<128xi32, #tpu.memory_space<vmem>>
    %dma_wait3A_427 = arith.constant 0 : i32
    %dma_wait3A_428 = arith.constant 0 : i32
    %dma_wait3A_429 = tpu.memref_slice %arg3[%dma_wait3A_427, %dma_wait3A_428] : memref<100000x128xf32, #tpu.memory_space<hbm>> -> memref<100000x128xf32, #tpu.memory_space<hbm>>
    tpu.wait_indirect_dma semaphore(%arg8 : memref<!tpu.dma_semaphore, #tpu.memory_space<semaphore_mem>>) src(%dma_wait3A_429 : memref<100000x128xf32, #tpu.memory_space<hbm>>) dst(%dma_wait3A_423 : memref<128x128xf32, #tpu.memory_space<vmem>>)
    %scan3A_430 = arith.constant 0 : i32
    %scan3A_431 = arith.constant 0 : i32
    %scan3A_432 = arith.constant 64 : i32
    %scan3A_433 = arith.addi %scan3A_431, %scan3A_432 : i32
    %scan3A_434 = arith.constant 1 : i32
    %scan3A_435 = scf.for %scan3A_660 = %scan3A_431 to %scan3A_433 step %scan3A_434 iter_args(%scan3A_661 = %scan3A_430) -> (i32)  : i32 {
      %mul3A_662 = arith.constant 2 : i32
      %mul3A_663 = arith.muli %scan3A_660, %mul3A_662 : i32
      %add3A_664 = arith.constant 1 : i32
      %add3A_665 = arith.addi %mul3A_663, %add3A_664 : i32
      %get3A = arith.index_cast %mul3A_663 : i32 to index
      %get3A_666 = arith.constant 0 : index
      %get3A_667 = tpu.vector_load %arg7[%get3A, %get3A_666] {strides = array<i32>} : memref<128x128xf32, #tpu.memory_space<vmem>>, vector<1x16xf32>,
      %get3A_668 = vector.shape_cast %get3A_667 : vector<1x16xf32> to vector<16xf32>
      %get3A_669 = arith.constant 0 : i32
      %get3A_670 = arith.index_cast %get3A_669 : i32 to index
      %get3A_671 = arith.index_cast %mul3A_663 : i32 to index
      %get3A_672 = arith.constant 0 : index
      %get3A_673 = tpu.vector_load %arg6[%get3A_670, %get3A_671, %get3A_672] {strides = array<i32>} : memref<2x128x128xf32, #tpu.memory_space<vmem>>, vector<1x1x16xf32>,
      %get3A_674 = vector.shape_cast %get3A_673 : vector<1x1x16xf32> to vector<16xf32>
      %add3A_675 = arith.addf %get3A_668, %get3A_674 : vector<16xf32>
      %swap3A = arith.index_cast %mul3A_663 : i32 to index
      %swap3A_676 = arith.constant 0 : index
      %swap3A_677 = tpu.vector_load %arg7[%swap3A, %swap3A_676] {strides = array<i32>} : memref<128x128xf32, #tpu.memory_space<vmem>>, vector<1x16xf32>,
      %swap3A_678 = vector.shape_cast %swap3A_677 : vector<1x16xf32> to vector<16xf32>
      %swap3A_679 = vector.shape_cast %add3A_675 : vector<16xf32> to vector<1x16xf32>
      tpu.vector_store %arg7[%swap3A, %swap3A_676], %swap3A_679 {strides = array<i32>} : memref<128x128xf32, #tpu.memory_space<vmem>>, vector<1x16xf32>,
      %get3A_680 = arith.index_cast %mul3A_663 : i32 to index
      %get3A_681 = arith.constant 16 : index
      %get3A_682 = tpu.vector_load %arg7[%get3A_680, %get3A_681] {strides = array<i32>} : memref<128x128xf32, #tpu.memory_space<vmem>>, vector<1x16xf32>,
      %get3A_683 = vector.shape_cast %get3A_682 : vector<1x16xf32> to vector<16xf32>
      %get3A_684 = arith.constant 0 : i32
      %get3A_685 = arith.index_cast %get3A_684 : i32 to index
      %get3A_686 = arith.index_cast %mul3A_663 : i32 to index
      %get3A_687 = arith.constant 16 : index
      %get3A_688 = tpu.vector_load %arg6[%get3A_685, %get3A_686, %get3A_687] {strides = array<i32>} : memref<2x128x128xf32, #tpu.memory_space<vmem>>, vector<1x1x16xf32>,
      %get3A_689 = vector.shape_cast %get3A_688 : vector<1x1x16xf32> to vector<16xf32>
      %add3A_690 = arith.addf %get3A_683, %get3A_689 : vector<16xf32>
      %swap3A_691 = arith.index_cast %mul3A_663 : i32 to index
      %swap3A_692 = arith.constant 16 : index
      %swap3A_693 = tpu.vector_load %arg7[%swap3A_691, %swap3A_692] {strides = array<i32>} : memref<128x128xf32, #tpu.memory_space<vmem>>, vector<1x16xf32>,
      %swap3A_694 = vector.shape_cast %swap3A_693 : vector<1x16xf32> to vector<16xf32>
      %swap3A_695 = vector.shape_cast %add3A_690 : vector<16xf32> to vector<1x16xf32>
      tpu.vector_store %arg7[%swap3A_691, %swap3A_692], %swap3A_695 {strides = array<i32>} : memref<128x128xf32, #tpu.memory_space<vmem>>, vector<1x16xf32>,
      %get3A_696 = arith.index_cast %mul3A_663 : i32 to index
      %get3A_697 = arith.constant 32 : index
      %get3A_698 = tpu.vector_load %arg7[%get3A_696, %get3A_697] {strides = array<i32>} : memref<128x128xf32, #tpu.memory_space<vmem>>, vector<1x16xf32>,
      %get3A_699 = vector.shape_cast %get3A_698 : vector<1x16xf32> to vector<16xf32>
      %get3A_700 = arith.constant 0 : i32
      %get3A_701 = arith.index_cast %get3A_700 : i32 to index
      %get3A_702 = arith.index_cast %mul3A_663 : i32 to index
      %get3A_703 = arith.constant 32 : index
      %get3A_704 = tpu.vector_load %arg6[%get3A_701, %get3A_702, %get3A_703] {strides = array<i32>} : memref<2x128x128xf32, #tpu.memory_space<vmem>>, vector<1x1x16xf32>,
      %get3A_705 = vector.shape_cast %get3A_704 : vector<1x1x16xf32> to vector<16xf32>
      %add3A_706 = arith.addf %get3A_699, %get3A_705 : vector<16xf32>
      %swap3A_707 = arith.index_cast %mul3A_663 : i32 to index
      %swap3A_708 = arith.constant 32 : index
      %swap3A_709 = tpu.vector_load %arg7[%swap3A_707, %swap3A_708] {strides = array<i32>} : memref<128x128xf32, #tpu.memory_space<vmem>>, vector<1x16xf32>,
      %swap3A_710 = vector.shape_cast %swap3A_709 : vector<1x16xf32> to vector<16xf32>
      %swap3A_711 = vector.shape_cast %add3A_706 : vector<16xf32> to vector<1x16xf32>
      tpu.vector_store %arg7[%swap3A_707, %swap3A_708], %swap3A_711 {strides = array<i32>} : memref<128x128xf32, #tpu.memory_space<vmem>>, vector<1x16xf32>,
      %get3A_712 = arith.index_cast %mul3A_663 : i32 to index
      %get3A_713 = arith.constant 48 : index
      %get3A_714 = tpu.vector_load %arg7[%get3A_712, %get3A_713] {strides = array<i32>} : memref<128x128xf32, #tpu.memory_space<vmem>>, vector<1x16xf32>,
      %get3A_715 = vector.shape_cast %get3A_714 : vector<1x16xf32> to vector<16xf32>
      %get3A_716 = arith.constant 0 : i32
      %get3A_717 = arith.index_cast %get3A_716 : i32 to index
      %get3A_718 = arith.index_cast %mul3A_663 : i32 to index
      %get3A_719 = arith.constant 48 : index
      %get3A_720 = tpu.vector_load %arg6[%get3A_717, %get3A_718, %get3A_719] {strides = array<i32>} : memref<2x128x128xf32, #tpu.memory_space<vmem>>, vector<1x1x16xf32>,
      %get3A_721 = vector.shape_cast %get3A_720 : vector<1x1x16xf32> to vector<16xf32>
      %add3A_722 = arith.addf %get3A_715, %get3A_721 : vector<16xf32>
      %swap3A_723 = arith.index_cast %mul3A_663 : i32 to index
      %swap3A_724 = arith.constant 48 : index
      %swap3A_725 = tpu.vector_load %arg7[%swap3A_723, %swap3A_724] {strides = array<i32>} : memref<128x128xf32, #tpu.memory_space<vmem>>, vector<1x16xf32>,
      %swap3A_726 = vector.shape_cast %swap3A_725 : vector<1x16xf32> to vector<16xf32>
      %swap3A_727 = vector.shape_cast %add3A_722 : vector<16xf32> to vector<1x16xf32>
      tpu.vector_store %arg7[%swap3A_723, %swap3A_724], %swap3A_727 {strides = array<i32>} : memref<128x128xf32, #tpu.memory_space<vmem>>, vector<1x16xf32>,
      %get3A_728 = arith.index_cast %add3A_665 : i32 to index
      %get3A_729 = arith.constant 0 : index
      %get3A_730 = tpu.vector_load %arg7[%get3A_728, %get3A_729] {strides = array<i32>} : memref<128x128xf32, #tpu.memory_space<vmem>>, vector<1x16xf32>,
      %get3A_731 = vector.shape_cast %get3A_730 : vector<1x16xf32> to vector<16xf32>
      %get3A_732 = arith.constant 0 : i32
      %get3A_733 = arith.index_cast %get3A_732 : i32 to index
      %get3A_734 = arith.index_cast %add3A_665 : i32 to index
      %get3A_735 = arith.constant 0 : index
      %get3A_736 = tpu.vector_load %arg6[%get3A_733, %get3A_734, %get3A_735] {strides = array<i32>} : memref<2x128x128xf32, #tpu.memory_space<vmem>>, vector<1x1x16xf32>,
      %get3A_737 = vector.shape_cast %get3A_736 : vector<1x1x16xf32> to vector<16xf32>
      %add3A_738 = arith.addf %get3A_731, %get3A_737 : vector<16xf32>
      %swap3A_739 = arith.index_cast %add3A_665 : i32 to index
      %swap3A_740 = arith.constant 0 : index
      %swap3A_741 = tpu.vector_load %arg7[%swap3A_739, %swap3A_740] {strides = array<i32>} : memref<128x128xf32, #tpu.memory_space<vmem>>, vector<1x16xf32>,
      %swap3A_742 = vector.shape_cast %swap3A_741 : vector<1x16xf32> to vector<16xf32>
      %swap3A_743 = vector.shape_cast %add3A_738 : vector<16xf32> to vector<1x16xf32>
      tpu.vector_store %arg7[%swap3A_739, %swap3A_740], %swap3A_743 {strides = array<i32>} : memref<128x128xf32, #tpu.memory_space<vmem>>, vector<1x16xf32>,
      %get3A_744 = arith.index_cast %add3A_665 : i32 to index
      %get3A_745 = arith.constant 16 : index
      %get3A_746 = tpu.vector_load %arg7[%get3A_744, %get3A_745] {strides = array<i32>} : memref<128x128xf32, #tpu.memory_space<vmem>>, vector<1x16xf32>,
      %get3A_747 = vector.shape_cast %get3A_746 : vector<1x16xf32> to vector<16xf32>
      %get3A_748 = arith.constant 0 : i32
      %get3A_749 = arith.index_cast %get3A_748 : i32 to index
      %get3A_750 = arith.index_cast %add3A_665 : i32 to index
      %get3A_751 = arith.constant 16 : index
      %get3A_752 = tpu.vector_load %arg6[%get3A_749, %get3A_750, %get3A_751] {strides = array<i32>} : memref<2x128x128xf32, #tpu.memory_space<vmem>>, vector<1x1x16xf32>,
      %get3A_753 = vector.shape_cast %get3A_752 : vector<1x1x16xf32> to vector<16xf32>
      %add3A_754 = arith.addf %get3A_747, %get3A_753 : vector<16xf32>
      %swap3A_755 = arith.index_cast %add3A_665 : i32 to index
      %swap3A_756 = arith.constant 16 : index
      %swap3A_757 = tpu.vector_load %arg7[%swap3A_755, %swap3A_756] {strides = array<i32>} : memref<128x128xf32, #tpu.memory_space<vmem>>, vector<1x16xf32>,
      %swap3A_758 = vector.shape_cast %swap3A_757 : vector<1x16xf32> to vector<16xf32>
      %swap3A_759 = vector.shape_cast %add3A_754 : vector<16xf32> to vector<1x16xf32>
      tpu.vector_store %arg7[%swap3A_755, %swap3A_756], %swap3A_759 {strides = array<i32>} : memref<128x128xf32, #tpu.memory_space<vmem>>, vector<1x16xf32>,
      %get3A_760 = arith.index_cast %add3A_665 : i32 to index
      %get3A_761 = arith.constant 32 : index
      %get3A_762 = tpu.vector_load %arg7[%get3A_760, %get3A_761] {strides = array<i32>} : memref<128x128xf32, #tpu.memory_space<vmem>>, vector<1x16xf32>,
      %get3A_763 = vector.shape_cast %get3A_762 : vector<1x16xf32> to vector<16xf32>
      %get3A_764 = arith.constant 0 : i32
      %get3A_765 = arith.index_cast %get3A_764 : i32 to index
      %get3A_766 = arith.index_cast %add3A_665 : i32 to index
      %get3A_767 = arith.constant 32 : index
      %get3A_768 = tpu.vector_load %arg6[%get3A_765, %get3A_766, %get3A_767] {strides = array<i32>} : memref<2x128x128xf32, #tpu.memory_space<vmem>>, vector<1x1x16xf32>,
      %get3A_769 = vector.shape_cast %get3A_768 : vector<1x1x16xf32> to vector<16xf32>
      %add3A_770 = arith.addf %get3A_763, %get3A_769 : vector<16xf32>
      %swap3A_771 = arith.index_cast %add3A_665 : i32 to index
      %swap3A_772 = arith.constant 32 : index
      %swap3A_773 = tpu.vector_load %arg7[%swap3A_771, %swap3A_772] {strides = array<i32>} : memref<128x128xf32, #tpu.memory_space<vmem>>, vector<1x16xf32>,
      %swap3A_774 = vector.shape_cast %swap3A_773 : vector<1x16xf32> to vector<16xf32>
      %swap3A_775 = vector.shape_cast %add3A_770 : vector<16xf32> to vector<1x16xf32>
      tpu.vector_store %arg7[%swap3A_771, %swap3A_772], %swap3A_775 {strides = array<i32>} : memref<128x128xf32, #tpu.memory_space<vmem>>, vector<1x16xf32>,
      %get3A_776 = arith.index_cast %add3A_665 : i32 to index
      %get3A_777 = arith.constant 48 : index
      %get3A_778 = tpu.vector_load %arg7[%get3A_776, %get3A_777] {strides = array<i32>} : memref<128x128xf32, #tpu.memory_space<vmem>>, vector<1x16xf32>,
      %get3A_779 = vector.shape_cast %get3A_778 : vector<1x16xf32> to vector<16xf32>
      %get3A_780 = arith.constant 0 : i32
      %get3A_781 = arith.index_cast %get3A_780 : i32 to index
      %get3A_782 = arith.index_cast %add3A_665 : i32 to index
      %get3A_783 = arith.constant 48 : index
      %get3A_784 = tpu.vector_load %arg6[%get3A_781, %get3A_782, %get3A_783] {strides = array<i32>} : memref<2x128x128xf32, #tpu.memory_space<vmem>>, vector<1x1x16xf32>,
      %get3A_785 = vector.shape_cast %get3A_784 : vector<1x1x16xf32> to vector<16xf32>
      %add3A_786 = arith.addf %get3A_779, %get3A_785 : vector<16xf32>
      %swap3A_787 = arith.index_cast %add3A_665 : i32 to index
      %swap3A_788 = arith.constant 48 : index
      %swap3A_789 = tpu.vector_load %arg7[%swap3A_787, %swap3A_788] {strides = array<i32>} : memref<128x128xf32, #tpu.memory_space<vmem>>, vector<1x16xf32>,
      %swap3A_790 = vector.shape_cast %swap3A_789 : vector<1x16xf32> to vector<16xf32>
      %swap3A_791 = vector.shape_cast %add3A_786 : vector<16xf32> to vector<1x16xf32>
      tpu.vector_store %arg7[%swap3A_787, %swap3A_788], %swap3A_791 {strides = array<i32>} : memref<128x128xf32, #tpu.memory_space<vmem>>, vector<1x16xf32>,
      %scan3A_792 = arith.constant 0 : i32
      scf.yield %scan3A_792 : i32
    }
    %scan3A_436 = arith.constant 64 : i32
    %add3A_437 = arith.constant 57344 : i32
    %add3A_438 = arith.addi %add3A_437, %mul3A_2 : i32
    %run_scoped3A_439 = arith.constant 0 : i32
    "tpu.region"() ({
      %run_scoped3A_660 = tpu.sem_alloc : memref<!tpu.dma_semaphore, #tpu.memory_space<semaphore_mem>>
      %dma_start3A_661 = arith.constant 0 : i32
      %dma_start3A_662 = tpu.memref_slice %arg5[%run_scoped3A_439, %dma_start3A_661] : memref<2x128xi32, #tpu.memory_space<vmem>> -> memref<1x128xi32, #tpu.memory_space<vmem>>
      %dma_start3A_663 = tpu.memref_squeeze %dma_start3A_662 : memref<1x128xi32, #tpu.memory_space<vmem>> -> memref<128xi32, #tpu.memory_space<vmem>>
      %dma_start3A_664 = tpu.memref_slice %arg2[%add3A_438] : memref<81920xi32, #tpu.memory_space<hbm>> -> memref<128xi32, #tpu.memory_space<hbm>>
      %dma_start3A_665 = arith.constant 0 : i32
      %dma_start3A_666 = tpu.memref_slice %arg5[%run_scoped3A_439, %dma_start3A_665] : memref<2x128xi32, #tpu.memory_space<vmem>> -> memref<1x128xi32, #tpu.memory_space<vmem>>
      %dma_start3A_667 = tpu.memref_squeeze %dma_start3A_666 : memref<1x128xi32, #tpu.memory_space<vmem>> -> memref<128xi32, #tpu.memory_space<vmem>>
      %dma_start3A_668 = tpu.memref_slice %arg2[%add3A_438] : memref<81920xi32, #tpu.memory_space<hbm>> -> memref<128xi32, #tpu.memory_space<hbm>>
      tpu.enqueue_dma source(%dma_start3A_668 : memref<128xi32, #tpu.memory_space<hbm>>) target(%dma_start3A_667 : memref<128xi32, #tpu.memory_space<vmem>>) target_semaphore(%run_scoped3A_660 : memref<!tpu.dma_semaphore, #tpu.memory_space<semaphore_mem>>)
      %dma_wait3A_669 = arith.constant 0 : i32
      %dma_wait3A_670 = tpu.memref_slice %arg5[%run_scoped3A_439, %dma_wait3A_669] : memref<2x128xi32, #tpu.memory_space<vmem>> -> memref<1x128xi32, #tpu.memory_space<vmem>>
      %dma_wait3A_671 = tpu.memref_squeeze %dma_wait3A_670 : memref<1x128xi32, #tpu.memory_space<vmem>> -> memref<128xi32, #tpu.memory_space<vmem>>
      %dma_wait3A_672 = tpu.memref_slice %arg2[%add3A_438] : memref<81920xi32, #tpu.memory_space<hbm>> -> memref<128xi32, #tpu.memory_space<hbm>>
      %dma_wait3A_673 = arith.constant 0 : i32
      %dma_wait3A_674 = tpu.memref_slice %arg5[%run_scoped3A_439, %dma_wait3A_673] : memref<2x128xi32, #tpu.memory_space<vmem>> -> memref<1x128xi32, #tpu.memory_space<vmem>>
      %dma_wait3A_675 = tpu.memref_squeeze %dma_wait3A_674 : memref<1x128xi32, #tpu.memory_space<vmem>> -> memref<128xi32, #tpu.memory_space<vmem>>
      %dma_wait3A_676 = tpu.memref_slice %arg2[%add3A_438] : memref<81920xi32, #tpu.memory_space<hbm>> -> memref<128xi32, #tpu.memory_space<hbm>>
      tpu.wait_dma2 semaphore(%run_scoped3A_660 : memref<!tpu.dma_semaphore, #tpu.memory_space<semaphore_mem>>) src(%dma_wait3A_676 : memref<128xi32, #tpu.memory_space<hbm>>) dst(%dma_wait3A_675 : memref<128xi32, #tpu.memory_space<vmem>>)
      tpu.yield
    }) : () -> ()
    %dma_start3A_440 = arith.constant 0 : i32
    %dma_start3A_441 = arith.constant 0 : i32
    %dma_start3A_442 = arith.constant 0 : i32
    %dma_start3A_443 = arith.constant 0 : i32
    %dma_start3A_444 = tpu.memref_slice %arg6[%dma_start3A_441, %dma_start3A_442, %dma_start3A_443] : memref<2x128x128xf32, #tpu.memory_space<vmem>> -> memref<1x128x128xf32, #tpu.memory_space<vmem>>
    %dma_start3A_445 = tpu.memref_squeeze %dma_start3A_444 : memref<1x128x128xf32, #tpu.memory_space<vmem>> -> memref<128x128xf32, #tpu.memory_space<vmem>>
    %dma_start3A_446 = arith.constant 0 : i32
    %dma_start3A_447 = tpu.memref_slice %arg5[%dma_start3A_440, %dma_start3A_446] : memref<2x128xi32, #tpu.memory_space<vmem>> -> memref<1x128xi32, #tpu.memory_space<vmem>>
    %dma_start3A_448 = tpu.memref_squeeze %dma_start3A_447 : memref<1x128xi32, #tpu.memory_space<vmem>> -> memref<128xi32, #tpu.memory_space<vmem>>
    %dma_start3A_449 = arith.constant 0 : i32
    %dma_start3A_450 = arith.constant 0 : i32
    %dma_start3A_451 = tpu.memref_slice %arg3[%dma_start3A_449, %dma_start3A_450] : memref<100000x128xf32, #tpu.memory_space<hbm>> -> memref<100000x128xf32, #tpu.memory_space<hbm>>
    tpu.enqueue_indirect_dma source(%dma_start3A_451 : memref<100000x128xf32, #tpu.memory_space<hbm>>) target(%dma_start3A_445 : memref<128x128xf32, #tpu.memory_space<vmem>>) offsets(%dma_start3A_448 : memref<128xi32, #tpu.memory_space<vmem>>) semaphore(%arg8 : memref<!tpu.dma_semaphore, #tpu.memory_space<semaphore_mem>>)
    %dma_wait3A_452 = arith.constant 1 : i32
    %dma_wait3A_453 = arith.constant 1 : i32
    %dma_wait3A_454 = arith.constant 0 : i32
    %dma_wait3A_455 = arith.constant 0 : i32
    %dma_wait3A_456 = tpu.memref_slice %arg6[%dma_wait3A_453, %dma_wait3A_454, %dma_wait3A_455] : memref<2x128x128xf32, #tpu.memory_space<vmem>> -> memref<1x128x128xf32, #tpu.memory_space<vmem>>
    %dma_wait3A_457 = tpu.memref_squeeze %dma_wait3A_456 : memref<1x128x128xf32, #tpu.memory_space<vmem>> -> memref<128x128xf32, #tpu.memory_space<vmem>>
    %dma_wait3A_458 = arith.constant 0 : i32
    %dma_wait3A_459 = tpu.memref_slice %arg5[%dma_wait3A_452, %dma_wait3A_458] : memref<2x128xi32, #tpu.memory_space<vmem>> -> memref<1x128xi32, #tpu.memory_space<vmem>>
    %dma_wait3A_460 = tpu.memref_squeeze %dma_wait3A_459 : memref<1x128xi32, #tpu.memory_space<vmem>> -> memref<128xi32, #tpu.memory_space<vmem>>
    %dma_wait3A_461 = arith.constant 0 : i32
    %dma_wait3A_462 = arith.constant 0 : i32
    %dma_wait3A_463 = tpu.memref_slice %arg3[%dma_wait3A_461, %dma_wait3A_462] : memref<100000x128xf32, #tpu.memory_space<hbm>> -> memref<100000x128xf32, #tpu.memory_space<hbm>>
    tpu.wait_indirect_dma semaphore(%arg9 : memref<!tpu.dma_semaphore, #tpu.memory_space<semaphore_mem>>) src(%dma_wait3A_463 : memref<100000x128xf32, #tpu.memory_space<hbm>>) dst(%dma_wait3A_457 : memref<128x128xf32, #tpu.memory_space<vmem>>)
    %scan3A_464 = arith.constant 0 : i32
    %scan3A_465 = arith.constant 0 : i32
    %scan3A_466 = arith.constant 64 : i32
    %scan3A_467 = arith.addi %scan3A_465, %scan3A_466 : i32
    %scan3A_468 = arith.constant 1 : i32
    %scan3A_469 = scf.for %scan3A_660 = %scan3A_465 to %scan3A_467 step %scan3A_468 iter_args(%scan3A_661 = %scan3A_464) -> (i32)  : i32 {
      %mul3A_662 = arith.constant 2 : i32
      %mul3A_663 = arith.muli %scan3A_660, %mul3A_662 : i32
      %add3A_664 = arith.constant 1 : i32
      %add3A_665 = arith.addi %mul3A_663, %add3A_664 : i32
      %get3A = arith.index_cast %mul3A_663 : i32 to index
      %get3A_666 = arith.constant 0 : index
      %get3A_667 = tpu.vector_load %arg7[%get3A, %get3A_666] {strides = array<i32>} : memref<128x128xf32, #tpu.memory_space<vmem>>, vector<1x16xf32>,
      %get3A_668 = vector.shape_cast %get3A_667 : vector<1x16xf32> to vector<16xf32>
      %get3A_669 = arith.constant 1 : i32
      %get3A_670 = arith.index_cast %get3A_669 : i32 to index
      %get3A_671 = arith.index_cast %mul3A_663 : i32 to index
      %get3A_672 = arith.constant 0 : index
      %get3A_673 = tpu.vector_load %arg6[%get3A_670, %get3A_671, %get3A_672] {strides = array<i32>} : memref<2x128x128xf32, #tpu.memory_space<vmem>>, vector<1x1x16xf32>,
      %get3A_674 = vector.shape_cast %get3A_673 : vector<1x1x16xf32> to vector<16xf32>
      %add3A_675 = arith.addf %get3A_668, %get3A_674 : vector<16xf32>
      %swap3A = arith.index_cast %mul3A_663 : i32 to index
      %swap3A_676 = arith.constant 0 : index
      %swap3A_677 = tpu.vector_load %arg7[%swap3A, %swap3A_676] {strides = array<i32>} : memref<128x128xf32, #tpu.memory_space<vmem>>, vector<1x16xf32>,
      %swap3A_678 = vector.shape_cast %swap3A_677 : vector<1x16xf32> to vector<16xf32>
      %swap3A_679 = vector.shape_cast %add3A_675 : vector<16xf32> to vector<1x16xf32>
      tpu.vector_store %arg7[%swap3A, %swap3A_676], %swap3A_679 {strides = array<i32>} : memref<128x128xf32, #tpu.memory_space<vmem>>, vector<1x16xf32>,
      %get3A_680 = arith.index_cast %mul3A_663 : i32 to index
      %get3A_681 = arith.constant 16 : index
      %get3A_682 = tpu.vector_load %arg7[%get3A_680, %get3A_681] {strides = array<i32>} : memref<128x128xf32, #tpu.memory_space<vmem>>, vector<1x16xf32>,
      %get3A_683 = vector.shape_cast %get3A_682 : vector<1x16xf32> to vector<16xf32>
      %get3A_684 = arith.constant 1 : i32
      %get3A_685 = arith.index_cast %get3A_684 : i32 to index
      %get3A_686 = arith.index_cast %mul3A_663 : i32 to index
      %get3A_687 = arith.constant 16 : index
      %get3A_688 = tpu.vector_load %arg6[%get3A_685, %get3A_686, %get3A_687] {strides = array<i32>} : memref<2x128x128xf32, #tpu.memory_space<vmem>>, vector<1x1x16xf32>,
      %get3A_689 = vector.shape_cast %get3A_688 : vector<1x1x16xf32> to vector<16xf32>
      %add3A_690 = arith.addf %get3A_683, %get3A_689 : vector<16xf32>
      %swap3A_691 = arith.index_cast %mul3A_663 : i32 to index
      %swap3A_692 = arith.constant 16 : index
      %swap3A_693 = tpu.vector_load %arg7[%swap3A_691, %swap3A_692] {strides = array<i32>} : memref<128x128xf32, #tpu.memory_space<vmem>>, vector<1x16xf32>,
      %swap3A_694 = vector.shape_cast %swap3A_693 : vector<1x16xf32> to vector<16xf32>
      %swap3A_695 = vector.shape_cast %add3A_690 : vector<16xf32> to vector<1x16xf32>
      tpu.vector_store %arg7[%swap3A_691, %swap3A_692], %swap3A_695 {strides = array<i32>} : memref<128x128xf32, #tpu.memory_space<vmem>>, vector<1x16xf32>,
      %get3A_696 = arith.index_cast %mul3A_663 : i32 to index
      %get3A_697 = arith.constant 32 : index
      %get3A_698 = tpu.vector_load %arg7[%get3A_696, %get3A_697] {strides = array<i32>} : memref<128x128xf32, #tpu.memory_space<vmem>>, vector<1x16xf32>,
      %get3A_699 = vector.shape_cast %get3A_698 : vector<1x16xf32> to vector<16xf32>
      %get3A_700 = arith.constant 1 : i32
      %get3A_701 = arith.index_cast %get3A_700 : i32 to index
      %get3A_702 = arith.index_cast %mul3A_663 : i32 to index
      %get3A_703 = arith.constant 32 : index
      %get3A_704 = tpu.vector_load %arg6[%get3A_701, %get3A_702, %get3A_703] {strides = array<i32>} : memref<2x128x128xf32, #tpu.memory_space<vmem>>, vector<1x1x16xf32>,
      %get3A_705 = vector.shape_cast %get3A_704 : vector<1x1x16xf32> to vector<16xf32>
      %add3A_706 = arith.addf %get3A_699, %get3A_705 : vector<16xf32>
      %swap3A_707 = arith.index_cast %mul3A_663 : i32 to index
      %swap3A_708 = arith.constant 32 : index
      %swap3A_709 = tpu.vector_load %arg7[%swap3A_707, %swap3A_708] {strides = array<i32>} : memref<128x128xf32, #tpu.memory_space<vmem>>, vector<1x16xf32>,
      %swap3A_710 = vector.shape_cast %swap3A_709 : vector<1x16xf32> to vector<16xf32>
      %swap3A_711 = vector.shape_cast %add3A_706 : vector<16xf32> to vector<1x16xf32>
      tpu.vector_store %arg7[%swap3A_707, %swap3A_708], %swap3A_711 {strides = array<i32>} : memref<128x128xf32, #tpu.memory_space<vmem>>, vector<1x16xf32>,
      %get3A_712 = arith.index_cast %mul3A_663 : i32 to index
      %get3A_713 = arith.constant 48 : index
      %get3A_714 = tpu.vector_load %arg7[%get3A_712, %get3A_713] {strides = array<i32>} : memref<128x128xf32, #tpu.memory_space<vmem>>, vector<1x16xf32>,
      %get3A_715 = vector.shape_cast %get3A_714 : vector<1x16xf32> to vector<16xf32>
      %get3A_716 = arith.constant 1 : i32
      %get3A_717 = arith.index_cast %get3A_716 : i32 to index
      %get3A_718 = arith.index_cast %mul3A_663 : i32 to index
      %get3A_719 = arith.constant 48 : index
      %get3A_720 = tpu.vector_load %arg6[%get3A_717, %get3A_718, %get3A_719] {strides = array<i32>} : memref<2x128x128xf32, #tpu.memory_space<vmem>>, vector<1x1x16xf32>,
      %get3A_721 = vector.shape_cast %get3A_720 : vector<1x1x16xf32> to vector<16xf32>
      %add3A_722 = arith.addf %get3A_715, %get3A_721 : vector<16xf32>
      %swap3A_723 = arith.index_cast %mul3A_663 : i32 to index
      %swap3A_724 = arith.constant 48 : index
      %swap3A_725 = tpu.vector_load %arg7[%swap3A_723, %swap3A_724] {strides = array<i32>} : memref<128x128xf32, #tpu.memory_space<vmem>>, vector<1x16xf32>,
      %swap3A_726 = vector.shape_cast %swap3A_725 : vector<1x16xf32> to vector<16xf32>
      %swap3A_727 = vector.shape_cast %add3A_722 : vector<16xf32> to vector<1x16xf32>
      tpu.vector_store %arg7[%swap3A_723, %swap3A_724], %swap3A_727 {strides = array<i32>} : memref<128x128xf32, #tpu.memory_space<vmem>>, vector<1x16xf32>,
      %get3A_728 = arith.index_cast %add3A_665 : i32 to index
      %get3A_729 = arith.constant 0 : index
      %get3A_730 = tpu.vector_load %arg7[%get3A_728, %get3A_729] {strides = array<i32>} : memref<128x128xf32, #tpu.memory_space<vmem>>, vector<1x16xf32>,
      %get3A_731 = vector.shape_cast %get3A_730 : vector<1x16xf32> to vector<16xf32>
      %get3A_732 = arith.constant 1 : i32
      %get3A_733 = arith.index_cast %get3A_732 : i32 to index
      %get3A_734 = arith.index_cast %add3A_665 : i32 to index
      %get3A_735 = arith.constant 0 : index
      %get3A_736 = tpu.vector_load %arg6[%get3A_733, %get3A_734, %get3A_735] {strides = array<i32>} : memref<2x128x128xf32, #tpu.memory_space<vmem>>, vector<1x1x16xf32>,
      %get3A_737 = vector.shape_cast %get3A_736 : vector<1x1x16xf32> to vector<16xf32>
      %add3A_738 = arith.addf %get3A_731, %get3A_737 : vector<16xf32>
      %swap3A_739 = arith.index_cast %add3A_665 : i32 to index
      %swap3A_740 = arith.constant 0 : index
      %swap3A_741 = tpu.vector_load %arg7[%swap3A_739, %swap3A_740] {strides = array<i32>} : memref<128x128xf32, #tpu.memory_space<vmem>>, vector<1x16xf32>,
      %swap3A_742 = vector.shape_cast %swap3A_741 : vector<1x16xf32> to vector<16xf32>
      %swap3A_743 = vector.shape_cast %add3A_738 : vector<16xf32> to vector<1x16xf32>
      tpu.vector_store %arg7[%swap3A_739, %swap3A_740], %swap3A_743 {strides = array<i32>} : memref<128x128xf32, #tpu.memory_space<vmem>>, vector<1x16xf32>,
      %get3A_744 = arith.index_cast %add3A_665 : i32 to index
      %get3A_745 = arith.constant 16 : index
      %get3A_746 = tpu.vector_load %arg7[%get3A_744, %get3A_745] {strides = array<i32>} : memref<128x128xf32, #tpu.memory_space<vmem>>, vector<1x16xf32>,
      %get3A_747 = vector.shape_cast %get3A_746 : vector<1x16xf32> to vector<16xf32>
      %get3A_748 = arith.constant 1 : i32
      %get3A_749 = arith.index_cast %get3A_748 : i32 to index
      %get3A_750 = arith.index_cast %add3A_665 : i32 to index
      %get3A_751 = arith.constant 16 : index
      %get3A_752 = tpu.vector_load %arg6[%get3A_749, %get3A_750, %get3A_751] {strides = array<i32>} : memref<2x128x128xf32, #tpu.memory_space<vmem>>, vector<1x1x16xf32>,
      %get3A_753 = vector.shape_cast %get3A_752 : vector<1x1x16xf32> to vector<16xf32>
      %add3A_754 = arith.addf %get3A_747, %get3A_753 : vector<16xf32>
      %swap3A_755 = arith.index_cast %add3A_665 : i32 to index
      %swap3A_756 = arith.constant 16 : index
      %swap3A_757 = tpu.vector_load %arg7[%swap3A_755, %swap3A_756] {strides = array<i32>} : memref<128x128xf32, #tpu.memory_space<vmem>>, vector<1x16xf32>,
      %swap3A_758 = vector.shape_cast %swap3A_757 : vector<1x16xf32> to vector<16xf32>
      %swap3A_759 = vector.shape_cast %add3A_754 : vector<16xf32> to vector<1x16xf32>
      tpu.vector_store %arg7[%swap3A_755, %swap3A_756], %swap3A_759 {strides = array<i32>} : memref<128x128xf32, #tpu.memory_space<vmem>>, vector<1x16xf32>,
      %get3A_760 = arith.index_cast %add3A_665 : i32 to index
      %get3A_761 = arith.constant 32 : index
      %get3A_762 = tpu.vector_load %arg7[%get3A_760, %get3A_761] {strides = array<i32>} : memref<128x128xf32, #tpu.memory_space<vmem>>, vector<1x16xf32>,
      %get3A_763 = vector.shape_cast %get3A_762 : vector<1x16xf32> to vector<16xf32>
      %get3A_764 = arith.constant 1 : i32
      %get3A_765 = arith.index_cast %get3A_764 : i32 to index
      %get3A_766 = arith.index_cast %add3A_665 : i32 to index
      %get3A_767 = arith.constant 32 : index
      %get3A_768 = tpu.vector_load %arg6[%get3A_765, %get3A_766, %get3A_767] {strides = array<i32>} : memref<2x128x128xf32, #tpu.memory_space<vmem>>, vector<1x1x16xf32>,
      %get3A_769 = vector.shape_cast %get3A_768 : vector<1x1x16xf32> to vector<16xf32>
      %add3A_770 = arith.addf %get3A_763, %get3A_769 : vector<16xf32>
      %swap3A_771 = arith.index_cast %add3A_665 : i32 to index
      %swap3A_772 = arith.constant 32 : index
      %swap3A_773 = tpu.vector_load %arg7[%swap3A_771, %swap3A_772] {strides = array<i32>} : memref<128x128xf32, #tpu.memory_space<vmem>>, vector<1x16xf32>,
      %swap3A_774 = vector.shape_cast %swap3A_773 : vector<1x16xf32> to vector<16xf32>
      %swap3A_775 = vector.shape_cast %add3A_770 : vector<16xf32> to vector<1x16xf32>
      tpu.vector_store %arg7[%swap3A_771, %swap3A_772], %swap3A_775 {strides = array<i32>} : memref<128x128xf32, #tpu.memory_space<vmem>>, vector<1x16xf32>,
      %get3A_776 = arith.index_cast %add3A_665 : i32 to index
      %get3A_777 = arith.constant 48 : index
      %get3A_778 = tpu.vector_load %arg7[%get3A_776, %get3A_777] {strides = array<i32>} : memref<128x128xf32, #tpu.memory_space<vmem>>, vector<1x16xf32>,
      %get3A_779 = vector.shape_cast %get3A_778 : vector<1x16xf32> to vector<16xf32>
      %get3A_780 = arith.constant 1 : i32
      %get3A_781 = arith.index_cast %get3A_780 : i32 to index
      %get3A_782 = arith.index_cast %add3A_665 : i32 to index
      %get3A_783 = arith.constant 48 : index
      %get3A_784 = tpu.vector_load %arg6[%get3A_781, %get3A_782, %get3A_783] {strides = array<i32>} : memref<2x128x128xf32, #tpu.memory_space<vmem>>, vector<1x1x16xf32>,
      %get3A_785 = vector.shape_cast %get3A_784 : vector<1x1x16xf32> to vector<16xf32>
      %add3A_786 = arith.addf %get3A_779, %get3A_785 : vector<16xf32>
      %swap3A_787 = arith.index_cast %add3A_665 : i32 to index
      %swap3A_788 = arith.constant 48 : index
      %swap3A_789 = tpu.vector_load %arg7[%swap3A_787, %swap3A_788] {strides = array<i32>} : memref<128x128xf32, #tpu.memory_space<vmem>>, vector<1x16xf32>,
      %swap3A_790 = vector.shape_cast %swap3A_789 : vector<1x16xf32> to vector<16xf32>
      %swap3A_791 = vector.shape_cast %add3A_786 : vector<16xf32> to vector<1x16xf32>
      tpu.vector_store %arg7[%swap3A_787, %swap3A_788], %swap3A_791 {strides = array<i32>} : memref<128x128xf32, #tpu.memory_space<vmem>>, vector<1x16xf32>,
      %scan3A_792 = arith.constant 0 : i32
      scf.yield %scan3A_792 : i32
    }
    %scan3A_470 = arith.constant 64 : i32
    %add3A_471 = arith.constant 61440 : i32
    %add3A_472 = arith.addi %add3A_471, %mul3A_2 : i32
    %run_scoped3A_473 = arith.constant 1 : i32
    "tpu.region"() ({
      %run_scoped3A_660 = tpu.sem_alloc : memref<!tpu.dma_semaphore, #tpu.memory_space<semaphore_mem>>
      %dma_start3A_661 = arith.constant 0 : i32
      %dma_start3A_662 = tpu.memref_slice %arg5[%run_scoped3A_473, %dma_start3A_661] : memref<2x128xi32, #tpu.memory_space<vmem>> -> memref<1x128xi32, #tpu.memory_space<vmem>>
      %dma_start3A_663 = tpu.memref_squeeze %dma_start3A_662 : memref<1x128xi32, #tpu.memory_space<vmem>> -> memref<128xi32, #tpu.memory_space<vmem>>
      %dma_start3A_664 = tpu.memref_slice %arg2[%add3A_472] : memref<81920xi32, #tpu.memory_space<hbm>> -> memref<128xi32, #tpu.memory_space<hbm>>
      %dma_start3A_665 = arith.constant 0 : i32
      %dma_start3A_666 = tpu.memref_slice %arg5[%run_scoped3A_473, %dma_start3A_665] : memref<2x128xi32, #tpu.memory_space<vmem>> -> memref<1x128xi32, #tpu.memory_space<vmem>>
      %dma_start3A_667 = tpu.memref_squeeze %dma_start3A_666 : memref<1x128xi32, #tpu.memory_space<vmem>> -> memref<128xi32, #tpu.memory_space<vmem>>
      %dma_start3A_668 = tpu.memref_slice %arg2[%add3A_472] : memref<81920xi32, #tpu.memory_space<hbm>> -> memref<128xi32, #tpu.memory_space<hbm>>
      tpu.enqueue_dma source(%dma_start3A_668 : memref<128xi32, #tpu.memory_space<hbm>>) target(%dma_start3A_667 : memref<128xi32, #tpu.memory_space<vmem>>) target_semaphore(%run_scoped3A_660 : memref<!tpu.dma_semaphore, #tpu.memory_space<semaphore_mem>>)
      %dma_wait3A_669 = arith.constant 0 : i32
      %dma_wait3A_670 = tpu.memref_slice %arg5[%run_scoped3A_473, %dma_wait3A_669] : memref<2x128xi32, #tpu.memory_space<vmem>> -> memref<1x128xi32, #tpu.memory_space<vmem>>
      %dma_wait3A_671 = tpu.memref_squeeze %dma_wait3A_670 : memref<1x128xi32, #tpu.memory_space<vmem>> -> memref<128xi32, #tpu.memory_space<vmem>>
      %dma_wait3A_672 = tpu.memref_slice %arg2[%add3A_472] : memref<81920xi32, #tpu.memory_space<hbm>> -> memref<128xi32, #tpu.memory_space<hbm>>
      %dma_wait3A_673 = arith.constant 0 : i32
      %dma_wait3A_674 = tpu.memref_slice %arg5[%run_scoped3A_473, %dma_wait3A_673] : memref<2x128xi32, #tpu.memory_space<vmem>> -> memref<1x128xi32, #tpu.memory_space<vmem>>
      %dma_wait3A_675 = tpu.memref_squeeze %dma_wait3A_674 : memref<1x128xi32, #tpu.memory_space<vmem>> -> memref<128xi32, #tpu.memory_space<vmem>>
      %dma_wait3A_676 = tpu.memref_slice %arg2[%add3A_472] : memref<81920xi32, #tpu.memory_space<hbm>> -> memref<128xi32, #tpu.memory_space<hbm>>
      tpu.wait_dma2 semaphore(%run_scoped3A_660 : memref<!tpu.dma_semaphore, #tpu.memory_space<semaphore_mem>>) src(%dma_wait3A_676 : memref<128xi32, #tpu.memory_space<hbm>>) dst(%dma_wait3A_675 : memref<128xi32, #tpu.memory_space<vmem>>)
      tpu.yield
    }) : () -> ()
    %dma_start3A_474 = arith.constant 1 : i32
    %dma_start3A_475 = arith.constant 1 : i32
    %dma_start3A_476 = arith.constant 0 : i32
    %dma_start3A_477 = arith.constant 0 : i32
    %dma_start3A_478 = tpu.memref_slice %arg6[%dma_start3A_475, %dma_start3A_476, %dma_start3A_477] : memref<2x128x128xf32, #tpu.memory_space<vmem>> -> memref<1x128x128xf32, #tpu.memory_space<vmem>>
    %dma_start3A_479 = tpu.memref_squeeze %dma_start3A_478 : memref<1x128x128xf32, #tpu.memory_space<vmem>> -> memref<128x128xf32, #tpu.memory_space<vmem>>
    %dma_start3A_480 = arith.constant 0 : i32
    %dma_start3A_481 = tpu.memref_slice %arg5[%dma_start3A_474, %dma_start3A_480] : memref<2x128xi32, #tpu.memory_space<vmem>> -> memref<1x128xi32, #tpu.memory_space<vmem>>
    %dma_start3A_482 = tpu.memref_squeeze %dma_start3A_481 : memref<1x128xi32, #tpu.memory_space<vmem>> -> memref<128xi32, #tpu.memory_space<vmem>>
    %dma_start3A_483 = arith.constant 0 : i32
    %dma_start3A_484 = arith.constant 0 : i32
    %dma_start3A_485 = tpu.memref_slice %arg3[%dma_start3A_483, %dma_start3A_484] : memref<100000x128xf32, #tpu.memory_space<hbm>> -> memref<100000x128xf32, #tpu.memory_space<hbm>>
    tpu.enqueue_indirect_dma source(%dma_start3A_485 : memref<100000x128xf32, #tpu.memory_space<hbm>>) target(%dma_start3A_479 : memref<128x128xf32, #tpu.memory_space<vmem>>) offsets(%dma_start3A_482 : memref<128xi32, #tpu.memory_space<vmem>>) semaphore(%arg9 : memref<!tpu.dma_semaphore, #tpu.memory_space<semaphore_mem>>)
    %dma_wait3A_486 = arith.constant 0 : i32
    %dma_wait3A_487 = arith.constant 0 : i32
    %dma_wait3A_488 = arith.constant 0 : i32
    %dma_wait3A_489 = arith.constant 0 : i32
    %dma_wait3A_490 = tpu.memref_slice %arg6[%dma_wait3A_487, %dma_wait3A_488, %dma_wait3A_489] : memref<2x128x128xf32, #tpu.memory_space<vmem>> -> memref<1x128x128xf32, #tpu.memory_space<vmem>>
    %dma_wait3A_491 = tpu.memref_squeeze %dma_wait3A_490 : memref<1x128x128xf32, #tpu.memory_space<vmem>> -> memref<128x128xf32, #tpu.memory_space<vmem>>
    %dma_wait3A_492 = arith.constant 0 : i32
    %dma_wait3A_493 = tpu.memref_slice %arg5[%dma_wait3A_486, %dma_wait3A_492] : memref<2x128xi32, #tpu.memory_space<vmem>> -> memref<1x128xi32, #tpu.memory_space<vmem>>
    %dma_wait3A_494 = tpu.memref_squeeze %dma_wait3A_493 : memref<1x128xi32, #tpu.memory_space<vmem>> -> memref<128xi32, #tpu.memory_space<vmem>>
    %dma_wait3A_495 = arith.constant 0 : i32
    %dma_wait3A_496 = arith.constant 0 : i32
    %dma_wait3A_497 = tpu.memref_slice %arg3[%dma_wait3A_495, %dma_wait3A_496] : memref<100000x128xf32, #tpu.memory_space<hbm>> -> memref<100000x128xf32, #tpu.memory_space<hbm>>
    tpu.wait_indirect_dma semaphore(%arg8 : memref<!tpu.dma_semaphore, #tpu.memory_space<semaphore_mem>>) src(%dma_wait3A_497 : memref<100000x128xf32, #tpu.memory_space<hbm>>) dst(%dma_wait3A_491 : memref<128x128xf32, #tpu.memory_space<vmem>>)
    %scan3A_498 = arith.constant 0 : i32
    %scan3A_499 = arith.constant 0 : i32
    %scan3A_500 = arith.constant 64 : i32
    %scan3A_501 = arith.addi %scan3A_499, %scan3A_500 : i32
    %scan3A_502 = arith.constant 1 : i32
    %scan3A_503 = scf.for %scan3A_660 = %scan3A_499 to %scan3A_501 step %scan3A_502 iter_args(%scan3A_661 = %scan3A_498) -> (i32)  : i32 {
      %mul3A_662 = arith.constant 2 : i32
      %mul3A_663 = arith.muli %scan3A_660, %mul3A_662 : i32
      %add3A_664 = arith.constant 1 : i32
      %add3A_665 = arith.addi %mul3A_663, %add3A_664 : i32
      %get3A = arith.index_cast %mul3A_663 : i32 to index
      %get3A_666 = arith.constant 0 : index
      %get3A_667 = tpu.vector_load %arg7[%get3A, %get3A_666] {strides = array<i32>} : memref<128x128xf32, #tpu.memory_space<vmem>>, vector<1x16xf32>,
      %get3A_668 = vector.shape_cast %get3A_667 : vector<1x16xf32> to vector<16xf32>
      %get3A_669 = arith.constant 0 : i32
      %get3A_670 = arith.index_cast %get3A_669 : i32 to index
      %get3A_671 = arith.index_cast %mul3A_663 : i32 to index
      %get3A_672 = arith.constant 0 : index
      %get3A_673 = tpu.vector_load %arg6[%get3A_670, %get3A_671, %get3A_672] {strides = array<i32>} : memref<2x128x128xf32, #tpu.memory_space<vmem>>, vector<1x1x16xf32>,
      %get3A_674 = vector.shape_cast %get3A_673 : vector<1x1x16xf32> to vector<16xf32>
      %add3A_675 = arith.addf %get3A_668, %get3A_674 : vector<16xf32>
      %swap3A = arith.index_cast %mul3A_663 : i32 to index
      %swap3A_676 = arith.constant 0 : index
      %swap3A_677 = tpu.vector_load %arg7[%swap3A, %swap3A_676] {strides = array<i32>} : memref<128x128xf32, #tpu.memory_space<vmem>>, vector<1x16xf32>,
      %swap3A_678 = vector.shape_cast %swap3A_677 : vector<1x16xf32> to vector<16xf32>
      %swap3A_679 = vector.shape_cast %add3A_675 : vector<16xf32> to vector<1x16xf32>
      tpu.vector_store %arg7[%swap3A, %swap3A_676], %swap3A_679 {strides = array<i32>} : memref<128x128xf32, #tpu.memory_space<vmem>>, vector<1x16xf32>,
      %get3A_680 = arith.index_cast %mul3A_663 : i32 to index
      %get3A_681 = arith.constant 16 : index
      %get3A_682 = tpu.vector_load %arg7[%get3A_680, %get3A_681] {strides = array<i32>} : memref<128x128xf32, #tpu.memory_space<vmem>>, vector<1x16xf32>,
      %get3A_683 = vector.shape_cast %get3A_682 : vector<1x16xf32> to vector<16xf32>
      %get3A_684 = arith.constant 0 : i32
      %get3A_685 = arith.index_cast %get3A_684 : i32 to index
      %get3A_686 = arith.index_cast %mul3A_663 : i32 to index
      %get3A_687 = arith.constant 16 : index
      %get3A_688 = tpu.vector_load %arg6[%get3A_685, %get3A_686, %get3A_687] {strides = array<i32>} : memref<2x128x128xf32, #tpu.memory_space<vmem>>, vector<1x1x16xf32>,
      %get3A_689 = vector.shape_cast %get3A_688 : vector<1x1x16xf32> to vector<16xf32>
      %add3A_690 = arith.addf %get3A_683, %get3A_689 : vector<16xf32>
      %swap3A_691 = arith.index_cast %mul3A_663 : i32 to index
      %swap3A_692 = arith.constant 16 : index
      %swap3A_693 = tpu.vector_load %arg7[%swap3A_691, %swap3A_692] {strides = array<i32>} : memref<128x128xf32, #tpu.memory_space<vmem>>, vector<1x16xf32>,
      %swap3A_694 = vector.shape_cast %swap3A_693 : vector<1x16xf32> to vector<16xf32>
      %swap3A_695 = vector.shape_cast %add3A_690 : vector<16xf32> to vector<1x16xf32>
      tpu.vector_store %arg7[%swap3A_691, %swap3A_692], %swap3A_695 {strides = array<i32>} : memref<128x128xf32, #tpu.memory_space<vmem>>, vector<1x16xf32>,
      %get3A_696 = arith.index_cast %mul3A_663 : i32 to index
      %get3A_697 = arith.constant 32 : index
      %get3A_698 = tpu.vector_load %arg7[%get3A_696, %get3A_697] {strides = array<i32>} : memref<128x128xf32, #tpu.memory_space<vmem>>, vector<1x16xf32>,
      %get3A_699 = vector.shape_cast %get3A_698 : vector<1x16xf32> to vector<16xf32>
      %get3A_700 = arith.constant 0 : i32
      %get3A_701 = arith.index_cast %get3A_700 : i32 to index
      %get3A_702 = arith.index_cast %mul3A_663 : i32 to index
      %get3A_703 = arith.constant 32 : index
      %get3A_704 = tpu.vector_load %arg6[%get3A_701, %get3A_702, %get3A_703] {strides = array<i32>} : memref<2x128x128xf32, #tpu.memory_space<vmem>>, vector<1x1x16xf32>,
      %get3A_705 = vector.shape_cast %get3A_704 : vector<1x1x16xf32> to vector<16xf32>
      %add3A_706 = arith.addf %get3A_699, %get3A_705 : vector<16xf32>
      %swap3A_707 = arith.index_cast %mul3A_663 : i32 to index
      %swap3A_708 = arith.constant 32 : index
      %swap3A_709 = tpu.vector_load %arg7[%swap3A_707, %swap3A_708] {strides = array<i32>} : memref<128x128xf32, #tpu.memory_space<vmem>>, vector<1x16xf32>,
      %swap3A_710 = vector.shape_cast %swap3A_709 : vector<1x16xf32> to vector<16xf32>
      %swap3A_711 = vector.shape_cast %add3A_706 : vector<16xf32> to vector<1x16xf32>
      tpu.vector_store %arg7[%swap3A_707, %swap3A_708], %swap3A_711 {strides = array<i32>} : memref<128x128xf32, #tpu.memory_space<vmem>>, vector<1x16xf32>,
      %get3A_712 = arith.index_cast %mul3A_663 : i32 to index
      %get3A_713 = arith.constant 48 : index
      %get3A_714 = tpu.vector_load %arg7[%get3A_712, %get3A_713] {strides = array<i32>} : memref<128x128xf32, #tpu.memory_space<vmem>>, vector<1x16xf32>,
      %get3A_715 = vector.shape_cast %get3A_714 : vector<1x16xf32> to vector<16xf32>
      %get3A_716 = arith.constant 0 : i32
      %get3A_717 = arith.index_cast %get3A_716 : i32 to index
      %get3A_718 = arith.index_cast %mul3A_663 : i32 to index
      %get3A_719 = arith.constant 48 : index
      %get3A_720 = tpu.vector_load %arg6[%get3A_717, %get3A_718, %get3A_719] {strides = array<i32>} : memref<2x128x128xf32, #tpu.memory_space<vmem>>, vector<1x1x16xf32>,
      %get3A_721 = vector.shape_cast %get3A_720 : vector<1x1x16xf32> to vector<16xf32>
      %add3A_722 = arith.addf %get3A_715, %get3A_721 : vector<16xf32>
      %swap3A_723 = arith.index_cast %mul3A_663 : i32 to index
      %swap3A_724 = arith.constant 48 : index
      %swap3A_725 = tpu.vector_load %arg7[%swap3A_723, %swap3A_724] {strides = array<i32>} : memref<128x128xf32, #tpu.memory_space<vmem>>, vector<1x16xf32>,
      %swap3A_726 = vector.shape_cast %swap3A_725 : vector<1x16xf32> to vector<16xf32>
      %swap3A_727 = vector.shape_cast %add3A_722 : vector<16xf32> to vector<1x16xf32>
      tpu.vector_store %arg7[%swap3A_723, %swap3A_724], %swap3A_727 {strides = array<i32>} : memref<128x128xf32, #tpu.memory_space<vmem>>, vector<1x16xf32>,
      %get3A_728 = arith.index_cast %add3A_665 : i32 to index
      %get3A_729 = arith.constant 0 : index
      %get3A_730 = tpu.vector_load %arg7[%get3A_728, %get3A_729] {strides = array<i32>} : memref<128x128xf32, #tpu.memory_space<vmem>>, vector<1x16xf32>,
      %get3A_731 = vector.shape_cast %get3A_730 : vector<1x16xf32> to vector<16xf32>
      %get3A_732 = arith.constant 0 : i32
      %get3A_733 = arith.index_cast %get3A_732 : i32 to index
      %get3A_734 = arith.index_cast %add3A_665 : i32 to index
      %get3A_735 = arith.constant 0 : index
      %get3A_736 = tpu.vector_load %arg6[%get3A_733, %get3A_734, %get3A_735] {strides = array<i32>} : memref<2x128x128xf32, #tpu.memory_space<vmem>>, vector<1x1x16xf32>,
      %get3A_737 = vector.shape_cast %get3A_736 : vector<1x1x16xf32> to vector<16xf32>
      %add3A_738 = arith.addf %get3A_731, %get3A_737 : vector<16xf32>
      %swap3A_739 = arith.index_cast %add3A_665 : i32 to index
      %swap3A_740 = arith.constant 0 : index
      %swap3A_741 = tpu.vector_load %arg7[%swap3A_739, %swap3A_740] {strides = array<i32>} : memref<128x128xf32, #tpu.memory_space<vmem>>, vector<1x16xf32>,
      %swap3A_742 = vector.shape_cast %swap3A_741 : vector<1x16xf32> to vector<16xf32>
      %swap3A_743 = vector.shape_cast %add3A_738 : vector<16xf32> to vector<1x16xf32>
      tpu.vector_store %arg7[%swap3A_739, %swap3A_740], %swap3A_743 {strides = array<i32>} : memref<128x128xf32, #tpu.memory_space<vmem>>, vector<1x16xf32>,
      %get3A_744 = arith.index_cast %add3A_665 : i32 to index
      %get3A_745 = arith.constant 16 : index
      %get3A_746 = tpu.vector_load %arg7[%get3A_744, %get3A_745] {strides = array<i32>} : memref<128x128xf32, #tpu.memory_space<vmem>>, vector<1x16xf32>,
      %get3A_747 = vector.shape_cast %get3A_746 : vector<1x16xf32> to vector<16xf32>
      %get3A_748 = arith.constant 0 : i32
      %get3A_749 = arith.index_cast %get3A_748 : i32 to index
      %get3A_750 = arith.index_cast %add3A_665 : i32 to index
      %get3A_751 = arith.constant 16 : index
      %get3A_752 = tpu.vector_load %arg6[%get3A_749, %get3A_750, %get3A_751] {strides = array<i32>} : memref<2x128x128xf32, #tpu.memory_space<vmem>>, vector<1x1x16xf32>,
      %get3A_753 = vector.shape_cast %get3A_752 : vector<1x1x16xf32> to vector<16xf32>
      %add3A_754 = arith.addf %get3A_747, %get3A_753 : vector<16xf32>
      %swap3A_755 = arith.index_cast %add3A_665 : i32 to index
      %swap3A_756 = arith.constant 16 : index
      %swap3A_757 = tpu.vector_load %arg7[%swap3A_755, %swap3A_756] {strides = array<i32>} : memref<128x128xf32, #tpu.memory_space<vmem>>, vector<1x16xf32>,
      %swap3A_758 = vector.shape_cast %swap3A_757 : vector<1x16xf32> to vector<16xf32>
      %swap3A_759 = vector.shape_cast %add3A_754 : vector<16xf32> to vector<1x16xf32>
      tpu.vector_store %arg7[%swap3A_755, %swap3A_756], %swap3A_759 {strides = array<i32>} : memref<128x128xf32, #tpu.memory_space<vmem>>, vector<1x16xf32>,
      %get3A_760 = arith.index_cast %add3A_665 : i32 to index
      %get3A_761 = arith.constant 32 : index
      %get3A_762 = tpu.vector_load %arg7[%get3A_760, %get3A_761] {strides = array<i32>} : memref<128x128xf32, #tpu.memory_space<vmem>>, vector<1x16xf32>,
      %get3A_763 = vector.shape_cast %get3A_762 : vector<1x16xf32> to vector<16xf32>
      %get3A_764 = arith.constant 0 : i32
      %get3A_765 = arith.index_cast %get3A_764 : i32 to index
      %get3A_766 = arith.index_cast %add3A_665 : i32 to index
      %get3A_767 = arith.constant 32 : index
      %get3A_768 = tpu.vector_load %arg6[%get3A_765, %get3A_766, %get3A_767] {strides = array<i32>} : memref<2x128x128xf32, #tpu.memory_space<vmem>>, vector<1x1x16xf32>,
      %get3A_769 = vector.shape_cast %get3A_768 : vector<1x1x16xf32> to vector<16xf32>
      %add3A_770 = arith.addf %get3A_763, %get3A_769 : vector<16xf32>
      %swap3A_771 = arith.index_cast %add3A_665 : i32 to index
      %swap3A_772 = arith.constant 32 : index
      %swap3A_773 = tpu.vector_load %arg7[%swap3A_771, %swap3A_772] {strides = array<i32>} : memref<128x128xf32, #tpu.memory_space<vmem>>, vector<1x16xf32>,
      %swap3A_774 = vector.shape_cast %swap3A_773 : vector<1x16xf32> to vector<16xf32>
      %swap3A_775 = vector.shape_cast %add3A_770 : vector<16xf32> to vector<1x16xf32>
      tpu.vector_store %arg7[%swap3A_771, %swap3A_772], %swap3A_775 {strides = array<i32>} : memref<128x128xf32, #tpu.memory_space<vmem>>, vector<1x16xf32>,
      %get3A_776 = arith.index_cast %add3A_665 : i32 to index
      %get3A_777 = arith.constant 48 : index
      %get3A_778 = tpu.vector_load %arg7[%get3A_776, %get3A_777] {strides = array<i32>} : memref<128x128xf32, #tpu.memory_space<vmem>>, vector<1x16xf32>,
      %get3A_779 = vector.shape_cast %get3A_778 : vector<1x16xf32> to vector<16xf32>
      %get3A_780 = arith.constant 0 : i32
      %get3A_781 = arith.index_cast %get3A_780 : i32 to index
      %get3A_782 = arith.index_cast %add3A_665 : i32 to index
      %get3A_783 = arith.constant 48 : index
      %get3A_784 = tpu.vector_load %arg6[%get3A_781, %get3A_782, %get3A_783] {strides = array<i32>} : memref<2x128x128xf32, #tpu.memory_space<vmem>>, vector<1x1x16xf32>,
      %get3A_785 = vector.shape_cast %get3A_784 : vector<1x1x16xf32> to vector<16xf32>
      %add3A_786 = arith.addf %get3A_779, %get3A_785 : vector<16xf32>
      %swap3A_787 = arith.index_cast %add3A_665 : i32 to index
      %swap3A_788 = arith.constant 48 : index
      %swap3A_789 = tpu.vector_load %arg7[%swap3A_787, %swap3A_788] {strides = array<i32>} : memref<128x128xf32, #tpu.memory_space<vmem>>, vector<1x16xf32>,
      %swap3A_790 = vector.shape_cast %swap3A_789 : vector<1x16xf32> to vector<16xf32>
      %swap3A_791 = vector.shape_cast %add3A_786 : vector<16xf32> to vector<1x16xf32>
      tpu.vector_store %arg7[%swap3A_787, %swap3A_788], %swap3A_791 {strides = array<i32>} : memref<128x128xf32, #tpu.memory_space<vmem>>, vector<1x16xf32>,
      %scan3A_792 = arith.constant 0 : i32
      scf.yield %scan3A_792 : i32
    }
    %scan3A_504 = arith.constant 64 : i32
    %add3A_505 = arith.constant 65536 : i32
    %add3A_506 = arith.addi %add3A_505, %mul3A_2 : i32
    %run_scoped3A_507 = arith.constant 0 : i32
    "tpu.region"() ({
      %run_scoped3A_660 = tpu.sem_alloc : memref<!tpu.dma_semaphore, #tpu.memory_space<semaphore_mem>>
      %dma_start3A_661 = arith.constant 0 : i32
      %dma_start3A_662 = tpu.memref_slice %arg5[%run_scoped3A_507, %dma_start3A_661] : memref<2x128xi32, #tpu.memory_space<vmem>> -> memref<1x128xi32, #tpu.memory_space<vmem>>
      %dma_start3A_663 = tpu.memref_squeeze %dma_start3A_662 : memref<1x128xi32, #tpu.memory_space<vmem>> -> memref<128xi32, #tpu.memory_space<vmem>>
      %dma_start3A_664 = tpu.memref_slice %arg2[%add3A_506] : memref<81920xi32, #tpu.memory_space<hbm>> -> memref<128xi32, #tpu.memory_space<hbm>>
      %dma_start3A_665 = arith.constant 0 : i32
      %dma_start3A_666 = tpu.memref_slice %arg5[%run_scoped3A_507, %dma_start3A_665] : memref<2x128xi32, #tpu.memory_space<vmem>> -> memref<1x128xi32, #tpu.memory_space<vmem>>
      %dma_start3A_667 = tpu.memref_squeeze %dma_start3A_666 : memref<1x128xi32, #tpu.memory_space<vmem>> -> memref<128xi32, #tpu.memory_space<vmem>>
      %dma_start3A_668 = tpu.memref_slice %arg2[%add3A_506] : memref<81920xi32, #tpu.memory_space<hbm>> -> memref<128xi32, #tpu.memory_space<hbm>>
      tpu.enqueue_dma source(%dma_start3A_668 : memref<128xi32, #tpu.memory_space<hbm>>) target(%dma_start3A_667 : memref<128xi32, #tpu.memory_space<vmem>>) target_semaphore(%run_scoped3A_660 : memref<!tpu.dma_semaphore, #tpu.memory_space<semaphore_mem>>)
      %dma_wait3A_669 = arith.constant 0 : i32
      %dma_wait3A_670 = tpu.memref_slice %arg5[%run_scoped3A_507, %dma_wait3A_669] : memref<2x128xi32, #tpu.memory_space<vmem>> -> memref<1x128xi32, #tpu.memory_space<vmem>>
      %dma_wait3A_671 = tpu.memref_squeeze %dma_wait3A_670 : memref<1x128xi32, #tpu.memory_space<vmem>> -> memref<128xi32, #tpu.memory_space<vmem>>
      %dma_wait3A_672 = tpu.memref_slice %arg2[%add3A_506] : memref<81920xi32, #tpu.memory_space<hbm>> -> memref<128xi32, #tpu.memory_space<hbm>>
      %dma_wait3A_673 = arith.constant 0 : i32
      %dma_wait3A_674 = tpu.memref_slice %arg5[%run_scoped3A_507, %dma_wait3A_673] : memref<2x128xi32, #tpu.memory_space<vmem>> -> memref<1x128xi32, #tpu.memory_space<vmem>>
      %dma_wait3A_675 = tpu.memref_squeeze %dma_wait3A_674 : memref<1x128xi32, #tpu.memory_space<vmem>> -> memref<128xi32, #tpu.memory_space<vmem>>
      %dma_wait3A_676 = tpu.memref_slice %arg2[%add3A_506] : memref<81920xi32, #tpu.memory_space<hbm>> -> memref<128xi32, #tpu.memory_space<hbm>>
      tpu.wait_dma2 semaphore(%run_scoped3A_660 : memref<!tpu.dma_semaphore, #tpu.memory_space<semaphore_mem>>) src(%dma_wait3A_676 : memref<128xi32, #tpu.memory_space<hbm>>) dst(%dma_wait3A_675 : memref<128xi32, #tpu.memory_space<vmem>>)
      tpu.yield
    }) : () -> ()
    %dma_start3A_508 = arith.constant 0 : i32
    %dma_start3A_509 = arith.constant 0 : i32
    %dma_start3A_510 = arith.constant 0 : i32
    %dma_start3A_511 = arith.constant 0 : i32
    %dma_start3A_512 = tpu.memref_slice %arg6[%dma_start3A_509, %dma_start3A_510, %dma_start3A_511] : memref<2x128x128xf32, #tpu.memory_space<vmem>> -> memref<1x128x128xf32, #tpu.memory_space<vmem>>
    %dma_start3A_513 = tpu.memref_squeeze %dma_start3A_512 : memref<1x128x128xf32, #tpu.memory_space<vmem>> -> memref<128x128xf32, #tpu.memory_space<vmem>>
    %dma_start3A_514 = arith.constant 0 : i32
    %dma_start3A_515 = tpu.memref_slice %arg5[%dma_start3A_508, %dma_start3A_514] : memref<2x128xi32, #tpu.memory_space<vmem>> -> memref<1x128xi32, #tpu.memory_space<vmem>>
    %dma_start3A_516 = tpu.memref_squeeze %dma_start3A_515 : memref<1x128xi32, #tpu.memory_space<vmem>> -> memref<128xi32, #tpu.memory_space<vmem>>
    %dma_start3A_517 = arith.constant 0 : i32
    %dma_start3A_518 = arith.constant 0 : i32
    %dma_start3A_519 = tpu.memref_slice %arg3[%dma_start3A_517, %dma_start3A_518] : memref<100000x128xf32, #tpu.memory_space<hbm>> -> memref<100000x128xf32, #tpu.memory_space<hbm>>
    tpu.enqueue_indirect_dma source(%dma_start3A_519 : memref<100000x128xf32, #tpu.memory_space<hbm>>) target(%dma_start3A_513 : memref<128x128xf32, #tpu.memory_space<vmem>>) offsets(%dma_start3A_516 : memref<128xi32, #tpu.memory_space<vmem>>) semaphore(%arg8 : memref<!tpu.dma_semaphore, #tpu.memory_space<semaphore_mem>>)
    %dma_wait3A_520 = arith.constant 1 : i32
    %dma_wait3A_521 = arith.constant 1 : i32
    %dma_wait3A_522 = arith.constant 0 : i32
    %dma_wait3A_523 = arith.constant 0 : i32
    %dma_wait3A_524 = tpu.memref_slice %arg6[%dma_wait3A_521, %dma_wait3A_522, %dma_wait3A_523] : memref<2x128x128xf32, #tpu.memory_space<vmem>> -> memref<1x128x128xf32, #tpu.memory_space<vmem>>
    %dma_wait3A_525 = tpu.memref_squeeze %dma_wait3A_524 : memref<1x128x128xf32, #tpu.memory_space<vmem>> -> memref<128x128xf32, #tpu.memory_space<vmem>>
    %dma_wait3A_526 = arith.constant 0 : i32
    %dma_wait3A_527 = tpu.memref_slice %arg5[%dma_wait3A_520, %dma_wait3A_526] : memref<2x128xi32, #tpu.memory_space<vmem>> -> memref<1x128xi32, #tpu.memory_space<vmem>>
    %dma_wait3A_528 = tpu.memref_squeeze %dma_wait3A_527 : memref<1x128xi32, #tpu.memory_space<vmem>> -> memref<128xi32, #tpu.memory_space<vmem>>
    %dma_wait3A_529 = arith.constant 0 : i32
    %dma_wait3A_530 = arith.constant 0 : i32
    %dma_wait3A_531 = tpu.memref_slice %arg3[%dma_wait3A_529, %dma_wait3A_530] : memref<100000x128xf32, #tpu.memory_space<hbm>> -> memref<100000x128xf32, #tpu.memory_space<hbm>>
    tpu.wait_indirect_dma semaphore(%arg9 : memref<!tpu.dma_semaphore, #tpu.memory_space<semaphore_mem>>) src(%dma_wait3A_531 : memref<100000x128xf32, #tpu.memory_space<hbm>>) dst(%dma_wait3A_525 : memref<128x128xf32, #tpu.memory_space<vmem>>)
    %scan3A_532 = arith.constant 0 : i32
    %scan3A_533 = arith.constant 0 : i32
    %scan3A_534 = arith.constant 64 : i32
    %scan3A_535 = arith.addi %scan3A_533, %scan3A_534 : i32
    %scan3A_536 = arith.constant 1 : i32
    %scan3A_537 = scf.for %scan3A_660 = %scan3A_533 to %scan3A_535 step %scan3A_536 iter_args(%scan3A_661 = %scan3A_532) -> (i32)  : i32 {
      %mul3A_662 = arith.constant 2 : i32
      %mul3A_663 = arith.muli %scan3A_660, %mul3A_662 : i32
      %add3A_664 = arith.constant 1 : i32
      %add3A_665 = arith.addi %mul3A_663, %add3A_664 : i32
      %get3A = arith.index_cast %mul3A_663 : i32 to index
      %get3A_666 = arith.constant 0 : index
      %get3A_667 = tpu.vector_load %arg7[%get3A, %get3A_666] {strides = array<i32>} : memref<128x128xf32, #tpu.memory_space<vmem>>, vector<1x16xf32>,
      %get3A_668 = vector.shape_cast %get3A_667 : vector<1x16xf32> to vector<16xf32>
      %get3A_669 = arith.constant 1 : i32
      %get3A_670 = arith.index_cast %get3A_669 : i32 to index
      %get3A_671 = arith.index_cast %mul3A_663 : i32 to index
      %get3A_672 = arith.constant 0 : index
      %get3A_673 = tpu.vector_load %arg6[%get3A_670, %get3A_671, %get3A_672] {strides = array<i32>} : memref<2x128x128xf32, #tpu.memory_space<vmem>>, vector<1x1x16xf32>,
      %get3A_674 = vector.shape_cast %get3A_673 : vector<1x1x16xf32> to vector<16xf32>
      %add3A_675 = arith.addf %get3A_668, %get3A_674 : vector<16xf32>
      %swap3A = arith.index_cast %mul3A_663 : i32 to index
      %swap3A_676 = arith.constant 0 : index
      %swap3A_677 = tpu.vector_load %arg7[%swap3A, %swap3A_676] {strides = array<i32>} : memref<128x128xf32, #tpu.memory_space<vmem>>, vector<1x16xf32>,
      %swap3A_678 = vector.shape_cast %swap3A_677 : vector<1x16xf32> to vector<16xf32>
      %swap3A_679 = vector.shape_cast %add3A_675 : vector<16xf32> to vector<1x16xf32>
      tpu.vector_store %arg7[%swap3A, %swap3A_676], %swap3A_679 {strides = array<i32>} : memref<128x128xf32, #tpu.memory_space<vmem>>, vector<1x16xf32>,
      %get3A_680 = arith.index_cast %mul3A_663 : i32 to index
      %get3A_681 = arith.constant 16 : index
      %get3A_682 = tpu.vector_load %arg7[%get3A_680, %get3A_681] {strides = array<i32>} : memref<128x128xf32, #tpu.memory_space<vmem>>, vector<1x16xf32>,
      %get3A_683 = vector.shape_cast %get3A_682 : vector<1x16xf32> to vector<16xf32>
      %get3A_684 = arith.constant 1 : i32
      %get3A_685 = arith.index_cast %get3A_684 : i32 to index
      %get3A_686 = arith.index_cast %mul3A_663 : i32 to index
      %get3A_687 = arith.constant 16 : index
      %get3A_688 = tpu.vector_load %arg6[%get3A_685, %get3A_686, %get3A_687] {strides = array<i32>} : memref<2x128x128xf32, #tpu.memory_space<vmem>>, vector<1x1x16xf32>,
      %get3A_689 = vector.shape_cast %get3A_688 : vector<1x1x16xf32> to vector<16xf32>
      %add3A_690 = arith.addf %get3A_683, %get3A_689 : vector<16xf32>
      %swap3A_691 = arith.index_cast %mul3A_663 : i32 to index
      %swap3A_692 = arith.constant 16 : index
      %swap3A_693 = tpu.vector_load %arg7[%swap3A_691, %swap3A_692] {strides = array<i32>} : memref<128x128xf32, #tpu.memory_space<vmem>>, vector<1x16xf32>,
      %swap3A_694 = vector.shape_cast %swap3A_693 : vector<1x16xf32> to vector<16xf32>
      %swap3A_695 = vector.shape_cast %add3A_690 : vector<16xf32> to vector<1x16xf32>
      tpu.vector_store %arg7[%swap3A_691, %swap3A_692], %swap3A_695 {strides = array<i32>} : memref<128x128xf32, #tpu.memory_space<vmem>>, vector<1x16xf32>,
      %get3A_696 = arith.index_cast %mul3A_663 : i32 to index
      %get3A_697 = arith.constant 32 : index
      %get3A_698 = tpu.vector_load %arg7[%get3A_696, %get3A_697] {strides = array<i32>} : memref<128x128xf32, #tpu.memory_space<vmem>>, vector<1x16xf32>,
      %get3A_699 = vector.shape_cast %get3A_698 : vector<1x16xf32> to vector<16xf32>
      %get3A_700 = arith.constant 1 : i32
      %get3A_701 = arith.index_cast %get3A_700 : i32 to index
      %get3A_702 = arith.index_cast %mul3A_663 : i32 to index
      %get3A_703 = arith.constant 32 : index
      %get3A_704 = tpu.vector_load %arg6[%get3A_701, %get3A_702, %get3A_703] {strides = array<i32>} : memref<2x128x128xf32, #tpu.memory_space<vmem>>, vector<1x1x16xf32>,
      %get3A_705 = vector.shape_cast %get3A_704 : vector<1x1x16xf32> to vector<16xf32>
      %add3A_706 = arith.addf %get3A_699, %get3A_705 : vector<16xf32>
      %swap3A_707 = arith.index_cast %mul3A_663 : i32 to index
      %swap3A_708 = arith.constant 32 : index
      %swap3A_709 = tpu.vector_load %arg7[%swap3A_707, %swap3A_708] {strides = array<i32>} : memref<128x128xf32, #tpu.memory_space<vmem>>, vector<1x16xf32>,
      %swap3A_710 = vector.shape_cast %swap3A_709 : vector<1x16xf32> to vector<16xf32>
      %swap3A_711 = vector.shape_cast %add3A_706 : vector<16xf32> to vector<1x16xf32>
      tpu.vector_store %arg7[%swap3A_707, %swap3A_708], %swap3A_711 {strides = array<i32>} : memref<128x128xf32, #tpu.memory_space<vmem>>, vector<1x16xf32>,
      %get3A_712 = arith.index_cast %mul3A_663 : i32 to index
      %get3A_713 = arith.constant 48 : index
      %get3A_714 = tpu.vector_load %arg7[%get3A_712, %get3A_713] {strides = array<i32>} : memref<128x128xf32, #tpu.memory_space<vmem>>, vector<1x16xf32>,
      %get3A_715 = vector.shape_cast %get3A_714 : vector<1x16xf32> to vector<16xf32>
      %get3A_716 = arith.constant 1 : i32
      %get3A_717 = arith.index_cast %get3A_716 : i32 to index
      %get3A_718 = arith.index_cast %mul3A_663 : i32 to index
      %get3A_719 = arith.constant 48 : index
      %get3A_720 = tpu.vector_load %arg6[%get3A_717, %get3A_718, %get3A_719] {strides = array<i32>} : memref<2x128x128xf32, #tpu.memory_space<vmem>>, vector<1x1x16xf32>,
      %get3A_721 = vector.shape_cast %get3A_720 : vector<1x1x16xf32> to vector<16xf32>
      %add3A_722 = arith.addf %get3A_715, %get3A_721 : vector<16xf32>
      %swap3A_723 = arith.index_cast %mul3A_663 : i32 to index
      %swap3A_724 = arith.constant 48 : index
      %swap3A_725 = tpu.vector_load %arg7[%swap3A_723, %swap3A_724] {strides = array<i32>} : memref<128x128xf32, #tpu.memory_space<vmem>>, vector<1x16xf32>,
      %swap3A_726 = vector.shape_cast %swap3A_725 : vector<1x16xf32> to vector<16xf32>
      %swap3A_727 = vector.shape_cast %add3A_722 : vector<16xf32> to vector<1x16xf32>
      tpu.vector_store %arg7[%swap3A_723, %swap3A_724], %swap3A_727 {strides = array<i32>} : memref<128x128xf32, #tpu.memory_space<vmem>>, vector<1x16xf32>,
      %get3A_728 = arith.index_cast %add3A_665 : i32 to index
      %get3A_729 = arith.constant 0 : index
      %get3A_730 = tpu.vector_load %arg7[%get3A_728, %get3A_729] {strides = array<i32>} : memref<128x128xf32, #tpu.memory_space<vmem>>, vector<1x16xf32>,
      %get3A_731 = vector.shape_cast %get3A_730 : vector<1x16xf32> to vector<16xf32>
      %get3A_732 = arith.constant 1 : i32
      %get3A_733 = arith.index_cast %get3A_732 : i32 to index
      %get3A_734 = arith.index_cast %add3A_665 : i32 to index
      %get3A_735 = arith.constant 0 : index
      %get3A_736 = tpu.vector_load %arg6[%get3A_733, %get3A_734, %get3A_735] {strides = array<i32>} : memref<2x128x128xf32, #tpu.memory_space<vmem>>, vector<1x1x16xf32>,
      %get3A_737 = vector.shape_cast %get3A_736 : vector<1x1x16xf32> to vector<16xf32>
      %add3A_738 = arith.addf %get3A_731, %get3A_737 : vector<16xf32>
      %swap3A_739 = arith.index_cast %add3A_665 : i32 to index
      %swap3A_740 = arith.constant 0 : index
      %swap3A_741 = tpu.vector_load %arg7[%swap3A_739, %swap3A_740] {strides = array<i32>} : memref<128x128xf32, #tpu.memory_space<vmem>>, vector<1x16xf32>,
      %swap3A_742 = vector.shape_cast %swap3A_741 : vector<1x16xf32> to vector<16xf32>
      %swap3A_743 = vector.shape_cast %add3A_738 : vector<16xf32> to vector<1x16xf32>
      tpu.vector_store %arg7[%swap3A_739, %swap3A_740], %swap3A_743 {strides = array<i32>} : memref<128x128xf32, #tpu.memory_space<vmem>>, vector<1x16xf32>,
      %get3A_744 = arith.index_cast %add3A_665 : i32 to index
      %get3A_745 = arith.constant 16 : index
      %get3A_746 = tpu.vector_load %arg7[%get3A_744, %get3A_745] {strides = array<i32>} : memref<128x128xf32, #tpu.memory_space<vmem>>, vector<1x16xf32>,
      %get3A_747 = vector.shape_cast %get3A_746 : vector<1x16xf32> to vector<16xf32>
      %get3A_748 = arith.constant 1 : i32
      %get3A_749 = arith.index_cast %get3A_748 : i32 to index
      %get3A_750 = arith.index_cast %add3A_665 : i32 to index
      %get3A_751 = arith.constant 16 : index
      %get3A_752 = tpu.vector_load %arg6[%get3A_749, %get3A_750, %get3A_751] {strides = array<i32>} : memref<2x128x128xf32, #tpu.memory_space<vmem>>, vector<1x1x16xf32>,
      %get3A_753 = vector.shape_cast %get3A_752 : vector<1x1x16xf32> to vector<16xf32>
      %add3A_754 = arith.addf %get3A_747, %get3A_753 : vector<16xf32>
      %swap3A_755 = arith.index_cast %add3A_665 : i32 to index
      %swap3A_756 = arith.constant 16 : index
      %swap3A_757 = tpu.vector_load %arg7[%swap3A_755, %swap3A_756] {strides = array<i32>} : memref<128x128xf32, #tpu.memory_space<vmem>>, vector<1x16xf32>,
      %swap3A_758 = vector.shape_cast %swap3A_757 : vector<1x16xf32> to vector<16xf32>
      %swap3A_759 = vector.shape_cast %add3A_754 : vector<16xf32> to vector<1x16xf32>
      tpu.vector_store %arg7[%swap3A_755, %swap3A_756], %swap3A_759 {strides = array<i32>} : memref<128x128xf32, #tpu.memory_space<vmem>>, vector<1x16xf32>,
      %get3A_760 = arith.index_cast %add3A_665 : i32 to index
      %get3A_761 = arith.constant 32 : index
      %get3A_762 = tpu.vector_load %arg7[%get3A_760, %get3A_761] {strides = array<i32>} : memref<128x128xf32, #tpu.memory_space<vmem>>, vector<1x16xf32>,
      %get3A_763 = vector.shape_cast %get3A_762 : vector<1x16xf32> to vector<16xf32>
      %get3A_764 = arith.constant 1 : i32
      %get3A_765 = arith.index_cast %get3A_764 : i32 to index
      %get3A_766 = arith.index_cast %add3A_665 : i32 to index
      %get3A_767 = arith.constant 32 : index
      %get3A_768 = tpu.vector_load %arg6[%get3A_765, %get3A_766, %get3A_767] {strides = array<i32>} : memref<2x128x128xf32, #tpu.memory_space<vmem>>, vector<1x1x16xf32>,
      %get3A_769 = vector.shape_cast %get3A_768 : vector<1x1x16xf32> to vector<16xf32>
      %add3A_770 = arith.addf %get3A_763, %get3A_769 : vector<16xf32>
      %swap3A_771 = arith.index_cast %add3A_665 : i32 to index
      %swap3A_772 = arith.constant 32 : index
      %swap3A_773 = tpu.vector_load %arg7[%swap3A_771, %swap3A_772] {strides = array<i32>} : memref<128x128xf32, #tpu.memory_space<vmem>>, vector<1x16xf32>,
      %swap3A_774 = vector.shape_cast %swap3A_773 : vector<1x16xf32> to vector<16xf32>
      %swap3A_775 = vector.shape_cast %add3A_770 : vector<16xf32> to vector<1x16xf32>
      tpu.vector_store %arg7[%swap3A_771, %swap3A_772], %swap3A_775 {strides = array<i32>} : memref<128x128xf32, #tpu.memory_space<vmem>>, vector<1x16xf32>,
      %get3A_776 = arith.index_cast %add3A_665 : i32 to index
      %get3A_777 = arith.constant 48 : index
      %get3A_778 = tpu.vector_load %arg7[%get3A_776, %get3A_777] {strides = array<i32>} : memref<128x128xf32, #tpu.memory_space<vmem>>, vector<1x16xf32>,
      %get3A_779 = vector.shape_cast %get3A_778 : vector<1x16xf32> to vector<16xf32>
      %get3A_780 = arith.constant 1 : i32
      %get3A_781 = arith.index_cast %get3A_780 : i32 to index
      %get3A_782 = arith.index_cast %add3A_665 : i32 to index
      %get3A_783 = arith.constant 48 : index
      %get3A_784 = tpu.vector_load %arg6[%get3A_781, %get3A_782, %get3A_783] {strides = array<i32>} : memref<2x128x128xf32, #tpu.memory_space<vmem>>, vector<1x1x16xf32>,
      %get3A_785 = vector.shape_cast %get3A_784 : vector<1x1x16xf32> to vector<16xf32>
      %add3A_786 = arith.addf %get3A_779, %get3A_785 : vector<16xf32>
      %swap3A_787 = arith.index_cast %add3A_665 : i32 to index
      %swap3A_788 = arith.constant 48 : index
      %swap3A_789 = tpu.vector_load %arg7[%swap3A_787, %swap3A_788] {strides = array<i32>} : memref<128x128xf32, #tpu.memory_space<vmem>>, vector<1x16xf32>,
      %swap3A_790 = vector.shape_cast %swap3A_789 : vector<1x16xf32> to vector<16xf32>
      %swap3A_791 = vector.shape_cast %add3A_786 : vector<16xf32> to vector<1x16xf32>
      tpu.vector_store %arg7[%swap3A_787, %swap3A_788], %swap3A_791 {strides = array<i32>} : memref<128x128xf32, #tpu.memory_space<vmem>>, vector<1x16xf32>,
      %scan3A_792 = arith.constant 0 : i32
      scf.yield %scan3A_792 : i32
    }
    %scan3A_538 = arith.constant 64 : i32
    %add3A_539 = arith.constant 69632 : i32
    %add3A_540 = arith.addi %add3A_539, %mul3A_2 : i32
    %run_scoped3A_541 = arith.constant 1 : i32
    "tpu.region"() ({
      %run_scoped3A_660 = tpu.sem_alloc : memref<!tpu.dma_semaphore, #tpu.memory_space<semaphore_mem>>
      %dma_start3A_661 = arith.constant 0 : i32
      %dma_start3A_662 = tpu.memref_slice %arg5[%run_scoped3A_541, %dma_start3A_661] : memref<2x128xi32, #tpu.memory_space<vmem>> -> memref<1x128xi32, #tpu.memory_space<vmem>>
      %dma_start3A_663 = tpu.memref_squeeze %dma_start3A_662 : memref<1x128xi32, #tpu.memory_space<vmem>> -> memref<128xi32, #tpu.memory_space<vmem>>
      %dma_start3A_664 = tpu.memref_slice %arg2[%add3A_540] : memref<81920xi32, #tpu.memory_space<hbm>> -> memref<128xi32, #tpu.memory_space<hbm>>
      %dma_start3A_665 = arith.constant 0 : i32
      %dma_start3A_666 = tpu.memref_slice %arg5[%run_scoped3A_541, %dma_start3A_665] : memref<2x128xi32, #tpu.memory_space<vmem>> -> memref<1x128xi32, #tpu.memory_space<vmem>>
      %dma_start3A_667 = tpu.memref_squeeze %dma_start3A_666 : memref<1x128xi32, #tpu.memory_space<vmem>> -> memref<128xi32, #tpu.memory_space<vmem>>
      %dma_start3A_668 = tpu.memref_slice %arg2[%add3A_540] : memref<81920xi32, #tpu.memory_space<hbm>> -> memref<128xi32, #tpu.memory_space<hbm>>
      tpu.enqueue_dma source(%dma_start3A_668 : memref<128xi32, #tpu.memory_space<hbm>>) target(%dma_start3A_667 : memref<128xi32, #tpu.memory_space<vmem>>) target_semaphore(%run_scoped3A_660 : memref<!tpu.dma_semaphore, #tpu.memory_space<semaphore_mem>>)
      %dma_wait3A_669 = arith.constant 0 : i32
      %dma_wait3A_670 = tpu.memref_slice %arg5[%run_scoped3A_541, %dma_wait3A_669] : memref<2x128xi32, #tpu.memory_space<vmem>> -> memref<1x128xi32, #tpu.memory_space<vmem>>
      %dma_wait3A_671 = tpu.memref_squeeze %dma_wait3A_670 : memref<1x128xi32, #tpu.memory_space<vmem>> -> memref<128xi32, #tpu.memory_space<vmem>>
      %dma_wait3A_672 = tpu.memref_slice %arg2[%add3A_540] : memref<81920xi32, #tpu.memory_space<hbm>> -> memref<128xi32, #tpu.memory_space<hbm>>
      %dma_wait3A_673 = arith.constant 0 : i32
      %dma_wait3A_674 = tpu.memref_slice %arg5[%run_scoped3A_541, %dma_wait3A_673] : memref<2x128xi32, #tpu.memory_space<vmem>> -> memref<1x128xi32, #tpu.memory_space<vmem>>
      %dma_wait3A_675 = tpu.memref_squeeze %dma_wait3A_674 : memref<1x128xi32, #tpu.memory_space<vmem>> -> memref<128xi32, #tpu.memory_space<vmem>>
      %dma_wait3A_676 = tpu.memref_slice %arg2[%add3A_540] : memref<81920xi32, #tpu.memory_space<hbm>> -> memref<128xi32, #tpu.memory_space<hbm>>
      tpu.wait_dma2 semaphore(%run_scoped3A_660 : memref<!tpu.dma_semaphore, #tpu.memory_space<semaphore_mem>>) src(%dma_wait3A_676 : memref<128xi32, #tpu.memory_space<hbm>>) dst(%dma_wait3A_675 : memref<128xi32, #tpu.memory_space<vmem>>)
      tpu.yield
    }) : () -> ()
    %dma_start3A_542 = arith.constant 1 : i32
    %dma_start3A_543 = arith.constant 1 : i32
    %dma_start3A_544 = arith.constant 0 : i32
    %dma_start3A_545 = arith.constant 0 : i32
    %dma_start3A_546 = tpu.memref_slice %arg6[%dma_start3A_543, %dma_start3A_544, %dma_start3A_545] : memref<2x128x128xf32, #tpu.memory_space<vmem>> -> memref<1x128x128xf32, #tpu.memory_space<vmem>>
    %dma_start3A_547 = tpu.memref_squeeze %dma_start3A_546 : memref<1x128x128xf32, #tpu.memory_space<vmem>> -> memref<128x128xf32, #tpu.memory_space<vmem>>
    %dma_start3A_548 = arith.constant 0 : i32
    %dma_start3A_549 = tpu.memref_slice %arg5[%dma_start3A_542, %dma_start3A_548] : memref<2x128xi32, #tpu.memory_space<vmem>> -> memref<1x128xi32, #tpu.memory_space<vmem>>
    %dma_start3A_550 = tpu.memref_squeeze %dma_start3A_549 : memref<1x128xi32, #tpu.memory_space<vmem>> -> memref<128xi32, #tpu.memory_space<vmem>>
    %dma_start3A_551 = arith.constant 0 : i32
    %dma_start3A_552 = arith.constant 0 : i32
    %dma_start3A_553 = tpu.memref_slice %arg3[%dma_start3A_551, %dma_start3A_552] : memref<100000x128xf32, #tpu.memory_space<hbm>> -> memref<100000x128xf32, #tpu.memory_space<hbm>>
    tpu.enqueue_indirect_dma source(%dma_start3A_553 : memref<100000x128xf32, #tpu.memory_space<hbm>>) target(%dma_start3A_547 : memref<128x128xf32, #tpu.memory_space<vmem>>) offsets(%dma_start3A_550 : memref<128xi32, #tpu.memory_space<vmem>>) semaphore(%arg9 : memref<!tpu.dma_semaphore, #tpu.memory_space<semaphore_mem>>)
    %dma_wait3A_554 = arith.constant 0 : i32
    %dma_wait3A_555 = arith.constant 0 : i32
    %dma_wait3A_556 = arith.constant 0 : i32
    %dma_wait3A_557 = arith.constant 0 : i32
    %dma_wait3A_558 = tpu.memref_slice %arg6[%dma_wait3A_555, %dma_wait3A_556, %dma_wait3A_557] : memref<2x128x128xf32, #tpu.memory_space<vmem>> -> memref<1x128x128xf32, #tpu.memory_space<vmem>>
    %dma_wait3A_559 = tpu.memref_squeeze %dma_wait3A_558 : memref<1x128x128xf32, #tpu.memory_space<vmem>> -> memref<128x128xf32, #tpu.memory_space<vmem>>
    %dma_wait3A_560 = arith.constant 0 : i32
    %dma_wait3A_561 = tpu.memref_slice %arg5[%dma_wait3A_554, %dma_wait3A_560] : memref<2x128xi32, #tpu.memory_space<vmem>> -> memref<1x128xi32, #tpu.memory_space<vmem>>
    %dma_wait3A_562 = tpu.memref_squeeze %dma_wait3A_561 : memref<1x128xi32, #tpu.memory_space<vmem>> -> memref<128xi32, #tpu.memory_space<vmem>>
    %dma_wait3A_563 = arith.constant 0 : i32
    %dma_wait3A_564 = arith.constant 0 : i32
    %dma_wait3A_565 = tpu.memref_slice %arg3[%dma_wait3A_563, %dma_wait3A_564] : memref<100000x128xf32, #tpu.memory_space<hbm>> -> memref<100000x128xf32, #tpu.memory_space<hbm>>
    tpu.wait_indirect_dma semaphore(%arg8 : memref<!tpu.dma_semaphore, #tpu.memory_space<semaphore_mem>>) src(%dma_wait3A_565 : memref<100000x128xf32, #tpu.memory_space<hbm>>) dst(%dma_wait3A_559 : memref<128x128xf32, #tpu.memory_space<vmem>>)
    %scan3A_566 = arith.constant 0 : i32
    %scan3A_567 = arith.constant 0 : i32
    %scan3A_568 = arith.constant 64 : i32
    %scan3A_569 = arith.addi %scan3A_567, %scan3A_568 : i32
    %scan3A_570 = arith.constant 1 : i32
    %scan3A_571 = scf.for %scan3A_660 = %scan3A_567 to %scan3A_569 step %scan3A_570 iter_args(%scan3A_661 = %scan3A_566) -> (i32)  : i32 {
      %mul3A_662 = arith.constant 2 : i32
      %mul3A_663 = arith.muli %scan3A_660, %mul3A_662 : i32
      %add3A_664 = arith.constant 1 : i32
      %add3A_665 = arith.addi %mul3A_663, %add3A_664 : i32
      %get3A = arith.index_cast %mul3A_663 : i32 to index
      %get3A_666 = arith.constant 0 : index
      %get3A_667 = tpu.vector_load %arg7[%get3A, %get3A_666] {strides = array<i32>} : memref<128x128xf32, #tpu.memory_space<vmem>>, vector<1x16xf32>,
      %get3A_668 = vector.shape_cast %get3A_667 : vector<1x16xf32> to vector<16xf32>
      %get3A_669 = arith.constant 0 : i32
      %get3A_670 = arith.index_cast %get3A_669 : i32 to index
      %get3A_671 = arith.index_cast %mul3A_663 : i32 to index
      %get3A_672 = arith.constant 0 : index
      %get3A_673 = tpu.vector_load %arg6[%get3A_670, %get3A_671, %get3A_672] {strides = array<i32>} : memref<2x128x128xf32, #tpu.memory_space<vmem>>, vector<1x1x16xf32>,
      %get3A_674 = vector.shape_cast %get3A_673 : vector<1x1x16xf32> to vector<16xf32>
      %add3A_675 = arith.addf %get3A_668, %get3A_674 : vector<16xf32>
      %swap3A = arith.index_cast %mul3A_663 : i32 to index
      %swap3A_676 = arith.constant 0 : index
      %swap3A_677 = tpu.vector_load %arg7[%swap3A, %swap3A_676] {strides = array<i32>} : memref<128x128xf32, #tpu.memory_space<vmem>>, vector<1x16xf32>,
      %swap3A_678 = vector.shape_cast %swap3A_677 : vector<1x16xf32> to vector<16xf32>
      %swap3A_679 = vector.shape_cast %add3A_675 : vector<16xf32> to vector<1x16xf32>
      tpu.vector_store %arg7[%swap3A, %swap3A_676], %swap3A_679 {strides = array<i32>} : memref<128x128xf32, #tpu.memory_space<vmem>>, vector<1x16xf32>,
      %get3A_680 = arith.index_cast %mul3A_663 : i32 to index
      %get3A_681 = arith.constant 16 : index
      %get3A_682 = tpu.vector_load %arg7[%get3A_680, %get3A_681] {strides = array<i32>} : memref<128x128xf32, #tpu.memory_space<vmem>>, vector<1x16xf32>,
      %get3A_683 = vector.shape_cast %get3A_682 : vector<1x16xf32> to vector<16xf32>
      %get3A_684 = arith.constant 0 : i32
      %get3A_685 = arith.index_cast %get3A_684 : i32 to index
      %get3A_686 = arith.index_cast %mul3A_663 : i32 to index
      %get3A_687 = arith.constant 16 : index
      %get3A_688 = tpu.vector_load %arg6[%get3A_685, %get3A_686, %get3A_687] {strides = array<i32>} : memref<2x128x128xf32, #tpu.memory_space<vmem>>, vector<1x1x16xf32>,
      %get3A_689 = vector.shape_cast %get3A_688 : vector<1x1x16xf32> to vector<16xf32>
      %add3A_690 = arith.addf %get3A_683, %get3A_689 : vector<16xf32>
      %swap3A_691 = arith.index_cast %mul3A_663 : i32 to index
      %swap3A_692 = arith.constant 16 : index
      %swap3A_693 = tpu.vector_load %arg7[%swap3A_691, %swap3A_692] {strides = array<i32>} : memref<128x128xf32, #tpu.memory_space<vmem>>, vector<1x16xf32>,
      %swap3A_694 = vector.shape_cast %swap3A_693 : vector<1x16xf32> to vector<16xf32>
      %swap3A_695 = vector.shape_cast %add3A_690 : vector<16xf32> to vector<1x16xf32>
      tpu.vector_store %arg7[%swap3A_691, %swap3A_692], %swap3A_695 {strides = array<i32>} : memref<128x128xf32, #tpu.memory_space<vmem>>, vector<1x16xf32>,
      %get3A_696 = arith.index_cast %mul3A_663 : i32 to index
      %get3A_697 = arith.constant 32 : index
      %get3A_698 = tpu.vector_load %arg7[%get3A_696, %get3A_697] {strides = array<i32>} : memref<128x128xf32, #tpu.memory_space<vmem>>, vector<1x16xf32>,
      %get3A_699 = vector.shape_cast %get3A_698 : vector<1x16xf32> to vector<16xf32>
      %get3A_700 = arith.constant 0 : i32
      %get3A_701 = arith.index_cast %get3A_700 : i32 to index
      %get3A_702 = arith.index_cast %mul3A_663 : i32 to index
      %get3A_703 = arith.constant 32 : index
      %get3A_704 = tpu.vector_load %arg6[%get3A_701, %get3A_702, %get3A_703] {strides = array<i32>} : memref<2x128x128xf32, #tpu.memory_space<vmem>>, vector<1x1x16xf32>,
      %get3A_705 = vector.shape_cast %get3A_704 : vector<1x1x16xf32> to vector<16xf32>
      %add3A_706 = arith.addf %get3A_699, %get3A_705 : vector<16xf32>
      %swap3A_707 = arith.index_cast %mul3A_663 : i32 to index
      %swap3A_708 = arith.constant 32 : index
      %swap3A_709 = tpu.vector_load %arg7[%swap3A_707, %swap3A_708] {strides = array<i32>} : memref<128x128xf32, #tpu.memory_space<vmem>>, vector<1x16xf32>,
      %swap3A_710 = vector.shape_cast %swap3A_709 : vector<1x16xf32> to vector<16xf32>
      %swap3A_711 = vector.shape_cast %add3A_706 : vector<16xf32> to vector<1x16xf32>
      tpu.vector_store %arg7[%swap3A_707, %swap3A_708], %swap3A_711 {strides = array<i32>} : memref<128x128xf32, #tpu.memory_space<vmem>>, vector<1x16xf32>,
      %get3A_712 = arith.index_cast %mul3A_663 : i32 to index
      %get3A_713 = arith.constant 48 : index
      %get3A_714 = tpu.vector_load %arg7[%get3A_712, %get3A_713] {strides = array<i32>} : memref<128x128xf32, #tpu.memory_space<vmem>>, vector<1x16xf32>,
      %get3A_715 = vector.shape_cast %get3A_714 : vector<1x16xf32> to vector<16xf32>
      %get3A_716 = arith.constant 0 : i32
      %get3A_717 = arith.index_cast %get3A_716 : i32 to index
      %get3A_718 = arith.index_cast %mul3A_663 : i32 to index
      %get3A_719 = arith.constant 48 : index
      %get3A_720 = tpu.vector_load %arg6[%get3A_717, %get3A_718, %get3A_719] {strides = array<i32>} : memref<2x128x128xf32, #tpu.memory_space<vmem>>, vector<1x1x16xf32>,
      %get3A_721 = vector.shape_cast %get3A_720 : vector<1x1x16xf32> to vector<16xf32>
      %add3A_722 = arith.addf %get3A_715, %get3A_721 : vector<16xf32>
      %swap3A_723 = arith.index_cast %mul3A_663 : i32 to index
      %swap3A_724 = arith.constant 48 : index
      %swap3A_725 = tpu.vector_load %arg7[%swap3A_723, %swap3A_724] {strides = array<i32>} : memref<128x128xf32, #tpu.memory_space<vmem>>, vector<1x16xf32>,
      %swap3A_726 = vector.shape_cast %swap3A_725 : vector<1x16xf32> to vector<16xf32>
      %swap3A_727 = vector.shape_cast %add3A_722 : vector<16xf32> to vector<1x16xf32>
      tpu.vector_store %arg7[%swap3A_723, %swap3A_724], %swap3A_727 {strides = array<i32>} : memref<128x128xf32, #tpu.memory_space<vmem>>, vector<1x16xf32>,
      %get3A_728 = arith.index_cast %add3A_665 : i32 to index
      %get3A_729 = arith.constant 0 : index
      %get3A_730 = tpu.vector_load %arg7[%get3A_728, %get3A_729] {strides = array<i32>} : memref<128x128xf32, #tpu.memory_space<vmem>>, vector<1x16xf32>,
      %get3A_731 = vector.shape_cast %get3A_730 : vector<1x16xf32> to vector<16xf32>
      %get3A_732 = arith.constant 0 : i32
      %get3A_733 = arith.index_cast %get3A_732 : i32 to index
      %get3A_734 = arith.index_cast %add3A_665 : i32 to index
      %get3A_735 = arith.constant 0 : index
      %get3A_736 = tpu.vector_load %arg6[%get3A_733, %get3A_734, %get3A_735] {strides = array<i32>} : memref<2x128x128xf32, #tpu.memory_space<vmem>>, vector<1x1x16xf32>,
      %get3A_737 = vector.shape_cast %get3A_736 : vector<1x1x16xf32> to vector<16xf32>
      %add3A_738 = arith.addf %get3A_731, %get3A_737 : vector<16xf32>
      %swap3A_739 = arith.index_cast %add3A_665 : i32 to index
      %swap3A_740 = arith.constant 0 : index
      %swap3A_741 = tpu.vector_load %arg7[%swap3A_739, %swap3A_740] {strides = array<i32>} : memref<128x128xf32, #tpu.memory_space<vmem>>, vector<1x16xf32>,
      %swap3A_742 = vector.shape_cast %swap3A_741 : vector<1x16xf32> to vector<16xf32>
      %swap3A_743 = vector.shape_cast %add3A_738 : vector<16xf32> to vector<1x16xf32>
      tpu.vector_store %arg7[%swap3A_739, %swap3A_740], %swap3A_743 {strides = array<i32>} : memref<128x128xf32, #tpu.memory_space<vmem>>, vector<1x16xf32>,
      %get3A_744 = arith.index_cast %add3A_665 : i32 to index
      %get3A_745 = arith.constant 16 : index
      %get3A_746 = tpu.vector_load %arg7[%get3A_744, %get3A_745] {strides = array<i32>} : memref<128x128xf32, #tpu.memory_space<vmem>>, vector<1x16xf32>,
      %get3A_747 = vector.shape_cast %get3A_746 : vector<1x16xf32> to vector<16xf32>
      %get3A_748 = arith.constant 0 : i32
      %get3A_749 = arith.index_cast %get3A_748 : i32 to index
      %get3A_750 = arith.index_cast %add3A_665 : i32 to index
      %get3A_751 = arith.constant 16 : index
      %get3A_752 = tpu.vector_load %arg6[%get3A_749, %get3A_750, %get3A_751] {strides = array<i32>} : memref<2x128x128xf32, #tpu.memory_space<vmem>>, vector<1x1x16xf32>,
      %get3A_753 = vector.shape_cast %get3A_752 : vector<1x1x16xf32> to vector<16xf32>
      %add3A_754 = arith.addf %get3A_747, %get3A_753 : vector<16xf32>
      %swap3A_755 = arith.index_cast %add3A_665 : i32 to index
      %swap3A_756 = arith.constant 16 : index
      %swap3A_757 = tpu.vector_load %arg7[%swap3A_755, %swap3A_756] {strides = array<i32>} : memref<128x128xf32, #tpu.memory_space<vmem>>, vector<1x16xf32>,
      %swap3A_758 = vector.shape_cast %swap3A_757 : vector<1x16xf32> to vector<16xf32>
      %swap3A_759 = vector.shape_cast %add3A_754 : vector<16xf32> to vector<1x16xf32>
      tpu.vector_store %arg7[%swap3A_755, %swap3A_756], %swap3A_759 {strides = array<i32>} : memref<128x128xf32, #tpu.memory_space<vmem>>, vector<1x16xf32>,
      %get3A_760 = arith.index_cast %add3A_665 : i32 to index
      %get3A_761 = arith.constant 32 : index
      %get3A_762 = tpu.vector_load %arg7[%get3A_760, %get3A_761] {strides = array<i32>} : memref<128x128xf32, #tpu.memory_space<vmem>>, vector<1x16xf32>,
      %get3A_763 = vector.shape_cast %get3A_762 : vector<1x16xf32> to vector<16xf32>
      %get3A_764 = arith.constant 0 : i32
      %get3A_765 = arith.index_cast %get3A_764 : i32 to index
      %get3A_766 = arith.index_cast %add3A_665 : i32 to index
      %get3A_767 = arith.constant 32 : index
      %get3A_768 = tpu.vector_load %arg6[%get3A_765, %get3A_766, %get3A_767] {strides = array<i32>} : memref<2x128x128xf32, #tpu.memory_space<vmem>>, vector<1x1x16xf32>,
      %get3A_769 = vector.shape_cast %get3A_768 : vector<1x1x16xf32> to vector<16xf32>
      %add3A_770 = arith.addf %get3A_763, %get3A_769 : vector<16xf32>
      %swap3A_771 = arith.index_cast %add3A_665 : i32 to index
      %swap3A_772 = arith.constant 32 : index
      %swap3A_773 = tpu.vector_load %arg7[%swap3A_771, %swap3A_772] {strides = array<i32>} : memref<128x128xf32, #tpu.memory_space<vmem>>, vector<1x16xf32>,
      %swap3A_774 = vector.shape_cast %swap3A_773 : vector<1x16xf32> to vector<16xf32>
      %swap3A_775 = vector.shape_cast %add3A_770 : vector<16xf32> to vector<1x16xf32>
      tpu.vector_store %arg7[%swap3A_771, %swap3A_772], %swap3A_775 {strides = array<i32>} : memref<128x128xf32, #tpu.memory_space<vmem>>, vector<1x16xf32>,
      %get3A_776 = arith.index_cast %add3A_665 : i32 to index
      %get3A_777 = arith.constant 48 : index
      %get3A_778 = tpu.vector_load %arg7[%get3A_776, %get3A_777] {strides = array<i32>} : memref<128x128xf32, #tpu.memory_space<vmem>>, vector<1x16xf32>,
      %get3A_779 = vector.shape_cast %get3A_778 : vector<1x16xf32> to vector<16xf32>
      %get3A_780 = arith.constant 0 : i32
      %get3A_781 = arith.index_cast %get3A_780 : i32 to index
      %get3A_782 = arith.index_cast %add3A_665 : i32 to index
      %get3A_783 = arith.constant 48 : index
      %get3A_784 = tpu.vector_load %arg6[%get3A_781, %get3A_782, %get3A_783] {strides = array<i32>} : memref<2x128x128xf32, #tpu.memory_space<vmem>>, vector<1x1x16xf32>,
      %get3A_785 = vector.shape_cast %get3A_784 : vector<1x1x16xf32> to vector<16xf32>
      %add3A_786 = arith.addf %get3A_779, %get3A_785 : vector<16xf32>
      %swap3A_787 = arith.index_cast %add3A_665 : i32 to index
      %swap3A_788 = arith.constant 48 : index
      %swap3A_789 = tpu.vector_load %arg7[%swap3A_787, %swap3A_788] {strides = array<i32>} : memref<128x128xf32, #tpu.memory_space<vmem>>, vector<1x16xf32>,
      %swap3A_790 = vector.shape_cast %swap3A_789 : vector<1x16xf32> to vector<16xf32>
      %swap3A_791 = vector.shape_cast %add3A_786 : vector<16xf32> to vector<1x16xf32>
      tpu.vector_store %arg7[%swap3A_787, %swap3A_788], %swap3A_791 {strides = array<i32>} : memref<128x128xf32, #tpu.memory_space<vmem>>, vector<1x16xf32>,
      %scan3A_792 = arith.constant 0 : i32
      scf.yield %scan3A_792 : i32
    }
    %scan3A_572 = arith.constant 64 : i32
    %add3A_573 = arith.constant 73728 : i32
    %add3A_574 = arith.addi %add3A_573, %mul3A_2 : i32
    %run_scoped3A_575 = arith.constant 0 : i32
    "tpu.region"() ({
      %run_scoped3A_660 = tpu.sem_alloc : memref<!tpu.dma_semaphore, #tpu.memory_space<semaphore_mem>>
      %dma_start3A_661 = arith.constant 0 : i32
      %dma_start3A_662 = tpu.memref_slice %arg5[%run_scoped3A_575, %dma_start3A_661] : memref<2x128xi32, #tpu.memory_space<vmem>> -> memref<1x128xi32, #tpu.memory_space<vmem>>
      %dma_start3A_663 = tpu.memref_squeeze %dma_start3A_662 : memref<1x128xi32, #tpu.memory_space<vmem>> -> memref<128xi32, #tpu.memory_space<vmem>>
      %dma_start3A_664 = tpu.memref_slice %arg2[%add3A_574] : memref<81920xi32, #tpu.memory_space<hbm>> -> memref<128xi32, #tpu.memory_space<hbm>>
      %dma_start3A_665 = arith.constant 0 : i32
      %dma_start3A_666 = tpu.memref_slice %arg5[%run_scoped3A_575, %dma_start3A_665] : memref<2x128xi32, #tpu.memory_space<vmem>> -> memref<1x128xi32, #tpu.memory_space<vmem>>
      %dma_start3A_667 = tpu.memref_squeeze %dma_start3A_666 : memref<1x128xi32, #tpu.memory_space<vmem>> -> memref<128xi32, #tpu.memory_space<vmem>>
      %dma_start3A_668 = tpu.memref_slice %arg2[%add3A_574] : memref<81920xi32, #tpu.memory_space<hbm>> -> memref<128xi32, #tpu.memory_space<hbm>>
      tpu.enqueue_dma source(%dma_start3A_668 : memref<128xi32, #tpu.memory_space<hbm>>) target(%dma_start3A_667 : memref<128xi32, #tpu.memory_space<vmem>>) target_semaphore(%run_scoped3A_660 : memref<!tpu.dma_semaphore, #tpu.memory_space<semaphore_mem>>)
      %dma_wait3A_669 = arith.constant 0 : i32
      %dma_wait3A_670 = tpu.memref_slice %arg5[%run_scoped3A_575, %dma_wait3A_669] : memref<2x128xi32, #tpu.memory_space<vmem>> -> memref<1x128xi32, #tpu.memory_space<vmem>>
      %dma_wait3A_671 = tpu.memref_squeeze %dma_wait3A_670 : memref<1x128xi32, #tpu.memory_space<vmem>> -> memref<128xi32, #tpu.memory_space<vmem>>
      %dma_wait3A_672 = tpu.memref_slice %arg2[%add3A_574] : memref<81920xi32, #tpu.memory_space<hbm>> -> memref<128xi32, #tpu.memory_space<hbm>>
      %dma_wait3A_673 = arith.constant 0 : i32
      %dma_wait3A_674 = tpu.memref_slice %arg5[%run_scoped3A_575, %dma_wait3A_673] : memref<2x128xi32, #tpu.memory_space<vmem>> -> memref<1x128xi32, #tpu.memory_space<vmem>>
      %dma_wait3A_675 = tpu.memref_squeeze %dma_wait3A_674 : memref<1x128xi32, #tpu.memory_space<vmem>> -> memref<128xi32, #tpu.memory_space<vmem>>
      %dma_wait3A_676 = tpu.memref_slice %arg2[%add3A_574] : memref<81920xi32, #tpu.memory_space<hbm>> -> memref<128xi32, #tpu.memory_space<hbm>>
      tpu.wait_dma2 semaphore(%run_scoped3A_660 : memref<!tpu.dma_semaphore, #tpu.memory_space<semaphore_mem>>) src(%dma_wait3A_676 : memref<128xi32, #tpu.memory_space<hbm>>) dst(%dma_wait3A_675 : memref<128xi32, #tpu.memory_space<vmem>>)
      tpu.yield
    }) : () -> ()
    %dma_start3A_576 = arith.constant 0 : i32
    %dma_start3A_577 = arith.constant 0 : i32
    %dma_start3A_578 = arith.constant 0 : i32
    %dma_start3A_579 = arith.constant 0 : i32
    %dma_start3A_580 = tpu.memref_slice %arg6[%dma_start3A_577, %dma_start3A_578, %dma_start3A_579] : memref<2x128x128xf32, #tpu.memory_space<vmem>> -> memref<1x128x128xf32, #tpu.memory_space<vmem>>
    %dma_start3A_581 = tpu.memref_squeeze %dma_start3A_580 : memref<1x128x128xf32, #tpu.memory_space<vmem>> -> memref<128x128xf32, #tpu.memory_space<vmem>>
    %dma_start3A_582 = arith.constant 0 : i32
    %dma_start3A_583 = tpu.memref_slice %arg5[%dma_start3A_576, %dma_start3A_582] : memref<2x128xi32, #tpu.memory_space<vmem>> -> memref<1x128xi32, #tpu.memory_space<vmem>>
    %dma_start3A_584 = tpu.memref_squeeze %dma_start3A_583 : memref<1x128xi32, #tpu.memory_space<vmem>> -> memref<128xi32, #tpu.memory_space<vmem>>
    %dma_start3A_585 = arith.constant 0 : i32
    %dma_start3A_586 = arith.constant 0 : i32
    %dma_start3A_587 = tpu.memref_slice %arg3[%dma_start3A_585, %dma_start3A_586] : memref<100000x128xf32, #tpu.memory_space<hbm>> -> memref<100000x128xf32, #tpu.memory_space<hbm>>
    tpu.enqueue_indirect_dma source(%dma_start3A_587 : memref<100000x128xf32, #tpu.memory_space<hbm>>) target(%dma_start3A_581 : memref<128x128xf32, #tpu.memory_space<vmem>>) offsets(%dma_start3A_584 : memref<128xi32, #tpu.memory_space<vmem>>) semaphore(%arg8 : memref<!tpu.dma_semaphore, #tpu.memory_space<semaphore_mem>>)
    %dma_wait3A_588 = arith.constant 1 : i32
    %dma_wait3A_589 = arith.constant 1 : i32
    %dma_wait3A_590 = arith.constant 0 : i32
    %dma_wait3A_591 = arith.constant 0 : i32
    %dma_wait3A_592 = tpu.memref_slice %arg6[%dma_wait3A_589, %dma_wait3A_590, %dma_wait3A_591] : memref<2x128x128xf32, #tpu.memory_space<vmem>> -> memref<1x128x128xf32, #tpu.memory_space<vmem>>
    %dma_wait3A_593 = tpu.memref_squeeze %dma_wait3A_592 : memref<1x128x128xf32, #tpu.memory_space<vmem>> -> memref<128x128xf32, #tpu.memory_space<vmem>>
    %dma_wait3A_594 = arith.constant 0 : i32
    %dma_wait3A_595 = tpu.memref_slice %arg5[%dma_wait3A_588, %dma_wait3A_594] : memref<2x128xi32, #tpu.memory_space<vmem>> -> memref<1x128xi32, #tpu.memory_space<vmem>>
    %dma_wait3A_596 = tpu.memref_squeeze %dma_wait3A_595 : memref<1x128xi32, #tpu.memory_space<vmem>> -> memref<128xi32, #tpu.memory_space<vmem>>
    %dma_wait3A_597 = arith.constant 0 : i32
    %dma_wait3A_598 = arith.constant 0 : i32
    %dma_wait3A_599 = tpu.memref_slice %arg3[%dma_wait3A_597, %dma_wait3A_598] : memref<100000x128xf32, #tpu.memory_space<hbm>> -> memref<100000x128xf32, #tpu.memory_space<hbm>>
    tpu.wait_indirect_dma semaphore(%arg9 : memref<!tpu.dma_semaphore, #tpu.memory_space<semaphore_mem>>) src(%dma_wait3A_599 : memref<100000x128xf32, #tpu.memory_space<hbm>>) dst(%dma_wait3A_593 : memref<128x128xf32, #tpu.memory_space<vmem>>)
    %scan3A_600 = arith.constant 0 : i32
    %scan3A_601 = arith.constant 0 : i32
    %scan3A_602 = arith.constant 64 : i32
    %scan3A_603 = arith.addi %scan3A_601, %scan3A_602 : i32
    %scan3A_604 = arith.constant 1 : i32
    %scan3A_605 = scf.for %scan3A_660 = %scan3A_601 to %scan3A_603 step %scan3A_604 iter_args(%scan3A_661 = %scan3A_600) -> (i32)  : i32 {
      %mul3A_662 = arith.constant 2 : i32
      %mul3A_663 = arith.muli %scan3A_660, %mul3A_662 : i32
      %add3A_664 = arith.constant 1 : i32
      %add3A_665 = arith.addi %mul3A_663, %add3A_664 : i32
      %get3A = arith.index_cast %mul3A_663 : i32 to index
      %get3A_666 = arith.constant 0 : index
      %get3A_667 = tpu.vector_load %arg7[%get3A, %get3A_666] {strides = array<i32>} : memref<128x128xf32, #tpu.memory_space<vmem>>, vector<1x16xf32>,
      %get3A_668 = vector.shape_cast %get3A_667 : vector<1x16xf32> to vector<16xf32>
      %get3A_669 = arith.constant 1 : i32
      %get3A_670 = arith.index_cast %get3A_669 : i32 to index
      %get3A_671 = arith.index_cast %mul3A_663 : i32 to index
      %get3A_672 = arith.constant 0 : index
      %get3A_673 = tpu.vector_load %arg6[%get3A_670, %get3A_671, %get3A_672] {strides = array<i32>} : memref<2x128x128xf32, #tpu.memory_space<vmem>>, vector<1x1x16xf32>,
      %get3A_674 = vector.shape_cast %get3A_673 : vector<1x1x16xf32> to vector<16xf32>
      %add3A_675 = arith.addf %get3A_668, %get3A_674 : vector<16xf32>
      %swap3A = arith.index_cast %mul3A_663 : i32 to index
      %swap3A_676 = arith.constant 0 : index
      %swap3A_677 = tpu.vector_load %arg7[%swap3A, %swap3A_676] {strides = array<i32>} : memref<128x128xf32, #tpu.memory_space<vmem>>, vector<1x16xf32>,
      %swap3A_678 = vector.shape_cast %swap3A_677 : vector<1x16xf32> to vector<16xf32>
      %swap3A_679 = vector.shape_cast %add3A_675 : vector<16xf32> to vector<1x16xf32>
      tpu.vector_store %arg7[%swap3A, %swap3A_676], %swap3A_679 {strides = array<i32>} : memref<128x128xf32, #tpu.memory_space<vmem>>, vector<1x16xf32>,
      %get3A_680 = arith.index_cast %mul3A_663 : i32 to index
      %get3A_681 = arith.constant 16 : index
      %get3A_682 = tpu.vector_load %arg7[%get3A_680, %get3A_681] {strides = array<i32>} : memref<128x128xf32, #tpu.memory_space<vmem>>, vector<1x16xf32>,
      %get3A_683 = vector.shape_cast %get3A_682 : vector<1x16xf32> to vector<16xf32>
      %get3A_684 = arith.constant 1 : i32
      %get3A_685 = arith.index_cast %get3A_684 : i32 to index
      %get3A_686 = arith.index_cast %mul3A_663 : i32 to index
      %get3A_687 = arith.constant 16 : index
      %get3A_688 = tpu.vector_load %arg6[%get3A_685, %get3A_686, %get3A_687] {strides = array<i32>} : memref<2x128x128xf32, #tpu.memory_space<vmem>>, vector<1x1x16xf32>,
      %get3A_689 = vector.shape_cast %get3A_688 : vector<1x1x16xf32> to vector<16xf32>
      %add3A_690 = arith.addf %get3A_683, %get3A_689 : vector<16xf32>
      %swap3A_691 = arith.index_cast %mul3A_663 : i32 to index
      %swap3A_692 = arith.constant 16 : index
      %swap3A_693 = tpu.vector_load %arg7[%swap3A_691, %swap3A_692] {strides = array<i32>} : memref<128x128xf32, #tpu.memory_space<vmem>>, vector<1x16xf32>,
      %swap3A_694 = vector.shape_cast %swap3A_693 : vector<1x16xf32> to vector<16xf32>
      %swap3A_695 = vector.shape_cast %add3A_690 : vector<16xf32> to vector<1x16xf32>
      tpu.vector_store %arg7[%swap3A_691, %swap3A_692], %swap3A_695 {strides = array<i32>} : memref<128x128xf32, #tpu.memory_space<vmem>>, vector<1x16xf32>,
      %get3A_696 = arith.index_cast %mul3A_663 : i32 to index
      %get3A_697 = arith.constant 32 : index
      %get3A_698 = tpu.vector_load %arg7[%get3A_696, %get3A_697] {strides = array<i32>} : memref<128x128xf32, #tpu.memory_space<vmem>>, vector<1x16xf32>,
      %get3A_699 = vector.shape_cast %get3A_698 : vector<1x16xf32> to vector<16xf32>
      %get3A_700 = arith.constant 1 : i32
      %get3A_701 = arith.index_cast %get3A_700 : i32 to index
      %get3A_702 = arith.index_cast %mul3A_663 : i32 to index
      %get3A_703 = arith.constant 32 : index
      %get3A_704 = tpu.vector_load %arg6[%get3A_701, %get3A_702, %get3A_703] {strides = array<i32>} : memref<2x128x128xf32, #tpu.memory_space<vmem>>, vector<1x1x16xf32>,
      %get3A_705 = vector.shape_cast %get3A_704 : vector<1x1x16xf32> to vector<16xf32>
      %add3A_706 = arith.addf %get3A_699, %get3A_705 : vector<16xf32>
      %swap3A_707 = arith.index_cast %mul3A_663 : i32 to index
      %swap3A_708 = arith.constant 32 : index
      %swap3A_709 = tpu.vector_load %arg7[%swap3A_707, %swap3A_708] {strides = array<i32>} : memref<128x128xf32, #tpu.memory_space<vmem>>, vector<1x16xf32>,
      %swap3A_710 = vector.shape_cast %swap3A_709 : vector<1x16xf32> to vector<16xf32>
      %swap3A_711 = vector.shape_cast %add3A_706 : vector<16xf32> to vector<1x16xf32>
      tpu.vector_store %arg7[%swap3A_707, %swap3A_708], %swap3A_711 {strides = array<i32>} : memref<128x128xf32, #tpu.memory_space<vmem>>, vector<1x16xf32>,
      %get3A_712 = arith.index_cast %mul3A_663 : i32 to index
      %get3A_713 = arith.constant 48 : index
      %get3A_714 = tpu.vector_load %arg7[%get3A_712, %get3A_713] {strides = array<i32>} : memref<128x128xf32, #tpu.memory_space<vmem>>, vector<1x16xf32>,
      %get3A_715 = vector.shape_cast %get3A_714 : vector<1x16xf32> to vector<16xf32>
      %get3A_716 = arith.constant 1 : i32
      %get3A_717 = arith.index_cast %get3A_716 : i32 to index
      %get3A_718 = arith.index_cast %mul3A_663 : i32 to index
      %get3A_719 = arith.constant 48 : index
      %get3A_720 = tpu.vector_load %arg6[%get3A_717, %get3A_718, %get3A_719] {strides = array<i32>} : memref<2x128x128xf32, #tpu.memory_space<vmem>>, vector<1x1x16xf32>,
      %get3A_721 = vector.shape_cast %get3A_720 : vector<1x1x16xf32> to vector<16xf32>
      %add3A_722 = arith.addf %get3A_715, %get3A_721 : vector<16xf32>
      %swap3A_723 = arith.index_cast %mul3A_663 : i32 to index
      %swap3A_724 = arith.constant 48 : index
      %swap3A_725 = tpu.vector_load %arg7[%swap3A_723, %swap3A_724] {strides = array<i32>} : memref<128x128xf32, #tpu.memory_space<vmem>>, vector<1x16xf32>,
      %swap3A_726 = vector.shape_cast %swap3A_725 : vector<1x16xf32> to vector<16xf32>
      %swap3A_727 = vector.shape_cast %add3A_722 : vector<16xf32> to vector<1x16xf32>
      tpu.vector_store %arg7[%swap3A_723, %swap3A_724], %swap3A_727 {strides = array<i32>} : memref<128x128xf32, #tpu.memory_space<vmem>>, vector<1x16xf32>,
      %get3A_728 = arith.index_cast %add3A_665 : i32 to index
      %get3A_729 = arith.constant 0 : index
      %get3A_730 = tpu.vector_load %arg7[%get3A_728, %get3A_729] {strides = array<i32>} : memref<128x128xf32, #tpu.memory_space<vmem>>, vector<1x16xf32>,
      %get3A_731 = vector.shape_cast %get3A_730 : vector<1x16xf32> to vector<16xf32>
      %get3A_732 = arith.constant 1 : i32
      %get3A_733 = arith.index_cast %get3A_732 : i32 to index
      %get3A_734 = arith.index_cast %add3A_665 : i32 to index
      %get3A_735 = arith.constant 0 : index
      %get3A_736 = tpu.vector_load %arg6[%get3A_733, %get3A_734, %get3A_735] {strides = array<i32>} : memref<2x128x128xf32, #tpu.memory_space<vmem>>, vector<1x1x16xf32>,
      %get3A_737 = vector.shape_cast %get3A_736 : vector<1x1x16xf32> to vector<16xf32>
      %add3A_738 = arith.addf %get3A_731, %get3A_737 : vector<16xf32>
      %swap3A_739 = arith.index_cast %add3A_665 : i32 to index
      %swap3A_740 = arith.constant 0 : index
      %swap3A_741 = tpu.vector_load %arg7[%swap3A_739, %swap3A_740] {strides = array<i32>} : memref<128x128xf32, #tpu.memory_space<vmem>>, vector<1x16xf32>,
      %swap3A_742 = vector.shape_cast %swap3A_741 : vector<1x16xf32> to vector<16xf32>
      %swap3A_743 = vector.shape_cast %add3A_738 : vector<16xf32> to vector<1x16xf32>
      tpu.vector_store %arg7[%swap3A_739, %swap3A_740], %swap3A_743 {strides = array<i32>} : memref<128x128xf32, #tpu.memory_space<vmem>>, vector<1x16xf32>,
      %get3A_744 = arith.index_cast %add3A_665 : i32 to index
      %get3A_745 = arith.constant 16 : index
      %get3A_746 = tpu.vector_load %arg7[%get3A_744, %get3A_745] {strides = array<i32>} : memref<128x128xf32, #tpu.memory_space<vmem>>, vector<1x16xf32>,
      %get3A_747 = vector.shape_cast %get3A_746 : vector<1x16xf32> to vector<16xf32>
      %get3A_748 = arith.constant 1 : i32
      %get3A_749 = arith.index_cast %get3A_748 : i32 to index
      %get3A_750 = arith.index_cast %add3A_665 : i32 to index
      %get3A_751 = arith.constant 16 : index
      %get3A_752 = tpu.vector_load %arg6[%get3A_749, %get3A_750, %get3A_751] {strides = array<i32>} : memref<2x128x128xf32, #tpu.memory_space<vmem>>, vector<1x1x16xf32>,
      %get3A_753 = vector.shape_cast %get3A_752 : vector<1x1x16xf32> to vector<16xf32>
      %add3A_754 = arith.addf %get3A_747, %get3A_753 : vector<16xf32>
      %swap3A_755 = arith.index_cast %add3A_665 : i32 to index
      %swap3A_756 = arith.constant 16 : index
      %swap3A_757 = tpu.vector_load %arg7[%swap3A_755, %swap3A_756] {strides = array<i32>} : memref<128x128xf32, #tpu.memory_space<vmem>>, vector<1x16xf32>,
      %swap3A_758 = vector.shape_cast %swap3A_757 : vector<1x16xf32> to vector<16xf32>
      %swap3A_759 = vector.shape_cast %add3A_754 : vector<16xf32> to vector<1x16xf32>
      tpu.vector_store %arg7[%swap3A_755, %swap3A_756], %swap3A_759 {strides = array<i32>} : memref<128x128xf32, #tpu.memory_space<vmem>>, vector<1x16xf32>,
      %get3A_760 = arith.index_cast %add3A_665 : i32 to index
      %get3A_761 = arith.constant 32 : index
      %get3A_762 = tpu.vector_load %arg7[%get3A_760, %get3A_761] {strides = array<i32>} : memref<128x128xf32, #tpu.memory_space<vmem>>, vector<1x16xf32>,
      %get3A_763 = vector.shape_cast %get3A_762 : vector<1x16xf32> to vector<16xf32>
      %get3A_764 = arith.constant 1 : i32
      %get3A_765 = arith.index_cast %get3A_764 : i32 to index
      %get3A_766 = arith.index_cast %add3A_665 : i32 to index
      %get3A_767 = arith.constant 32 : index
      %get3A_768 = tpu.vector_load %arg6[%get3A_765, %get3A_766, %get3A_767] {strides = array<i32>} : memref<2x128x128xf32, #tpu.memory_space<vmem>>, vector<1x1x16xf32>,
      %get3A_769 = vector.shape_cast %get3A_768 : vector<1x1x16xf32> to vector<16xf32>
      %add3A_770 = arith.addf %get3A_763, %get3A_769 : vector<16xf32>
      %swap3A_771 = arith.index_cast %add3A_665 : i32 to index
      %swap3A_772 = arith.constant 32 : index
      %swap3A_773 = tpu.vector_load %arg7[%swap3A_771, %swap3A_772] {strides = array<i32>} : memref<128x128xf32, #tpu.memory_space<vmem>>, vector<1x16xf32>,
      %swap3A_774 = vector.shape_cast %swap3A_773 : vector<1x16xf32> to vector<16xf32>
      %swap3A_775 = vector.shape_cast %add3A_770 : vector<16xf32> to vector<1x16xf32>
      tpu.vector_store %arg7[%swap3A_771, %swap3A_772], %swap3A_775 {strides = array<i32>} : memref<128x128xf32, #tpu.memory_space<vmem>>, vector<1x16xf32>,
      %get3A_776 = arith.index_cast %add3A_665 : i32 to index
      %get3A_777 = arith.constant 48 : index
      %get3A_778 = tpu.vector_load %arg7[%get3A_776, %get3A_777] {strides = array<i32>} : memref<128x128xf32, #tpu.memory_space<vmem>>, vector<1x16xf32>,
      %get3A_779 = vector.shape_cast %get3A_778 : vector<1x16xf32> to vector<16xf32>
      %get3A_780 = arith.constant 1 : i32
      %get3A_781 = arith.index_cast %get3A_780 : i32 to index
      %get3A_782 = arith.index_cast %add3A_665 : i32 to index
      %get3A_783 = arith.constant 48 : index
      %get3A_784 = tpu.vector_load %arg6[%get3A_781, %get3A_782, %get3A_783] {strides = array<i32>} : memref<2x128x128xf32, #tpu.memory_space<vmem>>, vector<1x1x16xf32>,
      %get3A_785 = vector.shape_cast %get3A_784 : vector<1x1x16xf32> to vector<16xf32>
      %add3A_786 = arith.addf %get3A_779, %get3A_785 : vector<16xf32>
      %swap3A_787 = arith.index_cast %add3A_665 : i32 to index
      %swap3A_788 = arith.constant 48 : index
      %swap3A_789 = tpu.vector_load %arg7[%swap3A_787, %swap3A_788] {strides = array<i32>} : memref<128x128xf32, #tpu.memory_space<vmem>>, vector<1x16xf32>,
      %swap3A_790 = vector.shape_cast %swap3A_789 : vector<1x16xf32> to vector<16xf32>
      %swap3A_791 = vector.shape_cast %add3A_786 : vector<16xf32> to vector<1x16xf32>
      tpu.vector_store %arg7[%swap3A_787, %swap3A_788], %swap3A_791 {strides = array<i32>} : memref<128x128xf32, #tpu.memory_space<vmem>>, vector<1x16xf32>,
      %scan3A_792 = arith.constant 0 : i32
      scf.yield %scan3A_792 : i32
    }
    %scan3A_606 = arith.constant 64 : i32
    %add3A_607 = arith.constant 77824 : i32
    %add3A_608 = arith.addi %add3A_607, %mul3A_2 : i32
    %run_scoped3A_609 = arith.constant 1 : i32
    "tpu.region"() ({
      %run_scoped3A_660 = tpu.sem_alloc : memref<!tpu.dma_semaphore, #tpu.memory_space<semaphore_mem>>
      %dma_start3A_661 = arith.constant 0 : i32
      %dma_start3A_662 = tpu.memref_slice %arg5[%run_scoped3A_609, %dma_start3A_661] : memref<2x128xi32, #tpu.memory_space<vmem>> -> memref<1x128xi32, #tpu.memory_space<vmem>>
      %dma_start3A_663 = tpu.memref_squeeze %dma_start3A_662 : memref<1x128xi32, #tpu.memory_space<vmem>> -> memref<128xi32, #tpu.memory_space<vmem>>
      %dma_start3A_664 = tpu.memref_slice %arg2[%add3A_608] : memref<81920xi32, #tpu.memory_space<hbm>> -> memref<128xi32, #tpu.memory_space<hbm>>
      %dma_start3A_665 = arith.constant 0 : i32
      %dma_start3A_666 = tpu.memref_slice %arg5[%run_scoped3A_609, %dma_start3A_665] : memref<2x128xi32, #tpu.memory_space<vmem>> -> memref<1x128xi32, #tpu.memory_space<vmem>>
      %dma_start3A_667 = tpu.memref_squeeze %dma_start3A_666 : memref<1x128xi32, #tpu.memory_space<vmem>> -> memref<128xi32, #tpu.memory_space<vmem>>
      %dma_start3A_668 = tpu.memref_slice %arg2[%add3A_608] : memref<81920xi32, #tpu.memory_space<hbm>> -> memref<128xi32, #tpu.memory_space<hbm>>
      tpu.enqueue_dma source(%dma_start3A_668 : memref<128xi32, #tpu.memory_space<hbm>>) target(%dma_start3A_667 : memref<128xi32, #tpu.memory_space<vmem>>) target_semaphore(%run_scoped3A_660 : memref<!tpu.dma_semaphore, #tpu.memory_space<semaphore_mem>>)
      %dma_wait3A_669 = arith.constant 0 : i32
      %dma_wait3A_670 = tpu.memref_slice %arg5[%run_scoped3A_609, %dma_wait3A_669] : memref<2x128xi32, #tpu.memory_space<vmem>> -> memref<1x128xi32, #tpu.memory_space<vmem>>
      %dma_wait3A_671 = tpu.memref_squeeze %dma_wait3A_670 : memref<1x128xi32, #tpu.memory_space<vmem>> -> memref<128xi32, #tpu.memory_space<vmem>>
      %dma_wait3A_672 = tpu.memref_slice %arg2[%add3A_608] : memref<81920xi32, #tpu.memory_space<hbm>> -> memref<128xi32, #tpu.memory_space<hbm>>
      %dma_wait3A_673 = arith.constant 0 : i32
      %dma_wait3A_674 = tpu.memref_slice %arg5[%run_scoped3A_609, %dma_wait3A_673] : memref<2x128xi32, #tpu.memory_space<vmem>> -> memref<1x128xi32, #tpu.memory_space<vmem>>
      %dma_wait3A_675 = tpu.memref_squeeze %dma_wait3A_674 : memref<1x128xi32, #tpu.memory_space<vmem>> -> memref<128xi32, #tpu.memory_space<vmem>>
      %dma_wait3A_676 = tpu.memref_slice %arg2[%add3A_608] : memref<81920xi32, #tpu.memory_space<hbm>> -> memref<128xi32, #tpu.memory_space<hbm>>
      tpu.wait_dma2 semaphore(%run_scoped3A_660 : memref<!tpu.dma_semaphore, #tpu.memory_space<semaphore_mem>>) src(%dma_wait3A_676 : memref<128xi32, #tpu.memory_space<hbm>>) dst(%dma_wait3A_675 : memref<128xi32, #tpu.memory_space<vmem>>)
      tpu.yield
    }) : () -> ()
    %dma_start3A_610 = arith.constant 1 : i32
    %dma_start3A_611 = arith.constant 1 : i32
    %dma_start3A_612 = arith.constant 0 : i32
    %dma_start3A_613 = arith.constant 0 : i32
    %dma_start3A_614 = tpu.memref_slice %arg6[%dma_start3A_611, %dma_start3A_612, %dma_start3A_613] : memref<2x128x128xf32, #tpu.memory_space<vmem>> -> memref<1x128x128xf32, #tpu.memory_space<vmem>>
    %dma_start3A_615 = tpu.memref_squeeze %dma_start3A_614 : memref<1x128x128xf32, #tpu.memory_space<vmem>> -> memref<128x128xf32, #tpu.memory_space<vmem>>
    %dma_start3A_616 = arith.constant 0 : i32
    %dma_start3A_617 = tpu.memref_slice %arg5[%dma_start3A_610, %dma_start3A_616] : memref<2x128xi32, #tpu.memory_space<vmem>> -> memref<1x128xi32, #tpu.memory_space<vmem>>
    %dma_start3A_618 = tpu.memref_squeeze %dma_start3A_617 : memref<1x128xi32, #tpu.memory_space<vmem>> -> memref<128xi32, #tpu.memory_space<vmem>>
    %dma_start3A_619 = arith.constant 0 : i32
    %dma_start3A_620 = arith.constant 0 : i32
    %dma_start3A_621 = tpu.memref_slice %arg3[%dma_start3A_619, %dma_start3A_620] : memref<100000x128xf32, #tpu.memory_space<hbm>> -> memref<100000x128xf32, #tpu.memory_space<hbm>>
    tpu.enqueue_indirect_dma source(%dma_start3A_621 : memref<100000x128xf32, #tpu.memory_space<hbm>>) target(%dma_start3A_615 : memref<128x128xf32, #tpu.memory_space<vmem>>) offsets(%dma_start3A_618 : memref<128xi32, #tpu.memory_space<vmem>>) semaphore(%arg9 : memref<!tpu.dma_semaphore, #tpu.memory_space<semaphore_mem>>)
    %dma_wait3A_622 = arith.constant 0 : i32
    %dma_wait3A_623 = arith.constant 0 : i32
    %dma_wait3A_624 = arith.constant 0 : i32
    %dma_wait3A_625 = arith.constant 0 : i32
    %dma_wait3A_626 = tpu.memref_slice %arg6[%dma_wait3A_623, %dma_wait3A_624, %dma_wait3A_625] : memref<2x128x128xf32, #tpu.memory_space<vmem>> -> memref<1x128x128xf32, #tpu.memory_space<vmem>>
    %dma_wait3A_627 = tpu.memref_squeeze %dma_wait3A_626 : memref<1x128x128xf32, #tpu.memory_space<vmem>> -> memref<128x128xf32, #tpu.memory_space<vmem>>
    %dma_wait3A_628 = arith.constant 0 : i32
    %dma_wait3A_629 = tpu.memref_slice %arg5[%dma_wait3A_622, %dma_wait3A_628] : memref<2x128xi32, #tpu.memory_space<vmem>> -> memref<1x128xi32, #tpu.memory_space<vmem>>
    %dma_wait3A_630 = tpu.memref_squeeze %dma_wait3A_629 : memref<1x128xi32, #tpu.memory_space<vmem>> -> memref<128xi32, #tpu.memory_space<vmem>>
    %dma_wait3A_631 = arith.constant 0 : i32
    %dma_wait3A_632 = arith.constant 0 : i32
    %dma_wait3A_633 = tpu.memref_slice %arg3[%dma_wait3A_631, %dma_wait3A_632] : memref<100000x128xf32, #tpu.memory_space<hbm>> -> memref<100000x128xf32, #tpu.memory_space<hbm>>
    tpu.wait_indirect_dma semaphore(%arg8 : memref<!tpu.dma_semaphore, #tpu.memory_space<semaphore_mem>>) src(%dma_wait3A_633 : memref<100000x128xf32, #tpu.memory_space<hbm>>) dst(%dma_wait3A_627 : memref<128x128xf32, #tpu.memory_space<vmem>>)
    %scan3A_634 = arith.constant 0 : i32
    %scan3A_635 = arith.constant 0 : i32
    %scan3A_636 = arith.constant 64 : i32
    %scan3A_637 = arith.addi %scan3A_635, %scan3A_636 : i32
    %scan3A_638 = arith.constant 1 : i32
    %scan3A_639 = scf.for %scan3A_660 = %scan3A_635 to %scan3A_637 step %scan3A_638 iter_args(%scan3A_661 = %scan3A_634) -> (i32)  : i32 {
      %mul3A_662 = arith.constant 2 : i32
      %mul3A_663 = arith.muli %scan3A_660, %mul3A_662 : i32
      %add3A_664 = arith.constant 1 : i32
      %add3A_665 = arith.addi %mul3A_663, %add3A_664 : i32
      %get3A = arith.index_cast %mul3A_663 : i32 to index
      %get3A_666 = arith.constant 0 : index
      %get3A_667 = tpu.vector_load %arg7[%get3A, %get3A_666] {strides = array<i32>} : memref<128x128xf32, #tpu.memory_space<vmem>>, vector<1x16xf32>,
      %get3A_668 = vector.shape_cast %get3A_667 : vector<1x16xf32> to vector<16xf32>
      %get3A_669 = arith.constant 0 : i32
      %get3A_670 = arith.index_cast %get3A_669 : i32 to index
      %get3A_671 = arith.index_cast %mul3A_663 : i32 to index
      %get3A_672 = arith.constant 0 : index
      %get3A_673 = tpu.vector_load %arg6[%get3A_670, %get3A_671, %get3A_672] {strides = array<i32>} : memref<2x128x128xf32, #tpu.memory_space<vmem>>, vector<1x1x16xf32>,
      %get3A_674 = vector.shape_cast %get3A_673 : vector<1x1x16xf32> to vector<16xf32>
      %add3A_675 = arith.addf %get3A_668, %get3A_674 : vector<16xf32>
      %swap3A = arith.index_cast %mul3A_663 : i32 to index
      %swap3A_676 = arith.constant 0 : index
      %swap3A_677 = tpu.vector_load %arg7[%swap3A, %swap3A_676] {strides = array<i32>} : memref<128x128xf32, #tpu.memory_space<vmem>>, vector<1x16xf32>,
      %swap3A_678 = vector.shape_cast %swap3A_677 : vector<1x16xf32> to vector<16xf32>
      %swap3A_679 = vector.shape_cast %add3A_675 : vector<16xf32> to vector<1x16xf32>
      tpu.vector_store %arg7[%swap3A, %swap3A_676], %swap3A_679 {strides = array<i32>} : memref<128x128xf32, #tpu.memory_space<vmem>>, vector<1x16xf32>,
      %get3A_680 = arith.index_cast %mul3A_663 : i32 to index
      %get3A_681 = arith.constant 16 : index
      %get3A_682 = tpu.vector_load %arg7[%get3A_680, %get3A_681] {strides = array<i32>} : memref<128x128xf32, #tpu.memory_space<vmem>>, vector<1x16xf32>,
      %get3A_683 = vector.shape_cast %get3A_682 : vector<1x16xf32> to vector<16xf32>
      %get3A_684 = arith.constant 0 : i32
      %get3A_685 = arith.index_cast %get3A_684 : i32 to index
      %get3A_686 = arith.index_cast %mul3A_663 : i32 to index
      %get3A_687 = arith.constant 16 : index
      %get3A_688 = tpu.vector_load %arg6[%get3A_685, %get3A_686, %get3A_687] {strides = array<i32>} : memref<2x128x128xf32, #tpu.memory_space<vmem>>, vector<1x1x16xf32>,
      %get3A_689 = vector.shape_cast %get3A_688 : vector<1x1x16xf32> to vector<16xf32>
      %add3A_690 = arith.addf %get3A_683, %get3A_689 : vector<16xf32>
      %swap3A_691 = arith.index_cast %mul3A_663 : i32 to index
      %swap3A_692 = arith.constant 16 : index
      %swap3A_693 = tpu.vector_load %arg7[%swap3A_691, %swap3A_692] {strides = array<i32>} : memref<128x128xf32, #tpu.memory_space<vmem>>, vector<1x16xf32>,
      %swap3A_694 = vector.shape_cast %swap3A_693 : vector<1x16xf32> to vector<16xf32>
      %swap3A_695 = vector.shape_cast %add3A_690 : vector<16xf32> to vector<1x16xf32>
      tpu.vector_store %arg7[%swap3A_691, %swap3A_692], %swap3A_695 {strides = array<i32>} : memref<128x128xf32, #tpu.memory_space<vmem>>, vector<1x16xf32>,
      %get3A_696 = arith.index_cast %mul3A_663 : i32 to index
      %get3A_697 = arith.constant 32 : index
      %get3A_698 = tpu.vector_load %arg7[%get3A_696, %get3A_697] {strides = array<i32>} : memref<128x128xf32, #tpu.memory_space<vmem>>, vector<1x16xf32>,
      %get3A_699 = vector.shape_cast %get3A_698 : vector<1x16xf32> to vector<16xf32>
      %get3A_700 = arith.constant 0 : i32
      %get3A_701 = arith.index_cast %get3A_700 : i32 to index
      %get3A_702 = arith.index_cast %mul3A_663 : i32 to index
      %get3A_703 = arith.constant 32 : index
      %get3A_704 = tpu.vector_load %arg6[%get3A_701, %get3A_702, %get3A_703] {strides = array<i32>} : memref<2x128x128xf32, #tpu.memory_space<vmem>>, vector<1x1x16xf32>,
      %get3A_705 = vector.shape_cast %get3A_704 : vector<1x1x16xf32> to vector<16xf32>
      %add3A_706 = arith.addf %get3A_699, %get3A_705 : vector<16xf32>
      %swap3A_707 = arith.index_cast %mul3A_663 : i32 to index
      %swap3A_708 = arith.constant 32 : index
      %swap3A_709 = tpu.vector_load %arg7[%swap3A_707, %swap3A_708] {strides = array<i32>} : memref<128x128xf32, #tpu.memory_space<vmem>>, vector<1x16xf32>,
      %swap3A_710 = vector.shape_cast %swap3A_709 : vector<1x16xf32> to vector<16xf32>
      %swap3A_711 = vector.shape_cast %add3A_706 : vector<16xf32> to vector<1x16xf32>
      tpu.vector_store %arg7[%swap3A_707, %swap3A_708], %swap3A_711 {strides = array<i32>} : memref<128x128xf32, #tpu.memory_space<vmem>>, vector<1x16xf32>,
      %get3A_712 = arith.index_cast %mul3A_663 : i32 to index
      %get3A_713 = arith.constant 48 : index
      %get3A_714 = tpu.vector_load %arg7[%get3A_712, %get3A_713] {strides = array<i32>} : memref<128x128xf32, #tpu.memory_space<vmem>>, vector<1x16xf32>,
      %get3A_715 = vector.shape_cast %get3A_714 : vector<1x16xf32> to vector<16xf32>
      %get3A_716 = arith.constant 0 : i32
      %get3A_717 = arith.index_cast %get3A_716 : i32 to index
      %get3A_718 = arith.index_cast %mul3A_663 : i32 to index
      %get3A_719 = arith.constant 48 : index
      %get3A_720 = tpu.vector_load %arg6[%get3A_717, %get3A_718, %get3A_719] {strides = array<i32>} : memref<2x128x128xf32, #tpu.memory_space<vmem>>, vector<1x1x16xf32>,
      %get3A_721 = vector.shape_cast %get3A_720 : vector<1x1x16xf32> to vector<16xf32>
      %add3A_722 = arith.addf %get3A_715, %get3A_721 : vector<16xf32>
      %swap3A_723 = arith.index_cast %mul3A_663 : i32 to index
      %swap3A_724 = arith.constant 48 : index
      %swap3A_725 = tpu.vector_load %arg7[%swap3A_723, %swap3A_724] {strides = array<i32>} : memref<128x128xf32, #tpu.memory_space<vmem>>, vector<1x16xf32>,
      %swap3A_726 = vector.shape_cast %swap3A_725 : vector<1x16xf32> to vector<16xf32>
      %swap3A_727 = vector.shape_cast %add3A_722 : vector<16xf32> to vector<1x16xf32>
      tpu.vector_store %arg7[%swap3A_723, %swap3A_724], %swap3A_727 {strides = array<i32>} : memref<128x128xf32, #tpu.memory_space<vmem>>, vector<1x16xf32>,
      %get3A_728 = arith.index_cast %add3A_665 : i32 to index
      %get3A_729 = arith.constant 0 : index
      %get3A_730 = tpu.vector_load %arg7[%get3A_728, %get3A_729] {strides = array<i32>} : memref<128x128xf32, #tpu.memory_space<vmem>>, vector<1x16xf32>,
      %get3A_731 = vector.shape_cast %get3A_730 : vector<1x16xf32> to vector<16xf32>
      %get3A_732 = arith.constant 0 : i32
      %get3A_733 = arith.index_cast %get3A_732 : i32 to index
      %get3A_734 = arith.index_cast %add3A_665 : i32 to index
      %get3A_735 = arith.constant 0 : index
      %get3A_736 = tpu.vector_load %arg6[%get3A_733, %get3A_734, %get3A_735] {strides = array<i32>} : memref<2x128x128xf32, #tpu.memory_space<vmem>>, vector<1x1x16xf32>,
      %get3A_737 = vector.shape_cast %get3A_736 : vector<1x1x16xf32> to vector<16xf32>
      %add3A_738 = arith.addf %get3A_731, %get3A_737 : vector<16xf32>
      %swap3A_739 = arith.index_cast %add3A_665 : i32 to index
      %swap3A_740 = arith.constant 0 : index
      %swap3A_741 = tpu.vector_load %arg7[%swap3A_739, %swap3A_740] {strides = array<i32>} : memref<128x128xf32, #tpu.memory_space<vmem>>, vector<1x16xf32>,
      %swap3A_742 = vector.shape_cast %swap3A_741 : vector<1x16xf32> to vector<16xf32>
      %swap3A_743 = vector.shape_cast %add3A_738 : vector<16xf32> to vector<1x16xf32>
      tpu.vector_store %arg7[%swap3A_739, %swap3A_740], %swap3A_743 {strides = array<i32>} : memref<128x128xf32, #tpu.memory_space<vmem>>, vector<1x16xf32>,
      %get3A_744 = arith.index_cast %add3A_665 : i32 to index
      %get3A_745 = arith.constant 16 : index
      %get3A_746 = tpu.vector_load %arg7[%get3A_744, %get3A_745] {strides = array<i32>} : memref<128x128xf32, #tpu.memory_space<vmem>>, vector<1x16xf32>,
      %get3A_747 = vector.shape_cast %get3A_746 : vector<1x16xf32> to vector<16xf32>
      %get3A_748 = arith.constant 0 : i32
      %get3A_749 = arith.index_cast %get3A_748 : i32 to index
      %get3A_750 = arith.index_cast %add3A_665 : i32 to index
      %get3A_751 = arith.constant 16 : index
      %get3A_752 = tpu.vector_load %arg6[%get3A_749, %get3A_750, %get3A_751] {strides = array<i32>} : memref<2x128x128xf32, #tpu.memory_space<vmem>>, vector<1x1x16xf32>,
      %get3A_753 = vector.shape_cast %get3A_752 : vector<1x1x16xf32> to vector<16xf32>
      %add3A_754 = arith.addf %get3A_747, %get3A_753 : vector<16xf32>
      %swap3A_755 = arith.index_cast %add3A_665 : i32 to index
      %swap3A_756 = arith.constant 16 : index
      %swap3A_757 = tpu.vector_load %arg7[%swap3A_755, %swap3A_756] {strides = array<i32>} : memref<128x128xf32, #tpu.memory_space<vmem>>, vector<1x16xf32>,
      %swap3A_758 = vector.shape_cast %swap3A_757 : vector<1x16xf32> to vector<16xf32>
      %swap3A_759 = vector.shape_cast %add3A_754 : vector<16xf32> to vector<1x16xf32>
      tpu.vector_store %arg7[%swap3A_755, %swap3A_756], %swap3A_759 {strides = array<i32>} : memref<128x128xf32, #tpu.memory_space<vmem>>, vector<1x16xf32>,
      %get3A_760 = arith.index_cast %add3A_665 : i32 to index
      %get3A_761 = arith.constant 32 : index
      %get3A_762 = tpu.vector_load %arg7[%get3A_760, %get3A_761] {strides = array<i32>} : memref<128x128xf32, #tpu.memory_space<vmem>>, vector<1x16xf32>,
      %get3A_763 = vector.shape_cast %get3A_762 : vector<1x16xf32> to vector<16xf32>
      %get3A_764 = arith.constant 0 : i32
      %get3A_765 = arith.index_cast %get3A_764 : i32 to index
      %get3A_766 = arith.index_cast %add3A_665 : i32 to index
      %get3A_767 = arith.constant 32 : index
      %get3A_768 = tpu.vector_load %arg6[%get3A_765, %get3A_766, %get3A_767] {strides = array<i32>} : memref<2x128x128xf32, #tpu.memory_space<vmem>>, vector<1x1x16xf32>,
      %get3A_769 = vector.shape_cast %get3A_768 : vector<1x1x16xf32> to vector<16xf32>
      %add3A_770 = arith.addf %get3A_763, %get3A_769 : vector<16xf32>
      %swap3A_771 = arith.index_cast %add3A_665 : i32 to index
      %swap3A_772 = arith.constant 32 : index
      %swap3A_773 = tpu.vector_load %arg7[%swap3A_771, %swap3A_772] {strides = array<i32>} : memref<128x128xf32, #tpu.memory_space<vmem>>, vector<1x16xf32>,
      %swap3A_774 = vector.shape_cast %swap3A_773 : vector<1x16xf32> to vector<16xf32>
      %swap3A_775 = vector.shape_cast %add3A_770 : vector<16xf32> to vector<1x16xf32>
      tpu.vector_store %arg7[%swap3A_771, %swap3A_772], %swap3A_775 {strides = array<i32>} : memref<128x128xf32, #tpu.memory_space<vmem>>, vector<1x16xf32>,
      %get3A_776 = arith.index_cast %add3A_665 : i32 to index
      %get3A_777 = arith.constant 48 : index
      %get3A_778 = tpu.vector_load %arg7[%get3A_776, %get3A_777] {strides = array<i32>} : memref<128x128xf32, #tpu.memory_space<vmem>>, vector<1x16xf32>,
      %get3A_779 = vector.shape_cast %get3A_778 : vector<1x16xf32> to vector<16xf32>
      %get3A_780 = arith.constant 0 : i32
      %get3A_781 = arith.index_cast %get3A_780 : i32 to index
      %get3A_782 = arith.index_cast %add3A_665 : i32 to index
      %get3A_783 = arith.constant 48 : index
      %get3A_784 = tpu.vector_load %arg6[%get3A_781, %get3A_782, %get3A_783] {strides = array<i32>} : memref<2x128x128xf32, #tpu.memory_space<vmem>>, vector<1x1x16xf32>,
      %get3A_785 = vector.shape_cast %get3A_784 : vector<1x1x16xf32> to vector<16xf32>
      %add3A_786 = arith.addf %get3A_779, %get3A_785 : vector<16xf32>
      %swap3A_787 = arith.index_cast %add3A_665 : i32 to index
      %swap3A_788 = arith.constant 48 : index
      %swap3A_789 = tpu.vector_load %arg7[%swap3A_787, %swap3A_788] {strides = array<i32>} : memref<128x128xf32, #tpu.memory_space<vmem>>, vector<1x16xf32>,
      %swap3A_790 = vector.shape_cast %swap3A_789 : vector<1x16xf32> to vector<16xf32>
      %swap3A_791 = vector.shape_cast %add3A_786 : vector<16xf32> to vector<1x16xf32>
      tpu.vector_store %arg7[%swap3A_787, %swap3A_788], %swap3A_791 {strides = array<i32>} : memref<128x128xf32, #tpu.memory_space<vmem>>, vector<1x16xf32>,
      %scan3A_792 = arith.constant 0 : i32
      scf.yield %scan3A_792 : i32
    }
    %scan3A_640 = arith.constant 64 : i32
    %dma_wait3A_641 = arith.constant 1 : i32
    %dma_wait3A_642 = arith.constant 1 : i32
    %dma_wait3A_643 = arith.constant 0 : i32
    %dma_wait3A_644 = arith.constant 0 : i32
    %dma_wait3A_645 = tpu.memref_slice %arg6[%dma_wait3A_642, %dma_wait3A_643, %dma_wait3A_644] : memref<2x128x128xf32, #tpu.memory_space<vmem>> -> memref<1x128x128xf32, #tpu.memory_space<vmem>>
    %dma_wait3A_646 = tpu.memref_squeeze %dma_wait3A_645 : memref<1x128x128xf32, #tpu.memory_space<vmem>> -> memref<128x128xf32, #tpu.memory_space<vmem>>
    %dma_wait3A_647 = arith.constant 0 : i32
    %dma_wait3A_648 = tpu.memref_slice %arg5[%dma_wait3A_641, %dma_wait3A_647] : memref<2x128xi32, #tpu.memory_space<vmem>> -> memref<1x128xi32, #tpu.memory_space<vmem>>
    %dma_wait3A_649 = tpu.memref_squeeze %dma_wait3A_648 : memref<1x128xi32, #tpu.memory_space<vmem>> -> memref<128xi32, #tpu.memory_space<vmem>>
    %dma_wait3A_650 = arith.constant 0 : i32
    %dma_wait3A_651 = arith.constant 0 : i32
    %dma_wait3A_652 = tpu.memref_slice %arg3[%dma_wait3A_650, %dma_wait3A_651] : memref<100000x128xf32, #tpu.memory_space<hbm>> -> memref<100000x128xf32, #tpu.memory_space<hbm>>
    tpu.wait_indirect_dma semaphore(%arg9 : memref<!tpu.dma_semaphore, #tpu.memory_space<semaphore_mem>>) src(%dma_wait3A_652 : memref<100000x128xf32, #tpu.memory_space<hbm>>) dst(%dma_wait3A_646 : memref<128x128xf32, #tpu.memory_space<vmem>>)
    %scan3A_653 = arith.constant 0 : i32
    %scan3A_654 = arith.constant 0 : i32
    %scan3A_655 = arith.constant 64 : i32
    %scan3A_656 = arith.addi %scan3A_654, %scan3A_655 : i32
    %scan3A_657 = arith.constant 1 : i32
    %scan3A_658 = scf.for %scan3A_660 = %scan3A_654 to %scan3A_656 step %scan3A_657 iter_args(%scan3A_661 = %scan3A_653) -> (i32)  : i32 {
      %mul3A_662 = arith.constant 2 : i32
      %mul3A_663 = arith.muli %scan3A_660, %mul3A_662 : i32
      %add3A_664 = arith.constant 1 : i32
      %add3A_665 = arith.addi %mul3A_663, %add3A_664 : i32
      %get3A = arith.index_cast %mul3A_663 : i32 to index
      %get3A_666 = arith.constant 0 : index
      %get3A_667 = tpu.vector_load %arg7[%get3A, %get3A_666] {strides = array<i32>} : memref<128x128xf32, #tpu.memory_space<vmem>>, vector<1x16xf32>,
      %get3A_668 = vector.shape_cast %get3A_667 : vector<1x16xf32> to vector<16xf32>
      %get3A_669 = arith.constant 1 : i32
      %get3A_670 = arith.index_cast %get3A_669 : i32 to index
      %get3A_671 = arith.index_cast %mul3A_663 : i32 to index
      %get3A_672 = arith.constant 0 : index
      %get3A_673 = tpu.vector_load %arg6[%get3A_670, %get3A_671, %get3A_672] {strides = array<i32>} : memref<2x128x128xf32, #tpu.memory_space<vmem>>, vector<1x1x16xf32>,
      %get3A_674 = vector.shape_cast %get3A_673 : vector<1x1x16xf32> to vector<16xf32>
      %add3A_675 = arith.addf %get3A_668, %get3A_674 : vector<16xf32>
      %swap3A = arith.index_cast %mul3A_663 : i32 to index
      %swap3A_676 = arith.constant 0 : index
      %swap3A_677 = tpu.vector_load %arg7[%swap3A, %swap3A_676] {strides = array<i32>} : memref<128x128xf32, #tpu.memory_space<vmem>>, vector<1x16xf32>,
      %swap3A_678 = vector.shape_cast %swap3A_677 : vector<1x16xf32> to vector<16xf32>
      %swap3A_679 = vector.shape_cast %add3A_675 : vector<16xf32> to vector<1x16xf32>
      tpu.vector_store %arg7[%swap3A, %swap3A_676], %swap3A_679 {strides = array<i32>} : memref<128x128xf32, #tpu.memory_space<vmem>>, vector<1x16xf32>,
      %get3A_680 = arith.index_cast %mul3A_663 : i32 to index
      %get3A_681 = arith.constant 16 : index
      %get3A_682 = tpu.vector_load %arg7[%get3A_680, %get3A_681] {strides = array<i32>} : memref<128x128xf32, #tpu.memory_space<vmem>>, vector<1x16xf32>,
      %get3A_683 = vector.shape_cast %get3A_682 : vector<1x16xf32> to vector<16xf32>
      %get3A_684 = arith.constant 1 : i32
      %get3A_685 = arith.index_cast %get3A_684 : i32 to index
      %get3A_686 = arith.index_cast %mul3A_663 : i32 to index
      %get3A_687 = arith.constant 16 : index
      %get3A_688 = tpu.vector_load %arg6[%get3A_685, %get3A_686, %get3A_687] {strides = array<i32>} : memref<2x128x128xf32, #tpu.memory_space<vmem>>, vector<1x1x16xf32>,
      %get3A_689 = vector.shape_cast %get3A_688 : vector<1x1x16xf32> to vector<16xf32>
      %add3A_690 = arith.addf %get3A_683, %get3A_689 : vector<16xf32>
      %swap3A_691 = arith.index_cast %mul3A_663 : i32 to index
      %swap3A_692 = arith.constant 16 : index
      %swap3A_693 = tpu.vector_load %arg7[%swap3A_691, %swap3A_692] {strides = array<i32>} : memref<128x128xf32, #tpu.memory_space<vmem>>, vector<1x16xf32>,
      %swap3A_694 = vector.shape_cast %swap3A_693 : vector<1x16xf32> to vector<16xf32>
      %swap3A_695 = vector.shape_cast %add3A_690 : vector<16xf32> to vector<1x16xf32>
      tpu.vector_store %arg7[%swap3A_691, %swap3A_692], %swap3A_695 {strides = array<i32>} : memref<128x128xf32, #tpu.memory_space<vmem>>, vector<1x16xf32>,
      %get3A_696 = arith.index_cast %mul3A_663 : i32 to index
      %get3A_697 = arith.constant 32 : index
      %get3A_698 = tpu.vector_load %arg7[%get3A_696, %get3A_697] {strides = array<i32>} : memref<128x128xf32, #tpu.memory_space<vmem>>, vector<1x16xf32>,
      %get3A_699 = vector.shape_cast %get3A_698 : vector<1x16xf32> to vector<16xf32>
      %get3A_700 = arith.constant 1 : i32
      %get3A_701 = arith.index_cast %get3A_700 : i32 to index
      %get3A_702 = arith.index_cast %mul3A_663 : i32 to index
      %get3A_703 = arith.constant 32 : index
      %get3A_704 = tpu.vector_load %arg6[%get3A_701, %get3A_702, %get3A_703] {strides = array<i32>} : memref<2x128x128xf32, #tpu.memory_space<vmem>>, vector<1x1x16xf32>,
      %get3A_705 = vector.shape_cast %get3A_704 : vector<1x1x16xf32> to vector<16xf32>
      %add3A_706 = arith.addf %get3A_699, %get3A_705 : vector<16xf32>
      %swap3A_707 = arith.index_cast %mul3A_663 : i32 to index
      %swap3A_708 = arith.constant 32 : index
      %swap3A_709 = tpu.vector_load %arg7[%swap3A_707, %swap3A_708] {strides = array<i32>} : memref<128x128xf32, #tpu.memory_space<vmem>>, vector<1x16xf32>,
      %swap3A_710 = vector.shape_cast %swap3A_709 : vector<1x16xf32> to vector<16xf32>
      %swap3A_711 = vector.shape_cast %add3A_706 : vector<16xf32> to vector<1x16xf32>
      tpu.vector_store %arg7[%swap3A_707, %swap3A_708], %swap3A_711 {strides = array<i32>} : memref<128x128xf32, #tpu.memory_space<vmem>>, vector<1x16xf32>,
      %get3A_712 = arith.index_cast %mul3A_663 : i32 to index
      %get3A_713 = arith.constant 48 : index
      %get3A_714 = tpu.vector_load %arg7[%get3A_712, %get3A_713] {strides = array<i32>} : memref<128x128xf32, #tpu.memory_space<vmem>>, vector<1x16xf32>,
      %get3A_715 = vector.shape_cast %get3A_714 : vector<1x16xf32> to vector<16xf32>
      %get3A_716 = arith.constant 1 : i32
      %get3A_717 = arith.index_cast %get3A_716 : i32 to index
      %get3A_718 = arith.index_cast %mul3A_663 : i32 to index
      %get3A_719 = arith.constant 48 : index
      %get3A_720 = tpu.vector_load %arg6[%get3A_717, %get3A_718, %get3A_719] {strides = array<i32>} : memref<2x128x128xf32, #tpu.memory_space<vmem>>, vector<1x1x16xf32>,
      %get3A_721 = vector.shape_cast %get3A_720 : vector<1x1x16xf32> to vector<16xf32>
      %add3A_722 = arith.addf %get3A_715, %get3A_721 : vector<16xf32>
      %swap3A_723 = arith.index_cast %mul3A_663 : i32 to index
      %swap3A_724 = arith.constant 48 : index
      %swap3A_725 = tpu.vector_load %arg7[%swap3A_723, %swap3A_724] {strides = array<i32>} : memref<128x128xf32, #tpu.memory_space<vmem>>, vector<1x16xf32>,
      %swap3A_726 = vector.shape_cast %swap3A_725 : vector<1x16xf32> to vector<16xf32>
      %swap3A_727 = vector.shape_cast %add3A_722 : vector<16xf32> to vector<1x16xf32>
      tpu.vector_store %arg7[%swap3A_723, %swap3A_724], %swap3A_727 {strides = array<i32>} : memref<128x128xf32, #tpu.memory_space<vmem>>, vector<1x16xf32>,
      %get3A_728 = arith.index_cast %add3A_665 : i32 to index
      %get3A_729 = arith.constant 0 : index
      %get3A_730 = tpu.vector_load %arg7[%get3A_728, %get3A_729] {strides = array<i32>} : memref<128x128xf32, #tpu.memory_space<vmem>>, vector<1x16xf32>,
      %get3A_731 = vector.shape_cast %get3A_730 : vector<1x16xf32> to vector<16xf32>
      %get3A_732 = arith.constant 1 : i32
      %get3A_733 = arith.index_cast %get3A_732 : i32 to index
      %get3A_734 = arith.index_cast %add3A_665 : i32 to index
      %get3A_735 = arith.constant 0 : index
      %get3A_736 = tpu.vector_load %arg6[%get3A_733, %get3A_734, %get3A_735] {strides = array<i32>} : memref<2x128x128xf32, #tpu.memory_space<vmem>>, vector<1x1x16xf32>,
      %get3A_737 = vector.shape_cast %get3A_736 : vector<1x1x16xf32> to vector<16xf32>
      %add3A_738 = arith.addf %get3A_731, %get3A_737 : vector<16xf32>
      %swap3A_739 = arith.index_cast %add3A_665 : i32 to index
      %swap3A_740 = arith.constant 0 : index
      %swap3A_741 = tpu.vector_load %arg7[%swap3A_739, %swap3A_740] {strides = array<i32>} : memref<128x128xf32, #tpu.memory_space<vmem>>, vector<1x16xf32>,
      %swap3A_742 = vector.shape_cast %swap3A_741 : vector<1x16xf32> to vector<16xf32>
      %swap3A_743 = vector.shape_cast %add3A_738 : vector<16xf32> to vector<1x16xf32>
      tpu.vector_store %arg7[%swap3A_739, %swap3A_740], %swap3A_743 {strides = array<i32>} : memref<128x128xf32, #tpu.memory_space<vmem>>, vector<1x16xf32>,
      %get3A_744 = arith.index_cast %add3A_665 : i32 to index
      %get3A_745 = arith.constant 16 : index
      %get3A_746 = tpu.vector_load %arg7[%get3A_744, %get3A_745] {strides = array<i32>} : memref<128x128xf32, #tpu.memory_space<vmem>>, vector<1x16xf32>,
      %get3A_747 = vector.shape_cast %get3A_746 : vector<1x16xf32> to vector<16xf32>
      %get3A_748 = arith.constant 1 : i32
      %get3A_749 = arith.index_cast %get3A_748 : i32 to index
      %get3A_750 = arith.index_cast %add3A_665 : i32 to index
      %get3A_751 = arith.constant 16 : index
      %get3A_752 = tpu.vector_load %arg6[%get3A_749, %get3A_750, %get3A_751] {strides = array<i32>} : memref<2x128x128xf32, #tpu.memory_space<vmem>>, vector<1x1x16xf32>,
      %get3A_753 = vector.shape_cast %get3A_752 : vector<1x1x16xf32> to vector<16xf32>
      %add3A_754 = arith.addf %get3A_747, %get3A_753 : vector<16xf32>
      %swap3A_755 = arith.index_cast %add3A_665 : i32 to index
      %swap3A_756 = arith.constant 16 : index
      %swap3A_757 = tpu.vector_load %arg7[%swap3A_755, %swap3A_756] {strides = array<i32>} : memref<128x128xf32, #tpu.memory_space<vmem>>, vector<1x16xf32>,
      %swap3A_758 = vector.shape_cast %swap3A_757 : vector<1x16xf32> to vector<16xf32>
      %swap3A_759 = vector.shape_cast %add3A_754 : vector<16xf32> to vector<1x16xf32>
      tpu.vector_store %arg7[%swap3A_755, %swap3A_756], %swap3A_759 {strides = array<i32>} : memref<128x128xf32, #tpu.memory_space<vmem>>, vector<1x16xf32>,
      %get3A_760 = arith.index_cast %add3A_665 : i32 to index
      %get3A_761 = arith.constant 32 : index
      %get3A_762 = tpu.vector_load %arg7[%get3A_760, %get3A_761] {strides = array<i32>} : memref<128x128xf32, #tpu.memory_space<vmem>>, vector<1x16xf32>,
      %get3A_763 = vector.shape_cast %get3A_762 : vector<1x16xf32> to vector<16xf32>
      %get3A_764 = arith.constant 1 : i32
      %get3A_765 = arith.index_cast %get3A_764 : i32 to index
      %get3A_766 = arith.index_cast %add3A_665 : i32 to index
      %get3A_767 = arith.constant 32 : index
      %get3A_768 = tpu.vector_load %arg6[%get3A_765, %get3A_766, %get3A_767] {strides = array<i32>} : memref<2x128x128xf32, #tpu.memory_space<vmem>>, vector<1x1x16xf32>,
      %get3A_769 = vector.shape_cast %get3A_768 : vector<1x1x16xf32> to vector<16xf32>
      %add3A_770 = arith.addf %get3A_763, %get3A_769 : vector<16xf32>
      %swap3A_771 = arith.index_cast %add3A_665 : i32 to index
      %swap3A_772 = arith.constant 32 : index
      %swap3A_773 = tpu.vector_load %arg7[%swap3A_771, %swap3A_772] {strides = array<i32>} : memref<128x128xf32, #tpu.memory_space<vmem>>, vector<1x16xf32>,
      %swap3A_774 = vector.shape_cast %swap3A_773 : vector<1x16xf32> to vector<16xf32>
      %swap3A_775 = vector.shape_cast %add3A_770 : vector<16xf32> to vector<1x16xf32>
      tpu.vector_store %arg7[%swap3A_771, %swap3A_772], %swap3A_775 {strides = array<i32>} : memref<128x128xf32, #tpu.memory_space<vmem>>, vector<1x16xf32>,
      %get3A_776 = arith.index_cast %add3A_665 : i32 to index
      %get3A_777 = arith.constant 48 : index
      %get3A_778 = tpu.vector_load %arg7[%get3A_776, %get3A_777] {strides = array<i32>} : memref<128x128xf32, #tpu.memory_space<vmem>>, vector<1x16xf32>,
      %get3A_779 = vector.shape_cast %get3A_778 : vector<1x16xf32> to vector<16xf32>
      %get3A_780 = arith.constant 1 : i32
      %get3A_781 = arith.index_cast %get3A_780 : i32 to index
      %get3A_782 = arith.index_cast %add3A_665 : i32 to index
      %get3A_783 = arith.constant 48 : index
      %get3A_784 = tpu.vector_load %arg6[%get3A_781, %get3A_782, %get3A_783] {strides = array<i32>} : memref<2x128x128xf32, #tpu.memory_space<vmem>>, vector<1x1x16xf32>,
      %get3A_785 = vector.shape_cast %get3A_784 : vector<1x1x16xf32> to vector<16xf32>
      %add3A_786 = arith.addf %get3A_779, %get3A_785 : vector<16xf32>
      %swap3A_787 = arith.index_cast %add3A_665 : i32 to index
      %swap3A_788 = arith.constant 48 : index
      %swap3A_789 = tpu.vector_load %arg7[%swap3A_787, %swap3A_788] {strides = array<i32>} : memref<128x128xf32, #tpu.memory_space<vmem>>, vector<1x16xf32>,
      %swap3A_790 = vector.shape_cast %swap3A_789 : vector<1x16xf32> to vector<16xf32>
      %swap3A_791 = vector.shape_cast %add3A_786 : vector<16xf32> to vector<1x16xf32>
      tpu.vector_store %arg7[%swap3A_787, %swap3A_788], %swap3A_791 {strides = array<i32>} : memref<128x128xf32, #tpu.memory_space<vmem>>, vector<1x16xf32>,
      %scan3A_792 = arith.constant 0 : i32
      scf.yield %scan3A_792 : i32
    }
    %scan3A_659 = arith.constant 64 : i32
    "tpu.region"() ({
      %run_scoped3A_660 = tpu.sem_alloc : memref<!tpu.dma_semaphore, #tpu.memory_space<semaphore_mem>>
      %dma_start3A_661 = arith.constant 0 : i32
      %dma_start3A_662 = tpu.memref_slice %arg4[%mul3A_2, %dma_start3A_661] : memref<4096x128xf32, #tpu.memory_space<hbm>> -> memref<128x128xf32, #tpu.memory_space<hbm>>
      %dma_start3A_663 = arith.constant 0 : i32
      %dma_start3A_664 = tpu.memref_slice %arg4[%mul3A_2, %dma_start3A_663] : memref<4096x128xf32, #tpu.memory_space<hbm>> -> memref<128x128xf32, #tpu.memory_space<hbm>>
      tpu.enqueue_dma source(%arg7 : memref<128x128xf32, #tpu.memory_space<vmem>>) target(%dma_start3A_664 : memref<128x128xf32, #tpu.memory_space<hbm>>) target_semaphore(%run_scoped3A_660 : memref<!tpu.dma_semaphore, #tpu.memory_space<semaphore_mem>>)
      %dma_wait3A_665 = arith.constant 0 : i32
      %dma_wait3A_666 = tpu.memref_slice %arg4[%mul3A_2, %dma_wait3A_665] : memref<4096x128xf32, #tpu.memory_space<hbm>> -> memref<128x128xf32, #tpu.memory_space<hbm>>
      %dma_wait3A_667 = arith.constant 0 : i32
      %dma_wait3A_668 = tpu.memref_slice %arg4[%mul3A_2, %dma_wait3A_667] : memref<4096x128xf32, #tpu.memory_space<hbm>> -> memref<128x128xf32, #tpu.memory_space<hbm>>
      tpu.wait_dma2 semaphore(%run_scoped3A_660 : memref<!tpu.dma_semaphore, #tpu.memory_space<semaphore_mem>>) src(%arg7 : memref<128x128xf32, #tpu.memory_space<vmem>>) dst(%dma_wait3A_668 : memref<128x128xf32, #tpu.memory_space<hbm>>)
      tpu.yield
    }) : () -> ()
    return
  }
}

</mosaic_0001>

<sc_bundles>
// kernel: _sc_gather_mean.3.cloned.1.call-start
scs
__scs_entry_jumppad:
0x0: {  	(pc) =	sbr.rel $0x88, $3  }
0x1: {  	(tag) =	ssettag $0x0;
	lr =	simm.s32 $0x1  }
0x2: {  	[smem:$0x3F9F] =	sst lr;
	_ =	strace $0xD0000000  }
0x3: {  	_ = 	snop  }
0x4: {  	_ = 	snop  }
0x5: {  	_ = 	snop  }
0x6: {  	_ = 	snop  }
0x7: {  	_ = 	snop  }
__scs_overlays_trampoline_lowered:
0x8: {  	[smem:$0x3FAE] =	sst s0  }
0x9: {  	[smem:$0x3FAF] =	sst s1  }
0xa: {  	[smem:$0x3FB0] =	sst s2  }
0xb: {  	[smem:$0x3FB1] =	sst s3  }
0xc: {  	[smem:$0x3FB2] =	sst s4  }
0xd: {  	[smem:$0x3FB3] =	sst s5  }
0xe: {  	[smem:$0x3FB4] =	sst s6  }
0xf: {  	[smem:$0x3FB5] =	sst s7  }
0x10: {  	[smem:$0x3FB6] =	sst s8  }
0x11: {  	[smem:$0x3FB7] =	sst s9;
	s0 =	simm.s32 @!p0 $0x0  }
0x12: {  	s1 =	sld [smem:$0x3F9D];
	s0 =	simm.s32 @p0 $0x1  }
0x13: {  	[smem:$0x3FB8] =	sst s0;
	s0 =	simm.s32 @!p1 $0x0  }
0x14: {  	s2 =	sld [smem:$0x3F9C];
	s0 =	simm.s32 @p1 $0x1  }
0x15: {  	[smem:$0x3FB9] =	sst s0;
	s0 =	simm.s32 @!p2 $0x0  }
0x16: {  	s3 =	sld [smem:$0x3FDB];
	s0 =	simm.s32 @p2 $0x1  }
0x17: {  	s4 =	simm.s32 $0x1BF5;
	[smem:$0x3FBB] =	sst s0  }
0x18: {  	s0 =	sld [smem:$0x3F9E];
	_ =	swait.ge [sflag:s4], $0x0  }
0x19: {  	s7 =	sld [smem:$0x3F9F]  }
0x1a: {  	s8 =	sadd.s32 $0xFFFFE003, lr  }
0x1b: {  	s9 =	sadd.s32 $0xFFFFFEF7, lr;
	s5 =	simm.s32 $0xFFFFFFFF;
	p2 =	slt.u32 s8, $0xFFFFF086  }
0x1c: {  	p1 =	slt.u32 s9, $0xF7A;
	s5 =	simm.s32 @!p2 $0x0  }
0x1d: {  	s5 =	simm.s32 @p1 $0x1;
	p0 =	seq.s32 s7, s2  }
0x1e: {  	s7 =	smul.u32 @!p0 $0xF7A, s2;
	p2 =	seq.s32 @!p0 s5, $0x0  }
0x1f: {  	s9 =	smul.u32 $0xF7A, s1;
	s8 =	simm.s32 @!p0 $0x1BF5;
	p2 =	por !p2, p0  }
0x20: {  	[sflag:s8] =	ssyncset.s32 @!p0 $0xFFFFF086;
	s6 =	sadd.s32 @!p0 s3, s7;
	s7 =	simm.s32 @!p0 $0x108  }
0x21: {  	s3 =	sadd.s32 s3, s9;
	s6 =	sadd.s32 @!p0 $0x88, s6;
	s7 =	simm.s32 @p2 $0x1082  }
0x22: {  	[simem:s7], [sflag:s8] =	dma.local @!p0 [hbm:s6], $0xF7A  }
0x23: {  	s9 =	sor.u32 $0xD0000000, s2;
	s6 =	simm.s32 $0x108;
	_ =	swait.ge @!p0 [sflag:s8], $0x0  }
0x24: {  	s3 =	sadd.s32 $0x88, s3;
	s6 =	simm.s32 @!p1 $0x1082;
	[sflag:s4] =	ssyncset.s32 $0xFFFFF086  }
0x25: {  	[simem:s6], [sflag:s4] =	dma.local [hbm:s3], $0xF7A  }
0x26: {  	[smem:$0x3F9F] =	sst s1;
	(tag) =	ssettag s2;
	_ =	strace s9  }
0x27: {  	s1 =	sld [smem:$0x3FAF]  }
0x28: {  	s2 =	sld [smem:$0x3FB0]  }
0x29: {  	s4 =	sld [smem:$0x3FB2]  }
0x2a: {  	p0 =	seq.s32 s5, $0x0;
	s5 =	sld [smem:$0x3FB3]  }
0x2b: {  	s6 =	sld [smem:$0x3FB4]  }
0x2c: {  	s7 =	sld [smem:$0x3FB5]  }
0x2d: {  	s3 =	simm.s32 $0x108;
	s8 =	sld [smem:$0x3FB6]  }
0x2e: {  	s3 =	simm.s32 @!p0 $0x1082;
	s9 =	sld [smem:$0x3FB7]  }
0x2f: {  	lr =	sadd.s32 s0, s3;
	s0 =	sld [smem:$0x3FAE]  }
0x30: {  	s3 =	sld [smem:$0x3FB1]  }
0x31: {  	[smem:$0x3FBA] =	sst s10  }
0x32: {  	s10 =	sld [smem:$0x3FB8];
	_ =	sdelay $0x3  }
0x33: {  	p0 =	seq.s32 s10, $0x1;
	s10 =	sld [smem:$0x3FBA];
	_ =	sdelay $0x3  }
0x34: {  	[smem:$0x3FBA] =	sst s10  }
0x35: {  	s10 =	sld [smem:$0x3FB9];
	_ =	sdelay $0x3  }
0x36: {  	p1 =	seq.s32 s10, $0x1;
	s10 =	sld [smem:$0x3FBA];
	_ =	sdelay $0x3  }
0x37: {  	[smem:$0x3FBA] =	sst s10  }
0x38: {  	s10 =	sld [smem:$0x3FBB]  }
0x39: {  	_ = 	snop;
	(pc) =	sbr.ind lr, $3  }
0x3a: {  	_ = 	snop  }
0x3b: {  	_ = 	snop  }
0x3c: {  	p2 =	seq.s32 s10, $0x1;
	s10 =	sld [smem:$0x3FBA]  }
0x3d: {  	_ =	shalt  }
0x3e: {  	_ =	shalt  }
0x3f: {  	_ =	shalt  }
0x40: {  	_ =	shalt  }
0x41: {  	_ =	shalt  }
0x42: {  	_ =	shalt  }
0x43: {  	_ =	shalt  }
0x44: {  	_ =	shalt  }
0x45: {  	_ =	shalt  }
0x46: {  	_ =	shalt  }
0x47: {  	_ =	shalt  }
0x48: {  	_ =	shalt  }
0x49: {  	_ =	shalt  }
0x4a: {  	_ =	shalt  }
0x4b: {  	_ =	shalt  }
0x4c: {  	_ =	shalt  }
0x4d: {  	_ =	shalt  }
0x4e: {  	_ =	shalt  }
0x4f: {  	_ =	shalt  }
0x50: {  	_ =	shalt  }
0x51: {  	_ =	shalt  }
0x52: {  	_ =	shalt  }
0x53: {  	_ =	shalt  }
0x54: {  	_ =	shalt  }
0x55: {  	_ =	shalt  }
0x56: {  	_ =	shalt  }
0x57: {  	_ =	shalt  }
0x58: {  	_ =	shalt  }
0x59: {  	_ =	shalt  }
0x5a: {  	_ =	shalt  }
0x5b: {  	_ =	shalt  }
0x5c: {  	_ =	shalt  }
0x5d: {  	_ =	shalt  }
0x5e: {  	_ =	shalt  }
0x5f: {  	_ =	shalt  }
0x60: {  	_ =	shalt  }
0x61: {  	_ =	shalt  }
0x62: {  	_ =	shalt  }
0x63: {  	_ =	shalt  }
0x64: {  	_ =	shalt  }
0x65: {  	_ =	shalt  }
0x66: {  	_ =	shalt  }
0x67: {  	_ =	shalt  }
0x68: {  	_ =	shalt  }
0x69: {  	_ =	shalt  }
0x6a: {  	_ =	shalt  }
0x6b: {  	_ =	shalt  }
0x6c: {  	_ =	shalt  }
0x6d: {  	_ =	shalt  }
0x6e: {  	_ =	shalt  }
0x6f: {  	_ =	shalt  }
0x70: {  	_ =	shalt  }
0x71: {  	_ =	shalt  }
0x72: {  	_ =	shalt  }
0x73: {  	_ =	shalt  }
0x74: {  	_ =	shalt  }
0x75: {  	_ =	shalt  }
0x76: {  	_ =	shalt  }
0x77: {  	_ =	shalt  }
0x78: {  	_ =	shalt  }
0x79: {  	_ =	shalt  }
0x7a: {  	_ =	shalt  }
0x7b: {  	_ =	shalt  }
0x7c: {  	_ =	shalt  }
0x7d: {  	_ =	shalt  }
0x7e: {  	_ =	shalt  }
0x7f: {  	_ =	shalt  }
0x80: {  	_ =	shalt  }
0x81: {  	_ =	shalt  }
0x82: {  	_ =	shalt  }
0x83: {  	_ =	shalt  }
0x84: {  	_ =	shalt  }
0x85: {  	_ =	shalt  }
0x86: {  	_ =	shalt  }
0x87: {  	_ =	shalt  }
.Lfunc_end0:
.L_simem_size_0:
called_computation_lowered:
.L_overlay_start_0:
0x88: {  	s2 =	sld [smem:$0x3FD9]  }
0x89: {  	s3 =	sld [smem:$0x3FFE];
	_ =	sdelay $0x1  }
0x8a: {  	s1 =	srdreg.scid  }
0x8b: {  	s0 =	sand.u32 $0x1, s1  }
0x8c: {  	s18 =	sshll.u32 s0, $0xA;
	s2 =	sadd.s32 s3, s2  }
0x8d: {  	s2 =	sadd.s32 s2, s18  }
0x8e: {  	[smem:$0x3FC6] =	sst s2  }
0x8f: {  	_ = 	snop  }
0x90: {  	s2 =	sld [smem:$0x3FC9]  }
0x91: {  	s19 =	sld [smem:$0x3FC8]  }
0x92: {  	s4 =	sld [smem:$0x3FD0];
	(tm) =	ssettm $0x1  }
0x93: {  	s5 =	sld [smem:$0x3FFB];
	_ =	sdelay $0x3  }
0x94: {  	_ =	strace s5  }
0x95: {  	s5 =	sld [smem:$0x3FFC];
	_ =	sdelay $0x3  }
0x96: {  	_ =	strace s5  }
0x97: {  	s5 =	sld [smem:$0x3FFD];
	_ =	sdelay $0x3  }
0x98: {  	_ =	strace s5  }
0x99: {  	_ =	strace $0x8FFFFFFF  }
0x9a: {  	s20 =	sld [smem:$0x3FDB];
	_ =	sdelay $0x1  }
0x9b: {  	s6 =	simm.s32 $_scs_section_size  }
0x9c: {  	s7 =	simm.s32 $_size__tile_overlayer_lowered;
	s8 =	simm.s32 $_tile_overlayer_lowered  }
0x9d: {  	s23 =	simm.s32 $0x1BFF;
	s22 =	sshll.u32 s8, $0x1;
	s5 =	sadd.s32 s6, s20  }
0x9e: {  	s9 =	simm.s32 $0x0;
	s21 =	sshll.u32 s7, $0x1;
	s7 =	sadd.s32 s22, s5  }
0x9f: {  	[timem:s9], [sflag:s23] =	dma.local [hbm:s7], s21  }
0xa0: {  	_ =	swait.ge [sflag:s23], s21  }
0xa1: {  	s6 =	ssub.s32 $0x0, s21;
	[sflag:s23] =	ssyncset.done $0x0  }
0xa2: {  	[sflag:s23] =	ssyncadd.s32 s6;
	_ =	sdelay $0x1  }
0xa3: {  	s24 =	simm.s32 $0x1B8B  }
0xa4: {  	_ =	swait.ge [sflag:s24], $0x1  }
0xa5: {  	[sflag:s24] =	ssyncset.done $0x0  }
0xa6: {  	s25 =	simm.s32 $0x1B8E;
	[sflag:s24] =	ssyncadd.s32 $0xFFFFFFFF  }
0xa7: {  	s26 =	simm.s32 $execute0_lowered;
	[smem:$0x3FD2] =	sst s25  }
0xa8: {  	s6 =	sshll.u32 s26, $0x1;
	_ =	strace $0x80000046;
	[dreg:$0x1] =	wrdreg $0xFFFFFFFF  }
0xa9: {  	s28 =	simm.s32 $_size_execute0_lowered;
	s5 =	sadd.s32 s5, s6;
	[dreg:$0x0] =	wrdreg $0x0  }
0xaa: {  	s6 =	sshll.u32 s28, $0x1;
	[dreg:$0x2] =	wrdreg s5  }
0xab: {  	[dreg:$0x3] =	wrdreg s6  }
0xac: {  	[dreg:$0x4] =	wrdreg $0xC0  }
0xad: {  	_ =	task [dreg:s9], $0x5FFFF  }
0xae: {  	[dreg:$0x1] =	wrdreg $0xFFFFFFFF  }
0xaf: {  	[dreg:$0x0] =	wrdreg $0x60  }
0xb0: {  	[dreg:$0x2] =	wrdreg s2  }
0xb1: {  	[dreg:$0x3] =	wrdreg s19  }
0xb2: {  	[dreg:$0x4] =	wrdreg s4  }
0xb3: {  	[dreg:$0x5] =	wrdreg $0x9  }
0xb4: {  	_ =	task.clear_ibuf [dreg:s9], $0x6FFFF;
	_ =	strace $0x90000046  }
0xb5: {  	s29 =	simm.s32 $0x9;
	_ =	strace $0x80000048  }
0xb6: {  	_ =	swait.ge [sflag:s29], $0x1  }
0xb7: {  	[sflag:s29] =	ssyncadd.s32 $0xFFFFFFFF  }
0xb8: {  	_ =	strace $0x90000048  }
0xb9: {  	_ =	sfence  }
0xba: {  	s30 =	sld [smem:$0x0];
	_ =	sdelay $0x2  }
0xbb: {  	s31 =	sshll.u32 s1, $0xD;
	s1 =	sshrl.u32 s1, $0x2  }
0xbc: {  	s3 =	sand.u32 $0x4000, s31;
	s1 =	sadd.s32 s1, s30  }
0xbd: {  	s0 =	sor.u32 s3, s0;
	s1 =	sshll.u32 s1, $0x11  }
0xbe: {  	s0 =	sor.u32 s1, s0  }
0xbf: {  	s0 =	sadd.s32 $0x8F2B, s0  }
0xc0: {  	[sflag:s0] =	ssyncadd.remote.s32 $0x1  }
0xc1: {  	_ =	sfence.sel $0xFFFF  }
0xc2: {  	[dreg:$0x0] =	wrdreg $0xFFFFFFFF;
	(pc) =	sbr.abs _section_cstart, $3  }
0xc3: {  	[dreg:$0x1] =	wrdreg $0xFFFFFFFF  }
0xc4: {  	_ =	task.clear_ibuf [dreg:s9], $0x2FFFF;
	_ =	strace $0x9FFFFFFF  }
0xc5: {  	(tm) =	ssettm $0x7FFFFFFF  }
tec
execute0_lowered:
.L_overlay_start_1:
0x0: {  	(tag) =	ssettag $0x1  }
0x1: {  	s0 =	rddreg [dreg:$0x0]  }
0x2: {  	s2 =	rddreg [dreg:$0x1];
	s1 =	srdreg.scid  }
0x3: {  	s5 =	rddreg [dreg:$0x2];
	s3 =	stileid.u32  }
0x4: {  	s28 =	simm.s32 $0x80;
	s30 =	simm.s32 $0x4100;
	s31 =	simm.s32 $0x1  }
0x5: {  	s29 =	simm.s32 $0x0;
	s1 =	sand.u32 $0x1, s1;
	s4 =	sshll.u32 s3, $0x8  }
0x6: {  	s3 =	simm.s32 $0x0;
	s6 =	sshll.u32 s1, $0x7;
	s1 =	ssub.s32 $0x2, s1  }
0x7: {  	[smem:$0x7FF] =	sst s3;
	s6 =	sor.u32 s6, s4;
	s23 =	sshrl.u32 s1, $0x1  }
0x8: {  	_ =	strace $0x80000047;
	s7 =	sshrl.u32 s6, $0x3;
	s26 =	sshll.u32 s6, $0x4  }
0x9: {  	s1 =	ssub.s32 s1, s23;
	s4 =	sadd.s32 s0, s7;
	s23 =	sadd.s32 s5, s26  }
0xa: {  	s26 =	simm.s32 $0x3;
	s5 =	simm.s32 $0x8100;
	s0 =	sadd.s32 $0x200, s4  }
0xb: {  	s24 =	sadd.s32 $0x400, s4;
	s25 =	sadd.s32 $0x600, s4;
	s8 =	sadd.s32 $0x800, s4  }
0xc: {  	s9 =	sadd.s32 $0xA00, s4;
	s10 =	sadd.s32 $0xC00, s4;
	s11 =	sadd.s32 $0xE00, s4  }
0xd: {  	s12 =	sadd.s32 $0x1000, s4;
	s13 =	sadd.s32 $0x1200, s4;
	s14 =	sadd.s32 $0x1400, s4  }
0xe: {  	s15 =	sadd.s32 $0x1600, s4;
	s16 =	sadd.s32 $0x1800, s4;
	s17 =	sadd.s32 $0x1A00, s4  }
0xf: {  	s18 =	sadd.s32 $0x1C00, s4;
	s19 =	sadd.s32 $0x1E00, s4;
	[dreg:$0x4] =	wrdreg s0  }
0x10: {  	s20 =	sadd.s32 $0x2000, s4;
	s21 =	sadd.s32 $0x2200, s4;
	[dreg:$0x5] =	wrdreg s24  }
0x11: {  	s22 =	sadd.s32 $0x2400, s4;
	[dreg:$0x6] =	wrdreg s25;
	s24 =	sadd.s32 $0x2600, s4  }
0x12: {  	s25 =	smax.u32 s1, $0x1;
	s0 =	simm.s32 $0x100;
	s1 =	simm.s32 $0x2  }
.LBB2_1:
0x13: {  	[tilespmem:s3], [sflag:$0x3] =	stream.linear.gather [hbm4b:s4+s3], $0x80, $0x38;
	[tilespmem:$0xC100] =	vst v63  }
0x14: {  	_ =	swait.ge [sflag:s26], $0x80  }
0x15: {  	[sflag:s26] =	ssyncset.done $0x0  }
0x16: {  	[sflag:s26] =	ssyncadd.s32 $0xFFFFFF80  }
0x17: {  	[tilespmem:s5], [sflag:$0x1] =	stream.indirect.gather [hbm4b:s2+s28], $0x80, s3, s28, $0xb8;
	[tilespmem:$0xC100] =	vst v63  }
0x18: {  	s6 =	rddreg [dreg:$0x4]  }
0x19: {  	[tilespmem:s28], [sflag:$0x3] =	stream.linear.gather [hbm4b:s6+s3], $0x80, $0x38;
	[tilespmem:$0xC100] =	vst v63  }
0x1a: {  	_ =	swait.ge [sflag:s26], $0x80  }
0x1b: {  	[sflag:s26] =	ssyncset.done $0x0  }
0x1c: {  	[sflag:s26] =	ssyncadd.s32 $0xFFFFFF80  }
0x1d: {  	[tilespmem:s30], [sflag:$0x2] =	stream.indirect.gather [hbm4b:s2+s28], $0x80, s28, s28, $0xb8;
	[tilespmem:$0xC100] =	vst v63  }
0x1e: {  	_ =	swait.ge [sflag:s31], $0x4000  }
0x1f: {  	[sflag:s31] =	ssyncset.done $0x0  }
0x20: {  	s7 =	rddreg [dreg:$0x5];
	[sflag:s31] =	ssyncadd.s32 $0xFFFFC000  }
0x21: {  	[tilespmem:s3], [sflag:$0x3] =	stream.linear.gather [hbm4b:s7+s3], $0x80, $0x38;
	[tilespmem:$0xC100] =	vst v63  }
0x22: {  	_ =	swait.ge [sflag:s26], $0x80  }
0x23: {  	[sflag:s26] =	ssyncset.done $0x0  }
0x24: {  	[sflag:s26] =	ssyncadd.s32 $0xFFFFFF80  }
0x25: {  	[tilespmem:s0], [sflag:$0x1] =	stream.indirect.gather [hbm4b:s2+s28], $0x80, s3, s28, $0xb8;
	[tilespmem:$0xC100] =	vst v63  }
0x26: {  	_ =	swait.ge [sflag:s1], $0x4000  }
0x27: {  	[sflag:s1] =	ssyncset.done $0x0  }
0x28: {  	s5 =	simm.s32 $0x0;
	[sflag:s1] =	ssyncadd.s32 $0xFFFFC000  }
0x29: {  	v7 =	vld [tilespmem:s5+$0x4100]  }
0x2a: {  	v11 =	vld [tilespmem:s5+$0x4110]  }
0x2b: {  	v5 =	vld [tilespmem:s5+$0x4120]  }
0x2c: {  	v4 =	vld [tilespmem:s5+$0x4130]  }
0x2d: {  	v3 =	vld [tilespmem:s5+$0x4180]  }
0x2e: {  	v2 =	vld [tilespmem:s5+$0x4190]  }
0x2f: {  	v1 =	vld [tilespmem:s5+$0x41A0]  }
0x30: {  	v0 =	vld [tilespmem:s5+$0x41B0]  }
0x31: {  	v12 =	vld [tilespmem:s5+$0x8100]  }
0x32: {  	v13 =	vld [tilespmem:s5+$0x8110]  }
0x33: {  	v10 =	vld [tilespmem:s5+$0x8120]  }
0x34: {  	v9 =	vld [tilespmem:s5+$0x8130]  }
0x35: {  	v8 =	vld [tilespmem:s5+$0x8180]  }
0x36: {  	v6 =	vld [tilespmem:s5+$0x8190];
	v12 =	vadd.f32 v7, v12  }
0x37: {  	s6 =	simm.s32 $0x400;
	v11 =	vadd.f32 v11, v13;
	v7 =	vld [tilespmem:s5+$0x81A0]  }
.LBB2_2:
0x38: {  	s7 =	sshra.s32 s6, $0x2;
	p0 =	sne.s32 s6, $0xFC00;
	[tilespmem:s5+$0x8100] =	vst v12;
	v5 =	vadd.f32 v5, v10;
	v10 =	vld [tilespmem:s5+$0x81B0]  }
0x39: {  	v12 =	vld [tilespmem:s7+$0x4100];
	[tilespmem:s5+$0x8110] =	vst v11;
	v4 =	vadd.f32 v4, v9  }
0x3a: {  	v11 =	vld [tilespmem:s7+$0x4110];
	[tilespmem:s5+$0x8120] =	vst v5;
	v3 =	vadd.f32 v3, v8  }
0x3b: {  	v5 =	vld [tilespmem:s7+$0x4120];
	[tilespmem:s5+$0x8130] =	vst v4;
	v2 =	vadd.f32 v2, v6  }
0x3c: {  	v4 =	vld [tilespmem:s7+$0x4130];
	[tilespmem:s5+$0x8180] =	vst v3;
	v1 =	vadd.f32 v1, v7  }
0x3d: {  	v3 =	vld [tilespmem:s7+$0x4180];
	[tilespmem:s5+$0x8190] =	vst v2;
	v0 =	vadd.f32 v0, v10  }
0x3e: {  	v2 =	vld [tilespmem:s7+$0x4190];
	[tilespmem:s5+$0x81A0] =	vst v1  }
0x3f: {  	v1 =	vld [tilespmem:s7+$0x41A0];
	[tilespmem:s5+$0x81B0] =	vst v0;
	s5 =	smov.u32 s7  }
0x40: {  	v0 =	vld [tilespmem:s5+$0x41B0]  }
0x41: {  	v6 =	vld [tilespmem:s5+$0x8100]  }
0x42: {  	v7 =	vld [tilespmem:s5+$0x8110]  }
.Ltmp0:
0x43: {  	v10 =	vld [tilespmem:s5+$0x8120];
	(pc) =	sbr.rel @p0 .LBB2_2-.Ltmp0, $4  }
0x44: {  	v9 =	vld [tilespmem:s5+$0x8130]  }
0x45: {  	v8 =	vld [tilespmem:s5+$0x8180]  }
0x46: {  	v12 =	vadd.f32 v12, v6;
	v6 =	vld [tilespmem:s5+$0x8190]  }
0x47: {  	s6 =	sadd.s32 $0x400, s6;
	v11 =	vadd.f32 v11, v7;
	v7 =	vld [tilespmem:s5+$0x81A0]  }
0x48: {  	[tilespmem:s5+$0x8100] =	vst v12;
	v5 =	vadd.f32 v5, v10;
	v10 =	vld [tilespmem:s5+$0x81B0]  }
0x49: {  	[tilespmem:s5+$0x8110] =	vst v11;
	v4 =	vadd.f32 v4, v9  }
0x4a: {  	[tilespmem:s5+$0x8120] =	vst v5;
	v3 =	vadd.f32 v3, v8  }
0x4b: {  	[tilespmem:s5+$0x8130] =	vst v4;
	v2 =	vadd.f32 v2, v6  }
0x4c: {  	[tilespmem:s5+$0x8180] =	vst v3;
	v1 =	vadd.f32 v1, v7  }
0x4d: {  	[tilespmem:s5+$0x8190] =	vst v2;
	v0 =	vadd.f32 v0, v10  }
0x4e: {  	[tilespmem:s5+$0x81A0] =	vst v1  }
0x4f: {  	s7 =	simm.s32 $0x0;
	s6 =	rddreg [dreg:$0x6];
	[tilespmem:s5+$0x81B0] =	vst v0  }
0x50: {  	[tilespmem:s28], [sflag:$0x3] =	stream.linear.gather [hbm4b:s6+s7], $0x80, $0x38;
	[tilespmem:$0xC100] =	vst v63  }
0x51: {  	_ =	swait.ge [sflag:s26], $0x80  }
0x52: {  	[sflag:s26] =	ssyncset.done $0x0  }
0x53: {  	[sflag:s26] =	ssyncadd.s32 $0xFFFFFF80  }
0x54: {  	[tilespmem:s30], [sflag:$0x2] =	stream.indirect.gather [hbm4b:s2+s28], $0x80, s28, s28, $0xb8;
	[tilespmem:$0xC100] =	vst v63  }
0x55: {  	_ =	swait.ge [sflag:s31], $0x4000  }
0x56: {  	[sflag:s31] =	ssyncset.done $0x0  }
0x57: {  	s5 =	simm.s32 $0x0;
	[sflag:s31] =	ssyncadd.s32 $0xFFFFC000  }
0x58: {  	v7 =	vld [tilespmem:s5+$0x100]  }
0x59: {  	v11 =	vld [tilespmem:s5+$0x110]  }
0x5a: {  	v5 =	vld [tilespmem:s5+$0x120]  }
0x5b: {  	v4 =	vld [tilespmem:s5+$0x130]  }
0x5c: {  	v3 =	vld [tilespmem:s5+$0x180]  }
0x5d: {  	v2 =	vld [tilespmem:s5+$0x190]  }
0x5e: {  	v1 =	vld [tilespmem:s5+$0x1A0]  }
0x5f: {  	v0 =	vld [tilespmem:s5+$0x1B0]  }
0x60: {  	v12 =	vld [tilespmem:s5+$0x8100]  }
0x61: {  	v13 =	vld [tilespmem:s5+$0x8110]  }
0x62: {  	v10 =	vld [tilespmem:s5+$0x8120]  }
0x63: {  	v9 =	vld [tilespmem:s5+$0x8130]  }
0x64: {  	v8 =	vld [tilespmem:s5+$0x8180]  }
0x65: {  	v6 =	vld [tilespmem:s5+$0x8190];
	v12 =	vadd.f32 v7, v12  }
0x66: {  	s6 =	simm.s32 $0x400;
	v11 =	vadd.f32 v11, v13;
	v7 =	vld [tilespmem:s5+$0x81A0]  }
.LBB2_4:
0x67: {  	s7 =	sshra.s32 s6, $0x2;
	p0 =	sne.s32 s6, $0xFC00;
	[tilespmem:s5+$0x8100] =	vst v12;
	v5 =	vadd.f32 v5, v10;
	v10 =	vld [tilespmem:s5+$0x81B0]  }
0x68: {  	v12 =	vld [tilespmem:s7+$0x100];
	[tilespmem:s5+$0x8110] =	vst v11;
	v4 =	vadd.f32 v4, v9  }
0x69: {  	v11 =	vld [tilespmem:s7+$0x110];
	[tilespmem:s5+$0x8120] =	vst v5;
	v3 =	vadd.f32 v3, v8  }
0x6a: {  	v5 =	vld [tilespmem:s7+$0x120];
	[tilespmem:s5+$0x8130] =	vst v4;
	v2 =	vadd.f32 v2, v6  }
0x6b: {  	v4 =	vld [tilespmem:s7+$0x130];
	[tilespmem:s5+$0x8180] =	vst v3;
	v1 =	vadd.f32 v1, v7  }
0x6c: {  	v3 =	vld [tilespmem:s7+$0x180];
	[tilespmem:s5+$0x8190] =	vst v2;
	v0 =	vadd.f32 v0, v10  }
0x6d: {  	v2 =	vld [tilespmem:s7+$0x190];
	[tilespmem:s5+$0x81A0] =	vst v1  }
0x6e: {  	v1 =	vld [tilespmem:s7+$0x1A0];
	[tilespmem:s5+$0x81B0] =	vst v0;
	s5 =	smov.u32 s7  }
0x6f: {  	v0 =	vld [tilespmem:s5+$0x1B0]  }
0x70: {  	v6 =	vld [tilespmem:s5+$0x8100]  }
0x71: {  	v7 =	vld [tilespmem:s5+$0x8110]  }
.Ltmp1:
0x72: {  	v10 =	vld [tilespmem:s5+$0x8120];
	(pc) =	sbr.rel @p0 .LBB2_4-.Ltmp1, $4  }
0x73: {  	v9 =	vld [tilespmem:s5+$0x8130]  }
0x74: {  	v8 =	vld [tilespmem:s5+$0x8180]  }
0x75: {  	v12 =	vadd.f32 v12, v6;
	v6 =	vld [tilespmem:s5+$0x8190]  }
0x76: {  	s6 =	sadd.s32 $0x400, s6;
	v11 =	vadd.f32 v11, v7;
	v7 =	vld [tilespmem:s5+$0x81A0]  }
0x77: {  	[tilespmem:s5+$0x8100] =	vst v12;
	v5 =	vadd.f32 v5, v10;
	v10 =	vld [tilespmem:s5+$0x81B0]  }
0x78: {  	[tilespmem:s5+$0x8110] =	vst v11;
	v4 =	vadd.f32 v4, v9  }
0x79: {  	[tilespmem:s5+$0x8120] =	vst v5;
	v3 =	vadd.f32 v3, v8  }
0x7a: {  	[tilespmem:s5+$0x8130] =	vst v4;
	v2 =	vadd.f32 v2, v6  }
0x7b: {  	[tilespmem:s5+$0x8180] =	vst v3;
	v1 =	vadd.f32 v1, v7  }
0x7c: {  	[tilespmem:s5+$0x8190] =	vst v2;
	v0 =	vadd.f32 v0, v10  }
0x7d: {  	[tilespmem:s5+$0x81A0] =	vst v1  }
0x7e: {  	s7 =	simm.s32 $0x0;
	[tilespmem:s5+$0x81B0] =	vst v0  }
0x7f: {  	[tilespmem:s7], [sflag:$0x3] =	stream.linear.gather [hbm4b:s8+s7], $0x80, $0x38;
	[tilespmem:$0xC100] =	vst v63  }
0x80: {  	_ =	swait.ge [sflag:s26], $0x80  }
0x81: {  	[sflag:s26] =	ssyncset.done $0x0  }
0x82: {  	[sflag:s26] =	ssyncadd.s32 $0xFFFFFF80  }
0x83: {  	[tilespmem:s0], [sflag:$0x1] =	stream.indirect.gather [hbm4b:s2+s28], $0x80, s7, s28, $0xb8;
	[tilespmem:$0xC100] =	vst v63  }
0x84: {  	_ =	swait.ge [sflag:s1], $0x4000  }
0x85: {  	[sflag:s1] =	ssyncset.done $0x0  }
0x86: {  	s5 =	simm.s32 $0x0;
	[sflag:s1] =	ssyncadd.s32 $0xFFFFC000  }
0x87: {  	v7 =	vld [tilespmem:s5+$0x4100]  }
0x88: {  	v11 =	vld [tilespmem:s5+$0x4110]  }
0x89: {  	v5 =	vld [tilespmem:s5+$0x4120]  }
0x8a: {  	v4 =	vld [tilespmem:s5+$0x4130]  }
0x8b: {  	v3 =	vld [tilespmem:s5+$0x4180]  }
0x8c: {  	v2 =	vld [tilespmem:s5+$0x4190]  }
0x8d: {  	v1 =	vld [tilespmem:s5+$0x41A0]  }
0x8e: {  	v0 =	vld [tilespmem:s5+$0x41B0]  }
0x8f: {  	v12 =	vld [tilespmem:s5+$0x8100]  }
0x90: {  	v13 =	vld [tilespmem:s5+$0x8110]  }
0x91: {  	v10 =	vld [tilespmem:s5+$0x8120]  }
0x92: {  	v9 =	vld [tilespmem:s5+$0x8130]  }
0x93: {  	v8 =	vld [tilespmem:s5+$0x8180]  }
0x94: {  	v6 =	vld [tilespmem:s5+$0x8190];
	v12 =	vadd.f32 v7, v12  }
0x95: {  	s6 =	simm.s32 $0x400;
	v11 =	vadd.f32 v11, v13;
	v7 =	vld [tilespmem:s5+$0x81A0]  }
.LBB2_6:
0x96: {  	s7 =	sshra.s32 s6, $0x2;
	p0 =	sne.s32 s6, $0xFC00;
	[tilespmem:s5+$0x8100] =	vst v12;
	v5 =	vadd.f32 v5, v10;
	v10 =	vld [tilespmem:s5+$0x81B0]  }
0x97: {  	v12 =	vld [tilespmem:s7+$0x4100];
	[tilespmem:s5+$0x8110] =	vst v11;
	v4 =	vadd.f32 v4, v9  }
0x98: {  	v11 =	vld [tilespmem:s7+$0x4110];
	[tilespmem:s5+$0x8120] =	vst v5;
	v3 =	vadd.f32 v3, v8  }
0x99: {  	v5 =	vld [tilespmem:s7+$0x4120];
	[tilespmem:s5+$0x8130] =	vst v4;
	v2 =	vadd.f32 v2, v6  }
0x9a: {  	v4 =	vld [tilespmem:s7+$0x4130];
	[tilespmem:s5+$0x8180] =	vst v3;
	v1 =	vadd.f32 v1, v7  }
0x9b: {  	v3 =	vld [tilespmem:s7+$0x4180];
	[tilespmem:s5+$0x8190] =	vst v2;
	v0 =	vadd.f32 v0, v10  }
0x9c: {  	v2 =	vld [tilespmem:s7+$0x4190];
	[tilespmem:s5+$0x81A0] =	vst v1  }
0x9d: {  	v1 =	vld [tilespmem:s7+$0x41A0];
	[tilespmem:s5+$0x81B0] =	vst v0;
	s5 =	smov.u32 s7  }
0x9e: {  	v0 =	vld [tilespmem:s5+$0x41B0]  }
0x9f: {  	v6 =	vld [tilespmem:s5+$0x8100]  }
0xa0: {  	v7 =	vld [tilespmem:s5+$0x8110]  }
.Ltmp2:
0xa1: {  	v10 =	vld [tilespmem:s5+$0x8120];
	(pc) =	sbr.rel @p0 .LBB2_6-.Ltmp2, $4  }
0xa2: {  	v9 =	vld [tilespmem:s5+$0x8130]  }
0xa3: {  	v8 =	vld [tilespmem:s5+$0x8180]  }
0xa4: {  	v12 =	vadd.f32 v12, v6;
	v6 =	vld [tilespmem:s5+$0x8190]  }
0xa5: {  	s6 =	sadd.s32 $0x400, s6;
	v11 =	vadd.f32 v11, v7;
	v7 =	vld [tilespmem:s5+$0x81A0]  }
0xa6: {  	[tilespmem:s5+$0x8100] =	vst v12;
	v5 =	vadd.f32 v5, v10;
	v10 =	vld [tilespmem:s5+$0x81B0]  }
0xa7: {  	[tilespmem:s5+$0x8110] =	vst v11;
	v4 =	vadd.f32 v4, v9  }
0xa8: {  	[tilespmem:s5+$0x8120] =	vst v5;
	v3 =	vadd.f32 v3, v8  }
0xa9: {  	[tilespmem:s5+$0x8130] =	vst v4;
	v2 =	vadd.f32 v2, v6  }
0xaa: {  	[tilespmem:s5+$0x8180] =	vst v3;
	v1 =	vadd.f32 v1, v7  }
0xab: {  	[tilespmem:s5+$0x8190] =	vst v2;
	v0 =	vadd.f32 v0, v10  }
0xac: {  	[tilespmem:s5+$0x81A0] =	vst v1  }
0xad: {  	s7 =	simm.s32 $0x0;
	[tilespmem:s5+$0x81B0] =	vst v0  }
0xae: {  	[tilespmem:s28], [sflag:$0x3] =	stream.linear.gather [hbm4b:s9+s7], $0x80, $0x38;
	[tilespmem:$0xC100] =	vst v63  }
0xaf: {  	_ =	swait.ge [sflag:s26], $0x80  }
0xb0: {  	[sflag:s26] =	ssyncset.done $0x0  }
0xb1: {  	[sflag:s26] =	ssyncadd.s32 $0xFFFFFF80  }
0xb2: {  	[tilespmem:s30], [sflag:$0x2] =	stream.indirect.gather [hbm4b:s2+s28], $0x80, s28, s28, $0xb8;
	[tilespmem:$0xC100] =	vst v63  }
0xb3: {  	_ =	swait.ge [sflag:s31], $0x4000  }
0xb4: {  	[sflag:s31] =	ssyncset.done $0x0  }
0xb5: {  	s5 =	simm.s32 $0x0;
	[sflag:s31] =	ssyncadd.s32 $0xFFFFC000  }
0xb6: {  	v7 =	vld [tilespmem:s5+$0x100]  }
0xb7: {  	v11 =	vld [tilespmem:s5+$0x110]  }
0xb8: {  	v5 =	vld [tilespmem:s5+$0x120]  }
0xb9: {  	v4 =	vld [tilespmem:s5+$0x130]  }
0xba: {  	v3 =	vld [tilespmem:s5+$0x180]  }
0xbb: {  	v2 =	vld [tilespmem:s5+$0x190]  }
0xbc: {  	v1 =	vld [tilespmem:s5+$0x1A0]  }
0xbd: {  	v0 =	vld [tilespmem:s5+$0x1B0]  }
0xbe: {  	v12 =	vld [tilespmem:s5+$0x8100]  }
0xbf: {  	v13 =	vld [tilespmem:s5+$0x8110]  }
0xc0: {  	v10 =	vld [tilespmem:s5+$0x8120]  }
0xc1: {  	v9 =	vld [tilespmem:s5+$0x8130]  }
0xc2: {  	v8 =	vld [tilespmem:s5+$0x8180]  }
0xc3: {  	v6 =	vld [tilespmem:s5+$0x8190];
	v12 =	vadd.f32 v7, v12  }
0xc4: {  	s6 =	simm.s32 $0x400;
	v11 =	vadd.f32 v11, v13;
	v7 =	vld [tilespmem:s5+$0x81A0]  }
.LBB2_8:
0xc5: {  	s7 =	sshra.s32 s6, $0x2;
	p0 =	sne.s32 s6, $0xFC00;
	[tilespmem:s5+$0x8100] =	vst v12;
	v5 =	vadd.f32 v5, v10;
	v10 =	vld [tilespmem:s5+$0x81B0]  }
0xc6: {  	v12 =	vld [tilespmem:s7+$0x100];
	[tilespmem:s5+$0x8110] =	vst v11;
	v4 =	vadd.f32 v4, v9  }
0xc7: {  	v11 =	vld [tilespmem:s7+$0x110];
	[tilespmem:s5+$0x8120] =	vst v5;
	v3 =	vadd.f32 v3, v8  }
0xc8: {  	v5 =	vld [tilespmem:s7+$0x120];
	[tilespmem:s5+$0x8130] =	vst v4;
	v2 =	vadd.f32 v2, v6  }
0xc9: {  	v4 =	vld [tilespmem:s7+$0x130];
	[tilespmem:s5+$0x8180] =	vst v3;
	v1 =	vadd.f32 v1, v7  }
0xca: {  	v3 =	vld [tilespmem:s7+$0x180];
	[tilespmem:s5+$0x8190] =	vst v2;
	v0 =	vadd.f32 v0, v10  }
0xcb: {  	v2 =	vld [tilespmem:s7+$0x190];
	[tilespmem:s5+$0x81A0] =	vst v1  }
0xcc: {  	v1 =	vld [tilespmem:s7+$0x1A0];
	[tilespmem:s5+$0x81B0] =	vst v0;
	s5 =	smov.u32 s7  }
0xcd: {  	v0 =	vld [tilespmem:s5+$0x1B0]  }
0xce: {  	v6 =	vld [tilespmem:s5+$0x8100]  }
0xcf: {  	v7 =	vld [tilespmem:s5+$0x8110]  }
.Ltmp3:
0xd0: {  	v10 =	vld [tilespmem:s5+$0x8120];
	(pc) =	sbr.rel @p0 .LBB2_8-.Ltmp3, $4  }
0xd1: {  	v9 =	vld [tilespmem:s5+$0x8130]  }
0xd2: {  	v8 =	vld [tilespmem:s5+$0x8180]  }
0xd3: {  	v12 =	vadd.f32 v12, v6;
	v6 =	vld [tilespmem:s5+$0x8190]  }
0xd4: {  	s6 =	sadd.s32 $0x400, s6;
	v11 =	vadd.f32 v11, v7;
	v7 =	vld [tilespmem:s5+$0x81A0]  }
0xd5: {  	[tilespmem:s5+$0x8100] =	vst v12;
	v5 =	vadd.f32 v5, v10;
	v10 =	vld [tilespmem:s5+$0x81B0]  }
0xd6: {  	[tilespmem:s5+$0x8110] =	vst v11;
	v4 =	vadd.f32 v4, v9  }
0xd7: {  	[tilespmem:s5+$0x8120] =	vst v5;
	v3 =	vadd.f32 v3, v8  }
0xd8: {  	[tilespmem:s5+$0x8130] =	vst v4;
	v2 =	vadd.f32 v2, v6  }
0xd9: {  	[tilespmem:s5+$0x8180] =	vst v3;
	v1 =	vadd.f32 v1, v7  }
0xda: {  	[tilespmem:s5+$0x8190] =	vst v2;
	v0 =	vadd.f32 v0, v10  }
0xdb: {  	[tilespmem:s5+$0x81A0] =	vst v1  }
0xdc: {  	s7 =	simm.s32 $0x0;
	[tilespmem:s5+$0x81B0] =	vst v0  }
0xdd: {  	[tilespmem:s7], [sflag:$0x3] =	stream.linear.gather [hbm4b:s10+s7], $0x80, $0x38;
	[tilespmem:$0xC100] =	vst v63  }
0xde: {  	_ =	swait.ge [sflag:s26], $0x80  }
0xdf: {  	[sflag:s26] =	ssyncset.done $0x0  }
0xe0: {  	[sflag:s26] =	ssyncadd.s32 $0xFFFFFF80  }
0xe1: {  	[tilespmem:s0], [sflag:$0x1] =	stream.indirect.gather [hbm4b:s2+s28], $0x80, s7, s28, $0xb8;
	[tilespmem:$0xC100] =	vst v63  }
0xe2: {  	_ =	swait.ge [sflag:s1], $0x4000  }
0xe3: {  	[sflag:s1] =	ssyncset.done $0x0  }
0xe4: {  	s5 =	simm.s32 $0x0;
	[sflag:s1] =	ssyncadd.s32 $0xFFFFC000  }
0xe5: {  	v7 =	vld [tilespmem:s5+$0x4100]  }
0xe6: {  	v11 =	vld [tilespmem:s5+$0x4110]  }
0xe7: {  	v5 =	vld [tilespmem:s5+$0x4120]  }
0xe8: {  	v4 =	vld [tilespmem:s5+$0x4130]  }
0xe9: {  	v3 =	vld [tilespmem:s5+$0x4180]  }
0xea: {  	v2 =	vld [tilespmem:s5+$0x4190]  }
0xeb: {  	v1 =	vld [tilespmem:s5+$0x41A0]  }
0xec: {  	v0 =	vld [tilespmem:s5+$0x41B0]  }
0xed: {  	v12 =	vld [tilespmem:s5+$0x8100]  }
0xee: {  	v13 =	vld [tilespmem:s5+$0x8110]  }
0xef: {  	v10 =	vld [tilespmem:s5+$0x8120]  }
0xf0: {  	v9 =	vld [tilespmem:s5+$0x8130]  }
0xf1: {  	v8 =	vld [tilespmem:s5+$0x8180]  }
0xf2: {  	v6 =	vld [tilespmem:s5+$0x8190];
	v12 =	vadd.f32 v7, v12  }
0xf3: {  	s6 =	simm.s32 $0x400;
	v11 =	vadd.f32 v11, v13;
	v7 =	vld [tilespmem:s5+$0x81A0]  }
.LBB2_10:
0xf4: {  	s7 =	sshra.s32 s6, $0x2;
	p0 =	sne.s32 s6, $0xFC00;
	[tilespmem:s5+$0x8100] =	vst v12;
	v5 =	vadd.f32 v5, v10;
	v10 =	vld [tilespmem:s5+$0x81B0]  }
0xf5: {  	v12 =	vld [tilespmem:s7+$0x4100];
	[tilespmem:s5+$0x8110] =	vst v11;
	v4 =	vadd.f32 v4, v9  }
0xf6: {  	v11 =	vld [tilespmem:s7+$0x4110];
	[tilespmem:s5+$0x8120] =	vst v5;
	v3 =	vadd.f32 v3, v8  }
0xf7: {  	v5 =	vld [tilespmem:s7+$0x4120];
	[tilespmem:s5+$0x8130] =	vst v4;
	v2 =	vadd.f32 v2, v6  }
0xf8: {  	v4 =	vld [tilespmem:s7+$0x4130];
	[tilespmem:s5+$0x8180] =	vst v3;
	v1 =	vadd.f32 v1, v7  }
0xf9: {  	v3 =	vld [tilespmem:s7+$0x4180];
	[tilespmem:s5+$0x8190] =	vst v2;
	v0 =	vadd.f32 v0, v10  }
0xfa: {  	v2 =	vld [tilespmem:s7+$0x4190];
	[tilespmem:s5+$0x81A0] =	vst v1  }
0xfb: {  	v1 =	vld [tilespmem:s7+$0x41A0];
	[tilespmem:s5+$0x81B0] =	vst v0;
	s5 =	smov.u32 s7  }
0xfc: {  	v0 =	vld [tilespmem:s5+$0x41B0]  }
0xfd: {  	v6 =	vld [tilespmem:s5+$0x8100]  }
0xfe: {  	v7 =	vld [tilespmem:s5+$0x8110]  }
.Ltmp4:
0xff: {  	v10 =	vld [tilespmem:s5+$0x8120];
	(pc) =	sbr.rel @p0 .LBB2_10-.Ltmp4, $4  }
0x100: {  	v9 =	vld [tilespmem:s5+$0x8130]  }
0x101: {  	v8 =	vld [tilespmem:s5+$0x8180]  }
0x102: {  	v12 =	vadd.f32 v12, v6;
	v6 =	vld [tilespmem:s5+$0x8190]  }
0x103: {  	s6 =	sadd.s32 $0x400, s6;
	v11 =	vadd.f32 v11, v7;
	v7 =	vld [tilespmem:s5+$0x81A0]  }
0x104: {  	[tilespmem:s5+$0x8100] =	vst v12;
	v5 =	vadd.f32 v5, v10;
	v10 =	vld [tilespmem:s5+$0x81B0]  }
0x105: {  	[tilespmem:s5+$0x8110] =	vst v11;
	v4 =	vadd.f32 v4, v9  }
0x106: {  	[tilespmem:s5+$0x8120] =	vst v5;
	v3 =	vadd.f32 v3, v8  }
0x107: {  	[tilespmem:s5+$0x8130] =	vst v4;
	v2 =	vadd.f32 v2, v6  }
0x108: {  	[tilespmem:s5+$0x8180] =	vst v3;
	v1 =	vadd.f32 v1, v7  }
0x109: {  	[tilespmem:s5+$0x8190] =	vst v2;
	v0 =	vadd.f32 v0, v10  }
0x10a: {  	[tilespmem:s5+$0x81A0] =	vst v1  }
0x10b: {  	s7 =	simm.s32 $0x0;
	[tilespmem:s5+$0x81B0] =	vst v0  }
0x10c: {  	[tilespmem:s28], [sflag:$0x3] =	stream.linear.gather [hbm4b:s11+s7], $0x80, $0x38;
	[tilespmem:$0xC100] =	vst v63  }
0x10d: {  	_ =	swait.ge [sflag:s26], $0x80  }
0x10e: {  	[sflag:s26] =	ssyncset.done $0x0  }
0x10f: {  	[sflag:s26] =	ssyncadd.s32 $0xFFFFFF80  }
0x110: {  	[tilespmem:s30], [sflag:$0x2] =	stream.indirect.gather [hbm4b:s2+s28], $0x80, s28, s28, $0xb8;
	[tilespmem:$0xC100] =	vst v63  }
0x111: {  	_ =	swait.ge [sflag:s31], $0x4000  }
0x112: {  	[sflag:s31] =	ssyncset.done $0x0  }
0x113: {  	s5 =	simm.s32 $0x0;
	[sflag:s31] =	ssyncadd.s32 $0xFFFFC000  }
0x114: {  	v7 =	vld [tilespmem:s5+$0x100]  }
0x115: {  	v11 =	vld [tilespmem:s5+$0x110]  }
0x116: {  	v5 =	vld [tilespmem:s5+$0x120]  }
0x117: {  	v4 =	vld [tilespmem:s5+$0x130]  }
0x118: {  	v3 =	vld [tilespmem:s5+$0x180]  }
0x119: {  	v2 =	vld [tilespmem:s5+$0x190]  }
0x11a: {  	v1 =	vld [tilespmem:s5+$0x1A0]  }
0x11b: {  	v0 =	vld [tilespmem:s5+$0x1B0]  }
0x11c: {  	v12 =	vld [tilespmem:s5+$0x8100]  }
0x11d: {  	v13 =	vld [tilespmem:s5+$0x8110]  }
0x11e: {  	v10 =	vld [tilespmem:s5+$0x8120]  }
0x11f: {  	v9 =	vld [tilespmem:s5+$0x8130]  }
0x120: {  	v8 =	vld [tilespmem:s5+$0x8180]  }
0x121: {  	v6 =	vld [tilespmem:s5+$0x8190];
	v12 =	vadd.f32 v7, v12  }
0x122: {  	s6 =	simm.s32 $0x400;
	v11 =	vadd.f32 v11, v13;
	v7 =	vld [tilespmem:s5+$0x81A0]  }
.LBB2_12:
0x123: {  	s7 =	sshra.s32 s6, $0x2;
	p0 =	sne.s32 s6, $0xFC00;
	[tilespmem:s5+$0x8100] =	vst v12;
	v5 =	vadd.f32 v5, v10;
	v10 =	vld [tilespmem:s5+$0x81B0]  }
0x124: {  	v12 =	vld [tilespmem:s7+$0x100];
	[tilespmem:s5+$0x8110] =	vst v11;
	v4 =	vadd.f32 v4, v9  }
0x125: {  	v11 =	vld [tilespmem:s7+$0x110];
	[tilespmem:s5+$0x8120] =	vst v5;
	v3 =	vadd.f32 v3, v8  }
0x126: {  	v5 =	vld [tilespmem:s7+$0x120];
	[tilespmem:s5+$0x8130] =	vst v4;
	v2 =	vadd.f32 v2, v6  }
0x127: {  	v4 =	vld [tilespmem:s7+$0x130];
	[tilespmem:s5+$0x8180] =	vst v3;
	v1 =	vadd.f32 v1, v7  }
0x128: {  	v3 =	vld [tilespmem:s7+$0x180];
	[tilespmem:s5+$0x8190] =	vst v2;
	v0 =	vadd.f32 v0, v10  }
0x129: {  	v2 =	vld [tilespmem:s7+$0x190];
	[tilespmem:s5+$0x81A0] =	vst v1  }
0x12a: {  	v1 =	vld [tilespmem:s7+$0x1A0];
	[tilespmem:s5+$0x81B0] =	vst v0;
	s5 =	smov.u32 s7  }
0x12b: {  	v0 =	vld [tilespmem:s5+$0x1B0]  }
0x12c: {  	v6 =	vld [tilespmem:s5+$0x8100]  }
0x12d: {  	v7 =	vld [tilespmem:s5+$0x8110]  }
.Ltmp5:
0x12e: {  	v10 =	vld [tilespmem:s5+$0x8120];
	(pc) =	sbr.rel @p0 .LBB2_12-.Ltmp5, $4  }
0x12f: {  	v9 =	vld [tilespmem:s5+$0x8130]  }
0x130: {  	v8 =	vld [tilespmem:s5+$0x8180]  }
0x131: {  	v12 =	vadd.f32 v12, v6;
	v6 =	vld [tilespmem:s5+$0x8190]  }
0x132: {  	s6 =	sadd.s32 $0x400, s6;
	v11 =	vadd.f32 v11, v7;
	v7 =	vld [tilespmem:s5+$0x81A0]  }
0x133: {  	[tilespmem:s5+$0x8100] =	vst v12;
	v5 =	vadd.f32 v5, v10;
	v10 =	vld [tilespmem:s5+$0x81B0]  }
0x134: {  	[tilespmem:s5+$0x8110] =	vst v11;
	v4 =	vadd.f32 v4, v9  }
0x135: {  	[tilespmem:s5+$0x8120] =	vst v5;
	v3 =	vadd.f32 v3, v8  }
0x136: {  	[tilespmem:s5+$0x8130] =	vst v4;
	v2 =	vadd.f32 v2, v6  }
0x137: {  	[tilespmem:s5+$0x8180] =	vst v3;
	v1 =	vadd.f32 v1, v7  }
0x138: {  	[tilespmem:s5+$0x8190] =	vst v2;
	v0 =	vadd.f32 v0, v10  }
0x139: {  	[tilespmem:s5+$0x81A0] =	vst v1  }
0x13a: {  	s7 =	simm.s32 $0x0;
	[tilespmem:s5+$0x81B0] =	vst v0  }
0x13b: {  	[tilespmem:s7], [sflag:$0x3] =	stream.linear.gather [hbm4b:s12+s7], $0x80, $0x38;
	[tilespmem:$0xC100] =	vst v63  }
0x13c: {  	_ =	swait.ge [sflag:s26], $0x80  }
0x13d: {  	[sflag:s26] =	ssyncset.done $0x0  }
0x13e: {  	[sflag:s26] =	ssyncadd.s32 $0xFFFFFF80  }
0x13f: {  	[tilespmem:s0], [sflag:$0x1] =	stream.indirect.gather [hbm4b:s2+s28], $0x80, s7, s28, $0xb8;
	[tilespmem:$0xC100] =	vst v63  }
0x140: {  	_ =	swait.ge [sflag:s1], $0x4000  }
0x141: {  	[sflag:s1] =	ssyncset.done $0x0  }
0x142: {  	s5 =	simm.s32 $0x0;
	[sflag:s1] =	ssyncadd.s32 $0xFFFFC000  }
0x143: {  	v7 =	vld [tilespmem:s5+$0x4100]  }
0x144: {  	v11 =	vld [tilespmem:s5+$0x4110]  }
0x145: {  	v5 =	vld [tilespmem:s5+$0x4120]  }
0x146: {  	v4 =	vld [tilespmem:s5+$0x4130]  }
0x147: {  	v3 =	vld [tilespmem:s5+$0x4180]  }
0x148: {  	v2 =	vld [tilespmem:s5+$0x4190]  }
0x149: {  	v1 =	vld [tilespmem:s5+$0x41A0]  }
0x14a: {  	v0 =	vld [tilespmem:s5+$0x41B0]  }
0x14b: {  	v12 =	vld [tilespmem:s5+$0x8100]  }
0x14c: {  	v13 =	vld [tilespmem:s5+$0x8110]  }
0x14d: {  	v10 =	vld [tilespmem:s5+$0x8120]  }
0x14e: {  	v9 =	vld [tilespmem:s5+$0x8130]  }
0x14f: {  	v8 =	vld [tilespmem:s5+$0x8180]  }
0x150: {  	v6 =	vld [tilespmem:s5+$0x8190];
	v12 =	vadd.f32 v7, v12  }
0x151: {  	s6 =	simm.s32 $0x400;
	v11 =	vadd.f32 v11, v13;
	v7 =	vld [tilespmem:s5+$0x81A0]  }
.LBB2_14:
0x152: {  	s7 =	sshra.s32 s6, $0x2;
	p0 =	sne.s32 s6, $0xFC00;
	[tilespmem:s5+$0x8100] =	vst v12;
	v5 =	vadd.f32 v5, v10;
	v10 =	vld [tilespmem:s5+$0x81B0]  }
0x153: {  	v12 =	vld [tilespmem:s7+$0x4100];
	[tilespmem:s5+$0x8110] =	vst v11;
	v4 =	vadd.f32 v4, v9  }
0x154: {  	v11 =	vld [tilespmem:s7+$0x4110];
	[tilespmem:s5+$0x8120] =	vst v5;
	v3 =	vadd.f32 v3, v8  }
0x155: {  	v5 =	vld [tilespmem:s7+$0x4120];
	[tilespmem:s5+$0x8130] =	vst v4;
	v2 =	vadd.f32 v2, v6  }
0x156: {  	v4 =	vld [tilespmem:s7+$0x4130];
	[tilespmem:s5+$0x8180] =	vst v3;
	v1 =	vadd.f32 v1, v7  }
0x157: {  	v3 =	vld [tilespmem:s7+$0x4180];
	[tilespmem:s5+$0x8190] =	vst v2;
	v0 =	vadd.f32 v0, v10  }
0x158: {  	v2 =	vld [tilespmem:s7+$0x4190];
	[tilespmem:s5+$0x81A0] =	vst v1  }
0x159: {  	v1 =	vld [tilespmem:s7+$0x41A0];
	[tilespmem:s5+$0x81B0] =	vst v0;
	s5 =	smov.u32 s7  }
0x15a: {  	v0 =	vld [tilespmem:s5+$0x41B0]  }
0x15b: {  	v6 =	vld [tilespmem:s5+$0x8100]  }
0x15c: {  	v7 =	vld [tilespmem:s5+$0x8110]  }
.Ltmp6:
0x15d: {  	v10 =	vld [tilespmem:s5+$0x8120];
	(pc) =	sbr.rel @p0 .LBB2_14-.Ltmp6, $4  }
0x15e: {  	v9 =	vld [tilespmem:s5+$0x8130]  }
0x15f: {  	v8 =	vld [tilespmem:s5+$0x8180]  }
0x160: {  	v12 =	vadd.f32 v12, v6;
	v6 =	vld [tilespmem:s5+$0x8190]  }
0x161: {  	s6 =	sadd.s32 $0x400, s6;
	v11 =	vadd.f32 v11, v7;
	v7 =	vld [tilespmem:s5+$0x81A0]  }
0x162: {  	[tilespmem:s5+$0x8100] =	vst v12;
	v5 =	vadd.f32 v5, v10;
	v10 =	vld [tilespmem:s5+$0x81B0]  }
0x163: {  	[tilespmem:s5+$0x8110] =	vst v11;
	v4 =	vadd.f32 v4, v9  }
0x164: {  	[tilespmem:s5+$0x8120] =	vst v5;
	v3 =	vadd.f32 v3, v8  }
0x165: {  	[tilespmem:s5+$0x8130] =	vst v4;
	v2 =	vadd.f32 v2, v6  }
0x166: {  	[tilespmem:s5+$0x8180] =	vst v3;
	v1 =	vadd.f32 v1, v7  }
0x167: {  	[tilespmem:s5+$0x8190] =	vst v2;
	v0 =	vadd.f32 v0, v10  }
0x168: {  	[tilespmem:s5+$0x81A0] =	vst v1  }
0x169: {  	s7 =	simm.s32 $0x0;
	[tilespmem:s5+$0x81B0] =	vst v0  }
0x16a: {  	[tilespmem:s28], [sflag:$0x3] =	stream.linear.gather [hbm4b:s13+s7], $0x80, $0x38;
	[tilespmem:$0xC100] =	vst v63  }
0x16b: {  	_ =	swait.ge [sflag:s26], $0x80  }
0x16c: {  	[sflag:s26] =	ssyncset.done $0x0  }
0x16d: {  	[sflag:s26] =	ssyncadd.s32 $0xFFFFFF80  }
0x16e: {  	[tilespmem:s30], [sflag:$0x2] =	stream.indirect.gather [hbm4b:s2+s28], $0x80, s28, s28, $0xb8;
	[tilespmem:$0xC100] =	vst v63  }
0x16f: {  	_ =	swait.ge [sflag:s31], $0x4000  }
0x170: {  	[sflag:s31] =	ssyncset.done $0x0  }
0x171: {  	s5 =	simm.s32 $0x0;
	[sflag:s31] =	ssyncadd.s32 $0xFFFFC000  }
0x172: {  	v7 =	vld [tilespmem:s5+$0x100]  }
0x173: {  	v11 =	vld [tilespmem:s5+$0x110]  }
0x174: {  	v5 =	vld [tilespmem:s5+$0x120]  }
0x175: {  	v4 =	vld [tilespmem:s5+$0x130]  }
0x176: {  	v3 =	vld [tilespmem:s5+$0x180]  }
0x177: {  	v2 =	vld [tilespmem:s5+$0x190]  }
0x178: {  	v1 =	vld [tilespmem:s5+$0x1A0]  }
0x179: {  	v0 =	vld [tilespmem:s5+$0x1B0]  }
0x17a: {  	v12 =	vld [tilespmem:s5+$0x8100]  }
0x17b: {  	v13 =	vld [tilespmem:s5+$0x8110]  }
0x17c: {  	v10 =	vld [tilespmem:s5+$0x8120]  }
0x17d: {  	v9 =	vld [tilespmem:s5+$0x8130]  }
0x17e: {  	v8 =	vld [tilespmem:s5+$0x8180]  }
0x17f: {  	v6 =	vld [tilespmem:s5+$0x8190];
	v12 =	vadd.f32 v7, v12  }
0x180: {  	s6 =	simm.s32 $0x400;
	v11 =	vadd.f32 v11, v13;
	v7 =	vld [tilespmem:s5+$0x81A0]  }
.LBB2_16:
0x181: {  	s7 =	sshra.s32 s6, $0x2;
	p0 =	sne.s32 s6, $0xFC00;
	[tilespmem:s5+$0x8100] =	vst v12;
	v5 =	vadd.f32 v5, v10;
	v10 =	vld [tilespmem:s5+$0x81B0]  }
0x182: {  	v12 =	vld [tilespmem:s7+$0x100];
	[tilespmem:s5+$0x8110] =	vst v11;
	v4 =	vadd.f32 v4, v9  }
0x183: {  	v11 =	vld [tilespmem:s7+$0x110];
	[tilespmem:s5+$0x8120] =	vst v5;
	v3 =	vadd.f32 v3, v8  }
0x184: {  	v5 =	vld [tilespmem:s7+$0x120];
	[tilespmem:s5+$0x8130] =	vst v4;
	v2 =	vadd.f32 v2, v6  }
0x185: {  	v4 =	vld [tilespmem:s7+$0x130];
	[tilespmem:s5+$0x8180] =	vst v3;
	v1 =	vadd.f32 v1, v7  }
0x186: {  	v3 =	vld [tilespmem:s7+$0x180];
	[tilespmem:s5+$0x8190] =	vst v2;
	v0 =	vadd.f32 v0, v10  }
0x187: {  	v2 =	vld [tilespmem:s7+$0x190];
	[tilespmem:s5+$0x81A0] =	vst v1  }
0x188: {  	v1 =	vld [tilespmem:s7+$0x1A0];
	[tilespmem:s5+$0x81B0] =	vst v0;
	s5 =	smov.u32 s7  }
0x189: {  	v0 =	vld [tilespmem:s5+$0x1B0]  }
0x18a: {  	v6 =	vld [tilespmem:s5+$0x8100]  }
0x18b: {  	v7 =	vld [tilespmem:s5+$0x8110]  }
.Ltmp7:
0x18c: {  	v10 =	vld [tilespmem:s5+$0x8120];
	(pc) =	sbr.rel @p0 .LBB2_16-.Ltmp7, $4  }
0x18d: {  	v9 =	vld [tilespmem:s5+$0x8130]  }
0x18e: {  	v8 =	vld [tilespmem:s5+$0x8180]  }
0x18f: {  	v12 =	vadd.f32 v12, v6;
	v6 =	vld [tilespmem:s5+$0x8190]  }
0x190: {  	s6 =	sadd.s32 $0x400, s6;
	v11 =	vadd.f32 v11, v7;
	v7 =	vld [tilespmem:s5+$0x81A0]  }
0x191: {  	[tilespmem:s5+$0x8100] =	vst v12;
	v5 =	vadd.f32 v5, v10;
	v10 =	vld [tilespmem:s5+$0x81B0]  }
0x192: {  	[tilespmem:s5+$0x8110] =	vst v11;
	v4 =	vadd.f32 v4, v9  }
0x193: {  	[tilespmem:s5+$0x8120] =	vst v5;
	v3 =	vadd.f32 v3, v8  }
0x194: {  	[tilespmem:s5+$0x8130] =	vst v4;
	v2 =	vadd.f32 v2, v6  }
0x195: {  	[tilespmem:s5+$0x8180] =	vst v3;
	v1 =	vadd.f32 v1, v7  }
0x196: {  	[tilespmem:s5+$0x8190] =	vst v2;
	v0 =	vadd.f32 v0, v10  }
0x197: {  	[tilespmem:s5+$0x81A0] =	vst v1  }
0x198: {  	s7 =	simm.s32 $0x0;
	[tilespmem:s5+$0x81B0] =	vst v0  }
0x199: {  	[tilespmem:s7], [sflag:$0x3] =	stream.linear.gather [hbm4b:s14+s7], $0x80, $0x38;
	[tilespmem:$0xC100] =	vst v63  }
0x19a: {  	_ =	swait.ge [sflag:s26], $0x80  }
0x19b: {  	[sflag:s26] =	ssyncset.done $0x0  }
0x19c: {  	[sflag:s26] =	ssyncadd.s32 $0xFFFFFF80  }
0x19d: {  	[tilespmem:s0], [sflag:$0x1] =	stream.indirect.gather [hbm4b:s2+s28], $0x80, s7, s28, $0xb8;
	[tilespmem:$0xC100] =	vst v63  }
0x19e: {  	_ =	swait.ge [sflag:s1], $0x4000  }
0x19f: {  	[sflag:s1] =	ssyncset.done $0x0  }
0x1a0: {  	s5 =	simm.s32 $0x0;
	[sflag:s1] =	ssyncadd.s32 $0xFFFFC000  }
0x1a1: {  	v7 =	vld [tilespmem:s5+$0x4100]  }
0x1a2: {  	v11 =	vld [tilespmem:s5+$0x4110]  }
0x1a3: {  	v5 =	vld [tilespmem:s5+$0x4120]  }
0x1a4: {  	v4 =	vld [tilespmem:s5+$0x4130]  }
0x1a5: {  	v3 =	vld [tilespmem:s5+$0x4180]  }
0x1a6: {  	v2 =	vld [tilespmem:s5+$0x4190]  }
0x1a7: {  	v1 =	vld [tilespmem:s5+$0x41A0]  }
0x1a8: {  	v0 =	vld [tilespmem:s5+$0x41B0]  }
0x1a9: {  	v12 =	vld [tilespmem:s5+$0x8100]  }
0x1aa: {  	v13 =	vld [tilespmem:s5+$0x8110]  }
0x1ab: {  	v10 =	vld [tilespmem:s5+$0x8120]  }
0x1ac: {  	v9 =	vld [tilespmem:s5+$0x8130]  }
0x1ad: {  	v8 =	vld [tilespmem:s5+$0x8180]  }
0x1ae: {  	v6 =	vld [tilespmem:s5+$0x8190];
	v12 =	vadd.f32 v7, v12  }
0x1af: {  	s6 =	simm.s32 $0x400;
	v11 =	vadd.f32 v11, v13;
	v7 =	vld [tilespmem:s5+$0x81A0]  }
.LBB2_18:
0x1b0: {  	s7 =	sshra.s32 s6, $0x2;
	p0 =	sne.s32 s6, $0xFC00;
	[tilespmem:s5+$0x8100] =	vst v12;
	v5 =	vadd.f32 v5, v10;
	v10 =	vld [tilespmem:s5+$0x81B0]  }
0x1b1: {  	v12 =	vld [tilespmem:s7+$0x4100];
	[tilespmem:s5+$0x8110] =	vst v11;
	v4 =	vadd.f32 v4, v9  }
0x1b2: {  	v11 =	vld [tilespmem:s7+$0x4110];
	[tilespmem:s5+$0x8120] =	vst v5;
	v3 =	vadd.f32 v3, v8  }
0x1b3: {  	v5 =	vld [tilespmem:s7+$0x4120];
	[tilespmem:s5+$0x8130] =	vst v4;
	v2 =	vadd.f32 v2, v6  }
0x1b4: {  	v4 =	vld [tilespmem:s7+$0x4130];
	[tilespmem:s5+$0x8180] =	vst v3;
	v1 =	vadd.f32 v1, v7  }
0x1b5: {  	v3 =	vld [tilespmem:s7+$0x4180];
	[tilespmem:s5+$0x8190] =	vst v2;
	v0 =	vadd.f32 v0, v10  }
0x1b6: {  	v2 =	vld [tilespmem:s7+$0x4190];
	[tilespmem:s5+$0x81A0] =	vst v1  }
0x1b7: {  	v1 =	vld [tilespmem:s7+$0x41A0];
	[tilespmem:s5+$0x81B0] =	vst v0;
	s5 =	smov.u32 s7  }
0x1b8: {  	v0 =	vld [tilespmem:s5+$0x41B0]  }
0x1b9: {  	v6 =	vld [tilespmem:s5+$0x8100]  }
0x1ba: {  	v7 =	vld [tilespmem:s5+$0x8110]  }
.Ltmp8:
0x1bb: {  	v10 =	vld [tilespmem:s5+$0x8120];
	(pc) =	sbr.rel @p0 .LBB2_18-.Ltmp8, $4  }
0x1bc: {  	v9 =	vld [tilespmem:s5+$0x8130]  }
0x1bd: {  	v8 =	vld [tilespmem:s5+$0x8180]  }
0x1be: {  	v12 =	vadd.f32 v12, v6;
	v6 =	vld [tilespmem:s5+$0x8190]  }
0x1bf: {  	s6 =	sadd.s32 $0x400, s6;
	v11 =	vadd.f32 v11, v7;
	v7 =	vld [tilespmem:s5+$0x81A0]  }
0x1c0: {  	[tilespmem:s5+$0x8100] =	vst v12;
	v5 =	vadd.f32 v5, v10;
	v10 =	vld [tilespmem:s5+$0x81B0]  }
0x1c1: {  	[tilespmem:s5+$0x8110] =	vst v11;
	v4 =	vadd.f32 v4, v9  }
0x1c2: {  	[tilespmem:s5+$0x8120] =	vst v5;
	v3 =	vadd.f32 v3, v8  }
0x1c3: {  	[tilespmem:s5+$0x8130] =	vst v4;
	v2 =	vadd.f32 v2, v6  }
0x1c4: {  	[tilespmem:s5+$0x8180] =	vst v3;
	v1 =	vadd.f32 v1, v7  }
0x1c5: {  	[tilespmem:s5+$0x8190] =	vst v2;
	v0 =	vadd.f32 v0, v10  }
0x1c6: {  	[tilespmem:s5+$0x81A0] =	vst v1  }
0x1c7: {  	s7 =	simm.s32 $0x0;
	[tilespmem:s5+$0x81B0] =	vst v0  }
0x1c8: {  	[tilespmem:s28], [sflag:$0x3] =	stream.linear.gather [hbm4b:s15+s7], $0x80, $0x38;
	[tilespmem:$0xC100] =	vst v63  }
0x1c9: {  	_ =	swait.ge [sflag:s26], $0x80  }
0x1ca: {  	[sflag:s26] =	ssyncset.done $0x0  }
0x1cb: {  	[sflag:s26] =	ssyncadd.s32 $0xFFFFFF80  }
0x1cc: {  	[tilespmem:s30], [sflag:$0x2] =	stream.indirect.gather [hbm4b:s2+s28], $0x80, s28, s28, $0xb8;
	[tilespmem:$0xC100] =	vst v63  }
0x1cd: {  	_ =	swait.ge [sflag:s31], $0x4000  }
0x1ce: {  	[sflag:s31] =	ssyncset.done $0x0  }
0x1cf: {  	s5 =	simm.s32 $0x0;
	[sflag:s31] =	ssyncadd.s32 $0xFFFFC000  }
0x1d0: {  	v7 =	vld [tilespmem:s5+$0x100]  }
0x1d1: {  	v11 =	vld [tilespmem:s5+$0x110]  }
0x1d2: {  	v5 =	vld [tilespmem:s5+$0x120]  }
0x1d3: {  	v4 =	vld [tilespmem:s5+$0x130]  }
0x1d4: {  	v3 =	vld [tilespmem:s5+$0x180]  }
0x1d5: {  	v2 =	vld [tilespmem:s5+$0x190]  }
0x1d6: {  	v1 =	vld [tilespmem:s5+$0x1A0]  }
0x1d7: {  	v0 =	vld [tilespmem:s5+$0x1B0]  }
0x1d8: {  	v12 =	vld [tilespmem:s5+$0x8100]  }
0x1d9: {  	v13 =	vld [tilespmem:s5+$0x8110]  }
0x1da: {  	v10 =	vld [tilespmem:s5+$0x8120]  }
0x1db: {  	v9 =	vld [tilespmem:s5+$0x8130]  }
0x1dc: {  	v8 =	vld [tilespmem:s5+$0x8180]  }
0x1dd: {  	v6 =	vld [tilespmem:s5+$0x8190];
	v12 =	vadd.f32 v7, v12  }
0x1de: {  	s6 =	simm.s32 $0x400;
	v11 =	vadd.f32 v11, v13;
	v7 =	vld [tilespmem:s5+$0x81A0]  }
.LBB2_20:
0x1df: {  	s7 =	sshra.s32 s6, $0x2;
	p0 =	sne.s32 s6, $0xFC00;
	[tilespmem:s5+$0x8100] =	vst v12;
	v5 =	vadd.f32 v5, v10;
	v10 =	vld [tilespmem:s5+$0x81B0]  }
0x1e0: {  	v12 =	vld [tilespmem:s7+$0x100];
	[tilespmem:s5+$0x8110] =	vst v11;
	v4 =	vadd.f32 v4, v9  }
0x1e1: {  	v11 =	vld [tilespmem:s7+$0x110];
	[tilespmem:s5+$0x8120] =	vst v5;
	v3 =	vadd.f32 v3, v8  }
0x1e2: {  	v5 =	vld [tilespmem:s7+$0x120];
	[tilespmem:s5+$0x8130] =	vst v4;
	v2 =	vadd.f32 v2, v6  }
0x1e3: {  	v4 =	vld [tilespmem:s7+$0x130];
	[tilespmem:s5+$0x8180] =	vst v3;
	v1 =	vadd.f32 v1, v7  }
0x1e4: {  	v3 =	vld [tilespmem:s7+$0x180];
	[tilespmem:s5+$0x8190] =	vst v2;
	v0 =	vadd.f32 v0, v10  }
0x1e5: {  	v2 =	vld [tilespmem:s7+$0x190];
	[tilespmem:s5+$0x81A0] =	vst v1  }
0x1e6: {  	v1 =	vld [tilespmem:s7+$0x1A0];
	[tilespmem:s5+$0x81B0] =	vst v0;
	s5 =	smov.u32 s7  }
0x1e7: {  	v0 =	vld [tilespmem:s5+$0x1B0]  }
0x1e8: {  	v6 =	vld [tilespmem:s5+$0x8100]  }
0x1e9: {  	v7 =	vld [tilespmem:s5+$0x8110]  }
.Ltmp9:
0x1ea: {  	v10 =	vld [tilespmem:s5+$0x8120];
	(pc) =	sbr.rel @p0 .LBB2_20-.Ltmp9, $4  }
0x1eb: {  	v9 =	vld [tilespmem:s5+$0x8130]  }
0x1ec: {  	v8 =	vld [tilespmem:s5+$0x8180]  }
0x1ed: {  	v12 =	vadd.f32 v12, v6;
	v6 =	vld [tilespmem:s5+$0x8190]  }
0x1ee: {  	s6 =	sadd.s32 $0x400, s6;
	v11 =	vadd.f32 v11, v7;
	v7 =	vld [tilespmem:s5+$0x81A0]  }
0x1ef: {  	[tilespmem:s5+$0x8100] =	vst v12;
	v5 =	vadd.f32 v5, v10;
	v10 =	vld [tilespmem:s5+$0x81B0]  }
0x1f0: {  	[tilespmem:s5+$0x8110] =	vst v11;
	v4 =	vadd.f32 v4, v9  }
0x1f1: {  	[tilespmem:s5+$0x8120] =	vst v5;
	v3 =	vadd.f32 v3, v8  }
0x1f2: {  	[tilespmem:s5+$0x8130] =	vst v4;
	v2 =	vadd.f32 v2, v6  }
0x1f3: {  	[tilespmem:s5+$0x8180] =	vst v3;
	v1 =	vadd.f32 v1, v7  }
0x1f4: {  	[tilespmem:s5+$0x8190] =	vst v2;
	v0 =	vadd.f32 v0, v10  }
0x1f5: {  	[tilespmem:s5+$0x81A0] =	vst v1  }
0x1f6: {  	s7 =	simm.s32 $0x0;
	[tilespmem:s5+$0x81B0] =	vst v0  }
0x1f7: {  	[tilespmem:s7], [sflag:$0x3] =	stream.linear.gather [hbm4b:s16+s7], $0x80, $0x38;
	[tilespmem:$0xC100] =	vst v63  }
0x1f8: {  	_ =	swait.ge [sflag:s26], $0x80  }
0x1f9: {  	[sflag:s26] =	ssyncset.done $0x0  }
0x1fa: {  	[sflag:s26] =	ssyncadd.s32 $0xFFFFFF80  }
0x1fb: {  	[tilespmem:s0], [sflag:$0x1] =	stream.indirect.gather [hbm4b:s2+s28], $0x80, s7, s28, $0xb8;
	[tilespmem:$0xC100] =	vst v63  }
0x1fc: {  	_ =	swait.ge [sflag:s1], $0x4000  }
0x1fd: {  	[sflag:s1] =	ssyncset.done $0x0  }
0x1fe: {  	s5 =	simm.s32 $0x0;
	[sflag:s1] =	ssyncadd.s32 $0xFFFFC000  }
0x1ff: {  	v7 =	vld [tilespmem:s5+$0x4100]  }
0x200: {  	v11 =	vld [tilespmem:s5+$0x4110]  }
0x201: {  	v5 =	vld [tilespmem:s5+$0x4120]  }
0x202: {  	v4 =	vld [tilespmem:s5+$0x4130]  }
0x203: {  	v3 =	vld [tilespmem:s5+$0x4180]  }
0x204: {  	v2 =	vld [tilespmem:s5+$0x4190]  }
0x205: {  	v1 =	vld [tilespmem:s5+$0x41A0]  }
0x206: {  	v0 =	vld [tilespmem:s5+$0x41B0]  }
0x207: {  	v12 =	vld [tilespmem:s5+$0x8100]  }
0x208: {  	v13 =	vld [tilespmem:s5+$0x8110]  }
0x209: {  	v10 =	vld [tilespmem:s5+$0x8120]  }
0x20a: {  	v9 =	vld [tilespmem:s5+$0x8130]  }
0x20b: {  	v8 =	vld [tilespmem:s5+$0x8180]  }
0x20c: {  	v6 =	vld [tilespmem:s5+$0x8190];
	v12 =	vadd.f32 v7, v12  }
0x20d: {  	s6 =	simm.s32 $0x400;
	v11 =	vadd.f32 v11, v13;
	v7 =	vld [tilespmem:s5+$0x81A0]  }
.LBB2_22:
0x20e: {  	s7 =	sshra.s32 s6, $0x2;
	p0 =	sne.s32 s6, $0xFC00;
	[tilespmem:s5+$0x8100] =	vst v12;
	v5 =	vadd.f32 v5, v10;
	v10 =	vld [tilespmem:s5+$0x81B0]  }
0x20f: {  	v12 =	vld [tilespmem:s7+$0x4100];
	[tilespmem:s5+$0x8110] =	vst v11;
	v4 =	vadd.f32 v4, v9  }
0x210: {  	v11 =	vld [tilespmem:s7+$0x4110];
	[tilespmem:s5+$0x8120] =	vst v5;
	v3 =	vadd.f32 v3, v8  }
0x211: {  	v5 =	vld [tilespmem:s7+$0x4120];
	[tilespmem:s5+$0x8130] =	vst v4;
	v2 =	vadd.f32 v2, v6  }
0x212: {  	v4 =	vld [tilespmem:s7+$0x4130];
	[tilespmem:s5+$0x8180] =	vst v3;
	v1 =	vadd.f32 v1, v7  }
0x213: {  	v3 =	vld [tilespmem:s7+$0x4180];
	[tilespmem:s5+$0x8190] =	vst v2;
	v0 =	vadd.f32 v0, v10  }
0x214: {  	v2 =	vld [tilespmem:s7+$0x4190];
	[tilespmem:s5+$0x81A0] =	vst v1  }
0x215: {  	v1 =	vld [tilespmem:s7+$0x41A0];
	[tilespmem:s5+$0x81B0] =	vst v0;
	s5 =	smov.u32 s7  }
0x216: {  	v0 =	vld [tilespmem:s5+$0x41B0]  }
0x217: {  	v6 =	vld [tilespmem:s5+$0x8100]  }
0x218: {  	v7 =	vld [tilespmem:s5+$0x8110]  }
.Ltmp10:
0x219: {  	v10 =	vld [tilespmem:s5+$0x8120];
	(pc) =	sbr.rel @p0 .LBB2_22-.Ltmp10, $4  }
0x21a: {  	v9 =	vld [tilespmem:s5+$0x8130]  }
0x21b: {  	v8 =	vld [tilespmem:s5+$0x8180]  }
0x21c: {  	v12 =	vadd.f32 v12, v6;
	v6 =	vld [tilespmem:s5+$0x8190]  }
0x21d: {  	s6 =	sadd.s32 $0x400, s6;
	v11 =	vadd.f32 v11, v7;
	v7 =	vld [tilespmem:s5+$0x81A0]  }
0x21e: {  	[tilespmem:s5+$0x8100] =	vst v12;
	v5 =	vadd.f32 v5, v10;
	v10 =	vld [tilespmem:s5+$0x81B0]  }
0x21f: {  	[tilespmem:s5+$0x8110] =	vst v11;
	v4 =	vadd.f32 v4, v9  }
0x220: {  	[tilespmem:s5+$0x8120] =	vst v5;
	v3 =	vadd.f32 v3, v8  }
0x221: {  	[tilespmem:s5+$0x8130] =	vst v4;
	v2 =	vadd.f32 v2, v6  }
0x222: {  	[tilespmem:s5+$0x8180] =	vst v3;
	v1 =	vadd.f32 v1, v7  }
0x223: {  	[tilespmem:s5+$0x8190] =	vst v2;
	v0 =	vadd.f32 v0, v10  }
0x224: {  	[tilespmem:s5+$0x81A0] =	vst v1  }
0x225: {  	s7 =	simm.s32 $0x0;
	[tilespmem:s5+$0x81B0] =	vst v0  }
0x226: {  	[tilespmem:s28], [sflag:$0x3] =	stream.linear.gather [hbm4b:s17+s7], $0x80, $0x38;
	[tilespmem:$0xC100] =	vst v63  }
0x227: {  	_ =	swait.ge [sflag:s26], $0x80  }
0x228: {  	[sflag:s26] =	ssyncset.done $0x0  }
0x229: {  	[sflag:s26] =	ssyncadd.s32 $0xFFFFFF80  }
0x22a: {  	[tilespmem:s30], [sflag:$0x2] =	stream.indirect.gather [hbm4b:s2+s28], $0x80, s28, s28, $0xb8;
	[tilespmem:$0xC100] =	vst v63  }
0x22b: {  	_ =	swait.ge [sflag:s31], $0x4000  }
0x22c: {  	[sflag:s31] =	ssyncset.done $0x0  }
0x22d: {  	s5 =	simm.s32 $0x0;
	[sflag:s31] =	ssyncadd.s32 $0xFFFFC000  }
0x22e: {  	v7 =	vld [tilespmem:s5+$0x100]  }
0x22f: {  	v11 =	vld [tilespmem:s5+$0x110]  }
0x230: {  	v5 =	vld [tilespmem:s5+$0x120]  }
0x231: {  	v4 =	vld [tilespmem:s5+$0x130]  }
0x232: {  	v3 =	vld [tilespmem:s5+$0x180]  }
0x233: {  	v2 =	vld [tilespmem:s5+$0x190]  }
0x234: {  	v1 =	vld [tilespmem:s5+$0x1A0]  }
0x235: {  	v0 =	vld [tilespmem:s5+$0x1B0]  }
0x236: {  	v12 =	vld [tilespmem:s5+$0x8100]  }
0x237: {  	v13 =	vld [tilespmem:s5+$0x8110]  }
0x238: {  	v10 =	vld [tilespmem:s5+$0x8120]  }
0x239: {  	v9 =	vld [tilespmem:s5+$0x8130]  }
0x23a: {  	v8 =	vld [tilespmem:s5+$0x8180]  }
0x23b: {  	v6 =	vld [tilespmem:s5+$0x8190];
	v12 =	vadd.f32 v7, v12  }
0x23c: {  	s6 =	simm.s32 $0x400;
	v11 =	vadd.f32 v11, v13;
	v7 =	vld [tilespmem:s5+$0x81A0]  }
.LBB2_24:
0x23d: {  	s7 =	sshra.s32 s6, $0x2;
	p0 =	sne.s32 s6, $0xFC00;
	[tilespmem:s5+$0x8100] =	vst v12;
	v5 =	vadd.f32 v5, v10;
	v10 =	vld [tilespmem:s5+$0x81B0]  }
0x23e: {  	v12 =	vld [tilespmem:s7+$0x100];
	[tilespmem:s5+$0x8110] =	vst v11;
	v4 =	vadd.f32 v4, v9  }
0x23f: {  	v11 =	vld [tilespmem:s7+$0x110];
	[tilespmem:s5+$0x8120] =	vst v5;
	v3 =	vadd.f32 v3, v8  }
0x240: {  	v5 =	vld [tilespmem:s7+$0x120];
	[tilespmem:s5+$0x8130] =	vst v4;
	v2 =	vadd.f32 v2, v6  }
0x241: {  	v4 =	vld [tilespmem:s7+$0x130];
	[tilespmem:s5+$0x8180] =	vst v3;
	v1 =	vadd.f32 v1, v7  }
0x242: {  	v3 =	vld [tilespmem:s7+$0x180];
	[tilespmem:s5+$0x8190] =	vst v2;
	v0 =	vadd.f32 v0, v10  }
0x243: {  	v2 =	vld [tilespmem:s7+$0x190];
	[tilespmem:s5+$0x81A0] =	vst v1  }
0x244: {  	v1 =	vld [tilespmem:s7+$0x1A0];
	[tilespmem:s5+$0x81B0] =	vst v0;
	s5 =	smov.u32 s7  }
0x245: {  	v0 =	vld [tilespmem:s5+$0x1B0]  }
0x246: {  	v6 =	vld [tilespmem:s5+$0x8100]  }
0x247: {  	v7 =	vld [tilespmem:s5+$0x8110]  }
.Ltmp11:
0x248: {  	v10 =	vld [tilespmem:s5+$0x8120];
	(pc) =	sbr.rel @p0 .LBB2_24-.Ltmp11, $4  }
0x249: {  	v9 =	vld [tilespmem:s5+$0x8130]  }
0x24a: {  	v8 =	vld [tilespmem:s5+$0x8180]  }
0x24b: {  	v12 =	vadd.f32 v12, v6;
	v6 =	vld [tilespmem:s5+$0x8190]  }
0x24c: {  	s6 =	sadd.s32 $0x400, s6;
	v11 =	vadd.f32 v11, v7;
	v7 =	vld [tilespmem:s5+$0x81A0]  }
0x24d: {  	[tilespmem:s5+$0x8100] =	vst v12;
	v5 =	vadd.f32 v5, v10;
	v10 =	vld [tilespmem:s5+$0x81B0]  }
0x24e: {  	[tilespmem:s5+$0x8110] =	vst v11;
	v4 =	vadd.f32 v4, v9  }
0x24f: {  	[tilespmem:s5+$0x8120] =	vst v5;
	v3 =	vadd.f32 v3, v8  }
0x250: {  	[tilespmem:s5+$0x8130] =	vst v4;
	v2 =	vadd.f32 v2, v6  }
0x251: {  	[tilespmem:s5+$0x8180] =	vst v3;
	v1 =	vadd.f32 v1, v7  }
0x252: {  	[tilespmem:s5+$0x8190] =	vst v2;
	v0 =	vadd.f32 v0, v10  }
0x253: {  	[tilespmem:s5+$0x81A0] =	vst v1  }
0x254: {  	s7 =	simm.s32 $0x0;
	[tilespmem:s5+$0x81B0] =	vst v0  }
0x255: {  	[tilespmem:s7], [sflag:$0x3] =	stream.linear.gather [hbm4b:s18+s7], $0x80, $0x38;
	[tilespmem:$0xC100] =	vst v63  }
0x256: {  	_ =	swait.ge [sflag:s26], $0x80  }
0x257: {  	[sflag:s26] =	ssyncset.done $0x0  }
0x258: {  	[sflag:s26] =	ssyncadd.s32 $0xFFFFFF80  }
0x259: {  	[tilespmem:s0], [sflag:$0x1] =	stream.indirect.gather [hbm4b:s2+s28], $0x80, s7, s28, $0xb8;
	[tilespmem:$0xC100] =	vst v63  }
0x25a: {  	_ =	swait.ge [sflag:s1], $0x4000  }
0x25b: {  	[sflag:s1] =	ssyncset.done $0x0  }
0x25c: {  	s5 =	simm.s32 $0x0;
	[sflag:s1] =	ssyncadd.s32 $0xFFFFC000  }
0x25d: {  	v7 =	vld [tilespmem:s5+$0x4100]  }
0x25e: {  	v11 =	vld [tilespmem:s5+$0x4110]  }
0x25f: {  	v5 =	vld [tilespmem:s5+$0x4120]  }
0x260: {  	v4 =	vld [tilespmem:s5+$0x4130]  }
0x261: {  	v3 =	vld [tilespmem:s5+$0x4180]  }
0x262: {  	v2 =	vld [tilespmem:s5+$0x4190]  }
0x263: {  	v1 =	vld [tilespmem:s5+$0x41A0]  }
0x264: {  	v0 =	vld [tilespmem:s5+$0x41B0]  }
0x265: {  	v12 =	vld [tilespmem:s5+$0x8100]  }
0x266: {  	v13 =	vld [tilespmem:s5+$0x8110]  }
0x267: {  	v10 =	vld [tilespmem:s5+$0x8120]  }
0x268: {  	v9 =	vld [tilespmem:s5+$0x8130]  }
0x269: {  	v8 =	vld [tilespmem:s5+$0x8180]  }
0x26a: {  	v6 =	vld [tilespmem:s5+$0x8190];
	v12 =	vadd.f32 v7, v12  }
0x26b: {  	s6 =	simm.s32 $0x400;
	v11 =	vadd.f32 v11, v13;
	v7 =	vld [tilespmem:s5+$0x81A0]  }
.LBB2_26:
0x26c: {  	s7 =	sshra.s32 s6, $0x2;
	p0 =	sne.s32 s6, $0xFC00;
	[tilespmem:s5+$0x8100] =	vst v12;
	v5 =	vadd.f32 v5, v10;
	v10 =	vld [tilespmem:s5+$0x81B0]  }
0x26d: {  	v12 =	vld [tilespmem:s7+$0x4100];
	[tilespmem:s5+$0x8110] =	vst v11;
	v4 =	vadd.f32 v4, v9  }
0x26e: {  	v11 =	vld [tilespmem:s7+$0x4110];
	[tilespmem:s5+$0x8120] =	vst v5;
	v3 =	vadd.f32 v3, v8  }
0x26f: {  	v5 =	vld [tilespmem:s7+$0x4120];
	[tilespmem:s5+$0x8130] =	vst v4;
	v2 =	vadd.f32 v2, v6  }
0x270: {  	v4 =	vld [tilespmem:s7+$0x4130];
	[tilespmem:s5+$0x8180] =	vst v3;
	v1 =	vadd.f32 v1, v7  }
0x271: {  	v3 =	vld [tilespmem:s7+$0x4180];
	[tilespmem:s5+$0x8190] =	vst v2;
	v0 =	vadd.f32 v0, v10  }
0x272: {  	v2 =	vld [tilespmem:s7+$0x4190];
	[tilespmem:s5+$0x81A0] =	vst v1  }
0x273: {  	v1 =	vld [tilespmem:s7+$0x41A0];
	[tilespmem:s5+$0x81B0] =	vst v0;
	s5 =	smov.u32 s7  }
0x274: {  	v0 =	vld [tilespmem:s5+$0x41B0]  }
0x275: {  	v6 =	vld [tilespmem:s5+$0x8100]  }
0x276: {  	v7 =	vld [tilespmem:s5+$0x8110]  }
.Ltmp12:
0x277: {  	v10 =	vld [tilespmem:s5+$0x8120];
	(pc) =	sbr.rel @p0 .LBB2_26-.Ltmp12, $4  }
0x278: {  	v9 =	vld [tilespmem:s5+$0x8130]  }
0x279: {  	v8 =	vld [tilespmem:s5+$0x8180]  }
0x27a: {  	v12 =	vadd.f32 v12, v6;
	v6 =	vld [tilespmem:s5+$0x8190]  }
0x27b: {  	s6 =	sadd.s32 $0x400, s6;
	v11 =	vadd.f32 v11, v7;
	v7 =	vld [tilespmem:s5+$0x81A0]  }
0x27c: {  	[tilespmem:s5+$0x8100] =	vst v12;
	v5 =	vadd.f32 v5, v10;
	v10 =	vld [tilespmem:s5+$0x81B0]  }
0x27d: {  	[tilespmem:s5+$0x8110] =	vst v11;
	v4 =	vadd.f32 v4, v9  }
0x27e: {  	[tilespmem:s5+$0x8120] =	vst v5;
	v3 =	vadd.f32 v3, v8  }
0x27f: {  	[tilespmem:s5+$0x8130] =	vst v4;
	v2 =	vadd.f32 v2, v6  }
0x280: {  	[tilespmem:s5+$0x8180] =	vst v3;
	v1 =	vadd.f32 v1, v7  }
0x281: {  	[tilespmem:s5+$0x8190] =	vst v2;
	v0 =	vadd.f32 v0, v10  }
0x282: {  	[tilespmem:s5+$0x81A0] =	vst v1  }
0x283: {  	s7 =	simm.s32 $0x0;
	[tilespmem:s5+$0x81B0] =	vst v0  }
0x284: {  	[tilespmem:s28], [sflag:$0x3] =	stream.linear.gather [hbm4b:s19+s7], $0x80, $0x38;
	[tilespmem:$0xC100] =	vst v63  }
0x285: {  	_ =	swait.ge [sflag:s26], $0x80  }
0x286: {  	[sflag:s26] =	ssyncset.done $0x0  }
0x287: {  	[sflag:s26] =	ssyncadd.s32 $0xFFFFFF80  }
0x288: {  	[tilespmem:s30], [sflag:$0x2] =	stream.indirect.gather [hbm4b:s2+s28], $0x80, s28, s28, $0xb8;
	[tilespmem:$0xC100] =	vst v63  }
0x289: {  	_ =	swait.ge [sflag:s31], $0x4000  }
0x28a: {  	[sflag:s31] =	ssyncset.done $0x0  }
0x28b: {  	s5 =	simm.s32 $0x0;
	[sflag:s31] =	ssyncadd.s32 $0xFFFFC000  }
0x28c: {  	v7 =	vld [tilespmem:s5+$0x100]  }
0x28d: {  	v11 =	vld [tilespmem:s5+$0x110]  }
0x28e: {  	v5 =	vld [tilespmem:s5+$0x120]  }
0x28f: {  	v4 =	vld [tilespmem:s5+$0x130]  }
0x290: {  	v3 =	vld [tilespmem:s5+$0x180]  }
0x291: {  	v2 =	vld [tilespmem:s5+$0x190]  }
0x292: {  	v1 =	vld [tilespmem:s5+$0x1A0]  }
0x293: {  	v0 =	vld [tilespmem:s5+$0x1B0]  }
0x294: {  	v12 =	vld [tilespmem:s5+$0x8100]  }
0x295: {  	v13 =	vld [tilespmem:s5+$0x8110]  }
0x296: {  	v10 =	vld [tilespmem:s5+$0x8120]  }
0x297: {  	v9 =	vld [tilespmem:s5+$0x8130]  }
0x298: {  	v8 =	vld [tilespmem:s5+$0x8180]  }
0x299: {  	v6 =	vld [tilespmem:s5+$0x8190];
	v12 =	vadd.f32 v7, v12  }
0x29a: {  	s6 =	simm.s32 $0x400;
	v11 =	vadd.f32 v11, v13;
	v7 =	vld [tilespmem:s5+$0x81A0]  }
.LBB2_28:
0x29b: {  	s7 =	sshra.s32 s6, $0x2;
	p0 =	sne.s32 s6, $0xFC00;
	[tilespmem:s5+$0x8100] =	vst v12;
	v5 =	vadd.f32 v5, v10;
	v10 =	vld [tilespmem:s5+$0x81B0]  }
0x29c: {  	v12 =	vld [tilespmem:s7+$0x100];
	[tilespmem:s5+$0x8110] =	vst v11;
	v4 =	vadd.f32 v4, v9  }
0x29d: {  	v11 =	vld [tilespmem:s7+$0x110];
	[tilespmem:s5+$0x8120] =	vst v5;
	v3 =	vadd.f32 v3, v8  }
0x29e: {  	v5 =	vld [tilespmem:s7+$0x120];
	[tilespmem:s5+$0x8130] =	vst v4;
	v2 =	vadd.f32 v2, v6  }
0x29f: {  	v4 =	vld [tilespmem:s7+$0x130];
	[tilespmem:s5+$0x8180] =	vst v3;
	v1 =	vadd.f32 v1, v7  }
0x2a0: {  	v3 =	vld [tilespmem:s7+$0x180];
	[tilespmem:s5+$0x8190] =	vst v2;
	v0 =	vadd.f32 v0, v10  }
0x2a1: {  	v2 =	vld [tilespmem:s7+$0x190];
	[tilespmem:s5+$0x81A0] =	vst v1  }
0x2a2: {  	v1 =	vld [tilespmem:s7+$0x1A0];
	[tilespmem:s5+$0x81B0] =	vst v0;
	s5 =	smov.u32 s7  }
0x2a3: {  	v0 =	vld [tilespmem:s5+$0x1B0]  }
0x2a4: {  	v6 =	vld [tilespmem:s5+$0x8100]  }
0x2a5: {  	v7 =	vld [tilespmem:s5+$0x8110]  }
.Ltmp13:
0x2a6: {  	v10 =	vld [tilespmem:s5+$0x8120];
	(pc) =	sbr.rel @p0 .LBB2_28-.Ltmp13, $4  }
0x2a7: {  	v9 =	vld [tilespmem:s5+$0x8130]  }
0x2a8: {  	v8 =	vld [tilespmem:s5+$0x8180]  }
0x2a9: {  	v12 =	vadd.f32 v12, v6;
	v6 =	vld [tilespmem:s5+$0x8190]  }
0x2aa: {  	s6 =	sadd.s32 $0x400, s6;
	v11 =	vadd.f32 v11, v7;
	v7 =	vld [tilespmem:s5+$0x81A0]  }
0x2ab: {  	[tilespmem:s5+$0x8100] =	vst v12;
	v5 =	vadd.f32 v5, v10;
	v10 =	vld [tilespmem:s5+$0x81B0]  }
0x2ac: {  	[tilespmem:s5+$0x8110] =	vst v11;
	v4 =	vadd.f32 v4, v9  }
0x2ad: {  	[tilespmem:s5+$0x8120] =	vst v5;
	v3 =	vadd.f32 v3, v8  }
0x2ae: {  	[tilespmem:s5+$0x8130] =	vst v4;
	v2 =	vadd.f32 v2, v6  }
0x2af: {  	[tilespmem:s5+$0x8180] =	vst v3;
	v1 =	vadd.f32 v1, v7  }
0x2b0: {  	[tilespmem:s5+$0x8190] =	vst v2;
	v0 =	vadd.f32 v0, v10  }
0x2b1: {  	[tilespmem:s5+$0x81A0] =	vst v1  }
0x2b2: {  	s7 =	simm.s32 $0x0;
	[tilespmem:s5+$0x81B0] =	vst v0  }
0x2b3: {  	[tilespmem:s7], [sflag:$0x3] =	stream.linear.gather [hbm4b:s20+s7], $0x80, $0x38;
	[tilespmem:$0xC100] =	vst v63  }
0x2b4: {  	_ =	swait.ge [sflag:s26], $0x80  }
0x2b5: {  	[sflag:s26] =	ssyncset.done $0x0  }
0x2b6: {  	[sflag:s26] =	ssyncadd.s32 $0xFFFFFF80  }
0x2b7: {  	[tilespmem:s0], [sflag:$0x1] =	stream.indirect.gather [hbm4b:s2+s28], $0x80, s7, s28, $0xb8;
	[tilespmem:$0xC100] =	vst v63  }
0x2b8: {  	_ =	swait.ge [sflag:s1], $0x4000  }
0x2b9: {  	[sflag:s1] =	ssyncset.done $0x0  }
0x2ba: {  	s5 =	simm.s32 $0x0;
	[sflag:s1] =	ssyncadd.s32 $0xFFFFC000  }
0x2bb: {  	v7 =	vld [tilespmem:s5+$0x4100]  }
0x2bc: {  	v11 =	vld [tilespmem:s5+$0x4110]  }
0x2bd: {  	v5 =	vld [tilespmem:s5+$0x4120]  }
0x2be: {  	v4 =	vld [tilespmem:s5+$0x4130]  }
0x2bf: {  	v3 =	vld [tilespmem:s5+$0x4180]  }
0x2c0: {  	v2 =	vld [tilespmem:s5+$0x4190]  }
0x2c1: {  	v1 =	vld [tilespmem:s5+$0x41A0]  }
0x2c2: {  	v0 =	vld [tilespmem:s5+$0x41B0]  }
0x2c3: {  	v12 =	vld [tilespmem:s5+$0x8100]  }
0x2c4: {  	v13 =	vld [tilespmem:s5+$0x8110]  }
0x2c5: {  	v10 =	vld [tilespmem:s5+$0x8120]  }
0x2c6: {  	v9 =	vld [tilespmem:s5+$0x8130]  }
0x2c7: {  	v8 =	vld [tilespmem:s5+$0x8180]  }
0x2c8: {  	v6 =	vld [tilespmem:s5+$0x8190];
	v12 =	vadd.f32 v7, v12  }
0x2c9: {  	s6 =	simm.s32 $0x400;
	v11 =	vadd.f32 v11, v13;
	v7 =	vld [tilespmem:s5+$0x81A0]  }
.LBB2_30:
0x2ca: {  	s7 =	sshra.s32 s6, $0x2;
	p0 =	sne.s32 s6, $0xFC00;
	[tilespmem:s5+$0x8100] =	vst v12;
	v5 =	vadd.f32 v5, v10;
	v10 =	vld [tilespmem:s5+$0x81B0]  }
0x2cb: {  	v12 =	vld [tilespmem:s7+$0x4100];
	[tilespmem:s5+$0x8110] =	vst v11;
	v4 =	vadd.f32 v4, v9  }
0x2cc: {  	v11 =	vld [tilespmem:s7+$0x4110];
	[tilespmem:s5+$0x8120] =	vst v5;
	v3 =	vadd.f32 v3, v8  }
0x2cd: {  	v5 =	vld [tilespmem:s7+$0x4120];
	[tilespmem:s5+$0x8130] =	vst v4;
	v2 =	vadd.f32 v2, v6  }
0x2ce: {  	v4 =	vld [tilespmem:s7+$0x4130];
	[tilespmem:s5+$0x8180] =	vst v3;
	v1 =	vadd.f32 v1, v7  }
0x2cf: {  	v3 =	vld [tilespmem:s7+$0x4180];
	[tilespmem:s5+$0x8190] =	vst v2;
	v0 =	vadd.f32 v0, v10  }
0x2d0: {  	v2 =	vld [tilespmem:s7+$0x4190];
	[tilespmem:s5+$0x81A0] =	vst v1  }
0x2d1: {  	v1 =	vld [tilespmem:s7+$0x41A0];
	[tilespmem:s5+$0x81B0] =	vst v0;
	s5 =	smov.u32 s7  }
0x2d2: {  	v0 =	vld [tilespmem:s5+$0x41B0]  }
0x2d3: {  	v6 =	vld [tilespmem:s5+$0x8100]  }
0x2d4: {  	v7 =	vld [tilespmem:s5+$0x8110]  }
.Ltmp14:
0x2d5: {  	v10 =	vld [tilespmem:s5+$0x8120];
	(pc) =	sbr.rel @p0 .LBB2_30-.Ltmp14, $4  }
0x2d6: {  	v9 =	vld [tilespmem:s5+$0x8130]  }
0x2d7: {  	v8 =	vld [tilespmem:s5+$0x8180]  }
0x2d8: {  	v12 =	vadd.f32 v12, v6;
	v6 =	vld [tilespmem:s5+$0x8190]  }
0x2d9: {  	s6 =	sadd.s32 $0x400, s6;
	v11 =	vadd.f32 v11, v7;
	v7 =	vld [tilespmem:s5+$0x81A0]  }
0x2da: {  	[tilespmem:s5+$0x8100] =	vst v12;
	v5 =	vadd.f32 v5, v10;
	v10 =	vld [tilespmem:s5+$0x81B0]  }
0x2db: {  	[tilespmem:s5+$0x8110] =	vst v11;
	v4 =	vadd.f32 v4, v9  }
0x2dc: {  	[tilespmem:s5+$0x8120] =	vst v5;
	v3 =	vadd.f32 v3, v8  }
0x2dd: {  	[tilespmem:s5+$0x8130] =	vst v4;
	v2 =	vadd.f32 v2, v6  }
0x2de: {  	[tilespmem:s5+$0x8180] =	vst v3;
	v1 =	vadd.f32 v1, v7  }
0x2df: {  	[tilespmem:s5+$0x8190] =	vst v2;
	v0 =	vadd.f32 v0, v10  }
0x2e0: {  	[tilespmem:s5+$0x81A0] =	vst v1  }
0x2e1: {  	s7 =	simm.s32 $0x0;
	[tilespmem:s5+$0x81B0] =	vst v0  }
0x2e2: {  	[tilespmem:s28], [sflag:$0x3] =	stream.linear.gather [hbm4b:s21+s7], $0x80, $0x38;
	[tilespmem:$0xC100] =	vst v63  }
0x2e3: {  	_ =	swait.ge [sflag:s26], $0x80  }
0x2e4: {  	[sflag:s26] =	ssyncset.done $0x0  }
0x2e5: {  	[sflag:s26] =	ssyncadd.s32 $0xFFFFFF80  }
0x2e6: {  	[tilespmem:s30], [sflag:$0x2] =	stream.indirect.gather [hbm4b:s2+s28], $0x80, s28, s28, $0xb8;
	[tilespmem:$0xC100] =	vst v63  }
0x2e7: {  	_ =	swait.ge [sflag:s31], $0x4000  }
0x2e8: {  	[sflag:s31] =	ssyncset.done $0x0  }
0x2e9: {  	s5 =	simm.s32 $0x0;
	[sflag:s31] =	ssyncadd.s32 $0xFFFFC000  }
0x2ea: {  	v7 =	vld [tilespmem:s5+$0x100]  }
0x2eb: {  	v11 =	vld [tilespmem:s5+$0x110]  }
0x2ec: {  	v5 =	vld [tilespmem:s5+$0x120]  }
0x2ed: {  	v4 =	vld [tilespmem:s5+$0x130]  }
0x2ee: {  	v3 =	vld [tilespmem:s5+$0x180]  }
0x2ef: {  	v2 =	vld [tilespmem:s5+$0x190]  }
0x2f0: {  	v1 =	vld [tilespmem:s5+$0x1A0]  }
0x2f1: {  	v0 =	vld [tilespmem:s5+$0x1B0]  }
0x2f2: {  	v12 =	vld [tilespmem:s5+$0x8100]  }
0x2f3: {  	v13 =	vld [tilespmem:s5+$0x8110]  }
0x2f4: {  	v10 =	vld [tilespmem:s5+$0x8120]  }
0x2f5: {  	v9 =	vld [tilespmem:s5+$0x8130]  }
0x2f6: {  	v8 =	vld [tilespmem:s5+$0x8180]  }
0x2f7: {  	v6 =	vld [tilespmem:s5+$0x8190];
	v12 =	vadd.f32 v7, v12  }
0x2f8: {  	s6 =	simm.s32 $0x400;
	v11 =	vadd.f32 v11, v13;
	v7 =	vld [tilespmem:s5+$0x81A0]  }
.LBB2_32:
0x2f9: {  	s7 =	sshra.s32 s6, $0x2;
	p0 =	sne.s32 s6, $0xFC00;
	[tilespmem:s5+$0x8100] =	vst v12;
	v5 =	vadd.f32 v5, v10;
	v10 =	vld [tilespmem:s5+$0x81B0]  }
0x2fa: {  	v12 =	vld [tilespmem:s7+$0x100];
	[tilespmem:s5+$0x8110] =	vst v11;
	v4 =	vadd.f32 v4, v9  }
0x2fb: {  	v11 =	vld [tilespmem:s7+$0x110];
	[tilespmem:s5+$0x8120] =	vst v5;
	v3 =	vadd.f32 v3, v8  }
0x2fc: {  	v5 =	vld [tilespmem:s7+$0x120];
	[tilespmem:s5+$0x8130] =	vst v4;
	v2 =	vadd.f32 v2, v6  }
0x2fd: {  	v4 =	vld [tilespmem:s7+$0x130];
	[tilespmem:s5+$0x8180] =	vst v3;
	v1 =	vadd.f32 v1, v7  }
0x2fe: {  	v3 =	vld [tilespmem:s7+$0x180];
	[tilespmem:s5+$0x8190] =	vst v2;
	v0 =	vadd.f32 v0, v10  }
0x2ff: {  	v2 =	vld [tilespmem:s7+$0x190];
	[tilespmem:s5+$0x81A0] =	vst v1  }
0x300: {  	v1 =	vld [tilespmem:s7+$0x1A0];
	[tilespmem:s5+$0x81B0] =	vst v0;
	s5 =	smov.u32 s7  }
0x301: {  	v0 =	vld [tilespmem:s5+$0x1B0]  }
0x302: {  	v6 =	vld [tilespmem:s5+$0x8100]  }
0x303: {  	v7 =	vld [tilespmem:s5+$0x8110]  }
.Ltmp15:
0x304: {  	v10 =	vld [tilespmem:s5+$0x8120];
	(pc) =	sbr.rel @p0 .LBB2_32-.Ltmp15, $4  }
0x305: {  	v9 =	vld [tilespmem:s5+$0x8130]  }
0x306: {  	v8 =	vld [tilespmem:s5+$0x8180]  }
0x307: {  	v12 =	vadd.f32 v12, v6;
	v6 =	vld [tilespmem:s5+$0x8190]  }
0x308: {  	s6 =	sadd.s32 $0x400, s6;
	v11 =	vadd.f32 v11, v7;
	v7 =	vld [tilespmem:s5+$0x81A0]  }
0x309: {  	[tilespmem:s5+$0x8100] =	vst v12;
	v5 =	vadd.f32 v5, v10;
	v10 =	vld [tilespmem:s5+$0x81B0]  }
0x30a: {  	[tilespmem:s5+$0x8110] =	vst v11;
	v4 =	vadd.f32 v4, v9  }
0x30b: {  	[tilespmem:s5+$0x8120] =	vst v5;
	v3 =	vadd.f32 v3, v8  }
0x30c: {  	[tilespmem:s5+$0x8130] =	vst v4;
	v2 =	vadd.f32 v2, v6  }
0x30d: {  	[tilespmem:s5+$0x8180] =	vst v3;
	v1 =	vadd.f32 v1, v7  }
0x30e: {  	[tilespmem:s5+$0x8190] =	vst v2;
	v0 =	vadd.f32 v0, v10  }
0x30f: {  	[tilespmem:s5+$0x81A0] =	vst v1  }
0x310: {  	s7 =	simm.s32 $0x0;
	[tilespmem:s5+$0x81B0] =	vst v0  }
0x311: {  	[tilespmem:s7], [sflag:$0x3] =	stream.linear.gather [hbm4b:s22+s7], $0x80, $0x38;
	[tilespmem:$0xC100] =	vst v63  }
0x312: {  	_ =	swait.ge [sflag:s26], $0x80  }
0x313: {  	[sflag:s26] =	ssyncset.done $0x0  }
0x314: {  	[sflag:s26] =	ssyncadd.s32 $0xFFFFFF80  }
0x315: {  	[tilespmem:s0], [sflag:$0x1] =	stream.indirect.gather [hbm4b:s2+s28], $0x80, s7, s28, $0xb8;
	[tilespmem:$0xC100] =	vst v63  }
0x316: {  	_ =	swait.ge [sflag:s1], $0x4000  }
0x317: {  	[sflag:s1] =	ssyncset.done $0x0  }
0x318: {  	s5 =	simm.s32 $0x0;
	[sflag:s1] =	ssyncadd.s32 $0xFFFFC000  }
0x319: {  	v7 =	vld [tilespmem:s5+$0x4100]  }
0x31a: {  	v11 =	vld [tilespmem:s5+$0x4110]  }
0x31b: {  	v5 =	vld [tilespmem:s5+$0x4120]  }
0x31c: {  	v4 =	vld [tilespmem:s5+$0x4130]  }
0x31d: {  	v3 =	vld [tilespmem:s5+$0x4180]  }
0x31e: {  	v2 =	vld [tilespmem:s5+$0x4190]  }
0x31f: {  	v1 =	vld [tilespmem:s5+$0x41A0]  }
0x320: {  	v0 =	vld [tilespmem:s5+$0x41B0]  }
0x321: {  	v12 =	vld [tilespmem:s5+$0x8100]  }
0x322: {  	v13 =	vld [tilespmem:s5+$0x8110]  }
0x323: {  	v10 =	vld [tilespmem:s5+$0x8120]  }
0x324: {  	v9 =	vld [tilespmem:s5+$0x8130]  }
0x325: {  	v8 =	vld [tilespmem:s5+$0x8180]  }
0x326: {  	v6 =	vld [tilespmem:s5+$0x8190];
	v12 =	vadd.f32 v7, v12  }
0x327: {  	s6 =	simm.s32 $0x400;
	v11 =	vadd.f32 v11, v13;
	v7 =	vld [tilespmem:s5+$0x81A0]  }
.LBB2_34:
0x328: {  	s7 =	sshra.s32 s6, $0x2;
	p0 =	sne.s32 s6, $0xFC00;
	[tilespmem:s5+$0x8100] =	vst v12;
	v5 =	vadd.f32 v5, v10;
	v10 =	vld [tilespmem:s5+$0x81B0]  }
0x329: {  	v12 =	vld [tilespmem:s7+$0x4100];
	[tilespmem:s5+$0x8110] =	vst v11;
	v4 =	vadd.f32 v4, v9  }
0x32a: {  	v11 =	vld [tilespmem:s7+$0x4110];
	[tilespmem:s5+$0x8120] =	vst v5;
	v3 =	vadd.f32 v3, v8  }
0x32b: {  	v5 =	vld [tilespmem:s7+$0x4120];
	[tilespmem:s5+$0x8130] =	vst v4;
	v2 =	vadd.f32 v2, v6  }
0x32c: {  	v4 =	vld [tilespmem:s7+$0x4130];
	[tilespmem:s5+$0x8180] =	vst v3;
	v1 =	vadd.f32 v1, v7  }
0x32d: {  	v3 =	vld [tilespmem:s7+$0x4180];
	[tilespmem:s5+$0x8190] =	vst v2;
	v0 =	vadd.f32 v0, v10  }
0x32e: {  	v2 =	vld [tilespmem:s7+$0x4190];
	[tilespmem:s5+$0x81A0] =	vst v1  }
0x32f: {  	v1 =	vld [tilespmem:s7+$0x41A0];
	[tilespmem:s5+$0x81B0] =	vst v0;
	s5 =	smov.u32 s7  }
0x330: {  	v0 =	vld [tilespmem:s5+$0x41B0]  }
0x331: {  	v6 =	vld [tilespmem:s5+$0x8100]  }
0x332: {  	v7 =	vld [tilespmem:s5+$0x8110]  }
.Ltmp16:
0x333: {  	v10 =	vld [tilespmem:s5+$0x8120];
	(pc) =	sbr.rel @p0 .LBB2_34-.Ltmp16, $4  }
0x334: {  	v9 =	vld [tilespmem:s5+$0x8130]  }
0x335: {  	v8 =	vld [tilespmem:s5+$0x8180]  }
0x336: {  	v12 =	vadd.f32 v12, v6;
	v6 =	vld [tilespmem:s5+$0x8190]  }
0x337: {  	s6 =	sadd.s32 $0x400, s6;
	v11 =	vadd.f32 v11, v7;
	v7 =	vld [tilespmem:s5+$0x81A0]  }
0x338: {  	[tilespmem:s5+$0x8100] =	vst v12;
	v5 =	vadd.f32 v5, v10;
	v10 =	vld [tilespmem:s5+$0x81B0]  }
0x339: {  	[tilespmem:s5+$0x8110] =	vst v11;
	v4 =	vadd.f32 v4, v9  }
0x33a: {  	[tilespmem:s5+$0x8120] =	vst v5;
	v3 =	vadd.f32 v3, v8  }
0x33b: {  	[tilespmem:s5+$0x8130] =	vst v4;
	v2 =	vadd.f32 v2, v6  }
0x33c: {  	[tilespmem:s5+$0x8180] =	vst v3;
	v1 =	vadd.f32 v1, v7  }
0x33d: {  	[tilespmem:s5+$0x8190] =	vst v2;
	v0 =	vadd.f32 v0, v10  }
0x33e: {  	[tilespmem:s5+$0x81A0] =	vst v1  }
0x33f: {  	s7 =	simm.s32 $0x0;
	[tilespmem:s5+$0x81B0] =	vst v0  }
0x340: {  	[tilespmem:s28], [sflag:$0x3] =	stream.linear.gather [hbm4b:s24+s7], $0x80, $0x38;
	[tilespmem:$0xC100] =	vst v63  }
0x341: {  	_ =	swait.ge [sflag:s26], $0x80  }
0x342: {  	[sflag:s26] =	ssyncset.done $0x0  }
0x343: {  	[sflag:s26] =	ssyncadd.s32 $0xFFFFFF80  }
0x344: {  	[tilespmem:s30], [sflag:$0x2] =	stream.indirect.gather [hbm4b:s2+s28], $0x80, s28, s28, $0xb8;
	[tilespmem:$0xC100] =	vst v63  }
0x345: {  	_ =	swait.ge [sflag:s31], $0x4000  }
0x346: {  	[sflag:s31] =	ssyncset.done $0x0  }
0x347: {  	s5 =	simm.s32 $0x0;
	[sflag:s31] =	ssyncadd.s32 $0xFFFFC000  }
0x348: {  	v7 =	vld [tilespmem:s5+$0x100]  }
0x349: {  	v11 =	vld [tilespmem:s5+$0x110]  }
0x34a: {  	v5 =	vld [tilespmem:s5+$0x120]  }
0x34b: {  	v4 =	vld [tilespmem:s5+$0x130]  }
0x34c: {  	v3 =	vld [tilespmem:s5+$0x180]  }
0x34d: {  	v2 =	vld [tilespmem:s5+$0x190]  }
0x34e: {  	v1 =	vld [tilespmem:s5+$0x1A0]  }
0x34f: {  	v0 =	vld [tilespmem:s5+$0x1B0]  }
0x350: {  	v12 =	vld [tilespmem:s5+$0x8100]  }
0x351: {  	v13 =	vld [tilespmem:s5+$0x8110]  }
0x352: {  	v10 =	vld [tilespmem:s5+$0x8120]  }
0x353: {  	v9 =	vld [tilespmem:s5+$0x8130]  }
0x354: {  	v8 =	vld [tilespmem:s5+$0x8180]  }
0x355: {  	v6 =	vld [tilespmem:s5+$0x8190];
	v12 =	vadd.f32 v7, v12  }
0x356: {  	s6 =	simm.s32 $0x400;
	v11 =	vadd.f32 v11, v13;
	v7 =	vld [tilespmem:s5+$0x81A0]  }
.LBB2_36:
0x357: {  	s7 =	sshra.s32 s6, $0x2;
	p0 =	sne.s32 s6, $0xFC00;
	[tilespmem:s5+$0x8100] =	vst v12;
	v5 =	vadd.f32 v5, v10;
	v10 =	vld [tilespmem:s5+$0x81B0]  }
0x358: {  	v12 =	vld [tilespmem:s7+$0x100];
	[tilespmem:s5+$0x8110] =	vst v11;
	v4 =	vadd.f32 v4, v9  }
0x359: {  	v11 =	vld [tilespmem:s7+$0x110];
	[tilespmem:s5+$0x8120] =	vst v5;
	v3 =	vadd.f32 v3, v8  }
0x35a: {  	v5 =	vld [tilespmem:s7+$0x120];
	[tilespmem:s5+$0x8130] =	vst v4;
	v2 =	vadd.f32 v2, v6  }
0x35b: {  	v4 =	vld [tilespmem:s7+$0x130];
	[tilespmem:s5+$0x8180] =	vst v3;
	v1 =	vadd.f32 v1, v7  }
0x35c: {  	v3 =	vld [tilespmem:s7+$0x180];
	[tilespmem:s5+$0x8190] =	vst v2;
	v0 =	vadd.f32 v0, v10  }
0x35d: {  	v2 =	vld [tilespmem:s7+$0x190];
	[tilespmem:s5+$0x81A0] =	vst v1  }
0x35e: {  	v1 =	vld [tilespmem:s7+$0x1A0];
	[tilespmem:s5+$0x81B0] =	vst v0;
	s5 =	smov.u32 s7  }
0x35f: {  	v0 =	vld [tilespmem:s5+$0x1B0]  }
0x360: {  	v6 =	vld [tilespmem:s5+$0x8100]  }
0x361: {  	v7 =	vld [tilespmem:s5+$0x8110]  }
.Ltmp17:
0x362: {  	v10 =	vld [tilespmem:s5+$0x8120];
	(pc) =	sbr.rel @p0 .LBB2_36-.Ltmp17, $4  }
0x363: {  	v9 =	vld [tilespmem:s5+$0x8130]  }
0x364: {  	v8 =	vld [tilespmem:s5+$0x8180]  }
0x365: {  	v12 =	vadd.f32 v12, v6;
	v6 =	vld [tilespmem:s5+$0x8190]  }
0x366: {  	s6 =	sadd.s32 $0x400, s6;
	v11 =	vadd.f32 v11, v7;
	v7 =	vld [tilespmem:s5+$0x81A0]  }
0x367: {  	[tilespmem:s5+$0x8100] =	vst v12;
	v5 =	vadd.f32 v5, v10;
	v10 =	vld [tilespmem:s5+$0x81B0]  }
0x368: {  	[tilespmem:s5+$0x8110] =	vst v11;
	v4 =	vadd.f32 v4, v9  }
0x369: {  	[tilespmem:s5+$0x8120] =	vst v5;
	v3 =	vadd.f32 v3, v8  }
0x36a: {  	[tilespmem:s5+$0x8130] =	vst v4;
	v2 =	vadd.f32 v2, v6  }
0x36b: {  	[tilespmem:s5+$0x8180] =	vst v3;
	v1 =	vadd.f32 v1, v7  }
0x36c: {  	[tilespmem:s5+$0x8190] =	vst v2;
	v0 =	vadd.f32 v0, v10  }
0x36d: {  	[tilespmem:s5+$0x81A0] =	vst v1  }
0x36e: {  	[tilespmem:s5+$0x81B0] =	vst v0  }
0x36f: {  	_ =	swait.ge [sflag:s1], $0x4000  }
0x370: {  	[sflag:s1] =	ssyncset.done $0x0  }
0x371: {  	s5 =	simm.s32 $0x0;
	[sflag:s1] =	ssyncadd.s32 $0xFFFFC000  }
0x372: {  	v7 =	vld [tilespmem:s5+$0x4100]  }
0x373: {  	v11 =	vld [tilespmem:s5+$0x4110]  }
0x374: {  	v5 =	vld [tilespmem:s5+$0x4120]  }
0x375: {  	v4 =	vld [tilespmem:s5+$0x4130]  }
0x376: {  	v3 =	vld [tilespmem:s5+$0x4180]  }
0x377: {  	v2 =	vld [tilespmem:s5+$0x4190]  }
0x378: {  	v1 =	vld [tilespmem:s5+$0x41A0]  }
0x379: {  	v0 =	vld [tilespmem:s5+$0x41B0]  }
0x37a: {  	v12 =	vld [tilespmem:s5+$0x8100]  }
0x37b: {  	v13 =	vld [tilespmem:s5+$0x8110]  }
0x37c: {  	v10 =	vld [tilespmem:s5+$0x8120]  }
0x37d: {  	v9 =	vld [tilespmem:s5+$0x8130]  }
0x37e: {  	v8 =	vld [tilespmem:s5+$0x8180]  }
0x37f: {  	v6 =	vld [tilespmem:s5+$0x8190];
	v12 =	vadd.f32 v7, v12  }
0x380: {  	s6 =	simm.s32 $0x400;
	v11 =	vadd.f32 v11, v13;
	v7 =	vld [tilespmem:s5+$0x81A0]  }
.LBB2_38:
0x381: {  	s7 =	sshra.s32 s6, $0x2;
	p0 =	sne.s32 s6, $0xFC00;
	[tilespmem:s5+$0x8100] =	vst v12;
	v5 =	vadd.f32 v5, v10;
	v10 =	vld [tilespmem:s5+$0x81B0]  }
0x382: {  	v12 =	vld [tilespmem:s7+$0x4100];
	[tilespmem:s5+$0x8110] =	vst v11;
	v4 =	vadd.f32 v4, v9  }
0x383: {  	v11 =	vld [tilespmem:s7+$0x4110];
	[tilespmem:s5+$0x8120] =	vst v5;
	v3 =	vadd.f32 v3, v8  }
0x384: {  	v5 =	vld [tilespmem:s7+$0x4120];
	[tilespmem:s5+$0x8130] =	vst v4;
	v2 =	vadd.f32 v2, v6  }
0x385: {  	v4 =	vld [tilespmem:s7+$0x4130];
	[tilespmem:s5+$0x8180] =	vst v3;
	v1 =	vadd.f32 v1, v7  }
0x386: {  	v3 =	vld [tilespmem:s7+$0x4180];
	[tilespmem:s5+$0x8190] =	vst v2;
	v0 =	vadd.f32 v0, v10  }
0x387: {  	v2 =	vld [tilespmem:s7+$0x4190];
	[tilespmem:s5+$0x81A0] =	vst v1  }
0x388: {  	v1 =	vld [tilespmem:s7+$0x41A0];
	[tilespmem:s5+$0x81B0] =	vst v0;
	s5 =	smov.u32 s7  }
0x389: {  	v0 =	vld [tilespmem:s5+$0x41B0]  }
0x38a: {  	v6 =	vld [tilespmem:s5+$0x8100]  }
0x38b: {  	v7 =	vld [tilespmem:s5+$0x8110]  }
.Ltmp18:
0x38c: {  	v10 =	vld [tilespmem:s5+$0x8120];
	(pc) =	sbr.rel @p0 .LBB2_38-.Ltmp18, $4  }
0x38d: {  	v9 =	vld [tilespmem:s5+$0x8130]  }
0x38e: {  	v8 =	vld [tilespmem:s5+$0x8180]  }
0x38f: {  	v12 =	vadd.f32 v12, v6;
	v6 =	vld [tilespmem:s5+$0x8190]  }
0x390: {  	s6 =	sadd.s32 $0x400, s6;
	v11 =	vadd.f32 v11, v7;
	v7 =	vld [tilespmem:s5+$0x81A0]  }
0x391: {  	[tilespmem:s5+$0x8100] =	vst v12;
	v5 =	vadd.f32 v5, v10;
	v63 =	vld [tilespmem:s5+$0x81B0]  }
0x392: {  	[tilespmem:s5+$0x8110] =	vst v11;
	v4 =	vadd.f32 v4, v9  }
0x393: {  	[tilespmem:s5+$0x8120] =	vst v5;
	v3 =	vadd.f32 v3, v8  }
0x394: {  	[tilespmem:s5+$0x8130] =	vst v4;
	v2 =	vadd.f32 v2, v6  }
0x395: {  	[tilespmem:s5+$0x8180] =	vst v3;
	v1 =	vadd.f32 v1, v7  }
0x396: {  	s29 =	sadd.s32 $0x1, s29;
	[tilespmem:s5+$0x8190] =	vst v2;
	v0 =	vadd.f32 v0, v63  }
0x397: {  	p0 =	sne.s32 s29, s25;
	[tilespmem:s5+$0x81A0] =	vst v1  }
.Ltmp19:
0x398: {  	[tilespmem:s5+$0x81B0] =	vst v0;
	s5 =	simm.s32 $0x8100;
	(pc) =	sbr.rel @p0 .LBB2_1-.Ltmp19, $4  }
0x399: {  	[hbm4b:s23+s3] =	stream.linear.scatter [tilespmem:s5], [sflag:$0x3], $0x4000, $0x38;
	[tilespmem:$0xC100] =	vst v63  }
0x39a: {  	_ =	swait.ge [sflag:s26], $0x4000  }
0x39b: {  	[sflag:s26] =	ssyncset.done $0x0  }
0x39c: {  	[sflag:s26] =	ssyncadd.s32 $0xFFFFC000  }
0x39d: {  	_ =	sfence.sel $0x180000  }
0x39e: {  	[bflag:$0x0] =	sbarrier.arrive $0xFFFF  }
0x39f: {  	_ =	strace $0x90000047  }
0x3a0: {  	s0 =	stileid.u32;
	[bflag:$0x2] =	sbarrier.arrive $0xFFFF  }
0x3a1: {  	p0 =	sne.s32 s0, $0x0;
	s0 =	rddreg [dreg:$0x3]  }
0x3a2: {  	s0 =	sadd.s32 @!p0 $0x100000, s0  }
0x3a3: {  	[sflag:s0] =	ssyncadd.tile.s32 @!p0 $0x1;
	_ =	shalt  }
.Lfunc_end2:
_tile_overlayer_lowered:
.L_overlay_start_2:
0x3a4: {  	(tag) =	ssettag $0x2  }
0x3a5: {  	s0 =	rddreg [dreg:$0x0];
	s2 =	stileid.u32  }
0x3a6: {  	s1 =	rddreg [dreg:$0x1];
	p0 =	sne.s32 s2, $0x0  }
0x3a7: {  	s3 =	rddreg [dreg:$0x2];
	[bflag:$0x3] =	sbarrier.arrive $0xFFFF;
	s2 =	simm.s32 @!p0 $0x1C03  }
0x3a8: {  	[timem:s3], [sflag:s2] =	dma.local @!p0 [hbm:s0], s1  }
0x3a9: {  	s0 =	simm.s32 @!p0 $0x3  }
0x3aa: {  	_ =	swait.ge @!p0 [sflag:s0], s1  }
0x3ab: {  	s1 =	ssub.s32 @!p0 $0x0, s1;
	[sflag:s0] =	ssyncset.done @!p0 $0x0  }
0x3ac: {  	[sflag:s0] =	ssyncadd.s32 @!p0 s1  }
0x3ad: {  	[bflag:$0x3] =	sbarrier.arrive $0xFFFF  }
0x3ae: {  	_ =	shalt  }

</sc_bundles>
